<compile_context>
chip_gen: v7x
topology: tpu7x:2x2x1
jax: 0.10.2.dev20260603
libtpu: 0.0.44.dev20260713+nightly
codegen_flags: <defaults>
</compile_context>

<pallas_src>
import dataclasses
import functools

import jax
import jax.numpy as jnp
from jax import lax
from jax.experimental import pallas as pl
from jax.experimental.pallas import tpu as pltpu
from jax.experimental.pallas import tpu_sc as plsc

N_NODES = 10000
INPUT_DIM = 512
OUTPUT_DIM = 256
N_LAYERS = 8
LAYER = N_NODES // N_LAYERS
N_EDGES = 160000
BATCH = 64

NC = 2
NS = 16
LANES = 16
HB = BATCH // NC

EPT = N_EDGES // NS
CHUNK = 128
RAW_CHUNKS = -(-EPT // CHUNK)
EPT_PAD = RAW_CHUNKS * CHUNK
RAW_VECS = EPT_PAD // LANES
N_BINS = N_LAYERS - 1
NQ = 2
QUART_VECS = RAW_VECS // NQ
QUART_EDGES = EPT_PAD // NQ
BIN_CHUNKS = -(-(EPT_PAD + NQ * N_BINS * (CHUNK - 1)) // CHUNK) + 1

ACC_REAL = N_NODES - LAYER
ACC_PT = 552
ACC_ROWS = ACC_PT * NS
DUMMY0 = 8752
H_ROWS = 8832
ACT_PT = 80
INIT_PT = 48
LOG0 = ACC_REAL - OUTPUT_DIM

_mesh = plsc.VectorSubcoreMesh(core_axis_name="c", subcore_axis_name="s")

_cp = pltpu.CompilerParams()
for _f, _v in (("needs_layout_passes", False),
               ("use_tc_tiling_on_sc", False)):
    if _f in pltpu.CompilerParams.__dataclass_fields__:
        _cp = dataclasses.replace(_cp, **{_f: _v})


def _key(d):
    return lax.shift_right_logical(d * 6711, 23)


def _act_block(a, code, wv):
    e0 = jnp.exp(-a)
    sig = 1.0 / (1.0 + e0)
    e2 = e0 * e0
    tnh = 2.0 / (1.0 + e2) - 1.0
    rel = jnp.maximum(a, 0.0)
    cb = jnp.full((LANES,), code, dtype=jnp.int32)
    h = jnp.where(cb == 1, sig, a)
    h = jnp.where(cb == 2, rel, h)
    h = jnp.where(cb == 3, tnh, h)
    return h * wv


@functools.partial(
    pl.kernel,
    out_type=[
        jax.ShapeDtypeStruct((NC, OUTPUT_DIM, HB), jnp.float32),
        jax.ShapeDtypeStruct((NC, H_ROWS, HB), jnp.float32),
    ],
    mesh=_mesh,
    scratch_types=[
        pltpu.VMEM_SHARED((ACC_ROWS, HB), jnp.float32),
        pltpu.VMEM((EPT_PAD,), jnp.int32),
        pltpu.VMEM((EPT_PAD,), jnp.int32),
        pltpu.VMEM((BIN_CHUNKS, CHUNK), jnp.int32),
        pltpu.VMEM((BIN_CHUNKS, CHUNK), jnp.int32),
        pltpu.VMEM((8, CHUNK, HB), jnp.float32),
        pltpu.VMEM((ACT_PT, HB), jnp.float32),
        pltpu.VMEM((64, HB), jnp.float32),
        pltpu.VMEM((32, HB), jnp.float32),
        pltpu.VMEM((7552,), jnp.int32),
        pltpu.VMEM((784,), jnp.int32),
        pltpu.VMEM((LANES,), jnp.float32),
        pltpu.VMEM((LANES,), jnp.int32),
        pltpu.VMEM((LANES,), jnp.int32),
        pltpu.VMEM((LANES,), jnp.int32),
        pltpu.VMEM((LANES,), jnp.int32),
        pltpu.SMEM((32,), jnp.int32),
        pltpu.SMEM((32,), jnp.int32),
    ] + [pltpu.SemaphoreType.DMA] * 16,
    compiler_params=_cp,
)
def _sc_forward(x3, w16, esrc, edst, codes, logt, hout,
                acc, rsrc, rdst, bsrc, bdst, gbuf, abuf, zbuf, xbuf,
                cab, cib, wbuf, curvA, curvB, curvC, curvD,
                starts2, nch2, *sems):
    gsems = sems[:8]
    ssems = sems[8:]
    cid = lax.axis_index("c")
    sid = lax.axis_index("s")
    hc = hout.at[cid]

    _scope_p0 = jax.named_scope("p0_stage")
    _scope_p0.__enter__()
    x_src = x3.at[cid].at[pl.ds(sid * 32, 32)]
    s_src = esrc.at[pl.ds(sid * EPT, EPT)]
    d_src = edst.at[pl.ds(sid * EPT, EPT)]
    ca_src = codes.at[pl.ds(LAYER - 2, 7552)]
    ci_src = codes.at[pl.ds(INPUT_DIM, 784)]
    pltpu.async_copy(s_src, rsrc.at[pl.ds(0, EPT)], gsems[0])
    pltpu.async_copy(d_src, rdst.at[pl.ds(0, EPT)], gsems[1])
    pltpu.async_copy(ca_src, cab, gsems[2])
    pltpu.async_copy(ci_src, cib, gsems[3])
    pltpu.async_copy(x_src, xbuf, gsems[4])
    pltpu.sync_copy(w16, wbuf)
    wv = wbuf[...]

    iota = lax.iota(jnp.int32, LANES)

    @pl.loop(0, (EPT_PAD - EPT) // LANES)
    def _(q):
        v = iota + q * LANES
        rsrc[pl.ds(EPT + q * LANES, LANES)] = v & 511
        rdst[pl.ds(EPT + q * LANES, LANES)] = (LAYER + DUMMY0) + (v & 63)

    @pl.loop(0, 64)
    def _(r):
        zbuf[r, pl.ds(0, 16)] = jnp.zeros((16,), jnp.float32)
        zbuf[r, pl.ds(16, 16)] = jnp.zeros((16,), jnp.float32)

    @pl.loop(0, 8)
    def _(k):
        pltpu.sync_copy(zbuf, acc.at[pl.ds(sid * ACC_PT + k * 64, 64)])
    pltpu.sync_copy(zbuf.at[pl.ds(0, 40)],
                    acc.at[pl.ds(sid * ACC_PT + 512, 40)])

    pltpu.make_async_copy(x_src, xbuf, gsems[4]).wait()

    @pl.loop(0, 32)
    def _(r):
        xbuf[r, pl.ds(0, 16)] = xbuf[r, pl.ds(0, 16)] * wv
        xbuf[r, pl.ds(16, 16)] = xbuf[r, pl.ds(16, 16)] * wv
    pltpu.sync_copy(xbuf, hc.at[pl.ds(sid * 32, 32)])

    w_s = wv[0]
    pltpu.make_async_copy(ci_src, cib, gsems[3]).wait()

    @pl.loop(0, INIT_PT // 8)
    def _(ch):
        cv = cib[pl.ds(sid * INIT_PT + ch * 8, 16)]
        for r in range(8):
            row = ch * 8 + r
            val = jnp.where(cv[r] == 1, 0.5 * w_s, 0.0)
            abuf[row, pl.ds(0, 16)] = jnp.full((16,), val, jnp.float32)
            abuf[row, pl.ds(16, 16)] = jnp.full((16,), val, jnp.float32)
    pltpu.sync_copy(abuf.at[pl.ds(0, INIT_PT)],
                    hc.at[pl.ds(INPUT_DIM + sid * INIT_PT, INIT_PT)])

    _scope_p0.__exit__(None, None, None)

    _scope_pf = jax.named_scope("p1_prefill")
    _scope_pf.__enter__()

    @pl.loop(0, BIN_CHUNKS * CHUNK // LANES)
    def _prefill(i):
        jj = i // (CHUNK // LANES)
        qq = i % (CHUNK // LANES)
        v = iota + i * LANES
        bsrc[jj, pl.ds(qq * 16, 16)] = v & 511
        bdst[jj, pl.ds(qq * 16, 16)] = DUMMY0 + (v & 63)

    _scope_pf.__exit__(None, None, None)
    _scope_ct = jax.named_scope("p1_count")
    _scope_ct.__enter__()
    pltpu.make_async_copy(d_src, rdst.at[pl.ds(0, EPT)], gsems[1]).wait()
    pltpu.make_async_copy(s_src, rsrc.at[pl.ds(0, EPT)], gsems[0]).wait()
    pltpu.make_async_copy(ca_src, cab, gsems[2]).wait()
    zv = jnp.zeros((LANES,), jnp.int32)

    def _count_pair(q0):
        def body(i, accs):
            kA = _key(rdst[pl.ds(q0 * QUART_EDGES + i * LANES, LANES)]
                      - LAYER)
            kB = _key(rdst[pl.ds((q0 + 1) * QUART_EDGES + i * LANES, LANES)]
                      - LAYER)
            return (tuple(accs[l] + (kA == l).astype(jnp.int32)
                          for l in range(N_BINS)) +
                    tuple(accs[N_BINS + l] + (kB == l).astype(jnp.int32)
                          for l in range(N_BINS)))
        return lax.fori_loop(0, QUART_VECS, body, (zv,) * (2 * N_BINS))

    accs = _count_pair(0)

    prev = jnp.int32(0)
    for t in range(NQ * N_BINS):
        q, l = t // N_BINS, t % N_BINS
        sl = 8 * q + l
        n = (jnp.sum(accs[t]) + CHUNK - 1) // CHUNK
        nch2[sl] = n
        starts2[sl] = prev
        prev = prev + n * CHUNK

    _scope_ct.__exit__(None, None, None)
    _scope_di = jax.named_scope("p1_dist")
    _scope_di.__enter__()

    curvs = (curvA, curvB)
    for q in range(NQ):
        cur = zv
        for l in range(N_BINS):
            cur = jnp.where(iota == l, starts2[8 * q + l], cur)
        curvs[q][...] = cur

    def _dist_body(i, carry):
        for q in range(NQ):
            off = q * QUART_EDGES + i * LANES
            s = rsrc[pl.ds(off, LANES)]
            dm = rdst[pl.ds(off, LANES)] - LAYER
            k = _key(dm)
            real = k < N_BINS
            cnt, last = plsc.scan_count(k, mask=real)
            base = plsc.load_gather(curvs[q], [k])
            pos = base + cnt - 1
            hi = lax.shift_right_logical(pos, 7)
            lo = pos & (CHUNK - 1)
            plsc.store_scatter(bsrc, [hi, lo], s, mask=real)
            plsc.store_scatter(bdst, [hi, lo], dm, mask=real)
            plsc.addupdate_scatter(curvs[q], [k], cnt, mask=last)
        return carry

    lax.fori_loop(0, QUART_VECS, _dist_body, jnp.int32(0))

    _scope_di.__exit__(None, None, None)

    plsc.subcore_barrier()

    @pl.loop(0, N_BINS)
    def _(l):
        _scope_ed = jax.named_scope("p2_edges")
        _scope_ed.__enter__()
        cbs = [starts2[8 * q + l] // CHUNK for q in range(NQ)]
        nqs = [nch2[8 * q + l] for q in range(NQ)]
        nchl = nqs[0] + nqs[1]
        ngrp = (nchl + 7) // 8

        def _cidx(j):
            return jnp.where(j < nqs[0], cbs[0] + j, cbs[1] + (j - nqs[0]))

        @pl.loop(0, ngrp)
        def _(g):
            for b in range(8):
                j = g * 8 + b

                @pl.when(j < nchl)
                def _(j=j, b=b):
                    jj = _cidx(j)

                    @pl.when(g > 0)
                    def _():
                        pltpu.make_async_copy(
                            gbuf.at[b], acc.at[bdst.at[jj]], ssems[b]).wait()
                    pltpu.async_copy(hc.at[bsrc.at[jj]], gbuf.at[b], gsems[b])
            for b in range(8):
                j = g * 8 + b

                @pl.when(j < nchl)
                def _(j=j, b=b):
                    jj = _cidx(j)
                    pltpu.make_async_copy(
                        hc.at[bsrc.at[jj]], gbuf.at[b], gsems[b]).wait()
                    pltpu.async_copy(gbuf.at[b], acc.at[bdst.at[jj]],
                                     ssems[b], add=True)
        for b in range(8):

            @pl.when(b < nchl)
            def _(b=b):
                pltpu.make_async_copy(
                    gbuf.at[b], acc.at[bdst.at[cbs[0]]], ssems[b]).wait()

        _scope_ed.__exit__(None, None, None)
        plsc.subcore_barrier()

        _scope_ac = jax.named_scope("p2_act")
        _scope_ac.__enter__()

        @pl.when(l < N_BINS - 1)
        def _():
            arow0 = l * LAYER + sid * ACT_PT
            pltpu.sync_copy(acc.at[pl.ds(arow0, ACT_PT)], abuf)

            @pl.loop(0, ACT_PT // 8)
            def _(ch):
                cv = cab[pl.ds(arow0 + ch * 8 + 2, 16)]
                for r in range(8):
                    row = ch * 8 + r
                    code = cv[r]
                    a0 = abuf[row, pl.ds(0, 16)]
                    a1 = abuf[row, pl.ds(16, 16)]
                    abuf[row, pl.ds(0, 16)] = _act_block(a0, code, wv)
                    abuf[row, pl.ds(16, 16)] = _act_block(a1, code, wv)
            pltpu.sync_copy(abuf, hc.at[pl.ds(arow0 + LAYER, ACT_PT)])

        _scope_ac.__exit__(None, None, None)
        plsc.subcore_barrier()

    pltpu.sync_copy(acc.at[pl.ds(LOG0 + sid * 16, 16)],
                    logt.at[cid].at[pl.ds(sid * 16, 16)])


def _softmax_body(lt_ref, o_ref):
    lt = lt_ref[...]
    x = jnp.concatenate(
        [jnp.transpose(lt[0], (1, 0)), jnp.transpose(lt[1], (1, 0))], axis=0)
    m = jnp.max(x, axis=1, keepdims=True)
    e = jnp.exp(x - m)
    o_ref[...] = e / jnp.sum(e, axis=1, keepdims=True)


def kernel(x, weight, edge_src, edge_dst, act_codes):
    x3 = jnp.transpose(x.reshape(NC, HB, INPUT_DIM), (0, 2, 1))
    w16 = jnp.broadcast_to(weight, (LANES,)).astype(jnp.float32)

    logt, _h = _sc_forward(x3, w16, edge_src, edge_dst, act_codes)

    return pl.pallas_call(
        _softmax_body,
        out_shape=jax.ShapeDtypeStruct((BATCH, OUTPUT_DIM), jnp.float32),
    )(logt)

# --- scband reference (transcript-rebuilt; emitter-appended) ---
"""Pipeline reference for scband-wann-model-49976239456632 (READ-ONLY COPY).

The authoritative reference and input builder live on the scoring server;
editing this copy changes nothing except your own understanding.
"""

import jax, jax.numpy as jnp
import numpy as np

N_NODES = 10000
INPUT_DIM = 512
OUTPUT_DIM = 256
N_LAYERS = 8
LAYER = N_NODES // N_LAYERS
N_EDGES = 160000
BATCH = 64


def setup_inputs(seed: int = 0) -> dict:
    key = jax.random.key(seed)
    k1, k2 = jax.random.split(key)
    rng = np.random.default_rng(0)
    # Build a layered DAG: node v lives in layer v // LAYER; every edge goes
    # from layer l to some strictly later layer, so the longest path is
    # <= N_LAYERS and N_LAYERS propagation sweeps reproduce the exact
    # topological-order evaluation of wann.forward.
    src = rng.integers(0, (N_LAYERS - 1) * LAYER, size=N_EDGES)
    dst_low = np.maximum(((src // LAYER) + 1) * LAYER, INPUT_DIM)
    dst = rng.integers(dst_low, N_NODES)
    # activation codes: 0=None (inputs/outputs), 1=sigmoid, 2=relu, 3=tanh
    codes = np.zeros(N_NODES, dtype=np.int32)
    codes[INPUT_DIM:N_NODES - OUTPUT_DIM] = rng.integers(
        1, 4, size=N_NODES - INPUT_DIM - OUTPUT_DIM)
    x = jax.random.normal(k1, (BATCH, INPUT_DIM), dtype=jnp.float32)
    weight = jax.random.uniform(k2, (1,), dtype=jnp.float32)
    return {
        "x": x,
        "weight": weight,
        "edge_src": jnp.asarray(src, dtype=jnp.int32),
        "edge_dst": jnp.asarray(dst, dtype=jnp.int32),
        "act_codes": jnp.asarray(codes, dtype=jnp.int32),
    }


def _apply_act(acc, codes):
    # Mirrors wann.activations: node value is replaced by activation(value)
    # before being pushed along outgoing edges.
    h = jnp.where(codes == 1, jax.nn.sigmoid(acc), acc)
    h = jnp.where(codes == 2, jax.nn.relu(acc), h)
    h = jnp.where(codes == 3, jnp.tanh(acc), h)
    return h


def reference(x, weight, edge_src, edge_dst, act_codes):
    B = x.shape[0]
    # base injection: input nodes hold x, all other nodes start at 0
    base = jnp.zeros((B, N_NODES), dtype=x.dtype).at[:, :INPUT_DIM].set(x)
    w = weight[0]
    acc = base
    codes = act_codes[None, :]
    # fixed-point unrolling over DAG depth == exact topological evaluation
    for _ in range(N_LAYERS):
        h = _apply_act(acc, codes)
        msgs = w * jnp.take(h, edge_src, axis=1)          # gather  [B, E]
        acc = base.at[:, edge_dst].add(msgs)              # scatter-add
    logits = acc[:, N_NODES - OUTPUT_DIM:]
    return jax.nn.softmax(logits, axis=1)

if __name__ == "__main__":
    import jax
    _d = setup_inputs()
    print(jax.jit(kernel)(*tuple(_d.values())))

</pallas_src>

<mosaic_0001>
#map = affine_map<(d0, d1) -> (0, 0, 0)>
#map1 = affine_map<(d0, d1) -> (0)>
module attributes {stable_mosaic.version = 14 : i64} {
  func.func @_sc_forward(%arg0: i32, %arg1: i32, %arg2: memref<2x512x32xf32, #tpu.memory_space<hbm>>, %arg3: memref<16xf32, #tpu.memory_space<hbm>>, %arg4: memref<160000xi32, #tpu.memory_space<hbm>>, %arg5: memref<160000xi32, #tpu.memory_space<hbm>>, %arg6: memref<10000xi32, #tpu.memory_space<hbm>>, %arg7: memref<2x256x32xf32, #tpu.memory_space<hbm>>, %arg8: memref<2x8832x32xf32, #tpu.memory_space<hbm>>, %arg9: memref<8832x32xf32, #tpu.memory_space<vmem_shared>>, %arg10: memref<10112xi32, #tpu.memory_space<vmem>>, %arg11: memref<10112xi32, #tpu.memory_space<vmem>>, %arg12: memref<94x128xi32, #tpu.memory_space<vmem>>, %arg13: memref<94x128xi32, #tpu.memory_space<vmem>>, %arg14: memref<8x128x32xf32, #tpu.memory_space<vmem>>, %arg15: memref<80x32xf32, #tpu.memory_space<vmem>>, %arg16: memref<64x32xf32, #tpu.memory_space<vmem>>, %arg17: memref<32x32xf32, #tpu.memory_space<vmem>>, %arg18: memref<7552xi32, #tpu.memory_space<vmem>>, %arg19: memref<784xi32, #tpu.memory_space<vmem>>, %arg20: memref<16xf32, #tpu.memory_space<vmem>>, %arg21: memref<16xi32, #tpu.memory_space<vmem>>, %arg22: memref<16xi32, #tpu.memory_space<vmem>>, %arg23: memref<16xi32, #tpu.memory_space<vmem>>, %arg24: memref<16xi32, #tpu.memory_space<vmem>>, %arg25: memref<32xi32, #tpu.memory_space<smem>>, %arg26: memref<32xi32, #tpu.memory_space<smem>>, %arg27: memref<!tpu.dma_semaphore, #tpu.memory_space<semaphore_mem>>, %arg28: memref<!tpu.dma_semaphore, #tpu.memory_space<semaphore_mem>>, %arg29: memref<!tpu.dma_semaphore, #tpu.memory_space<semaphore_mem>>, %arg30: memref<!tpu.dma_semaphore, #tpu.memory_space<semaphore_mem>>, %arg31: memref<!tpu.dma_semaphore, #tpu.memory_space<semaphore_mem>>, %arg32: memref<!tpu.dma_semaphore, #tpu.memory_space<semaphore_mem>>, %arg33: memref<!tpu.dma_semaphore, #tpu.memory_space<semaphore_mem>>, %arg34: memref<!tpu.dma_semaphore, #tpu.memory_space<semaphore_mem>>, %arg35: memref<!tpu.dma_semaphore, #tpu.memory_space<semaphore_mem>>, %arg36: memref<!tpu.dma_semaphore, #tpu.memory_space<semaphore_mem>>, %arg37: memref<!tpu.dma_semaphore, #tpu.memory_space<semaphore_mem>>, %arg38: memref<!tpu.dma_semaphore, #tpu.memory_space<semaphore_mem>>, %arg39: memref<!tpu.dma_semaphore, #tpu.memory_space<semaphore_mem>>, %arg40: memref<!tpu.dma_semaphore, #tpu.memory_space<semaphore_mem>>, %arg41: memref<!tpu.dma_semaphore, #tpu.memory_space<semaphore_mem>>, %arg42: memref<!tpu.dma_semaphore, #tpu.memory_space<semaphore_mem>>) attributes {dimension_semantics = [#tpu.dimension_semantics<core_parallel>, #tpu.dimension_semantics<subcore_parallel>], iteration_bounds = array<i64: 2, 16>, scalar_prefetch = 0 : i64, scratch_operands = 34 : i64, tpu.core_type = #tpu.core_type<sc_vector_subcore>, window_params = [{transform_indices = #map}, {transform_indices = #map1}, {transform_indices = #map1}, {transform_indices = #map1}, {transform_indices = #map1}, {transform_indices = #map}, {transform_indices = #map}]} {
    "tpu.trace_start"() <{level = 10 : i32, message = "p0_stage"}> : () -> ()
    %mul3A = arith.constant 32 : i32
    %mul3A_0 = arith.muli %arg1, %mul3A : i32
    %mul3A_1 = arith.constant 10000 : i32
    %mul3A_2 = arith.muli %arg1, %mul3A_1 : i32
    %mul3A_3 = arith.constant 10000 : i32
    %mul3A_4 = arith.muli %arg1, %mul3A_3 : i32
    %dma_start3A = arith.constant 0 : i32
    %dma_start3A_5 = tpu.memref_slice %arg10[%dma_start3A] : memref<10112xi32, #tpu.memory_space<vmem>> -> memref<10000xi32, #tpu.memory_space<vmem>>
    %dma_start3A_6 = tpu.memref_slice %arg4[%mul3A_2] : memref<160000xi32, #tpu.memory_space<hbm>> -> memref<10000xi32, #tpu.memory_space<hbm>>
    %dma_start3A_7 = arith.constant 0 : i32
    %dma_start3A_8 = tpu.memref_slice %arg10[%dma_start3A_7] : memref<10112xi32, #tpu.memory_space<vmem>> -> memref<10000xi32, #tpu.memory_space<vmem>>
    %dma_start3A_9 = tpu.memref_slice %arg4[%mul3A_2] : memref<160000xi32, #tpu.memory_space<hbm>> -> memref<10000xi32, #tpu.memory_space<hbm>>
    tpu.enqueue_dma source(%dma_start3A_9 : memref<10000xi32, #tpu.memory_space<hbm>>) target(%dma_start3A_8 : memref<10000xi32, #tpu.memory_space<vmem>>) target_semaphore(%arg27 : memref<!tpu.dma_semaphore, #tpu.memory_space<semaphore_mem>>)
    %dma_start3A_10 = arith.constant 0 : i32
    %dma_start3A_11 = tpu.memref_slice %arg11[%dma_start3A_10] : memref<10112xi32, #tpu.memory_space<vmem>> -> memref<10000xi32, #tpu.memory_space<vmem>>
    %dma_start3A_12 = tpu.memref_slice %arg5[%mul3A_4] : memref<160000xi32, #tpu.memory_space<hbm>> -> memref<10000xi32, #tpu.memory_space<hbm>>
    %dma_start3A_13 = arith.constant 0 : i32
    %dma_start3A_14 = tpu.memref_slice %arg11[%dma_start3A_13] : memref<10112xi32, #tpu.memory_space<vmem>> -> memref<10000xi32, #tpu.memory_space<vmem>>
    %dma_start3A_15 = tpu.memref_slice %arg5[%mul3A_4] : memref<160000xi32, #tpu.memory_space<hbm>> -> memref<10000xi32, #tpu.memory_space<hbm>>
    tpu.enqueue_dma source(%dma_start3A_15 : memref<10000xi32, #tpu.memory_space<hbm>>) target(%dma_start3A_14 : memref<10000xi32, #tpu.memory_space<vmem>>) target_semaphore(%arg28 : memref<!tpu.dma_semaphore, #tpu.memory_space<semaphore_mem>>)
    %dma_start3A_16 = arith.constant 1248 : i32
    %dma_start3A_17 = tpu.memref_slice %arg6[%dma_start3A_16] : memref<10000xi32, #tpu.memory_space<hbm>> -> memref<7552xi32, #tpu.memory_space<hbm>>
    %dma_start3A_18 = arith.constant 1248 : i32
    %dma_start3A_19 = tpu.memref_slice %arg6[%dma_start3A_18] : memref<10000xi32, #tpu.memory_space<hbm>> -> memref<7552xi32, #tpu.memory_space<hbm>>
    tpu.enqueue_dma source(%dma_start3A_19 : memref<7552xi32, #tpu.memory_space<hbm>>) target(%arg18 : memref<7552xi32, #tpu.memory_space<vmem>>) target_semaphore(%arg29 : memref<!tpu.dma_semaphore, #tpu.memory_space<semaphore_mem>>)
    %dma_start3A_20 = arith.constant 512 : i32
    %dma_start3A_21 = tpu.memref_slice %arg6[%dma_start3A_20] : memref<10000xi32, #tpu.memory_space<hbm>> -> memref<784xi32, #tpu.memory_space<hbm>>
    %dma_start3A_22 = arith.constant 512 : i32
    %dma_start3A_23 = tpu.memref_slice %arg6[%dma_start3A_22] : memref<10000xi32, #tpu.memory_space<hbm>> -> memref<784xi32, #tpu.memory_space<hbm>>
    tpu.enqueue_dma source(%dma_start3A_23 : memref<784xi32, #tpu.memory_space<hbm>>) target(%arg19 : memref<784xi32, #tpu.memory_space<vmem>>) target_semaphore(%arg30 : memref<!tpu.dma_semaphore, #tpu.memory_space<semaphore_mem>>)
    %dma_start3A_24 = arith.constant 0 : i32
    %dma_start3A_25 = arith.constant 0 : i32
    %dma_start3A_26 = tpu.memref_slice %arg2[%arg0, %dma_start3A_24, %dma_start3A_25] : memref<2x512x32xf32, #tpu.memory_space<hbm>> -> memref<1x512x32xf32, #tpu.memory_space<hbm>>
    %dma_start3A_27 = tpu.memref_squeeze %dma_start3A_26 : memref<1x512x32xf32, #tpu.memory_space<hbm>> -> memref<512x32xf32, #tpu.memory_space<hbm>>
    %dma_start3A_28 = arith.constant 0 : i32
    %dma_start3A_29 = tpu.memref_slice %dma_start3A_27[%mul3A_0, %dma_start3A_28] : memref<512x32xf32, #tpu.memory_space<hbm>> -> memref<32x32xf32, #tpu.memory_space<hbm>>
    %dma_start3A_30 = arith.constant 0 : i32
    %dma_start3A_31 = arith.constant 0 : i32
    %dma_start3A_32 = tpu.memref_slice %arg2[%arg0, %dma_start3A_30, %dma_start3A_31] : memref<2x512x32xf32, #tpu.memory_space<hbm>> -> memref<1x512x32xf32, #tpu.memory_space<hbm>>
    %dma_start3A_33 = tpu.memref_squeeze %dma_start3A_32 : memref<1x512x32xf32, #tpu.memory_space<hbm>> -> memref<512x32xf32, #tpu.memory_space<hbm>>
    %dma_start3A_34 = arith.constant 0 : i32
    %dma_start3A_35 = tpu.memref_slice %dma_start3A_33[%mul3A_0, %dma_start3A_34] : memref<512x32xf32, #tpu.memory_space<hbm>> -> memref<32x32xf32, #tpu.memory_space<hbm>>
    tpu.enqueue_dma source(%dma_start3A_35 : memref<32x32xf32, #tpu.memory_space<hbm>>) target(%arg17 : memref<32x32xf32, #tpu.memory_space<vmem>>) target_semaphore(%arg31 : memref<!tpu.dma_semaphore, #tpu.memory_space<semaphore_mem>>)
    "tpu.region"() ({
      %run_scoped3A = tpu.sem_alloc : memref<!tpu.dma_semaphore, #tpu.memory_space<semaphore_mem>>
      tpu.enqueue_dma source(%arg3 : memref<16xf32, #tpu.memory_space<hbm>>) target(%arg20 : memref<16xf32, #tpu.memory_space<vmem>>) target_semaphore(%run_scoped3A : memref<!tpu.dma_semaphore, #tpu.memory_space<semaphore_mem>>)
      tpu.wait_dma2 semaphore(%run_scoped3A : memref<!tpu.dma_semaphore, #tpu.memory_space<semaphore_mem>>) src(%arg3 : memref<16xf32, #tpu.memory_space<hbm>>) dst(%arg20 : memref<16xf32, #tpu.memory_space<vmem>>)
      tpu.yield
    }) : () -> ()
    %get3A = arith.constant 0 : index
    %get3A_36 = tpu.vector_load %arg20[%get3A] {strides = array<i32>} : memref<16xf32, #tpu.memory_space<vmem>>, vector<16xf32>,
    %iota3A = tpu.iota {dimensions = array<i32: 0>} : vector<16xi32>
    %scan3A = arith.constant 0 : i32
    %scan3A_37 = arith.constant 7 : i32
    %scan3A_38 = arith.addi %scan3A, %scan3A_37 : i32
    %scan3A_39 = arith.constant 1 : i32
    scf.for %scan3A_811 = %scan3A to %scan3A_38 step %scan3A_39  : i32 {
      %mul3A_812 = arith.constant 1 : i32
      %mul3A_813 = arith.muli %scan3A_811, %mul3A_812 : i32
      %add3A_814 = arith.constant 0 : i32
      %add3A_815 = arith.addi %add3A_814, %mul3A_813 : i32
      %mul3A_816 = arith.constant 16 : i32
      %mul3A_817 = arith.muli %add3A_815, %mul3A_816 : i32
      %add3A_818 = vector.broadcast %mul3A_817 : i32 to vector<16xi32>
      %add3A_819 = arith.addi %iota3A, %add3A_818 : vector<16xi32>
      %and3A_820 = arith.constant 511 : i32
      %and3A_821 = vector.broadcast %and3A_820 : i32 to vector<16xi32>
      %and3A_822 = arith.andi %add3A_819, %and3A_821 : vector<16xi32>
      %mul3A_823 = arith.constant 16 : i32
      %mul3A_824 = arith.muli %add3A_815, %mul3A_823 : i32
      %add3A_825 = arith.constant 10000 : i32
      %add3A_826 = arith.addi %add3A_825, %mul3A_824 : i32
      %swap3A_827 = arith.index_cast %add3A_826 : i32 to index
      %swap3A_828 = tpu.vector_load %arg10[%swap3A_827] {strides = array<i32>} : memref<10112xi32, #tpu.memory_space<vmem>>, vector<16xi32>,
      tpu.vector_store %arg10[%swap3A_827], %and3A_822 {strides = array<i32>} : memref<10112xi32, #tpu.memory_space<vmem>>, vector<16xi32>,
      %and3A_829 = arith.constant 63 : i32
      %and3A_830 = vector.broadcast %and3A_829 : i32 to vector<16xi32>
      %and3A_831 = arith.andi %add3A_819, %and3A_830 : vector<16xi32>
      %add3A_832 = arith.constant 10002 : i32
      %add3A_833 = vector.broadcast %add3A_832 : i32 to vector<16xi32>
      %add3A_834 = arith.addi %add3A_833, %and3A_831 : vector<16xi32>
      %mul3A_835 = arith.constant 16 : i32
      %mul3A_836 = arith.muli %add3A_815, %mul3A_835 : i32
      %add3A_837 = arith.constant 10000 : i32
      %add3A_838 = arith.addi %add3A_837, %mul3A_836 : i32
      %swap3A_839 = arith.index_cast %add3A_838 : i32 to index
      %swap3A_840 = tpu.vector_load %arg11[%swap3A_839] {strides = array<i32>} : memref<10112xi32, #tpu.memory_space<vmem>>, vector<16xi32>,
      tpu.vector_store %arg11[%swap3A_839], %add3A_834 {strides = array<i32>} : memref<10112xi32, #tpu.memory_space<vmem>>, vector<16xi32>,
    }
    %scan3A_40 = arith.constant 7 : i32
    %scan3A_41 = arith.constant 0 : i32
    %scan3A_42 = arith.constant 64 : i32
    %scan3A_43 = arith.addi %scan3A_41, %scan3A_42 : i32
    %scan3A_44 = arith.constant 1 : i32
    scf.for %scan3A_811 = %scan3A_41 to %scan3A_43 step %scan3A_44  : i32 {
      %mul3A_812 = arith.constant 1 : i32
      %mul3A_813 = arith.muli %scan3A_811, %mul3A_812 : i32
      %add3A_814 = arith.constant 0 : i32
      %add3A_815 = arith.addi %add3A_814, %mul3A_813 : i32
      %broadcast_in_dim3A_816 = arith.constant 0.000000e+00 : f32
      %broadcast_in_dim3A_817 = vector.broadcast %broadcast_in_dim3A_816 : f32 to vector<16xf32>
      %swap3A_818 = arith.index_cast %add3A_815 : i32 to index
      %swap3A_819 = arith.constant 0 : index
      %swap3A_820 = tpu.vector_load %arg16[%swap3A_818, %swap3A_819] {strides = array<i32>} : memref<64x32xf32, #tpu.memory_space<vmem>>, vector<16xf32>,
      tpu.vector_store %arg16[%swap3A_818, %swap3A_819], %broadcast_in_dim3A_817 {strides = array<i32>} : memref<64x32xf32, #tpu.memory_space<vmem>>, vector<16xf32>,
      %broadcast_in_dim3A_821 = arith.constant 0.000000e+00 : f32
      %broadcast_in_dim3A_822 = vector.broadcast %broadcast_in_dim3A_821 : f32 to vector<16xf32>
      %swap3A_823 = arith.index_cast %add3A_815 : i32 to index
      %swap3A_824 = arith.constant 16 : index
      %swap3A_825 = tpu.vector_load %arg16[%swap3A_823, %swap3A_824] {strides = array<i32>} : memref<64x32xf32, #tpu.memory_space<vmem>>, vector<16xf32>,
      tpu.vector_store %arg16[%swap3A_823, %swap3A_824], %broadcast_in_dim3A_822 {strides = array<i32>} : memref<64x32xf32, #tpu.memory_space<vmem>>, vector<16xf32>,
    }
    %scan3A_45 = arith.constant 64 : i32
    %scan3A_46 = arith.constant 0 : i32
    %scan3A_47 = arith.constant 8 : i32
    %scan3A_48 = arith.addi %scan3A_46, %scan3A_47 : i32
    %scan3A_49 = arith.constant 1 : i32
    scf.for %scan3A_811 = %scan3A_46 to %scan3A_48 step %scan3A_49  : i32 {
      %mul3A_812 = arith.constant 1 : i32
      %mul3A_813 = arith.muli %scan3A_811, %mul3A_812 : i32
      %add3A_814 = arith.constant 0 : i32
      %add3A_815 = arith.addi %add3A_814, %mul3A_813 : i32
      %mul3A_816 = arith.constant 552 : i32
      %mul3A_817 = arith.muli %arg1, %mul3A_816 : i32
      %mul3A_818 = arith.constant 64 : i32
      %mul3A_819 = arith.muli %add3A_815, %mul3A_818 : i32
      %add3A_820 = arith.addi %mul3A_817, %mul3A_819 : i32
      "tpu.region"() ({
        %run_scoped3A = tpu.sem_alloc : memref<!tpu.dma_semaphore, #tpu.memory_space<semaphore_mem>>
        %dma_start3A_821 = arith.constant 0 : i32
        %dma_start3A_822 = tpu.memref_slice %arg9[%add3A_820, %dma_start3A_821] : memref<8832x32xf32, #tpu.memory_space<vmem_shared>> -> memref<64x32xf32, #tpu.memory_space<vmem_shared>>
        %dma_start3A_823 = arith.constant 0 : i32
        %dma_start3A_824 = tpu.memref_slice %arg9[%add3A_820, %dma_start3A_823] : memref<8832x32xf32, #tpu.memory_space<vmem_shared>> -> memref<64x32xf32, #tpu.memory_space<vmem_shared>>
        tpu.enqueue_dma source(%arg16 : memref<64x32xf32, #tpu.memory_space<vmem>>) target(%dma_start3A_824 : memref<64x32xf32, #tpu.memory_space<vmem_shared>>) target_semaphore(%run_scoped3A : memref<!tpu.dma_semaphore, #tpu.memory_space<semaphore_mem>>)
        %dma_wait3A_825 = arith.constant 0 : i32
        %dma_wait3A_826 = tpu.memref_slice %arg9[%add3A_820, %dma_wait3A_825] : memref<8832x32xf32, #tpu.memory_space<vmem_shared>> -> memref<64x32xf32, #tpu.memory_space<vmem_shared>>
        %dma_wait3A_827 = arith.constant 0 : i32
        %dma_wait3A_828 = tpu.memref_slice %arg9[%add3A_820, %dma_wait3A_827] : memref<8832x32xf32, #tpu.memory_space<vmem_shared>> -> memref<64x32xf32, #tpu.memory_space<vmem_shared>>
        tpu.wait_dma2 semaphore(%run_scoped3A : memref<!tpu.dma_semaphore, #tpu.memory_space<semaphore_mem>>) src(%arg16 : memref<64x32xf32, #tpu.memory_space<vmem>>) dst(%dma_wait3A_828 : memref<64x32xf32, #tpu.memory_space<vmem_shared>>)
        tpu.yield
      }) : () -> ()
    }
    %scan3A_50 = arith.constant 8 : i32
    %mul3A_51 = arith.constant 552 : i32
    %mul3A_52 = arith.muli %arg1, %mul3A_51 : i32
    %add3A = arith.constant 512 : i32
    %add3A_53 = arith.addi %mul3A_52, %add3A : i32
    "tpu.region"() ({
      %run_scoped3A = tpu.sem_alloc : memref<!tpu.dma_semaphore, #tpu.memory_space<semaphore_mem>>
      %dma_start3A_811 = arith.constant 0 : i32
      %dma_start3A_812 = arith.constant 0 : i32
      %dma_start3A_813 = tpu.memref_slice %arg16[%dma_start3A_811, %dma_start3A_812] : memref<64x32xf32, #tpu.memory_space<vmem>> -> memref<40x32xf32, #tpu.memory_space<vmem>>
      %dma_start3A_814 = arith.constant 0 : i32
      %dma_start3A_815 = tpu.memref_slice %arg9[%add3A_53, %dma_start3A_814] : memref<8832x32xf32, #tpu.memory_space<vmem_shared>> -> memref<40x32xf32, #tpu.memory_space<vmem_shared>>
      %dma_start3A_816 = arith.constant 0 : i32
      %dma_start3A_817 = tpu.memref_slice %arg9[%add3A_53, %dma_start3A_816] : memref<8832x32xf32, #tpu.memory_space<vmem_shared>> -> memref<40x32xf32, #tpu.memory_space<vmem_shared>>
      %dma_start3A_818 = arith.constant 0 : i32
      %dma_start3A_819 = arith.constant 0 : i32
      %dma_start3A_820 = tpu.memref_slice %arg16[%dma_start3A_818, %dma_start3A_819] : memref<64x32xf32, #tpu.memory_space<vmem>> -> memref<40x32xf32, #tpu.memory_space<vmem>>
      tpu.enqueue_dma source(%dma_start3A_820 : memref<40x32xf32, #tpu.memory_space<vmem>>) target(%dma_start3A_817 : memref<40x32xf32, #tpu.memory_space<vmem_shared>>) target_semaphore(%run_scoped3A : memref<!tpu.dma_semaphore, #tpu.memory_space<semaphore_mem>>)
      %dma_wait3A_821 = arith.constant 0 : i32
      %dma_wait3A_822 = arith.constant 0 : i32
      %dma_wait3A_823 = tpu.memref_slice %arg16[%dma_wait3A_821, %dma_wait3A_822] : memref<64x32xf32, #tpu.memory_space<vmem>> -> memref<40x32xf32, #tpu.memory_space<vmem>>
      %dma_wait3A_824 = arith.constant 0 : i32
      %dma_wait3A_825 = tpu.memref_slice %arg9[%add3A_53, %dma_wait3A_824] : memref<8832x32xf32, #tpu.memory_space<vmem_shared>> -> memref<40x32xf32, #tpu.memory_space<vmem_shared>>
      %dma_wait3A_826 = arith.constant 0 : i32
      %dma_wait3A_827 = tpu.memref_slice %arg9[%add3A_53, %dma_wait3A_826] : memref<8832x32xf32, #tpu.memory_space<vmem_shared>> -> memref<40x32xf32, #tpu.memory_space<vmem_shared>>
      %dma_wait3A_828 = arith.constant 0 : i32
      %dma_wait3A_829 = arith.constant 0 : i32
      %dma_wait3A_830 = tpu.memref_slice %arg16[%dma_wait3A_828, %dma_wait3A_829] : memref<64x32xf32, #tpu.memory_space<vmem>> -> memref<40x32xf32, #tpu.memory_space<vmem>>
      tpu.wait_dma2 semaphore(%run_scoped3A : memref<!tpu.dma_semaphore, #tpu.memory_space<semaphore_mem>>) src(%dma_wait3A_830 : memref<40x32xf32, #tpu.memory_space<vmem>>) dst(%dma_wait3A_827 : memref<40x32xf32, #tpu.memory_space<vmem_shared>>)
      tpu.yield
    }) : () -> ()
    %dma_wait3A = arith.constant 0 : i32
    %dma_wait3A_54 = arith.constant 0 : i32
    %dma_wait3A_55 = tpu.memref_slice %arg2[%arg0, %dma_wait3A, %dma_wait3A_54] : memref<2x512x32xf32, #tpu.memory_space<hbm>> -> memref<1x512x32xf32, #tpu.memory_space<hbm>>
    %dma_wait3A_56 = tpu.memref_squeeze %dma_wait3A_55 : memref<1x512x32xf32, #tpu.memory_space<hbm>> -> memref<512x32xf32, #tpu.memory_space<hbm>>
    %dma_wait3A_57 = arith.constant 0 : i32
    %dma_wait3A_58 = tpu.memref_slice %dma_wait3A_56[%mul3A_0, %dma_wait3A_57] : memref<512x32xf32, #tpu.memory_space<hbm>> -> memref<32x32xf32, #tpu.memory_space<hbm>>
    %dma_wait3A_59 = arith.constant 0 : i32
    %dma_wait3A_60 = arith.constant 0 : i32
    %dma_wait3A_61 = tpu.memref_slice %arg2[%arg0, %dma_wait3A_59, %dma_wait3A_60] : memref<2x512x32xf32, #tpu.memory_space<hbm>> -> memref<1x512x32xf32, #tpu.memory_space<hbm>>
    %dma_wait3A_62 = tpu.memref_squeeze %dma_wait3A_61 : memref<1x512x32xf32, #tpu.memory_space<hbm>> -> memref<512x32xf32, #tpu.memory_space<hbm>>
    %dma_wait3A_63 = arith.constant 0 : i32
    %dma_wait3A_64 = tpu.memref_slice %dma_wait3A_62[%mul3A_0, %dma_wait3A_63] : memref<512x32xf32, #tpu.memory_space<hbm>> -> memref<32x32xf32, #tpu.memory_space<hbm>>
    tpu.wait_dma2 semaphore(%arg31 : memref<!tpu.dma_semaphore, #tpu.memory_space<semaphore_mem>>) src(%dma_wait3A_64 : memref<32x32xf32, #tpu.memory_space<hbm>>) dst(%arg17 : memref<32x32xf32, #tpu.memory_space<vmem>>)
    %scan3A_65 = arith.constant 0 : i32
    %scan3A_66 = arith.constant 32 : i32
    %scan3A_67 = arith.addi %scan3A_65, %scan3A_66 : i32
    %scan3A_68 = arith.constant 1 : i32
    scf.for %scan3A_811 = %scan3A_65 to %scan3A_67 step %scan3A_68  : i32 {
      %mul3A_812 = arith.constant 1 : i32
      %mul3A_813 = arith.muli %scan3A_811, %mul3A_812 : i32
      %add3A_814 = arith.constant 0 : i32
      %add3A_815 = arith.addi %add3A_814, %mul3A_813 : i32
      %get3A_816 = arith.index_cast %add3A_815 : i32 to index
      %get3A_817 = arith.constant 0 : index
      %get3A_818 = tpu.vector_load %arg17[%get3A_816, %get3A_817] {strides = array<i32>} : memref<32x32xf32, #tpu.memory_space<vmem>>, vector<16xf32>,
      %mul3A_819 = arith.mulf %get3A_818, %get3A_36 : vector<16xf32>
      %swap3A_820 = arith.index_cast %add3A_815 : i32 to index
      %swap3A_821 = arith.constant 0 : index
      %swap3A_822 = tpu.vector_load %arg17[%swap3A_820, %swap3A_821] {strides = array<i32>} : memref<32x32xf32, #tpu.memory_space<vmem>>, vector<16xf32>,
      tpu.vector_store %arg17[%swap3A_820, %swap3A_821], %mul3A_819 {strides = array<i32>} : memref<32x32xf32, #tpu.memory_space<vmem>>, vector<16xf32>,
      %get3A_823 = arith.index_cast %add3A_815 : i32 to index
      %get3A_824 = arith.constant 16 : index
      %get3A_825 = tpu.vector_load %arg17[%get3A_823, %get3A_824] {strides = array<i32>} : memref<32x32xf32, #tpu.memory_space<vmem>>, vector<16xf32>,
      %mul3A_826 = arith.mulf %get3A_825, %get3A_36 : vector<16xf32>
      %swap3A_827 = arith.index_cast %add3A_815 : i32 to index
      %swap3A_828 = arith.constant 16 : index
      %swap3A_829 = tpu.vector_load %arg17[%swap3A_827, %swap3A_828] {strides = array<i32>} : memref<32x32xf32, #tpu.memory_space<vmem>>, vector<16xf32>,
      tpu.vector_store %arg17[%swap3A_827, %swap3A_828], %mul3A_826 {strides = array<i32>} : memref<32x32xf32, #tpu.memory_space<vmem>>, vector<16xf32>,
    }
    %scan3A_69 = arith.constant 32 : i32
    %mul3A_70 = arith.constant 32 : i32
    %mul3A_71 = arith.muli %arg1, %mul3A_70 : i32
    "tpu.region"() ({
      %run_scoped3A = tpu.sem_alloc : memref<!tpu.dma_semaphore, #tpu.memory_space<semaphore_mem>>
      %dma_start3A_811 = arith.constant 0 : i32
      %dma_start3A_812 = arith.constant 0 : i32
      %dma_start3A_813 = tpu.memref_slice %arg8[%arg0, %dma_start3A_811, %dma_start3A_812] : memref<2x8832x32xf32, #tpu.memory_space<hbm>> -> memref<1x8832x32xf32, #tpu.memory_space<hbm>>
      %dma_start3A_814 = tpu.memref_squeeze %dma_start3A_813 : memref<1x8832x32xf32, #tpu.memory_space<hbm>> -> memref<8832x32xf32, #tpu.memory_space<hbm>>
      %dma_start3A_815 = arith.constant 0 : i32
      %dma_start3A_816 = tpu.memref_slice %dma_start3A_814[%mul3A_71, %dma_start3A_815] : memref<8832x32xf32, #tpu.memory_space<hbm>> -> memref<32x32xf32, #tpu.memory_space<hbm>>
      %dma_start3A_817 = arith.constant 0 : i32
      %dma_start3A_818 = arith.constant 0 : i32
      %dma_start3A_819 = tpu.memref_slice %arg8[%arg0, %dma_start3A_817, %dma_start3A_818] : memref<2x8832x32xf32, #tpu.memory_space<hbm>> -> memref<1x8832x32xf32, #tpu.memory_space<hbm>>
      %dma_start3A_820 = tpu.memref_squeeze %dma_start3A_819 : memref<1x8832x32xf32, #tpu.memory_space<hbm>> -> memref<8832x32xf32, #tpu.memory_space<hbm>>
      %dma_start3A_821 = arith.constant 0 : i32
      %dma_start3A_822 = tpu.memref_slice %dma_start3A_820[%mul3A_71, %dma_start3A_821] : memref<8832x32xf32, #tpu.memory_space<hbm>> -> memref<32x32xf32, #tpu.memory_space<hbm>>
      tpu.enqueue_dma source(%arg17 : memref<32x32xf32, #tpu.memory_space<vmem>>) target(%dma_start3A_822 : memref<32x32xf32, #tpu.memory_space<hbm>>) target_semaphore(%run_scoped3A : memref<!tpu.dma_semaphore, #tpu.memory_space<semaphore_mem>>)
      %dma_wait3A_823 = arith.constant 0 : i32
      %dma_wait3A_824 = arith.constant 0 : i32
      %dma_wait3A_825 = tpu.memref_slice %arg8[%arg0, %dma_wait3A_823, %dma_wait3A_824] : memref<2x8832x32xf32, #tpu.memory_space<hbm>> -> memref<1x8832x32xf32, #tpu.memory_space<hbm>>
      %dma_wait3A_826 = tpu.memref_squeeze %dma_wait3A_825 : memref<1x8832x32xf32, #tpu.memory_space<hbm>> -> memref<8832x32xf32, #tpu.memory_space<hbm>>
      %dma_wait3A_827 = arith.constant 0 : i32
      %dma_wait3A_828 = tpu.memref_slice %dma_wait3A_826[%mul3A_71, %dma_wait3A_827] : memref<8832x32xf32, #tpu.memory_space<hbm>> -> memref<32x32xf32, #tpu.memory_space<hbm>>
      %dma_wait3A_829 = arith.constant 0 : i32
      %dma_wait3A_830 = arith.constant 0 : i32
      %dma_wait3A_831 = tpu.memref_slice %arg8[%arg0, %dma_wait3A_829, %dma_wait3A_830] : memref<2x8832x32xf32, #tpu.memory_space<hbm>> -> memref<1x8832x32xf32, #tpu.memory_space<hbm>>
      %dma_wait3A_832 = tpu.memref_squeeze %dma_wait3A_831 : memref<1x8832x32xf32, #tpu.memory_space<hbm>> -> memref<8832x32xf32, #tpu.memory_space<hbm>>
      %dma_wait3A_833 = arith.constant 0 : i32
      %dma_wait3A_834 = tpu.memref_slice %dma_wait3A_832[%mul3A_71, %dma_wait3A_833] : memref<8832x32xf32, #tpu.memory_space<hbm>> -> memref<32x32xf32, #tpu.memory_space<hbm>>
      tpu.wait_dma2 semaphore(%run_scoped3A : memref<!tpu.dma_semaphore, #tpu.memory_space<semaphore_mem>>) src(%arg17 : memref<32x32xf32, #tpu.memory_space<vmem>>) dst(%dma_wait3A_834 : memref<32x32xf32, #tpu.memory_space<hbm>>)
      tpu.yield
    }) : () -> ()
    %slice3A = vector.extract_strided_slice %get3A_36 {offsets = [0], sizes = [1], strides = [1]} : vector<16xf32> to vector<1xf32>
    %squeeze3A = vector.extract %slice3A[0] : f32 from vector<1xf32>
    %dma_wait3A_72 = arith.constant 512 : i32
    %dma_wait3A_73 = tpu.memref_slice %arg6[%dma_wait3A_72] : memref<10000xi32, #tpu.memory_space<hbm>> -> memref<784xi32, #tpu.memory_space<hbm>>
    %dma_wait3A_74 = arith.constant 512 : i32
    %dma_wait3A_75 = tpu.memref_slice %arg6[%dma_wait3A_74] : memref<10000xi32, #tpu.memory_space<hbm>> -> memref<784xi32, #tpu.memory_space<hbm>>
    tpu.wait_dma2 semaphore(%arg30 : memref<!tpu.dma_semaphore, #tpu.memory_space<semaphore_mem>>) src(%dma_wait3A_75 : memref<784xi32, #tpu.memory_space<hbm>>) dst(%arg19 : memref<784xi32, #tpu.memory_space<vmem>>)
    %scan3A_76 = arith.constant 0 : i32
    %scan3A_77 = arith.constant 6 : i32
    %scan3A_78 = arith.addi %scan3A_76, %scan3A_77 : i32
    %scan3A_79 = arith.constant 1 : i32
    scf.for %scan3A_811 = %scan3A_76 to %scan3A_78 step %scan3A_79  : i32 {
      %mul3A_812 = arith.constant 1 : i32
      %mul3A_813 = arith.muli %scan3A_811, %mul3A_812 : i32
      %add3A_814 = arith.constant 0 : i32
      %add3A_815 = arith.addi %add3A_814, %mul3A_813 : i32
      %mul3A_816 = arith.constant 48 : i32
      %mul3A_817 = arith.muli %arg1, %mul3A_816 : i32
      %mul3A_818 = arith.constant 8 : i32
      %mul3A_819 = arith.muli %add3A_815, %mul3A_818 : i32
      %add3A_820 = arith.addi %mul3A_817, %mul3A_819 : i32
      %get3A_821 = arith.index_cast %add3A_820 : i32 to index
      %get3A_822 = tpu.vector_load %arg19[%get3A_821] {strides = array<i32>} : memref<784xi32, #tpu.memory_space<vmem>>, vector<16xi32>,
      %mul3A_823 = arith.constant 8 : i32
      %mul3A_824 = arith.muli %add3A_815, %mul3A_823 : i32
      %add3A_825 = arith.constant 0 : i32
      %add3A_826 = arith.addi %mul3A_824, %add3A_825 : i32
      %slice3A_827 = vector.extract_strided_slice %get3A_822 {offsets = [0], sizes = [1], strides = [1]} : vector<16xi32> to vector<1xi32>
      %squeeze3A_828 = vector.extract %slice3A_827[0] : i32 from vector<1xi32>
      %eq3A_829 = arith.constant 1 : i32
      %eq3A_830 = arith.cmpi eq, %squeeze3A_828, %eq3A_829 : i32
      %mul3A_831 = arith.constant 5.000000e-01 : f32
      %mul3A_832 = arith.mulf %mul3A_831, %squeeze3A : f32
      %jit3A_833 = arith.constant 0.000000e+00 : f32
      %select_n3A_834 = arith.select %eq3A_830, %mul3A_832, %jit3A_833 : f32
      %broadcast_in_dim3A_835 = vector.broadcast %select_n3A_834 : f32 to vector<16xf32>
      %swap3A_836 = arith.index_cast %add3A_826 : i32 to index
      %swap3A_837 = arith.constant 0 : index
      %swap3A_838 = tpu.vector_load %arg15[%swap3A_836, %swap3A_837] {strides = array<i32>} : memref<80x32xf32, #tpu.memory_space<vmem>>, vector<16xf32>,
      tpu.vector_store %arg15[%swap3A_836, %swap3A_837], %broadcast_in_dim3A_835 {strides = array<i32>} : memref<80x32xf32, #tpu.memory_space<vmem>>, vector<16xf32>,
      %broadcast_in_dim3A_839 = vector.broadcast %select_n3A_834 : f32 to vector<16xf32>
      %swap3A_840 = arith.index_cast %add3A_826 : i32 to index
      %swap3A_841 = arith.constant 16 : index
      %swap3A_842 = tpu.vector_load %arg15[%swap3A_840, %swap3A_841] {strides = array<i32>} : memref<80x32xf32, #tpu.memory_space<vmem>>, vector<16xf32>,
      tpu.vector_store %arg15[%swap3A_840, %swap3A_841], %broadcast_in_dim3A_839 {strides = array<i32>} : memref<80x32xf32, #tpu.memory_space<vmem>>, vector<16xf32>,
      %mul3A_843 = arith.constant 8 : i32
      %mul3A_844 = arith.muli %add3A_815, %mul3A_843 : i32
      %add3A_845 = arith.constant 1 : i32
      %add3A_846 = arith.addi %mul3A_844, %add3A_845 : i32
      %slice3A_847 = vector.extract_strided_slice %get3A_822 {offsets = [1], sizes = [1], strides = [1]} : vector<16xi32> to vector<1xi32>
      %squeeze3A_848 = vector.extract %slice3A_847[0] : i32 from vector<1xi32>
      %eq3A_849 = arith.constant 1 : i32
      %eq3A_850 = arith.cmpi eq, %squeeze3A_848, %eq3A_849 : i32
      %mul3A_851 = arith.constant 5.000000e-01 : f32
      %mul3A_852 = arith.mulf %mul3A_851, %squeeze3A : f32
      %jit3A_853 = arith.constant 0.000000e+00 : f32
      %select_n3A_854 = arith.select %eq3A_850, %mul3A_852, %jit3A_853 : f32
      %broadcast_in_dim3A_855 = vector.broadcast %select_n3A_854 : f32 to vector<16xf32>
      %swap3A_856 = arith.index_cast %add3A_846 : i32 to index
      %swap3A_857 = arith.constant 0 : index
      %swap3A_858 = tpu.vector_load %arg15[%swap3A_856, %swap3A_857] {strides = array<i32>} : memref<80x32xf32, #tpu.memory_space<vmem>>, vector<16xf32>,
      tpu.vector_store %arg15[%swap3A_856, %swap3A_857], %broadcast_in_dim3A_855 {strides = array<i32>} : memref<80x32xf32, #tpu.memory_space<vmem>>, vector<16xf32>,
      %broadcast_in_dim3A_859 = vector.broadcast %select_n3A_854 : f32 to vector<16xf32>
      %swap3A_860 = arith.index_cast %add3A_846 : i32 to index
      %swap3A_861 = arith.constant 16 : index
      %swap3A_862 = tpu.vector_load %arg15[%swap3A_860, %swap3A_861] {strides = array<i32>} : memref<80x32xf32, #tpu.memory_space<vmem>>, vector<16xf32>,
      tpu.vector_store %arg15[%swap3A_860, %swap3A_861], %broadcast_in_dim3A_859 {strides = array<i32>} : memref<80x32xf32, #tpu.memory_space<vmem>>, vector<16xf32>,
      %mul3A_863 = arith.constant 8 : i32
      %mul3A_864 = arith.muli %add3A_815, %mul3A_863 : i32
      %add3A_865 = arith.constant 2 : i32
      %add3A_866 = arith.addi %mul3A_864, %add3A_865 : i32
      %slice3A_867 = vector.extract_strided_slice %get3A_822 {offsets = [2], sizes = [1], strides = [1]} : vector<16xi32> to vector<1xi32>
      %squeeze3A_868 = vector.extract %slice3A_867[0] : i32 from vector<1xi32>
      %eq3A_869 = arith.constant 1 : i32
      %eq3A_870 = arith.cmpi eq, %squeeze3A_868, %eq3A_869 : i32
      %mul3A_871 = arith.constant 5.000000e-01 : f32
      %mul3A_872 = arith.mulf %mul3A_871, %squeeze3A : f32
      %jit3A_873 = arith.constant 0.000000e+00 : f32
      %select_n3A_874 = arith.select %eq3A_870, %mul3A_872, %jit3A_873 : f32
      %broadcast_in_dim3A_875 = vector.broadcast %select_n3A_874 : f32 to vector<16xf32>
      %swap3A_876 = arith.index_cast %add3A_866 : i32 to index
      %swap3A_877 = arith.constant 0 : index
      %swap3A_878 = tpu.vector_load %arg15[%swap3A_876, %swap3A_877] {strides = array<i32>} : memref<80x32xf32, #tpu.memory_space<vmem>>, vector<16xf32>,
      tpu.vector_store %arg15[%swap3A_876, %swap3A_877], %broadcast_in_dim3A_875 {strides = array<i32>} : memref<80x32xf32, #tpu.memory_space<vmem>>, vector<16xf32>,
      %broadcast_in_dim3A_879 = vector.broadcast %select_n3A_874 : f32 to vector<16xf32>
      %swap3A_880 = arith.index_cast %add3A_866 : i32 to index
      %swap3A_881 = arith.constant 16 : index
      %swap3A_882 = tpu.vector_load %arg15[%swap3A_880, %swap3A_881] {strides = array<i32>} : memref<80x32xf32, #tpu.memory_space<vmem>>, vector<16xf32>,
      tpu.vector_store %arg15[%swap3A_880, %swap3A_881], %broadcast_in_dim3A_879 {strides = array<i32>} : memref<80x32xf32, #tpu.memory_space<vmem>>, vector<16xf32>,
      %mul3A_883 = arith.constant 8 : i32
      %mul3A_884 = arith.muli %add3A_815, %mul3A_883 : i32
      %add3A_885 = arith.constant 3 : i32
      %add3A_886 = arith.addi %mul3A_884, %add3A_885 : i32
      %slice3A_887 = vector.extract_strided_slice %get3A_822 {offsets = [3], sizes = [1], strides = [1]} : vector<16xi32> to vector<1xi32>
      %squeeze3A_888 = vector.extract %slice3A_887[0] : i32 from vector<1xi32>
      %eq3A_889 = arith.constant 1 : i32
      %eq3A_890 = arith.cmpi eq, %squeeze3A_888, %eq3A_889 : i32
      %mul3A_891 = arith.constant 5.000000e-01 : f32
      %mul3A_892 = arith.mulf %mul3A_891, %squeeze3A : f32
      %jit3A_893 = arith.constant 0.000000e+00 : f32
      %select_n3A_894 = arith.select %eq3A_890, %mul3A_892, %jit3A_893 : f32
      %broadcast_in_dim3A_895 = vector.broadcast %select_n3A_894 : f32 to vector<16xf32>
      %swap3A_896 = arith.index_cast %add3A_886 : i32 to index
      %swap3A_897 = arith.constant 0 : index
      %swap3A_898 = tpu.vector_load %arg15[%swap3A_896, %swap3A_897] {strides = array<i32>} : memref<80x32xf32, #tpu.memory_space<vmem>>, vector<16xf32>,
      tpu.vector_store %arg15[%swap3A_896, %swap3A_897], %broadcast_in_dim3A_895 {strides = array<i32>} : memref<80x32xf32, #tpu.memory_space<vmem>>, vector<16xf32>,
      %broadcast_in_dim3A_899 = vector.broadcast %select_n3A_894 : f32 to vector<16xf32>
      %swap3A_900 = arith.index_cast %add3A_886 : i32 to index
      %swap3A_901 = arith.constant 16 : index
      %swap3A_902 = tpu.vector_load %arg15[%swap3A_900, %swap3A_901] {strides = array<i32>} : memref<80x32xf32, #tpu.memory_space<vmem>>, vector<16xf32>,
      tpu.vector_store %arg15[%swap3A_900, %swap3A_901], %broadcast_in_dim3A_899 {strides = array<i32>} : memref<80x32xf32, #tpu.memory_space<vmem>>, vector<16xf32>,
      %mul3A_903 = arith.constant 8 : i32
      %mul3A_904 = arith.muli %add3A_815, %mul3A_903 : i32
      %add3A_905 = arith.constant 4 : i32
      %add3A_906 = arith.addi %mul3A_904, %add3A_905 : i32
      %slice3A_907 = vector.extract_strided_slice %get3A_822 {offsets = [4], sizes = [1], strides = [1]} : vector<16xi32> to vector<1xi32>
      %squeeze3A_908 = vector.extract %slice3A_907[0] : i32 from vector<1xi32>
      %eq3A_909 = arith.constant 1 : i32
      %eq3A_910 = arith.cmpi eq, %squeeze3A_908, %eq3A_909 : i32
      %mul3A_911 = arith.constant 5.000000e-01 : f32
      %mul3A_912 = arith.mulf %mul3A_911, %squeeze3A : f32
      %jit3A_913 = arith.constant 0.000000e+00 : f32
      %select_n3A_914 = arith.select %eq3A_910, %mul3A_912, %jit3A_913 : f32
      %broadcast_in_dim3A_915 = vector.broadcast %select_n3A_914 : f32 to vector<16xf32>
      %swap3A_916 = arith.index_cast %add3A_906 : i32 to index
      %swap3A_917 = arith.constant 0 : index
      %swap3A_918 = tpu.vector_load %arg15[%swap3A_916, %swap3A_917] {strides = array<i32>} : memref<80x32xf32, #tpu.memory_space<vmem>>, vector<16xf32>,
      tpu.vector_store %arg15[%swap3A_916, %swap3A_917], %broadcast_in_dim3A_915 {strides = array<i32>} : memref<80x32xf32, #tpu.memory_space<vmem>>, vector<16xf32>,
      %broadcast_in_dim3A_919 = vector.broadcast %select_n3A_914 : f32 to vector<16xf32>
      %swap3A_920 = arith.index_cast %add3A_906 : i32 to index
      %swap3A_921 = arith.constant 16 : index
      %swap3A_922 = tpu.vector_load %arg15[%swap3A_920, %swap3A_921] {strides = array<i32>} : memref<80x32xf32, #tpu.memory_space<vmem>>, vector<16xf32>,
      tpu.vector_store %arg15[%swap3A_920, %swap3A_921], %broadcast_in_dim3A_919 {strides = array<i32>} : memref<80x32xf32, #tpu.memory_space<vmem>>, vector<16xf32>,
      %mul3A_923 = arith.constant 8 : i32
      %mul3A_924 = arith.muli %add3A_815, %mul3A_923 : i32
      %add3A_925 = arith.constant 5 : i32
      %add3A_926 = arith.addi %mul3A_924, %add3A_925 : i32
      %slice3A_927 = vector.extract_strided_slice %get3A_822 {offsets = [5], sizes = [1], strides = [1]} : vector<16xi32> to vector<1xi32>
      %squeeze3A_928 = vector.extract %slice3A_927[0] : i32 from vector<1xi32>
      %eq3A_929 = arith.constant 1 : i32
      %eq3A_930 = arith.cmpi eq, %squeeze3A_928, %eq3A_929 : i32
      %mul3A_931 = arith.constant 5.000000e-01 : f32
      %mul3A_932 = arith.mulf %mul3A_931, %squeeze3A : f32
      %jit3A_933 = arith.constant 0.000000e+00 : f32
      %select_n3A_934 = arith.select %eq3A_930, %mul3A_932, %jit3A_933 : f32
      %broadcast_in_dim3A_935 = vector.broadcast %select_n3A_934 : f32 to vector<16xf32>
      %swap3A_936 = arith.index_cast %add3A_926 : i32 to index
      %swap3A_937 = arith.constant 0 : index
      %swap3A_938 = tpu.vector_load %arg15[%swap3A_936, %swap3A_937] {strides = array<i32>} : memref<80x32xf32, #tpu.memory_space<vmem>>, vector<16xf32>,
      tpu.vector_store %arg15[%swap3A_936, %swap3A_937], %broadcast_in_dim3A_935 {strides = array<i32>} : memref<80x32xf32, #tpu.memory_space<vmem>>, vector<16xf32>,
      %broadcast_in_dim3A_939 = vector.broadcast %select_n3A_934 : f32 to vector<16xf32>
      %swap3A_940 = arith.index_cast %add3A_926 : i32 to index
      %swap3A_941 = arith.constant 16 : index
      %swap3A_942 = tpu.vector_load %arg15[%swap3A_940, %swap3A_941] {strides = array<i32>} : memref<80x32xf32, #tpu.memory_space<vmem>>, vector<16xf32>,
      tpu.vector_store %arg15[%swap3A_940, %swap3A_941], %broadcast_in_dim3A_939 {strides = array<i32>} : memref<80x32xf32, #tpu.memory_space<vmem>>, vector<16xf32>,
      %mul3A_943 = arith.constant 8 : i32
      %mul3A_944 = arith.muli %add3A_815, %mul3A_943 : i32
      %add3A_945 = arith.constant 6 : i32
      %add3A_946 = arith.addi %mul3A_944, %add3A_945 : i32
      %slice3A_947 = vector.extract_strided_slice %get3A_822 {offsets = [6], sizes = [1], strides = [1]} : vector<16xi32> to vector<1xi32>
      %squeeze3A_948 = vector.extract %slice3A_947[0] : i32 from vector<1xi32>
      %eq3A_949 = arith.constant 1 : i32
      %eq3A_950 = arith.cmpi eq, %squeeze3A_948, %eq3A_949 : i32
      %mul3A_951 = arith.constant 5.000000e-01 : f32
      %mul3A_952 = arith.mulf %mul3A_951, %squeeze3A : f32
      %jit3A_953 = arith.constant 0.000000e+00 : f32
      %select_n3A_954 = arith.select %eq3A_950, %mul3A_952, %jit3A_953 : f32
      %broadcast_in_dim3A_955 = vector.broadcast %select_n3A_954 : f32 to vector<16xf32>
      %swap3A_956 = arith.index_cast %add3A_946 : i32 to index
      %swap3A_957 = arith.constant 0 : index
      %swap3A_958 = tpu.vector_load %arg15[%swap3A_956, %swap3A_957] {strides = array<i32>} : memref<80x32xf32, #tpu.memory_space<vmem>>, vector<16xf32>,
      tpu.vector_store %arg15[%swap3A_956, %swap3A_957], %broadcast_in_dim3A_955 {strides = array<i32>} : memref<80x32xf32, #tpu.memory_space<vmem>>, vector<16xf32>,
      %broadcast_in_dim3A_959 = vector.broadcast %select_n3A_954 : f32 to vector<16xf32>
      %swap3A_960 = arith.index_cast %add3A_946 : i32 to index
      %swap3A_961 = arith.constant 16 : index
      %swap3A_962 = tpu.vector_load %arg15[%swap3A_960, %swap3A_961] {strides = array<i32>} : memref<80x32xf32, #tpu.memory_space<vmem>>, vector<16xf32>,
      tpu.vector_store %arg15[%swap3A_960, %swap3A_961], %broadcast_in_dim3A_959 {strides = array<i32>} : memref<80x32xf32, #tpu.memory_space<vmem>>, vector<16xf32>,
      %mul3A_963 = arith.constant 8 : i32
      %mul3A_964 = arith.muli %add3A_815, %mul3A_963 : i32
      %add3A_965 = arith.constant 7 : i32
      %add3A_966 = arith.addi %mul3A_964, %add3A_965 : i32
      %slice3A_967 = vector.extract_strided_slice %get3A_822 {offsets = [7], sizes = [1], strides = [1]} : vector<16xi32> to vector<1xi32>
      %squeeze3A_968 = vector.extract %slice3A_967[0] : i32 from vector<1xi32>
      %eq3A_969 = arith.constant 1 : i32
      %eq3A_970 = arith.cmpi eq, %squeeze3A_968, %eq3A_969 : i32
      %mul3A_971 = arith.constant 5.000000e-01 : f32
      %mul3A_972 = arith.mulf %mul3A_971, %squeeze3A : f32
      %jit3A_973 = arith.constant 0.000000e+00 : f32
      %select_n3A_974 = arith.select %eq3A_970, %mul3A_972, %jit3A_973 : f32
      %broadcast_in_dim3A_975 = vector.broadcast %select_n3A_974 : f32 to vector<16xf32>
      %swap3A_976 = arith.index_cast %add3A_966 : i32 to index
      %swap3A_977 = arith.constant 0 : index
      %swap3A_978 = tpu.vector_load %arg15[%swap3A_976, %swap3A_977] {strides = array<i32>} : memref<80x32xf32, #tpu.memory_space<vmem>>, vector<16xf32>,
      tpu.vector_store %arg15[%swap3A_976, %swap3A_977], %broadcast_in_dim3A_975 {strides = array<i32>} : memref<80x32xf32, #tpu.memory_space<vmem>>, vector<16xf32>,
      %broadcast_in_dim3A_979 = vector.broadcast %select_n3A_974 : f32 to vector<16xf32>
      %swap3A_980 = arith.index_cast %add3A_966 : i32 to index
      %swap3A_981 = arith.constant 16 : index
      %swap3A_982 = tpu.vector_load %arg15[%swap3A_980, %swap3A_981] {strides = array<i32>} : memref<80x32xf32, #tpu.memory_space<vmem>>, vector<16xf32>,
      tpu.vector_store %arg15[%swap3A_980, %swap3A_981], %broadcast_in_dim3A_979 {strides = array<i32>} : memref<80x32xf32, #tpu.memory_space<vmem>>, vector<16xf32>,
    }
    %scan3A_80 = arith.constant 6 : i32
    %mul3A_81 = arith.constant 48 : i32
    %mul3A_82 = arith.muli %arg1, %mul3A_81 : i32
    %add3A_83 = arith.constant 512 : i32
    %add3A_84 = arith.addi %add3A_83, %mul3A_82 : i32
    "tpu.region"() ({
      %run_scoped3A = tpu.sem_alloc : memref<!tpu.dma_semaphore, #tpu.memory_space<semaphore_mem>>
      %dma_start3A_811 = arith.constant 0 : i32
      %dma_start3A_812 = arith.constant 0 : i32
      %dma_start3A_813 = tpu.memref_slice %arg15[%dma_start3A_811, %dma_start3A_812] : memref<80x32xf32, #tpu.memory_space<vmem>> -> memref<48x32xf32, #tpu.memory_space<vmem>>
      %dma_start3A_814 = arith.constant 0 : i32
      %dma_start3A_815 = arith.constant 0 : i32
      %dma_start3A_816 = tpu.memref_slice %arg8[%arg0, %dma_start3A_814, %dma_start3A_815] : memref<2x8832x32xf32, #tpu.memory_space<hbm>> -> memref<1x8832x32xf32, #tpu.memory_space<hbm>>
      %dma_start3A_817 = tpu.memref_squeeze %dma_start3A_816 : memref<1x8832x32xf32, #tpu.memory_space<hbm>> -> memref<8832x32xf32, #tpu.memory_space<hbm>>
      %dma_start3A_818 = arith.constant 0 : i32
      %dma_start3A_819 = tpu.memref_slice %dma_start3A_817[%add3A_84, %dma_start3A_818] : memref<8832x32xf32, #tpu.memory_space<hbm>> -> memref<48x32xf32, #tpu.memory_space<hbm>>
      %dma_start3A_820 = arith.constant 0 : i32
      %dma_start3A_821 = arith.constant 0 : i32
      %dma_start3A_822 = tpu.memref_slice %arg8[%arg0, %dma_start3A_820, %dma_start3A_821] : memref<2x8832x32xf32, #tpu.memory_space<hbm>> -> memref<1x8832x32xf32, #tpu.memory_space<hbm>>
      %dma_start3A_823 = tpu.memref_squeeze %dma_start3A_822 : memref<1x8832x32xf32, #tpu.memory_space<hbm>> -> memref<8832x32xf32, #tpu.memory_space<hbm>>
      %dma_start3A_824 = arith.constant 0 : i32
      %dma_start3A_825 = tpu.memref_slice %dma_start3A_823[%add3A_84, %dma_start3A_824] : memref<8832x32xf32, #tpu.memory_space<hbm>> -> memref<48x32xf32, #tpu.memory_space<hbm>>
      %dma_start3A_826 = arith.constant 0 : i32
      %dma_start3A_827 = arith.constant 0 : i32
      %dma_start3A_828 = tpu.memref_slice %arg15[%dma_start3A_826, %dma_start3A_827] : memref<80x32xf32, #tpu.memory_space<vmem>> -> memref<48x32xf32, #tpu.memory_space<vmem>>
      tpu.enqueue_dma source(%dma_start3A_828 : memref<48x32xf32, #tpu.memory_space<vmem>>) target(%dma_start3A_825 : memref<48x32xf32, #tpu.memory_space<hbm>>) target_semaphore(%run_scoped3A : memref<!tpu.dma_semaphore, #tpu.memory_space<semaphore_mem>>)
      %dma_wait3A_829 = arith.constant 0 : i32
      %dma_wait3A_830 = arith.constant 0 : i32
      %dma_wait3A_831 = tpu.memref_slice %arg15[%dma_wait3A_829, %dma_wait3A_830] : memref<80x32xf32, #tpu.memory_space<vmem>> -> memref<48x32xf32, #tpu.memory_space<vmem>>
      %dma_wait3A_832 = arith.constant 0 : i32
      %dma_wait3A_833 = arith.constant 0 : i32
      %dma_wait3A_834 = tpu.memref_slice %arg8[%arg0, %dma_wait3A_832, %dma_wait3A_833] : memref<2x8832x32xf32, #tpu.memory_space<hbm>> -> memref<1x8832x32xf32, #tpu.memory_space<hbm>>
      %dma_wait3A_835 = tpu.memref_squeeze %dma_wait3A_834 : memref<1x8832x32xf32, #tpu.memory_space<hbm>> -> memref<8832x32xf32, #tpu.memory_space<hbm>>
      %dma_wait3A_836 = arith.constant 0 : i32
      %dma_wait3A_837 = tpu.memref_slice %dma_wait3A_835[%add3A_84, %dma_wait3A_836] : memref<8832x32xf32, #tpu.memory_space<hbm>> -> memref<48x32xf32, #tpu.memory_space<hbm>>
      %dma_wait3A_838 = arith.constant 0 : i32
      %dma_wait3A_839 = arith.constant 0 : i32
      %dma_wait3A_840 = tpu.memref_slice %arg8[%arg0, %dma_wait3A_838, %dma_wait3A_839] : memref<2x8832x32xf32, #tpu.memory_space<hbm>> -> memref<1x8832x32xf32, #tpu.memory_space<hbm>>
      %dma_wait3A_841 = tpu.memref_squeeze %dma_wait3A_840 : memref<1x8832x32xf32, #tpu.memory_space<hbm>> -> memref<8832x32xf32, #tpu.memory_space<hbm>>
      %dma_wait3A_842 = arith.constant 0 : i32
      %dma_wait3A_843 = tpu.memref_slice %dma_wait3A_841[%add3A_84, %dma_wait3A_842] : memref<8832x32xf32, #tpu.memory_space<hbm>> -> memref<48x32xf32, #tpu.memory_space<hbm>>
      %dma_wait3A_844 = arith.constant 0 : i32
      %dma_wait3A_845 = arith.constant 0 : i32
      %dma_wait3A_846 = tpu.memref_slice %arg15[%dma_wait3A_844, %dma_wait3A_845] : memref<80x32xf32, #tpu.memory_space<vmem>> -> memref<48x32xf32, #tpu.memory_space<vmem>>
      tpu.wait_dma2 semaphore(%run_scoped3A : memref<!tpu.dma_semaphore, #tpu.memory_space<semaphore_mem>>) src(%dma_wait3A_846 : memref<48x32xf32, #tpu.memory_space<vmem>>) dst(%dma_wait3A_843 : memref<48x32xf32, #tpu.memory_space<hbm>>)
      tpu.yield
    }) : () -> ()
    "tpu.trace_stop"() : () -> ()
    "tpu.trace_start"() <{level = 10 : i32, message = "p1_prefill"}> : () -> ()
    %scan3A_85 = arith.constant 0 : i32
    %scan3A_86 = arith.constant 752 : i32
    %scan3A_87 = arith.addi %scan3A_85, %scan3A_86 : i32
    %scan3A_88 = arith.constant 1 : i32
    scf.for %scan3A_811 = %scan3A_85 to %scan3A_87 step %scan3A_88  : i32 {
      %mul3A_812 = arith.constant 1 : i32
      %mul3A_813 = arith.muli %scan3A_811, %mul3A_812 : i32
      %add3A_814 = arith.constant 0 : i32
      %add3A_815 = arith.addi %add3A_814, %mul3A_813 : i32
      %jit3A_816 = arith.constant 8 : i32
      %div3A_817 = arith.divsi %add3A_815, %jit3A_816 : i32
      %sign3A_818 = arith.constant 0 : i32
      %sign3A_819 = arith.cmpi sgt, %add3A_815, %sign3A_818 : i32
      %sign3A_820 = arith.extui %sign3A_819 : i1 to i32
      %sign3A_821 = arith.constant 0 : i32
      %sign3A_822 = arith.cmpi slt, %add3A_815, %sign3A_821 : i32
      %sign3A_823 = arith.extui %sign3A_822 : i1 to i32
      %sign3A_824 = arith.subi %sign3A_820, %sign3A_823 : i32
      %sign3A_825 = arith.constant 0 : i32
      %sign3A_826 = arith.cmpi sgt, %jit3A_816, %sign3A_825 : i32
      %sign3A_827 = arith.extui %sign3A_826 : i1 to i32
      %sign3A_828 = arith.constant 0 : i32
      %sign3A_829 = arith.cmpi slt, %jit3A_816, %sign3A_828 : i32
      %sign3A_830 = arith.extui %sign3A_829 : i1 to i32
      %sign3A_831 = arith.subi %sign3A_827, %sign3A_830 : i32
      %ne3A_832 = arith.cmpi ne, %sign3A_824, %sign3A_831 : i32
      %rem3A_833 = arith.remsi %add3A_815, %jit3A_816 : i32
      %ne3A_834 = arith.constant 0 : i32
      %ne3A_835 = arith.cmpi ne, %rem3A_833, %ne3A_834 : i32
      %and3A_836 = arith.andi %ne3A_832, %ne3A_835 : i1
      %sub3A_837 = arith.constant 1 : i32
      %sub3A_838 = arith.subi %div3A_817, %sub3A_837 : i32
      %select_n3A_839 = arith.select %and3A_836, %sub3A_838, %div3A_817 : i32
      %jit3A_840 = arith.constant 8 : i32
      %eq3A_841 = arith.constant 0 : i32
      %eq3A_842 = arith.cmpi eq, %jit3A_840, %eq3A_841 : i32
      %jit3A_843 = arith.constant 1 : i32
      %select_n3A_844 = arith.select %eq3A_842, %jit3A_843, %jit3A_840 : i32
      %rem3A_845 = arith.remsi %add3A_815, %select_n3A_844 : i32
      %ne3A_846 = arith.constant 0 : i32
      %ne3A_847 = arith.cmpi ne, %rem3A_845, %ne3A_846 : i32
      %lt3A = arith.constant 0 : i32
      %lt3A_848 = arith.cmpi slt, %rem3A_845, %lt3A : i32
      %lt3A_849 = arith.constant 0 : i32
      %lt3A_850 = arith.cmpi slt, %select_n3A_844, %lt3A_849 : i32
      %ne3A_851 = arith.xori %lt3A_848, %lt3A_850 : i1
      %and3A_852 = arith.andi %ne3A_851, %ne3A_847 : i1
      %add3A_853 = arith.addi %rem3A_845, %select_n3A_844 : i32
      %select_n3A_854 = arith.select %and3A_852, %add3A_853, %rem3A_845 : i32
      %mul3A_855 = arith.constant 16 : i32
      %mul3A_856 = arith.muli %add3A_815, %mul3A_855 : i32
      %add3A_857 = vector.broadcast %mul3A_856 : i32 to vector<16xi32>
      %add3A_858 = arith.addi %iota3A, %add3A_857 : vector<16xi32>
      %and3A_859 = arith.constant 511 : i32
      %and3A_860 = vector.broadcast %and3A_859 : i32 to vector<16xi32>
      %and3A_861 = arith.andi %add3A_858, %and3A_860 : vector<16xi32>
      %mul3A_862 = arith.constant 16 : i32
      %mul3A_863 = arith.muli %select_n3A_854, %mul3A_862 : i32
      %swap3A_864 = arith.index_cast %select_n3A_839 : i32 to index
      %swap3A_865 = arith.index_cast %mul3A_863 : i32 to index
      %swap3A_866 = tpu.vector_load %arg12[%swap3A_864, %swap3A_865] {strides = array<i32>} : memref<94x128xi32, #tpu.memory_space<vmem>>, vector<16xi32>,
      tpu.vector_store %arg12[%swap3A_864, %swap3A_865], %and3A_861 {strides = array<i32>} : memref<94x128xi32, #tpu.memory_space<vmem>>, vector<16xi32>,
      %and3A_867 = arith.constant 63 : i32
      %and3A_868 = vector.broadcast %and3A_867 : i32 to vector<16xi32>
      %and3A_869 = arith.andi %add3A_858, %and3A_868 : vector<16xi32>
      %add3A_870 = arith.constant 8752 : i32
      %add3A_871 = vector.broadcast %add3A_870 : i32 to vector<16xi32>
      %add3A_872 = arith.addi %add3A_871, %and3A_869 : vector<16xi32>
      %mul3A_873 = arith.constant 16 : i32
      %mul3A_874 = arith.muli %select_n3A_854, %mul3A_873 : i32
      %swap3A_875 = arith.index_cast %select_n3A_839 : i32 to index
      %swap3A_876 = arith.index_cast %mul3A_874 : i32 to index
      %swap3A_877 = tpu.vector_load %arg13[%swap3A_875, %swap3A_876] {strides = array<i32>} : memref<94x128xi32, #tpu.memory_space<vmem>>, vector<16xi32>,
      tpu.vector_store %arg13[%swap3A_875, %swap3A_876], %add3A_872 {strides = array<i32>} : memref<94x128xi32, #tpu.memory_space<vmem>>, vector<16xi32>,
    }
    %scan3A_89 = arith.constant 752 : i32
    "tpu.trace_stop"() : () -> ()
    "tpu.trace_start"() <{level = 10 : i32, message = "p1_count"}> : () -> ()
    %dma_wait3A_90 = arith.constant 0 : i32
    %dma_wait3A_91 = tpu.memref_slice %arg11[%dma_wait3A_90] : memref<10112xi32, #tpu.memory_space<vmem>> -> memref<10000xi32, #tpu.memory_space<vmem>>
    %dma_wait3A_92 = tpu.memref_slice %arg5[%mul3A_4] : memref<160000xi32, #tpu.memory_space<hbm>> -> memref<10000xi32, #tpu.memory_space<hbm>>
    %dma_wait3A_93 = arith.constant 0 : i32
    %dma_wait3A_94 = tpu.memref_slice %arg11[%dma_wait3A_93] : memref<10112xi32, #tpu.memory_space<vmem>> -> memref<10000xi32, #tpu.memory_space<vmem>>
    %dma_wait3A_95 = tpu.memref_slice %arg5[%mul3A_4] : memref<160000xi32, #tpu.memory_space<hbm>> -> memref<10000xi32, #tpu.memory_space<hbm>>
    tpu.wait_dma2 semaphore(%arg28 : memref<!tpu.dma_semaphore, #tpu.memory_space<semaphore_mem>>) src(%dma_wait3A_95 : memref<10000xi32, #tpu.memory_space<hbm>>) dst(%dma_wait3A_94 : memref<10000xi32, #tpu.memory_space<vmem>>)
    %dma_wait3A_96 = arith.constant 0 : i32
    %dma_wait3A_97 = tpu.memref_slice %arg10[%dma_wait3A_96] : memref<10112xi32, #tpu.memory_space<vmem>> -> memref<10000xi32, #tpu.memory_space<vmem>>
    %dma_wait3A_98 = tpu.memref_slice %arg4[%mul3A_2] : memref<160000xi32, #tpu.memory_space<hbm>> -> memref<10000xi32, #tpu.memory_space<hbm>>
    %dma_wait3A_99 = arith.constant 0 : i32
    %dma_wait3A_100 = tpu.memref_slice %arg10[%dma_wait3A_99] : memref<10112xi32, #tpu.memory_space<vmem>> -> memref<10000xi32, #tpu.memory_space<vmem>>
    %dma_wait3A_101 = tpu.memref_slice %arg4[%mul3A_2] : memref<160000xi32, #tpu.memory_space<hbm>> -> memref<10000xi32, #tpu.memory_space<hbm>>
    tpu.wait_dma2 semaphore(%arg27 : memref<!tpu.dma_semaphore, #tpu.memory_space<semaphore_mem>>) src(%dma_wait3A_101 : memref<10000xi32, #tpu.memory_space<hbm>>) dst(%dma_wait3A_100 : memref<10000xi32, #tpu.memory_space<vmem>>)
    %dma_wait3A_102 = arith.constant 1248 : i32
    %dma_wait3A_103 = tpu.memref_slice %arg6[%dma_wait3A_102] : memref<10000xi32, #tpu.memory_space<hbm>> -> memref<7552xi32, #tpu.memory_space<hbm>>
    %dma_wait3A_104 = arith.constant 1248 : i32
    %dma_wait3A_105 = tpu.memref_slice %arg6[%dma_wait3A_104] : memref<10000xi32, #tpu.memory_space<hbm>> -> memref<7552xi32, #tpu.memory_space<hbm>>
    tpu.wait_dma2 semaphore(%arg29 : memref<!tpu.dma_semaphore, #tpu.memory_space<semaphore_mem>>) src(%dma_wait3A_105 : memref<7552xi32, #tpu.memory_space<hbm>>) dst(%arg18 : memref<7552xi32, #tpu.memory_space<vmem>>)
    %broadcast_in_dim3A = arith.constant 0 : i32
    %broadcast_in_dim3A_106 = vector.broadcast %broadcast_in_dim3A : i32 to vector<16xi32>
    %scan3A_107 = arith.constant 0 : i32
    %scan3A_108 = arith.constant 316 : i32
    %scan3A_109 = arith.addi %scan3A_107, %scan3A_108 : i32
    %scan3A_110 = arith.constant 1 : i32
    %scan3A_111:14 = scf.for %scan3A_811 = %scan3A_107 to %scan3A_109 step %scan3A_110 iter_args(%scan3A_812 = %broadcast_in_dim3A_106, %scan3A_813 = %broadcast_in_dim3A_106, %scan3A_814 = %broadcast_in_dim3A_106, %scan3A_815 = %broadcast_in_dim3A_106, %scan3A_816 = %broadcast_in_dim3A_106, %scan3A_817 = %broadcast_in_dim3A_106, %scan3A_818 = %broadcast_in_dim3A_106, %scan3A_819 = %broadcast_in_dim3A_106, %scan3A_820 = %broadcast_in_dim3A_106, %scan3A_821 = %broadcast_in_dim3A_106, %scan3A_822 = %broadcast_in_dim3A_106, %scan3A_823 = %broadcast_in_dim3A_106, %scan3A_824 = %broadcast_in_dim3A_106, %scan3A_825 = %broadcast_in_dim3A_106) -> (vector<16xi32>, vector<16xi32>, vector<16xi32>, vector<16xi32>, vector<16xi32>, vector<16xi32>, vector<16xi32>, vector<16xi32>, vector<16xi32>, vector<16xi32>, vector<16xi32>, vector<16xi32>, vector<16xi32>, vector<16xi32>)  : i32 {
      %mul3A_826 = arith.constant 16 : i32
      %mul3A_827 = arith.muli %scan3A_811, %mul3A_826 : i32
      %add3A_828 = arith.constant 0 : i32
      %add3A_829 = arith.addi %add3A_828, %mul3A_827 : i32
      %get3A_830 = arith.index_cast %add3A_829 : i32 to index
      %get3A_831 = tpu.vector_load %arg11[%get3A_830] {strides = array<i32>} : memref<10112xi32, #tpu.memory_space<vmem>>, vector<16xi32>,
      %sub3A_832 = arith.constant 1250 : i32
      %sub3A_833 = vector.broadcast %sub3A_832 : i32 to vector<16xi32>
      %sub3A_834 = arith.subi %get3A_831, %sub3A_833 : vector<16xi32>
      %mul3A_835 = arith.constant 6711 : i32
      %mul3A_836 = vector.broadcast %mul3A_835 : i32 to vector<16xi32>
      %mul3A_837 = arith.muli %sub3A_834, %mul3A_836 : vector<16xi32>
      %shift_right_logical3A = arith.constant 23 : i32
      %shift_right_logical3A_838 = vector.broadcast %shift_right_logical3A : i32 to vector<16xi32>
      %shift_right_logical3A_839 = arith.shrui %mul3A_837, %shift_right_logical3A_838 : vector<16xi32>
      %mul3A_840 = arith.constant 16 : i32
      %mul3A_841 = arith.muli %scan3A_811, %mul3A_840 : i32
      %add3A_842 = arith.constant 5056 : i32
      %add3A_843 = arith.addi %add3A_842, %mul3A_841 : i32
      %get3A_844 = arith.index_cast %add3A_843 : i32 to index
      %get3A_845 = tpu.vector_load %arg11[%get3A_844] {strides = array<i32>} : memref<10112xi32, #tpu.memory_space<vmem>>, vector<16xi32>,
      %sub3A_846 = arith.constant 1250 : i32
      %sub3A_847 = vector.broadcast %sub3A_846 : i32 to vector<16xi32>
      %sub3A_848 = arith.subi %get3A_845, %sub3A_847 : vector<16xi32>
      %mul3A_849 = arith.constant 6711 : i32
      %mul3A_850 = vector.broadcast %mul3A_849 : i32 to vector<16xi32>
      %mul3A_851 = arith.muli %sub3A_848, %mul3A_850 : vector<16xi32>
      %shift_right_logical3A_852 = arith.constant 23 : i32
      %shift_right_logical3A_853 = vector.broadcast %shift_right_logical3A_852 : i32 to vector<16xi32>
      %shift_right_logical3A_854 = arith.shrui %mul3A_851, %shift_right_logical3A_853 : vector<16xi32>
      %eq3A_855 = arith.constant 0 : i32
      %eq3A_856 = vector.broadcast %eq3A_855 : i32 to vector<16xi32>
      %eq3A_857 = arith.cmpi eq, %shift_right_logical3A_839, %eq3A_856 : vector<16xi32>
      %convert_element_type3A = arith.extui %eq3A_857 : vector<16xi1> to vector<16xi32>
      %add3A_858 = arith.addi %scan3A_812, %convert_element_type3A : vector<16xi32>
      %eq3A_859 = arith.constant 1 : i32
      %eq3A_860 = vector.broadcast %eq3A_859 : i32 to vector<16xi32>
      %eq3A_861 = arith.cmpi eq, %shift_right_logical3A_839, %eq3A_860 : vector<16xi32>
      %convert_element_type3A_862 = arith.extui %eq3A_861 : vector<16xi1> to vector<16xi32>
      %add3A_863 = arith.addi %scan3A_813, %convert_element_type3A_862 : vector<16xi32>
      %eq3A_864 = arith.constant 2 : i32
      %eq3A_865 = vector.broadcast %eq3A_864 : i32 to vector<16xi32>
      %eq3A_866 = arith.cmpi eq, %shift_right_logical3A_839, %eq3A_865 : vector<16xi32>
      %convert_element_type3A_867 = arith.extui %eq3A_866 : vector<16xi1> to vector<16xi32>
      %add3A_868 = arith.addi %scan3A_814, %convert_element_type3A_867 : vector<16xi32>
      %eq3A_869 = arith.constant 3 : i32
      %eq3A_870 = vector.broadcast %eq3A_869 : i32 to vector<16xi32>
      %eq3A_871 = arith.cmpi eq, %shift_right_logical3A_839, %eq3A_870 : vector<16xi32>
      %convert_element_type3A_872 = arith.extui %eq3A_871 : vector<16xi1> to vector<16xi32>
      %add3A_873 = arith.addi %scan3A_815, %convert_element_type3A_872 : vector<16xi32>
      %eq3A_874 = arith.constant 4 : i32
      %eq3A_875 = vector.broadcast %eq3A_874 : i32 to vector<16xi32>
      %eq3A_876 = arith.cmpi eq, %shift_right_logical3A_839, %eq3A_875 : vector<16xi32>
      %convert_element_type3A_877 = arith.extui %eq3A_876 : vector<16xi1> to vector<16xi32>
      %add3A_878 = arith.addi %scan3A_816, %convert_element_type3A_877 : vector<16xi32>
      %eq3A_879 = arith.constant 5 : i32
      %eq3A_880 = vector.broadcast %eq3A_879 : i32 to vector<16xi32>
      %eq3A_881 = arith.cmpi eq, %shift_right_logical3A_839, %eq3A_880 : vector<16xi32>
      %convert_element_type3A_882 = arith.extui %eq3A_881 : vector<16xi1> to vector<16xi32>
      %add3A_883 = arith.addi %scan3A_817, %convert_element_type3A_882 : vector<16xi32>
      %eq3A_884 = arith.constant 6 : i32
      %eq3A_885 = vector.broadcast %eq3A_884 : i32 to vector<16xi32>
      %eq3A_886 = arith.cmpi eq, %shift_right_logical3A_839, %eq3A_885 : vector<16xi32>
      %convert_element_type3A_887 = arith.extui %eq3A_886 : vector<16xi1> to vector<16xi32>
      %add3A_888 = arith.addi %scan3A_818, %convert_element_type3A_887 : vector<16xi32>
      %eq3A_889 = arith.constant 0 : i32
      %eq3A_890 = vector.broadcast %eq3A_889 : i32 to vector<16xi32>
      %eq3A_891 = arith.cmpi eq, %shift_right_logical3A_854, %eq3A_890 : vector<16xi32>
      %convert_element_type3A_892 = arith.extui %eq3A_891 : vector<16xi1> to vector<16xi32>
      %add3A_893 = arith.addi %scan3A_819, %convert_element_type3A_892 : vector<16xi32>
      %eq3A_894 = arith.constant 1 : i32
      %eq3A_895 = vector.broadcast %eq3A_894 : i32 to vector<16xi32>
      %eq3A_896 = arith.cmpi eq, %shift_right_logical3A_854, %eq3A_895 : vector<16xi32>
      %convert_element_type3A_897 = arith.extui %eq3A_896 : vector<16xi1> to vector<16xi32>
      %add3A_898 = arith.addi %scan3A_820, %convert_element_type3A_897 : vector<16xi32>
      %eq3A_899 = arith.constant 2 : i32
      %eq3A_900 = vector.broadcast %eq3A_899 : i32 to vector<16xi32>
      %eq3A_901 = arith.cmpi eq, %shift_right_logical3A_854, %eq3A_900 : vector<16xi32>
      %convert_element_type3A_902 = arith.extui %eq3A_901 : vector<16xi1> to vector<16xi32>
      %add3A_903 = arith.addi %scan3A_821, %convert_element_type3A_902 : vector<16xi32>
      %eq3A_904 = arith.constant 3 : i32
      %eq3A_905 = vector.broadcast %eq3A_904 : i32 to vector<16xi32>
      %eq3A_906 = arith.cmpi eq, %shift_right_logical3A_854, %eq3A_905 : vector<16xi32>
      %convert_element_type3A_907 = arith.extui %eq3A_906 : vector<16xi1> to vector<16xi32>
      %add3A_908 = arith.addi %scan3A_822, %convert_element_type3A_907 : vector<16xi32>
      %eq3A_909 = arith.constant 4 : i32
      %eq3A_910 = vector.broadcast %eq3A_909 : i32 to vector<16xi32>
      %eq3A_911 = arith.cmpi eq, %shift_right_logical3A_854, %eq3A_910 : vector<16xi32>
      %convert_element_type3A_912 = arith.extui %eq3A_911 : vector<16xi1> to vector<16xi32>
      %add3A_913 = arith.addi %scan3A_823, %convert_element_type3A_912 : vector<16xi32>
      %eq3A_914 = arith.constant 5 : i32
      %eq3A_915 = vector.broadcast %eq3A_914 : i32 to vector<16xi32>
      %eq3A_916 = arith.cmpi eq, %shift_right_logical3A_854, %eq3A_915 : vector<16xi32>
      %convert_element_type3A_917 = arith.extui %eq3A_916 : vector<16xi1> to vector<16xi32>
      %add3A_918 = arith.addi %scan3A_824, %convert_element_type3A_917 : vector<16xi32>
      %eq3A_919 = arith.constant 6 : i32
      %eq3A_920 = vector.broadcast %eq3A_919 : i32 to vector<16xi32>
      %eq3A_921 = arith.cmpi eq, %shift_right_logical3A_854, %eq3A_920 : vector<16xi32>
      %convert_element_type3A_922 = arith.extui %eq3A_921 : vector<16xi1> to vector<16xi32>
      %add3A_923 = arith.addi %scan3A_825, %convert_element_type3A_922 : vector<16xi32>
      scf.yield %add3A_858, %add3A_863, %add3A_868, %add3A_873, %add3A_878, %add3A_883, %add3A_888, %add3A_893, %add3A_898, %add3A_903, %add3A_908, %add3A_913, %add3A_918, %add3A_923 : vector<16xi32>, vector<16xi32>, vector<16xi32>, vector<16xi32>, vector<16xi32>, vector<16xi32>, vector<16xi32>, vector<16xi32>, vector<16xi32>, vector<16xi32>, vector<16xi32>, vector<16xi32>, vector<16xi32>, vector<16xi32>
    }
    %scan3A_112 = arith.constant 316 : i32
    %reduce_sum3A = arith.constant true
    %reduce_sum3A_113 = vector.broadcast %reduce_sum3A : i1 to vector<16xi1>
    %reduce_sum3A_114 = tpu.scan <sum>, %scan3A_111#0 masked %reduce_sum3A_113 : vector<16xi32>, vector<16xi1> -> vector<16xi32>
    %reduce_sum3A_115 = vector.extract %reduce_sum3A_114[15] : i32 from vector<16xi32>
    %add3A_116 = arith.constant 128 : i32
    %add3A_117 = arith.addi %reduce_sum3A_115, %add3A_116 : i32
    %sub3A = arith.constant 1 : i32
    %sub3A_118 = arith.subi %add3A_117, %sub3A : i32
    %jit3A = arith.constant 128 : i32
    %div3A = arith.divsi %sub3A_118, %jit3A : i32
    %sign3A = arith.constant 0 : i32
    %sign3A_119 = arith.cmpi sgt, %sub3A_118, %sign3A : i32
    %sign3A_120 = arith.extui %sign3A_119 : i1 to i32
    %sign3A_121 = arith.constant 0 : i32
    %sign3A_122 = arith.cmpi slt, %sub3A_118, %sign3A_121 : i32
    %sign3A_123 = arith.extui %sign3A_122 : i1 to i32
    %sign3A_124 = arith.subi %sign3A_120, %sign3A_123 : i32
    %sign3A_125 = arith.constant 0 : i32
    %sign3A_126 = arith.cmpi sgt, %jit3A, %sign3A_125 : i32
    %sign3A_127 = arith.extui %sign3A_126 : i1 to i32
    %sign3A_128 = arith.constant 0 : i32
    %sign3A_129 = arith.cmpi slt, %jit3A, %sign3A_128 : i32
    %sign3A_130 = arith.extui %sign3A_129 : i1 to i32
    %sign3A_131 = arith.subi %sign3A_127, %sign3A_130 : i32
    %ne3A = arith.cmpi ne, %sign3A_124, %sign3A_131 : i32
    %rem3A = arith.remsi %sub3A_118, %jit3A : i32
    %ne3A_132 = arith.constant 0 : i32
    %ne3A_133 = arith.cmpi ne, %rem3A, %ne3A_132 : i32
    %and3A = arith.andi %ne3A, %ne3A_133 : i1
    %sub3A_134 = arith.constant 1 : i32
    %sub3A_135 = arith.subi %div3A, %sub3A_134 : i32
    %select_n3A = arith.select %and3A, %sub3A_135, %div3A : i32
    %swap3A = arith.constant 0 : i32
    %swap3A_136 = arith.index_cast %swap3A : i32 to index
    %swap3A_137 = memref.load %arg26[%swap3A_136] : memref<32xi32, #tpu.memory_space<smem>>
    memref.store %select_n3A, %arg26[%swap3A_136] : memref<32xi32, #tpu.memory_space<smem>>
    %swap3A_138 = arith.constant 0 : i32
    %swap3A_139 = arith.constant 0 : i32
    %swap3A_140 = arith.index_cast %swap3A_139 : i32 to index
    %swap3A_141 = memref.load %arg25[%swap3A_140] : memref<32xi32, #tpu.memory_space<smem>>
    memref.store %swap3A_138, %arg25[%swap3A_140] : memref<32xi32, #tpu.memory_space<smem>>
    %mul3A_142 = arith.constant 128 : i32
    %mul3A_143 = arith.muli %select_n3A, %mul3A_142 : i32
    %add3A_144 = arith.constant 0 : i32
    %add3A_145 = arith.addi %add3A_144, %mul3A_143 : i32
    %reduce_sum3A_146 = arith.constant true
    %reduce_sum3A_147 = vector.broadcast %reduce_sum3A_146 : i1 to vector<16xi1>
    %reduce_sum3A_148 = tpu.scan <sum>, %scan3A_111#1 masked %reduce_sum3A_147 : vector<16xi32>, vector<16xi1> -> vector<16xi32>
    %reduce_sum3A_149 = vector.extract %reduce_sum3A_148[15] : i32 from vector<16xi32>
    %add3A_150 = arith.constant 128 : i32
    %add3A_151 = arith.addi %reduce_sum3A_149, %add3A_150 : i32
    %sub3A_152 = arith.constant 1 : i32
    %sub3A_153 = arith.subi %add3A_151, %sub3A_152 : i32
    %jit3A_154 = arith.constant 128 : i32
    %div3A_155 = arith.divsi %sub3A_153, %jit3A_154 : i32
    %sign3A_156 = arith.constant 0 : i32
    %sign3A_157 = arith.cmpi sgt, %sub3A_153, %sign3A_156 : i32
    %sign3A_158 = arith.extui %sign3A_157 : i1 to i32
    %sign3A_159 = arith.constant 0 : i32
    %sign3A_160 = arith.cmpi slt, %sub3A_153, %sign3A_159 : i32
    %sign3A_161 = arith.extui %sign3A_160 : i1 to i32
    %sign3A_162 = arith.subi %sign3A_158, %sign3A_161 : i32
    %sign3A_163 = arith.constant 0 : i32
    %sign3A_164 = arith.cmpi sgt, %jit3A_154, %sign3A_163 : i32
    %sign3A_165 = arith.extui %sign3A_164 : i1 to i32
    %sign3A_166 = arith.constant 0 : i32
    %sign3A_167 = arith.cmpi slt, %jit3A_154, %sign3A_166 : i32
    %sign3A_168 = arith.extui %sign3A_167 : i1 to i32
    %sign3A_169 = arith.subi %sign3A_165, %sign3A_168 : i32
    %ne3A_170 = arith.cmpi ne, %sign3A_162, %sign3A_169 : i32
    %rem3A_171 = arith.remsi %sub3A_153, %jit3A_154 : i32
    %ne3A_172 = arith.constant 0 : i32
    %ne3A_173 = arith.cmpi ne, %rem3A_171, %ne3A_172 : i32
    %and3A_174 = arith.andi %ne3A_170, %ne3A_173 : i1
    %sub3A_175 = arith.constant 1 : i32
    %sub3A_176 = arith.subi %div3A_155, %sub3A_175 : i32
    %select_n3A_177 = arith.select %and3A_174, %sub3A_176, %div3A_155 : i32
    %swap3A_178 = arith.constant 1 : i32
    %swap3A_179 = arith.index_cast %swap3A_178 : i32 to index
    %swap3A_180 = memref.load %arg26[%swap3A_179] : memref<32xi32, #tpu.memory_space<smem>>
    memref.store %select_n3A_177, %arg26[%swap3A_179] : memref<32xi32, #tpu.memory_space<smem>>
    %swap3A_181 = arith.constant 1 : i32
    %swap3A_182 = arith.index_cast %swap3A_181 : i32 to index
    %swap3A_183 = memref.load %arg25[%swap3A_182] : memref<32xi32, #tpu.memory_space<smem>>
    memref.store %add3A_145, %arg25[%swap3A_182] : memref<32xi32, #tpu.memory_space<smem>>
    %mul3A_184 = arith.constant 128 : i32
    %mul3A_185 = arith.muli %select_n3A_177, %mul3A_184 : i32
    %add3A_186 = arith.addi %add3A_145, %mul3A_185 : i32
    %reduce_sum3A_187 = arith.constant true
    %reduce_sum3A_188 = vector.broadcast %reduce_sum3A_187 : i1 to vector<16xi1>
    %reduce_sum3A_189 = tpu.scan <sum>, %scan3A_111#2 masked %reduce_sum3A_188 : vector<16xi32>, vector<16xi1> -> vector<16xi32>
    %reduce_sum3A_190 = vector.extract %reduce_sum3A_189[15] : i32 from vector<16xi32>
    %add3A_191 = arith.constant 128 : i32
    %add3A_192 = arith.addi %reduce_sum3A_190, %add3A_191 : i32
    %sub3A_193 = arith.constant 1 : i32
    %sub3A_194 = arith.subi %add3A_192, %sub3A_193 : i32
    %jit3A_195 = arith.constant 128 : i32
    %div3A_196 = arith.divsi %sub3A_194, %jit3A_195 : i32
    %sign3A_197 = arith.constant 0 : i32
    %sign3A_198 = arith.cmpi sgt, %sub3A_194, %sign3A_197 : i32
    %sign3A_199 = arith.extui %sign3A_198 : i1 to i32
    %sign3A_200 = arith.constant 0 : i32
    %sign3A_201 = arith.cmpi slt, %sub3A_194, %sign3A_200 : i32
    %sign3A_202 = arith.extui %sign3A_201 : i1 to i32
    %sign3A_203 = arith.subi %sign3A_199, %sign3A_202 : i32
    %sign3A_204 = arith.constant 0 : i32
    %sign3A_205 = arith.cmpi sgt, %jit3A_195, %sign3A_204 : i32
    %sign3A_206 = arith.extui %sign3A_205 : i1 to i32
    %sign3A_207 = arith.constant 0 : i32
    %sign3A_208 = arith.cmpi slt, %jit3A_195, %sign3A_207 : i32
    %sign3A_209 = arith.extui %sign3A_208 : i1 to i32
    %sign3A_210 = arith.subi %sign3A_206, %sign3A_209 : i32
    %ne3A_211 = arith.cmpi ne, %sign3A_203, %sign3A_210 : i32
    %rem3A_212 = arith.remsi %sub3A_194, %jit3A_195 : i32
    %ne3A_213 = arith.constant 0 : i32
    %ne3A_214 = arith.cmpi ne, %rem3A_212, %ne3A_213 : i32
    %and3A_215 = arith.andi %ne3A_211, %ne3A_214 : i1
    %sub3A_216 = arith.constant 1 : i32
    %sub3A_217 = arith.subi %div3A_196, %sub3A_216 : i32
    %select_n3A_218 = arith.select %and3A_215, %sub3A_217, %div3A_196 : i32
    %swap3A_219 = arith.constant 2 : i32
    %swap3A_220 = arith.index_cast %swap3A_219 : i32 to index
    %swap3A_221 = memref.load %arg26[%swap3A_220] : memref<32xi32, #tpu.memory_space<smem>>
    memref.store %select_n3A_218, %arg26[%swap3A_220] : memref<32xi32, #tpu.memory_space<smem>>
    %swap3A_222 = arith.constant 2 : i32
    %swap3A_223 = arith.index_cast %swap3A_222 : i32 to index
    %swap3A_224 = memref.load %arg25[%swap3A_223] : memref<32xi32, #tpu.memory_space<smem>>
    memref.store %add3A_186, %arg25[%swap3A_223] : memref<32xi32, #tpu.memory_space<smem>>
    %mul3A_225 = arith.constant 128 : i32
    %mul3A_226 = arith.muli %select_n3A_218, %mul3A_225 : i32
    %add3A_227 = arith.addi %add3A_186, %mul3A_226 : i32
    %reduce_sum3A_228 = arith.constant true
    %reduce_sum3A_229 = vector.broadcast %reduce_sum3A_228 : i1 to vector<16xi1>
    %reduce_sum3A_230 = tpu.scan <sum>, %scan3A_111#3 masked %reduce_sum3A_229 : vector<16xi32>, vector<16xi1> -> vector<16xi32>
    %reduce_sum3A_231 = vector.extract %reduce_sum3A_230[15] : i32 from vector<16xi32>
    %add3A_232 = arith.constant 128 : i32
    %add3A_233 = arith.addi %reduce_sum3A_231, %add3A_232 : i32
    %sub3A_234 = arith.constant 1 : i32
    %sub3A_235 = arith.subi %add3A_233, %sub3A_234 : i32
    %jit3A_236 = arith.constant 128 : i32
    %div3A_237 = arith.divsi %sub3A_235, %jit3A_236 : i32
    %sign3A_238 = arith.constant 0 : i32
    %sign3A_239 = arith.cmpi sgt, %sub3A_235, %sign3A_238 : i32
    %sign3A_240 = arith.extui %sign3A_239 : i1 to i32
    %sign3A_241 = arith.constant 0 : i32
    %sign3A_242 = arith.cmpi slt, %sub3A_235, %sign3A_241 : i32
    %sign3A_243 = arith.extui %sign3A_242 : i1 to i32
    %sign3A_244 = arith.subi %sign3A_240, %sign3A_243 : i32
    %sign3A_245 = arith.constant 0 : i32
    %sign3A_246 = arith.cmpi sgt, %jit3A_236, %sign3A_245 : i32
    %sign3A_247 = arith.extui %sign3A_246 : i1 to i32
    %sign3A_248 = arith.constant 0 : i32
    %sign3A_249 = arith.cmpi slt, %jit3A_236, %sign3A_248 : i32
    %sign3A_250 = arith.extui %sign3A_249 : i1 to i32
    %sign3A_251 = arith.subi %sign3A_247, %sign3A_250 : i32
    %ne3A_252 = arith.cmpi ne, %sign3A_244, %sign3A_251 : i32
    %rem3A_253 = arith.remsi %sub3A_235, %jit3A_236 : i32
    %ne3A_254 = arith.constant 0 : i32
    %ne3A_255 = arith.cmpi ne, %rem3A_253, %ne3A_254 : i32
    %and3A_256 = arith.andi %ne3A_252, %ne3A_255 : i1
    %sub3A_257 = arith.constant 1 : i32
    %sub3A_258 = arith.subi %div3A_237, %sub3A_257 : i32
    %select_n3A_259 = arith.select %and3A_256, %sub3A_258, %div3A_237 : i32
    %swap3A_260 = arith.constant 3 : i32
    %swap3A_261 = arith.index_cast %swap3A_260 : i32 to index
    %swap3A_262 = memref.load %arg26[%swap3A_261] : memref<32xi32, #tpu.memory_space<smem>>
    memref.store %select_n3A_259, %arg26[%swap3A_261] : memref<32xi32, #tpu.memory_space<smem>>
    %swap3A_263 = arith.constant 3 : i32
    %swap3A_264 = arith.index_cast %swap3A_263 : i32 to index
    %swap3A_265 = memref.load %arg25[%swap3A_264] : memref<32xi32, #tpu.memory_space<smem>>
    memref.store %add3A_227, %arg25[%swap3A_264] : memref<32xi32, #tpu.memory_space<smem>>
    %mul3A_266 = arith.constant 128 : i32
    %mul3A_267 = arith.muli %select_n3A_259, %mul3A_266 : i32
    %add3A_268 = arith.addi %add3A_227, %mul3A_267 : i32
    %reduce_sum3A_269 = arith.constant true
    %reduce_sum3A_270 = vector.broadcast %reduce_sum3A_269 : i1 to vector<16xi1>
    %reduce_sum3A_271 = tpu.scan <sum>, %scan3A_111#4 masked %reduce_sum3A_270 : vector<16xi32>, vector<16xi1> -> vector<16xi32>
    %reduce_sum3A_272 = vector.extract %reduce_sum3A_271[15] : i32 from vector<16xi32>
    %add3A_273 = arith.constant 128 : i32
    %add3A_274 = arith.addi %reduce_sum3A_272, %add3A_273 : i32
    %sub3A_275 = arith.constant 1 : i32
    %sub3A_276 = arith.subi %add3A_274, %sub3A_275 : i32
    %jit3A_277 = arith.constant 128 : i32
    %div3A_278 = arith.divsi %sub3A_276, %jit3A_277 : i32
    %sign3A_279 = arith.constant 0 : i32
    %sign3A_280 = arith.cmpi sgt, %sub3A_276, %sign3A_279 : i32
    %sign3A_281 = arith.extui %sign3A_280 : i1 to i32
    %sign3A_282 = arith.constant 0 : i32
    %sign3A_283 = arith.cmpi slt, %sub3A_276, %sign3A_282 : i32
    %sign3A_284 = arith.extui %sign3A_283 : i1 to i32
    %sign3A_285 = arith.subi %sign3A_281, %sign3A_284 : i32
    %sign3A_286 = arith.constant 0 : i32
    %sign3A_287 = arith.cmpi sgt, %jit3A_277, %sign3A_286 : i32
    %sign3A_288 = arith.extui %sign3A_287 : i1 to i32
    %sign3A_289 = arith.constant 0 : i32
    %sign3A_290 = arith.cmpi slt, %jit3A_277, %sign3A_289 : i32
    %sign3A_291 = arith.extui %sign3A_290 : i1 to i32
    %sign3A_292 = arith.subi %sign3A_288, %sign3A_291 : i32
    %ne3A_293 = arith.cmpi ne, %sign3A_285, %sign3A_292 : i32
    %rem3A_294 = arith.remsi %sub3A_276, %jit3A_277 : i32
    %ne3A_295 = arith.constant 0 : i32
    %ne3A_296 = arith.cmpi ne, %rem3A_294, %ne3A_295 : i32
    %and3A_297 = arith.andi %ne3A_293, %ne3A_296 : i1
    %sub3A_298 = arith.constant 1 : i32
    %sub3A_299 = arith.subi %div3A_278, %sub3A_298 : i32
    %select_n3A_300 = arith.select %and3A_297, %sub3A_299, %div3A_278 : i32
    %swap3A_301 = arith.constant 4 : i32
    %swap3A_302 = arith.index_cast %swap3A_301 : i32 to index
    %swap3A_303 = memref.load %arg26[%swap3A_302] : memref<32xi32, #tpu.memory_space<smem>>
    memref.store %select_n3A_300, %arg26[%swap3A_302] : memref<32xi32, #tpu.memory_space<smem>>
    %swap3A_304 = arith.constant 4 : i32
    %swap3A_305 = arith.index_cast %swap3A_304 : i32 to index
    %swap3A_306 = memref.load %arg25[%swap3A_305] : memref<32xi32, #tpu.memory_space<smem>>
    memref.store %add3A_268, %arg25[%swap3A_305] : memref<32xi32, #tpu.memory_space<smem>>
    %mul3A_307 = arith.constant 128 : i32
    %mul3A_308 = arith.muli %select_n3A_300, %mul3A_307 : i32
    %add3A_309 = arith.addi %add3A_268, %mul3A_308 : i32
    %reduce_sum3A_310 = arith.constant true
    %reduce_sum3A_311 = vector.broadcast %reduce_sum3A_310 : i1 to vector<16xi1>
    %reduce_sum3A_312 = tpu.scan <sum>, %scan3A_111#5 masked %reduce_sum3A_311 : vector<16xi32>, vector<16xi1> -> vector<16xi32>
    %reduce_sum3A_313 = vector.extract %reduce_sum3A_312[15] : i32 from vector<16xi32>
    %add3A_314 = arith.constant 128 : i32
    %add3A_315 = arith.addi %reduce_sum3A_313, %add3A_314 : i32
    %sub3A_316 = arith.constant 1 : i32
    %sub3A_317 = arith.subi %add3A_315, %sub3A_316 : i32
    %jit3A_318 = arith.constant 128 : i32
    %div3A_319 = arith.divsi %sub3A_317, %jit3A_318 : i32
    %sign3A_320 = arith.constant 0 : i32
    %sign3A_321 = arith.cmpi sgt, %sub3A_317, %sign3A_320 : i32
    %sign3A_322 = arith.extui %sign3A_321 : i1 to i32
    %sign3A_323 = arith.constant 0 : i32
    %sign3A_324 = arith.cmpi slt, %sub3A_317, %sign3A_323 : i32
    %sign3A_325 = arith.extui %sign3A_324 : i1 to i32
    %sign3A_326 = arith.subi %sign3A_322, %sign3A_325 : i32
    %sign3A_327 = arith.constant 0 : i32
    %sign3A_328 = arith.cmpi sgt, %jit3A_318, %sign3A_327 : i32
    %sign3A_329 = arith.extui %sign3A_328 : i1 to i32
    %sign3A_330 = arith.constant 0 : i32
    %sign3A_331 = arith.cmpi slt, %jit3A_318, %sign3A_330 : i32
    %sign3A_332 = arith.extui %sign3A_331 : i1 to i32
    %sign3A_333 = arith.subi %sign3A_329, %sign3A_332 : i32
    %ne3A_334 = arith.cmpi ne, %sign3A_326, %sign3A_333 : i32
    %rem3A_335 = arith.remsi %sub3A_317, %jit3A_318 : i32
    %ne3A_336 = arith.constant 0 : i32
    %ne3A_337 = arith.cmpi ne, %rem3A_335, %ne3A_336 : i32
    %and3A_338 = arith.andi %ne3A_334, %ne3A_337 : i1
    %sub3A_339 = arith.constant 1 : i32
    %sub3A_340 = arith.subi %div3A_319, %sub3A_339 : i32
    %select_n3A_341 = arith.select %and3A_338, %sub3A_340, %div3A_319 : i32
    %swap3A_342 = arith.constant 5 : i32
    %swap3A_343 = arith.index_cast %swap3A_342 : i32 to index
    %swap3A_344 = memref.load %arg26[%swap3A_343] : memref<32xi32, #tpu.memory_space<smem>>
    memref.store %select_n3A_341, %arg26[%swap3A_343] : memref<32xi32, #tpu.memory_space<smem>>
    %swap3A_345 = arith.constant 5 : i32
    %swap3A_346 = arith.index_cast %swap3A_345 : i32 to index
    %swap3A_347 = memref.load %arg25[%swap3A_346] : memref<32xi32, #tpu.memory_space<smem>>
    memref.store %add3A_309, %arg25[%swap3A_346] : memref<32xi32, #tpu.memory_space<smem>>
    %mul3A_348 = arith.constant 128 : i32
    %mul3A_349 = arith.muli %select_n3A_341, %mul3A_348 : i32
    %add3A_350 = arith.addi %add3A_309, %mul3A_349 : i32
    %reduce_sum3A_351 = arith.constant true
    %reduce_sum3A_352 = vector.broadcast %reduce_sum3A_351 : i1 to vector<16xi1>
    %reduce_sum3A_353 = tpu.scan <sum>, %scan3A_111#6 masked %reduce_sum3A_352 : vector<16xi32>, vector<16xi1> -> vector<16xi32>
    %reduce_sum3A_354 = vector.extract %reduce_sum3A_353[15] : i32 from vector<16xi32>
    %add3A_355 = arith.constant 128 : i32
    %add3A_356 = arith.addi %reduce_sum3A_354, %add3A_355 : i32
    %sub3A_357 = arith.constant 1 : i32
    %sub3A_358 = arith.subi %add3A_356, %sub3A_357 : i32
    %jit3A_359 = arith.constant 128 : i32
    %div3A_360 = arith.divsi %sub3A_358, %jit3A_359 : i32
    %sign3A_361 = arith.constant 0 : i32
    %sign3A_362 = arith.cmpi sgt, %sub3A_358, %sign3A_361 : i32
    %sign3A_363 = arith.extui %sign3A_362 : i1 to i32
    %sign3A_364 = arith.constant 0 : i32
    %sign3A_365 = arith.cmpi slt, %sub3A_358, %sign3A_364 : i32
    %sign3A_366 = arith.extui %sign3A_365 : i1 to i32
    %sign3A_367 = arith.subi %sign3A_363, %sign3A_366 : i32
    %sign3A_368 = arith.constant 0 : i32
    %sign3A_369 = arith.cmpi sgt, %jit3A_359, %sign3A_368 : i32
    %sign3A_370 = arith.extui %sign3A_369 : i1 to i32
    %sign3A_371 = arith.constant 0 : i32
    %sign3A_372 = arith.cmpi slt, %jit3A_359, %sign3A_371 : i32
    %sign3A_373 = arith.extui %sign3A_372 : i1 to i32
    %sign3A_374 = arith.subi %sign3A_370, %sign3A_373 : i32
    %ne3A_375 = arith.cmpi ne, %sign3A_367, %sign3A_374 : i32
    %rem3A_376 = arith.remsi %sub3A_358, %jit3A_359 : i32
    %ne3A_377 = arith.constant 0 : i32
    %ne3A_378 = arith.cmpi ne, %rem3A_376, %ne3A_377 : i32
    %and3A_379 = arith.andi %ne3A_375, %ne3A_378 : i1
    %sub3A_380 = arith.constant 1 : i32
    %sub3A_381 = arith.subi %div3A_360, %sub3A_380 : i32
    %select_n3A_382 = arith.select %and3A_379, %sub3A_381, %div3A_360 : i32
    %swap3A_383 = arith.constant 6 : i32
    %swap3A_384 = arith.index_cast %swap3A_383 : i32 to index
    %swap3A_385 = memref.load %arg26[%swap3A_384] : memref<32xi32, #tpu.memory_space<smem>>
    memref.store %select_n3A_382, %arg26[%swap3A_384] : memref<32xi32, #tpu.memory_space<smem>>
    %swap3A_386 = arith.constant 6 : i32
    %swap3A_387 = arith.index_cast %swap3A_386 : i32 to index
    %swap3A_388 = memref.load %arg25[%swap3A_387] : memref<32xi32, #tpu.memory_space<smem>>
    memref.store %add3A_350, %arg25[%swap3A_387] : memref<32xi32, #tpu.memory_space<smem>>
    %mul3A_389 = arith.constant 128 : i32
    %mul3A_390 = arith.muli %select_n3A_382, %mul3A_389 : i32
    %add3A_391 = arith.addi %add3A_350, %mul3A_390 : i32
    %reduce_sum3A_392 = arith.constant true
    %reduce_sum3A_393 = vector.broadcast %reduce_sum3A_392 : i1 to vector<16xi1>
    %reduce_sum3A_394 = tpu.scan <sum>, %scan3A_111#7 masked %reduce_sum3A_393 : vector<16xi32>, vector<16xi1> -> vector<16xi32>
    %reduce_sum3A_395 = vector.extract %reduce_sum3A_394[15] : i32 from vector<16xi32>
    %add3A_396 = arith.constant 128 : i32
    %add3A_397 = arith.addi %reduce_sum3A_395, %add3A_396 : i32
    %sub3A_398 = arith.constant 1 : i32
    %sub3A_399 = arith.subi %add3A_397, %sub3A_398 : i32
    %jit3A_400 = arith.constant 128 : i32
    %div3A_401 = arith.divsi %sub3A_399, %jit3A_400 : i32
    %sign3A_402 = arith.constant 0 : i32
    %sign3A_403 = arith.cmpi sgt, %sub3A_399, %sign3A_402 : i32
    %sign3A_404 = arith.extui %sign3A_403 : i1 to i32
    %sign3A_405 = arith.constant 0 : i32
    %sign3A_406 = arith.cmpi slt, %sub3A_399, %sign3A_405 : i32
    %sign3A_407 = arith.extui %sign3A_406 : i1 to i32
    %sign3A_408 = arith.subi %sign3A_404, %sign3A_407 : i32
    %sign3A_409 = arith.constant 0 : i32
    %sign3A_410 = arith.cmpi sgt, %jit3A_400, %sign3A_409 : i32
    %sign3A_411 = arith.extui %sign3A_410 : i1 to i32
    %sign3A_412 = arith.constant 0 : i32
    %sign3A_413 = arith.cmpi slt, %jit3A_400, %sign3A_412 : i32
    %sign3A_414 = arith.extui %sign3A_413 : i1 to i32
    %sign3A_415 = arith.subi %sign3A_411, %sign3A_414 : i32
    %ne3A_416 = arith.cmpi ne, %sign3A_408, %sign3A_415 : i32
    %rem3A_417 = arith.remsi %sub3A_399, %jit3A_400 : i32
    %ne3A_418 = arith.constant 0 : i32
    %ne3A_419 = arith.cmpi ne, %rem3A_417, %ne3A_418 : i32
    %and3A_420 = arith.andi %ne3A_416, %ne3A_419 : i1
    %sub3A_421 = arith.constant 1 : i32
    %sub3A_422 = arith.subi %div3A_401, %sub3A_421 : i32
    %select_n3A_423 = arith.select %and3A_420, %sub3A_422, %div3A_401 : i32
    %swap3A_424 = arith.constant 8 : i32
    %swap3A_425 = arith.index_cast %swap3A_424 : i32 to index
    %swap3A_426 = memref.load %arg26[%swap3A_425] : memref<32xi32, #tpu.memory_space<smem>>
    memref.store %select_n3A_423, %arg26[%swap3A_425] : memref<32xi32, #tpu.memory_space<smem>>
    %swap3A_427 = arith.constant 8 : i32
    %swap3A_428 = arith.index_cast %swap3A_427 : i32 to index
    %swap3A_429 = memref.load %arg25[%swap3A_428] : memref<32xi32, #tpu.memory_space<smem>>
    memref.store %add3A_391, %arg25[%swap3A_428] : memref<32xi32, #tpu.memory_space<smem>>
    %mul3A_430 = arith.constant 128 : i32
    %mul3A_431 = arith.muli %select_n3A_423, %mul3A_430 : i32
    %add3A_432 = arith.addi %add3A_391, %mul3A_431 : i32
    %reduce_sum3A_433 = arith.constant true
    %reduce_sum3A_434 = vector.broadcast %reduce_sum3A_433 : i1 to vector<16xi1>
    %reduce_sum3A_435 = tpu.scan <sum>, %scan3A_111#8 masked %reduce_sum3A_434 : vector<16xi32>, vector<16xi1> -> vector<16xi32>
    %reduce_sum3A_436 = vector.extract %reduce_sum3A_435[15] : i32 from vector<16xi32>
    %add3A_437 = arith.constant 128 : i32
    %add3A_438 = arith.addi %reduce_sum3A_436, %add3A_437 : i32
    %sub3A_439 = arith.constant 1 : i32
    %sub3A_440 = arith.subi %add3A_438, %sub3A_439 : i32
    %jit3A_441 = arith.constant 128 : i32
    %div3A_442 = arith.divsi %sub3A_440, %jit3A_441 : i32
    %sign3A_443 = arith.constant 0 : i32
    %sign3A_444 = arith.cmpi sgt, %sub3A_440, %sign3A_443 : i32
    %sign3A_445 = arith.extui %sign3A_444 : i1 to i32
    %sign3A_446 = arith.constant 0 : i32
    %sign3A_447 = arith.cmpi slt, %sub3A_440, %sign3A_446 : i32
    %sign3A_448 = arith.extui %sign3A_447 : i1 to i32
    %sign3A_449 = arith.subi %sign3A_445, %sign3A_448 : i32
    %sign3A_450 = arith.constant 0 : i32
    %sign3A_451 = arith.cmpi sgt, %jit3A_441, %sign3A_450 : i32
    %sign3A_452 = arith.extui %sign3A_451 : i1 to i32
    %sign3A_453 = arith.constant 0 : i32
    %sign3A_454 = arith.cmpi slt, %jit3A_441, %sign3A_453 : i32
    %sign3A_455 = arith.extui %sign3A_454 : i1 to i32
    %sign3A_456 = arith.subi %sign3A_452, %sign3A_455 : i32
    %ne3A_457 = arith.cmpi ne, %sign3A_449, %sign3A_456 : i32
    %rem3A_458 = arith.remsi %sub3A_440, %jit3A_441 : i32
    %ne3A_459 = arith.constant 0 : i32
    %ne3A_460 = arith.cmpi ne, %rem3A_458, %ne3A_459 : i32
    %and3A_461 = arith.andi %ne3A_457, %ne3A_460 : i1
    %sub3A_462 = arith.constant 1 : i32
    %sub3A_463 = arith.subi %div3A_442, %sub3A_462 : i32
    %select_n3A_464 = arith.select %and3A_461, %sub3A_463, %div3A_442 : i32
    %swap3A_465 = arith.constant 9 : i32
    %swap3A_466 = arith.index_cast %swap3A_465 : i32 to index
    %swap3A_467 = memref.load %arg26[%swap3A_466] : memref<32xi32, #tpu.memory_space<smem>>
    memref.store %select_n3A_464, %arg26[%swap3A_466] : memref<32xi32, #tpu.memory_space<smem>>
    %swap3A_468 = arith.constant 9 : i32
    %swap3A_469 = arith.index_cast %swap3A_468 : i32 to index
    %swap3A_470 = memref.load %arg25[%swap3A_469] : memref<32xi32, #tpu.memory_space<smem>>
    memref.store %add3A_432, %arg25[%swap3A_469] : memref<32xi32, #tpu.memory_space<smem>>
    %mul3A_471 = arith.constant 128 : i32
    %mul3A_472 = arith.muli %select_n3A_464, %mul3A_471 : i32
    %add3A_473 = arith.addi %add3A_432, %mul3A_472 : i32
    %reduce_sum3A_474 = arith.constant true
    %reduce_sum3A_475 = vector.broadcast %reduce_sum3A_474 : i1 to vector<16xi1>
    %reduce_sum3A_476 = tpu.scan <sum>, %scan3A_111#9 masked %reduce_sum3A_475 : vector<16xi32>, vector<16xi1> -> vector<16xi32>
    %reduce_sum3A_477 = vector.extract %reduce_sum3A_476[15] : i32 from vector<16xi32>
    %add3A_478 = arith.constant 128 : i32
    %add3A_479 = arith.addi %reduce_sum3A_477, %add3A_478 : i32
    %sub3A_480 = arith.constant 1 : i32
    %sub3A_481 = arith.subi %add3A_479, %sub3A_480 : i32
    %jit3A_482 = arith.constant 128 : i32
    %div3A_483 = arith.divsi %sub3A_481, %jit3A_482 : i32
    %sign3A_484 = arith.constant 0 : i32
    %sign3A_485 = arith.cmpi sgt, %sub3A_481, %sign3A_484 : i32
    %sign3A_486 = arith.extui %sign3A_485 : i1 to i32
    %sign3A_487 = arith.constant 0 : i32
    %sign3A_488 = arith.cmpi slt, %sub3A_481, %sign3A_487 : i32
    %sign3A_489 = arith.extui %sign3A_488 : i1 to i32
    %sign3A_490 = arith.subi %sign3A_486, %sign3A_489 : i32
    %sign3A_491 = arith.constant 0 : i32
    %sign3A_492 = arith.cmpi sgt, %jit3A_482, %sign3A_491 : i32
    %sign3A_493 = arith.extui %sign3A_492 : i1 to i32
    %sign3A_494 = arith.constant 0 : i32
    %sign3A_495 = arith.cmpi slt, %jit3A_482, %sign3A_494 : i32
    %sign3A_496 = arith.extui %sign3A_495 : i1 to i32
    %sign3A_497 = arith.subi %sign3A_493, %sign3A_496 : i32
    %ne3A_498 = arith.cmpi ne, %sign3A_490, %sign3A_497 : i32
    %rem3A_499 = arith.remsi %sub3A_481, %jit3A_482 : i32
    %ne3A_500 = arith.constant 0 : i32
    %ne3A_501 = arith.cmpi ne, %rem3A_499, %ne3A_500 : i32
    %and3A_502 = arith.andi %ne3A_498, %ne3A_501 : i1
    %sub3A_503 = arith.constant 1 : i32
    %sub3A_504 = arith.subi %div3A_483, %sub3A_503 : i32
    %select_n3A_505 = arith.select %and3A_502, %sub3A_504, %div3A_483 : i32
    %swap3A_506 = arith.constant 10 : i32
    %swap3A_507 = arith.index_cast %swap3A_506 : i32 to index
    %swap3A_508 = memref.load %arg26[%swap3A_507] : memref<32xi32, #tpu.memory_space<smem>>
    memref.store %select_n3A_505, %arg26[%swap3A_507] : memref<32xi32, #tpu.memory_space<smem>>
    %swap3A_509 = arith.constant 10 : i32
    %swap3A_510 = arith.index_cast %swap3A_509 : i32 to index
    %swap3A_511 = memref.load %arg25[%swap3A_510] : memref<32xi32, #tpu.memory_space<smem>>
    memref.store %add3A_473, %arg25[%swap3A_510] : memref<32xi32, #tpu.memory_space<smem>>
    %mul3A_512 = arith.constant 128 : i32
    %mul3A_513 = arith.muli %select_n3A_505, %mul3A_512 : i32
    %add3A_514 = arith.addi %add3A_473, %mul3A_513 : i32
    %reduce_sum3A_515 = arith.constant true
    %reduce_sum3A_516 = vector.broadcast %reduce_sum3A_515 : i1 to vector<16xi1>
    %reduce_sum3A_517 = tpu.scan <sum>, %scan3A_111#10 masked %reduce_sum3A_516 : vector<16xi32>, vector<16xi1> -> vector<16xi32>
    %reduce_sum3A_518 = vector.extract %reduce_sum3A_517[15] : i32 from vector<16xi32>
    %add3A_519 = arith.constant 128 : i32
    %add3A_520 = arith.addi %reduce_sum3A_518, %add3A_519 : i32
    %sub3A_521 = arith.constant 1 : i32
    %sub3A_522 = arith.subi %add3A_520, %sub3A_521 : i32
    %jit3A_523 = arith.constant 128 : i32
    %div3A_524 = arith.divsi %sub3A_522, %jit3A_523 : i32
    %sign3A_525 = arith.constant 0 : i32
    %sign3A_526 = arith.cmpi sgt, %sub3A_522, %sign3A_525 : i32
    %sign3A_527 = arith.extui %sign3A_526 : i1 to i32
    %sign3A_528 = arith.constant 0 : i32
    %sign3A_529 = arith.cmpi slt, %sub3A_522, %sign3A_528 : i32
    %sign3A_530 = arith.extui %sign3A_529 : i1 to i32
    %sign3A_531 = arith.subi %sign3A_527, %sign3A_530 : i32
    %sign3A_532 = arith.constant 0 : i32
    %sign3A_533 = arith.cmpi sgt, %jit3A_523, %sign3A_532 : i32
    %sign3A_534 = arith.extui %sign3A_533 : i1 to i32
    %sign3A_535 = arith.constant 0 : i32
    %sign3A_536 = arith.cmpi slt, %jit3A_523, %sign3A_535 : i32
    %sign3A_537 = arith.extui %sign3A_536 : i1 to i32
    %sign3A_538 = arith.subi %sign3A_534, %sign3A_537 : i32
    %ne3A_539 = arith.cmpi ne, %sign3A_531, %sign3A_538 : i32
    %rem3A_540 = arith.remsi %sub3A_522, %jit3A_523 : i32
    %ne3A_541 = arith.constant 0 : i32
    %ne3A_542 = arith.cmpi ne, %rem3A_540, %ne3A_541 : i32
    %and3A_543 = arith.andi %ne3A_539, %ne3A_542 : i1
    %sub3A_544 = arith.constant 1 : i32
    %sub3A_545 = arith.subi %div3A_524, %sub3A_544 : i32
    %select_n3A_546 = arith.select %and3A_543, %sub3A_545, %div3A_524 : i32
    %swap3A_547 = arith.constant 11 : i32
    %swap3A_548 = arith.index_cast %swap3A_547 : i32 to index
    %swap3A_549 = memref.load %arg26[%swap3A_548] : memref<32xi32, #tpu.memory_space<smem>>
    memref.store %select_n3A_546, %arg26[%swap3A_548] : memref<32xi32, #tpu.memory_space<smem>>
    %swap3A_550 = arith.constant 11 : i32
    %swap3A_551 = arith.index_cast %swap3A_550 : i32 to index
    %swap3A_552 = memref.load %arg25[%swap3A_551] : memref<32xi32, #tpu.memory_space<smem>>
    memref.store %add3A_514, %arg25[%swap3A_551] : memref<32xi32, #tpu.memory_space<smem>>
    %mul3A_553 = arith.constant 128 : i32
    %mul3A_554 = arith.muli %select_n3A_546, %mul3A_553 : i32
    %add3A_555 = arith.addi %add3A_514, %mul3A_554 : i32
    %reduce_sum3A_556 = arith.constant true
    %reduce_sum3A_557 = vector.broadcast %reduce_sum3A_556 : i1 to vector<16xi1>
    %reduce_sum3A_558 = tpu.scan <sum>, %scan3A_111#11 masked %reduce_sum3A_557 : vector<16xi32>, vector<16xi1> -> vector<16xi32>
    %reduce_sum3A_559 = vector.extract %reduce_sum3A_558[15] : i32 from vector<16xi32>
    %add3A_560 = arith.constant 128 : i32
    %add3A_561 = arith.addi %reduce_sum3A_559, %add3A_560 : i32
    %sub3A_562 = arith.constant 1 : i32
    %sub3A_563 = arith.subi %add3A_561, %sub3A_562 : i32
    %jit3A_564 = arith.constant 128 : i32
    %div3A_565 = arith.divsi %sub3A_563, %jit3A_564 : i32
    %sign3A_566 = arith.constant 0 : i32
    %sign3A_567 = arith.cmpi sgt, %sub3A_563, %sign3A_566 : i32
    %sign3A_568 = arith.extui %sign3A_567 : i1 to i32
    %sign3A_569 = arith.constant 0 : i32
    %sign3A_570 = arith.cmpi slt, %sub3A_563, %sign3A_569 : i32
    %sign3A_571 = arith.extui %sign3A_570 : i1 to i32
    %sign3A_572 = arith.subi %sign3A_568, %sign3A_571 : i32
    %sign3A_573 = arith.constant 0 : i32
    %sign3A_574 = arith.cmpi sgt, %jit3A_564, %sign3A_573 : i32
    %sign3A_575 = arith.extui %sign3A_574 : i1 to i32
    %sign3A_576 = arith.constant 0 : i32
    %sign3A_577 = arith.cmpi slt, %jit3A_564, %sign3A_576 : i32
    %sign3A_578 = arith.extui %sign3A_577 : i1 to i32
    %sign3A_579 = arith.subi %sign3A_575, %sign3A_578 : i32
    %ne3A_580 = arith.cmpi ne, %sign3A_572, %sign3A_579 : i32
    %rem3A_581 = arith.remsi %sub3A_563, %jit3A_564 : i32
    %ne3A_582 = arith.constant 0 : i32
    %ne3A_583 = arith.cmpi ne, %rem3A_581, %ne3A_582 : i32
    %and3A_584 = arith.andi %ne3A_580, %ne3A_583 : i1
    %sub3A_585 = arith.constant 1 : i32
    %sub3A_586 = arith.subi %div3A_565, %sub3A_585 : i32
    %select_n3A_587 = arith.select %and3A_584, %sub3A_586, %div3A_565 : i32
    %swap3A_588 = arith.constant 12 : i32
    %swap3A_589 = arith.index_cast %swap3A_588 : i32 to index
    %swap3A_590 = memref.load %arg26[%swap3A_589] : memref<32xi32, #tpu.memory_space<smem>>
    memref.store %select_n3A_587, %arg26[%swap3A_589] : memref<32xi32, #tpu.memory_space<smem>>
    %swap3A_591 = arith.constant 12 : i32
    %swap3A_592 = arith.index_cast %swap3A_591 : i32 to index
    %swap3A_593 = memref.load %arg25[%swap3A_592] : memref<32xi32, #tpu.memory_space<smem>>
    memref.store %add3A_555, %arg25[%swap3A_592] : memref<32xi32, #tpu.memory_space<smem>>
    %mul3A_594 = arith.constant 128 : i32
    %mul3A_595 = arith.muli %select_n3A_587, %mul3A_594 : i32
    %add3A_596 = arith.addi %add3A_555, %mul3A_595 : i32
    %reduce_sum3A_597 = arith.constant true
    %reduce_sum3A_598 = vector.broadcast %reduce_sum3A_597 : i1 to vector<16xi1>
    %reduce_sum3A_599 = tpu.scan <sum>, %scan3A_111#12 masked %reduce_sum3A_598 : vector<16xi32>, vector<16xi1> -> vector<16xi32>
    %reduce_sum3A_600 = vector.extract %reduce_sum3A_599[15] : i32 from vector<16xi32>
    %add3A_601 = arith.constant 128 : i32
    %add3A_602 = arith.addi %reduce_sum3A_600, %add3A_601 : i32
    %sub3A_603 = arith.constant 1 : i32
    %sub3A_604 = arith.subi %add3A_602, %sub3A_603 : i32
    %jit3A_605 = arith.constant 128 : i32
    %div3A_606 = arith.divsi %sub3A_604, %jit3A_605 : i32
    %sign3A_607 = arith.constant 0 : i32
    %sign3A_608 = arith.cmpi sgt, %sub3A_604, %sign3A_607 : i32
    %sign3A_609 = arith.extui %sign3A_608 : i1 to i32
    %sign3A_610 = arith.constant 0 : i32
    %sign3A_611 = arith.cmpi slt, %sub3A_604, %sign3A_610 : i32
    %sign3A_612 = arith.extui %sign3A_611 : i1 to i32
    %sign3A_613 = arith.subi %sign3A_609, %sign3A_612 : i32
    %sign3A_614 = arith.constant 0 : i32
    %sign3A_615 = arith.cmpi sgt, %jit3A_605, %sign3A_614 : i32
    %sign3A_616 = arith.extui %sign3A_615 : i1 to i32
    %sign3A_617 = arith.constant 0 : i32
    %sign3A_618 = arith.cmpi slt, %jit3A_605, %sign3A_617 : i32
    %sign3A_619 = arith.extui %sign3A_618 : i1 to i32
    %sign3A_620 = arith.subi %sign3A_616, %sign3A_619 : i32
    %ne3A_621 = arith.cmpi ne, %sign3A_613, %sign3A_620 : i32
    %rem3A_622 = arith.remsi %sub3A_604, %jit3A_605 : i32
    %ne3A_623 = arith.constant 0 : i32
    %ne3A_624 = arith.cmpi ne, %rem3A_622, %ne3A_623 : i32
    %and3A_625 = arith.andi %ne3A_621, %ne3A_624 : i1
    %sub3A_626 = arith.constant 1 : i32
    %sub3A_627 = arith.subi %div3A_606, %sub3A_626 : i32
    %select_n3A_628 = arith.select %and3A_625, %sub3A_627, %div3A_606 : i32
    %swap3A_629 = arith.constant 13 : i32
    %swap3A_630 = arith.index_cast %swap3A_629 : i32 to index
    %swap3A_631 = memref.load %arg26[%swap3A_630] : memref<32xi32, #tpu.memory_space<smem>>
    memref.store %select_n3A_628, %arg26[%swap3A_630] : memref<32xi32, #tpu.memory_space<smem>>
    %swap3A_632 = arith.constant 13 : i32
    %swap3A_633 = arith.index_cast %swap3A_632 : i32 to index
    %swap3A_634 = memref.load %arg25[%swap3A_633] : memref<32xi32, #tpu.memory_space<smem>>
    memref.store %add3A_596, %arg25[%swap3A_633] : memref<32xi32, #tpu.memory_space<smem>>
    %mul3A_635 = arith.constant 128 : i32
    %mul3A_636 = arith.muli %select_n3A_628, %mul3A_635 : i32
    %add3A_637 = arith.addi %add3A_596, %mul3A_636 : i32
    %reduce_sum3A_638 = arith.constant true
    %reduce_sum3A_639 = vector.broadcast %reduce_sum3A_638 : i1 to vector<16xi1>
    %reduce_sum3A_640 = tpu.scan <sum>, %scan3A_111#13 masked %reduce_sum3A_639 : vector<16xi32>, vector<16xi1> -> vector<16xi32>
    %reduce_sum3A_641 = vector.extract %reduce_sum3A_640[15] : i32 from vector<16xi32>
    %add3A_642 = arith.constant 128 : i32
    %add3A_643 = arith.addi %reduce_sum3A_641, %add3A_642 : i32
    %sub3A_644 = arith.constant 1 : i32
    %sub3A_645 = arith.subi %add3A_643, %sub3A_644 : i32
    %jit3A_646 = arith.constant 128 : i32
    %div3A_647 = arith.divsi %sub3A_645, %jit3A_646 : i32
    %sign3A_648 = arith.constant 0 : i32
    %sign3A_649 = arith.cmpi sgt, %sub3A_645, %sign3A_648 : i32
    %sign3A_650 = arith.extui %sign3A_649 : i1 to i32
    %sign3A_651 = arith.constant 0 : i32
    %sign3A_652 = arith.cmpi slt, %sub3A_645, %sign3A_651 : i32
    %sign3A_653 = arith.extui %sign3A_652 : i1 to i32
    %sign3A_654 = arith.subi %sign3A_650, %sign3A_653 : i32
    %sign3A_655 = arith.constant 0 : i32
    %sign3A_656 = arith.cmpi sgt, %jit3A_646, %sign3A_655 : i32
    %sign3A_657 = arith.extui %sign3A_656 : i1 to i32
    %sign3A_658 = arith.constant 0 : i32
    %sign3A_659 = arith.cmpi slt, %jit3A_646, %sign3A_658 : i32
    %sign3A_660 = arith.extui %sign3A_659 : i1 to i32
    %sign3A_661 = arith.subi %sign3A_657, %sign3A_660 : i32
    %ne3A_662 = arith.cmpi ne, %sign3A_654, %sign3A_661 : i32
    %rem3A_663 = arith.remsi %sub3A_645, %jit3A_646 : i32
    %ne3A_664 = arith.constant 0 : i32
    %ne3A_665 = arith.cmpi ne, %rem3A_663, %ne3A_664 : i32
    %and3A_666 = arith.andi %ne3A_662, %ne3A_665 : i1
    %sub3A_667 = arith.constant 1 : i32
    %sub3A_668 = arith.subi %div3A_647, %sub3A_667 : i32
    %select_n3A_669 = arith.select %and3A_666, %sub3A_668, %div3A_647 : i32
    %swap3A_670 = arith.constant 14 : i32
    %swap3A_671 = arith.index_cast %swap3A_670 : i32 to index
    %swap3A_672 = memref.load %arg26[%swap3A_671] : memref<32xi32, #tpu.memory_space<smem>>
    memref.store %select_n3A_669, %arg26[%swap3A_671] : memref<32xi32, #tpu.memory_space<smem>>
    %swap3A_673 = arith.constant 14 : i32
    %swap3A_674 = arith.index_cast %swap3A_673 : i32 to index
    %swap3A_675 = memref.load %arg25[%swap3A_674] : memref<32xi32, #tpu.memory_space<smem>>
    memref.store %add3A_637, %arg25[%swap3A_674] : memref<32xi32, #tpu.memory_space<smem>>
    %mul3A_676 = arith.constant 128 : i32
    %mul3A_677 = arith.muli %select_n3A_669, %mul3A_676 : i32
    %add3A_678 = arith.addi %add3A_637, %mul3A_677 : i32
    %eq3A = arith.constant 0 : i32
    "tpu.trace_stop"() : () -> ()
    "tpu.trace_start"() <{level = 10 : i32, message = "p1_dist"}> : () -> ()
    %eq3A_679 = vector.broadcast %eq3A : i32 to vector<16xi32>
    %eq3A_680 = arith.cmpi eq, %iota3A, %eq3A_679 : vector<16xi32>
    %get3A_681 = arith.constant 0 : i32
    %get3A_682 = arith.index_cast %get3A_681 : i32 to index
    %get3A_683 = memref.load %arg25[%get3A_682] : memref<32xi32, #tpu.memory_space<smem>>
    %broadcast_in_dim3A_684 = vector.broadcast %get3A_683 : i32 to vector<16xi32>
    %select_n3A_685 = arith.select %eq3A_680, %broadcast_in_dim3A_684, %broadcast_in_dim3A_106 : vector<16xi1>, vector<16xi32>
    %eq3A_686 = arith.constant 1 : i32
    %eq3A_687 = vector.broadcast %eq3A_686 : i32 to vector<16xi32>
    %eq3A_688 = arith.cmpi eq, %iota3A, %eq3A_687 : vector<16xi32>
    %get3A_689 = arith.constant 1 : i32
    %get3A_690 = arith.index_cast %get3A_689 : i32 to index
    %get3A_691 = memref.load %arg25[%get3A_690] : memref<32xi32, #tpu.memory_space<smem>>
    %broadcast_in_dim3A_692 = vector.broadcast %get3A_691 : i32 to vector<16xi32>
    %select_n3A_693 = arith.select %eq3A_688, %broadcast_in_dim3A_692, %select_n3A_685 : vector<16xi1>, vector<16xi32>
    %eq3A_694 = arith.constant 2 : i32
    %eq3A_695 = vector.broadcast %eq3A_694 : i32 to vector<16xi32>
    %eq3A_696 = arith.cmpi eq, %iota3A, %eq3A_695 : vector<16xi32>
    %get3A_697 = arith.constant 2 : i32
    %get3A_698 = arith.index_cast %get3A_697 : i32 to index
    %get3A_699 = memref.load %arg25[%get3A_698] : memref<32xi32, #tpu.memory_space<smem>>
    %broadcast_in_dim3A_700 = vector.broadcast %get3A_699 : i32 to vector<16xi32>
    %select_n3A_701 = arith.select %eq3A_696, %broadcast_in_dim3A_700, %select_n3A_693 : vector<16xi1>, vector<16xi32>
    %eq3A_702 = arith.constant 3 : i32
    %eq3A_703 = vector.broadcast %eq3A_702 : i32 to vector<16xi32>
    %eq3A_704 = arith.cmpi eq, %iota3A, %eq3A_703 : vector<16xi32>
    %get3A_705 = arith.constant 3 : i32
    %get3A_706 = arith.index_cast %get3A_705 : i32 to index
    %get3A_707 = memref.load %arg25[%get3A_706] : memref<32xi32, #tpu.memory_space<smem>>
    %broadcast_in_dim3A_708 = vector.broadcast %get3A_707 : i32 to vector<16xi32>
    %select_n3A_709 = arith.select %eq3A_704, %broadcast_in_dim3A_708, %select_n3A_701 : vector<16xi1>, vector<16xi32>
    %eq3A_710 = arith.constant 4 : i32
    %eq3A_711 = vector.broadcast %eq3A_710 : i32 to vector<16xi32>
    %eq3A_712 = arith.cmpi eq, %iota3A, %eq3A_711 : vector<16xi32>
    %get3A_713 = arith.constant 4 : i32
    %get3A_714 = arith.index_cast %get3A_713 : i32 to index
    %get3A_715 = memref.load %arg25[%get3A_714] : memref<32xi32, #tpu.memory_space<smem>>
    %broadcast_in_dim3A_716 = vector.broadcast %get3A_715 : i32 to vector<16xi32>
    %select_n3A_717 = arith.select %eq3A_712, %broadcast_in_dim3A_716, %select_n3A_709 : vector<16xi1>, vector<16xi32>
    %eq3A_718 = arith.constant 5 : i32
    %eq3A_719 = vector.broadcast %eq3A_718 : i32 to vector<16xi32>
    %eq3A_720 = arith.cmpi eq, %iota3A, %eq3A_719 : vector<16xi32>
    %get3A_721 = arith.constant 5 : i32
    %get3A_722 = arith.index_cast %get3A_721 : i32 to index
    %get3A_723 = memref.load %arg25[%get3A_722] : memref<32xi32, #tpu.memory_space<smem>>
    %broadcast_in_dim3A_724 = vector.broadcast %get3A_723 : i32 to vector<16xi32>
    %select_n3A_725 = arith.select %eq3A_720, %broadcast_in_dim3A_724, %select_n3A_717 : vector<16xi1>, vector<16xi32>
    %eq3A_726 = arith.constant 6 : i32
    %eq3A_727 = vector.broadcast %eq3A_726 : i32 to vector<16xi32>
    %eq3A_728 = arith.cmpi eq, %iota3A, %eq3A_727 : vector<16xi32>
    %get3A_729 = arith.constant 6 : i32
    %get3A_730 = arith.index_cast %get3A_729 : i32 to index
    %get3A_731 = memref.load %arg25[%get3A_730] : memref<32xi32, #tpu.memory_space<smem>>
    %broadcast_in_dim3A_732 = vector.broadcast %get3A_731 : i32 to vector<16xi32>
    %select_n3A_733 = arith.select %eq3A_728, %broadcast_in_dim3A_732, %select_n3A_725 : vector<16xi1>, vector<16xi32>
    %swap3A_734 = arith.constant 0 : index
    %swap3A_735 = tpu.vector_load %arg21[%swap3A_734] {strides = array<i32>} : memref<16xi32, #tpu.memory_space<vmem>>, vector<16xi32>,
    tpu.vector_store %arg21[%swap3A_734], %select_n3A_733 {strides = array<i32>} : memref<16xi32, #tpu.memory_space<vmem>>, vector<16xi32>,
    %eq3A_736 = arith.constant 0 : i32
    %eq3A_737 = vector.broadcast %eq3A_736 : i32 to vector<16xi32>
    %eq3A_738 = arith.cmpi eq, %iota3A, %eq3A_737 : vector<16xi32>
    %get3A_739 = arith.constant 8 : i32
    %get3A_740 = arith.index_cast %get3A_739 : i32 to index
    %get3A_741 = memref.load %arg25[%get3A_740] : memref<32xi32, #tpu.memory_space<smem>>
    %broadcast_in_dim3A_742 = vector.broadcast %get3A_741 : i32 to vector<16xi32>
    %select_n3A_743 = arith.select %eq3A_738, %broadcast_in_dim3A_742, %broadcast_in_dim3A_106 : vector<16xi1>, vector<16xi32>
    %eq3A_744 = arith.constant 1 : i32
    %eq3A_745 = vector.broadcast %eq3A_744 : i32 to vector<16xi32>
    %eq3A_746 = arith.cmpi eq, %iota3A, %eq3A_745 : vector<16xi32>
    %get3A_747 = arith.constant 9 : i32
    %get3A_748 = arith.index_cast %get3A_747 : i32 to index
    %get3A_749 = memref.load %arg25[%get3A_748] : memref<32xi32, #tpu.memory_space<smem>>
    %broadcast_in_dim3A_750 = vector.broadcast %get3A_749 : i32 to vector<16xi32>
    %select_n3A_751 = arith.select %eq3A_746, %broadcast_in_dim3A_750, %select_n3A_743 : vector<16xi1>, vector<16xi32>
    %eq3A_752 = arith.constant 2 : i32
    %eq3A_753 = vector.broadcast %eq3A_752 : i32 to vector<16xi32>
    %eq3A_754 = arith.cmpi eq, %iota3A, %eq3A_753 : vector<16xi32>
    %get3A_755 = arith.constant 10 : i32
    %get3A_756 = arith.index_cast %get3A_755 : i32 to index
    %get3A_757 = memref.load %arg25[%get3A_756] : memref<32xi32, #tpu.memory_space<smem>>
    %broadcast_in_dim3A_758 = vector.broadcast %get3A_757 : i32 to vector<16xi32>
    %select_n3A_759 = arith.select %eq3A_754, %broadcast_in_dim3A_758, %select_n3A_751 : vector<16xi1>, vector<16xi32>
    %eq3A_760 = arith.constant 3 : i32
    %eq3A_761 = vector.broadcast %eq3A_760 : i32 to vector<16xi32>
    %eq3A_762 = arith.cmpi eq, %iota3A, %eq3A_761 : vector<16xi32>
    %get3A_763 = arith.constant 11 : i32
    %get3A_764 = arith.index_cast %get3A_763 : i32 to index
    %get3A_765 = memref.load %arg25[%get3A_764] : memref<32xi32, #tpu.memory_space<smem>>
    %broadcast_in_dim3A_766 = vector.broadcast %get3A_765 : i32 to vector<16xi32>
    %select_n3A_767 = arith.select %eq3A_762, %broadcast_in_dim3A_766, %select_n3A_759 : vector<16xi1>, vector<16xi32>
    %eq3A_768 = arith.constant 4 : i32
    %eq3A_769 = vector.broadcast %eq3A_768 : i32 to vector<16xi32>
    %eq3A_770 = arith.cmpi eq, %iota3A, %eq3A_769 : vector<16xi32>
    %get3A_771 = arith.constant 12 : i32
    %get3A_772 = arith.index_cast %get3A_771 : i32 to index
    %get3A_773 = memref.load %arg25[%get3A_772] : memref<32xi32, #tpu.memory_space<smem>>
    %broadcast_in_dim3A_774 = vector.broadcast %get3A_773 : i32 to vector<16xi32>
    %select_n3A_775 = arith.select %eq3A_770, %broadcast_in_dim3A_774, %select_n3A_767 : vector<16xi1>, vector<16xi32>
    %eq3A_776 = arith.constant 5 : i32
    %eq3A_777 = vector.broadcast %eq3A_776 : i32 to vector<16xi32>
    %eq3A_778 = arith.cmpi eq, %iota3A, %eq3A_777 : vector<16xi32>
    %get3A_779 = arith.constant 13 : i32
    %get3A_780 = arith.index_cast %get3A_779 : i32 to index
    %get3A_781 = memref.load %arg25[%get3A_780] : memref<32xi32, #tpu.memory_space<smem>>
    %broadcast_in_dim3A_782 = vector.broadcast %get3A_781 : i32 to vector<16xi32>
    %select_n3A_783 = arith.select %eq3A_778, %broadcast_in_dim3A_782, %select_n3A_775 : vector<16xi1>, vector<16xi32>
    %eq3A_784 = arith.constant 6 : i32
    %eq3A_785 = vector.broadcast %eq3A_784 : i32 to vector<16xi32>
    %eq3A_786 = arith.cmpi eq, %iota3A, %eq3A_785 : vector<16xi32>
    %get3A_787 = arith.constant 14 : i32
    %get3A_788 = arith.index_cast %get3A_787 : i32 to index
    %get3A_789 = memref.load %arg25[%get3A_788] : memref<32xi32, #tpu.memory_space<smem>>
    %broadcast_in_dim3A_790 = vector.broadcast %get3A_789 : i32 to vector<16xi32>
    %select_n3A_791 = arith.select %eq3A_786, %broadcast_in_dim3A_790, %select_n3A_783 : vector<16xi1>, vector<16xi32>
    %swap3A_792 = arith.constant 0 : index
    %swap3A_793 = tpu.vector_load %arg22[%swap3A_792] {strides = array<i32>} : memref<16xi32, #tpu.memory_space<vmem>>, vector<16xi32>,
    tpu.vector_store %arg22[%swap3A_792], %select_n3A_791 {strides = array<i32>} : memref<16xi32, #tpu.memory_space<vmem>>, vector<16xi32>,
    %scan3A_794 = arith.constant 0 : i32
    %scan3A_795 = arith.constant 0 : i32
    %scan3A_796 = arith.constant 316 : i32
    %scan3A_797 = arith.addi %scan3A_795, %scan3A_796 : i32
    %scan3A_798 = arith.constant 1 : i32
    scf.for %scan3A_811 = %scan3A_795 to %scan3A_797 step %scan3A_798  : i32 {
      %mul3A_812 = arith.constant 16 : i32
      %mul3A_813 = arith.muli %scan3A_811, %mul3A_812 : i32
      %add3A_814 = arith.constant 0 : i32
      %add3A_815 = arith.addi %add3A_814, %mul3A_813 : i32
      %get3A_816 = arith.index_cast %add3A_815 : i32 to index
      %get3A_817 = tpu.vector_load %arg10[%get3A_816] {strides = array<i32>} : memref<10112xi32, #tpu.memory_space<vmem>>, vector<16xi32>,
      %get3A_818 = arith.index_cast %add3A_815 : i32 to index
      %get3A_819 = tpu.vector_load %arg11[%get3A_818] {strides = array<i32>} : memref<10112xi32, #tpu.memory_space<vmem>>, vector<16xi32>,
      %sub3A_820 = arith.constant 1250 : i32
      %sub3A_821 = vector.broadcast %sub3A_820 : i32 to vector<16xi32>
      %sub3A_822 = arith.subi %get3A_819, %sub3A_821 : vector<16xi32>
      %mul3A_823 = arith.constant 6711 : i32
      %mul3A_824 = vector.broadcast %mul3A_823 : i32 to vector<16xi32>
      %mul3A_825 = arith.muli %sub3A_822, %mul3A_824 : vector<16xi32>
      %shift_right_logical3A = arith.constant 23 : i32
      %shift_right_logical3A_826 = vector.broadcast %shift_right_logical3A : i32 to vector<16xi32>
      %shift_right_logical3A_827 = arith.shrui %mul3A_825, %shift_right_logical3A_826 : vector<16xi32>
      %lt3A = arith.constant 7 : i32
      %lt3A_828 = vector.broadcast %lt3A : i32 to vector<16xi32>
      %lt3A_829 = arith.cmpi slt, %shift_right_logical3A_827, %lt3A_828 : vector<16xi32>
      %unique3A, %unique3A_830 = tpu.scan_count mask(%lt3A_829 : vector<16xi1>) value(%shift_right_logical3A_827 : vector<16xi32>) : vector<16xi1>, vector<16xi32>
      %gather3A = tpu.vector_load_idx %arg21[%shift_right_logical3A_827] : memref<16xi32, #tpu.memory_space<vmem>>[vector<16xi32>], vector<16xi32>,
      %add3A_831 = arith.addi %gather3A, %unique3A_830 : vector<16xi32>
      %sub3A_832 = arith.constant 1 : i32
      %sub3A_833 = vector.broadcast %sub3A_832 : i32 to vector<16xi32>
      %sub3A_834 = arith.subi %add3A_831, %sub3A_833 : vector<16xi32>
      %shift_right_logical3A_835 = arith.constant 7 : i32
      %shift_right_logical3A_836 = vector.broadcast %shift_right_logical3A_835 : i32 to vector<16xi32>
      %shift_right_logical3A_837 = arith.shrui %sub3A_834, %shift_right_logical3A_836 : vector<16xi32>
      %and3A_838 = arith.constant 127 : i32
      %and3A_839 = vector.broadcast %and3A_838 : i32 to vector<16xi32>
      %and3A_840 = arith.andi %sub3A_834, %and3A_839 : vector<16xi32>
      tpu.vector_store_idx %arg12[%shift_right_logical3A_837, %and3A_840], %get3A_817 masked %lt3A_829 : memref<94x128xi32, #tpu.memory_space<vmem>>[vector<16xi32>, vector<16xi32>], vector<16xi32>, vector<16xi1>
      tpu.vector_store_idx %arg13[%shift_right_logical3A_837, %and3A_840], %sub3A_822 masked %lt3A_829 : memref<94x128xi32, #tpu.memory_space<vmem>>[vector<16xi32>, vector<16xi32>], vector<16xi32>, vector<16xi1>
      tpu.vector_store_idx %arg21[%shift_right_logical3A_827], %unique3A_830 masked %unique3A {add = true} : memref<16xi32, #tpu.memory_space<vmem>>[vector<16xi32>], vector<16xi32>, vector<16xi1>
      %mul3A_841 = arith.constant 16 : i32
      %mul3A_842 = arith.muli %scan3A_811, %mul3A_841 : i32
      %add3A_843 = arith.constant 5056 : i32
      %add3A_844 = arith.addi %add3A_843, %mul3A_842 : i32
      %get3A_845 = arith.index_cast %add3A_844 : i32 to index
      %get3A_846 = tpu.vector_load %arg10[%get3A_845] {strides = array<i32>} : memref<10112xi32, #tpu.memory_space<vmem>>, vector<16xi32>,
      %get3A_847 = arith.index_cast %add3A_844 : i32 to index
      %get3A_848 = tpu.vector_load %arg11[%get3A_847] {strides = array<i32>} : memref<10112xi32, #tpu.memory_space<vmem>>, vector<16xi32>,
      %sub3A_849 = arith.constant 1250 : i32
      %sub3A_850 = vector.broadcast %sub3A_849 : i32 to vector<16xi32>
      %sub3A_851 = arith.subi %get3A_848, %sub3A_850 : vector<16xi32>
      %mul3A_852 = arith.constant 6711 : i32
      %mul3A_853 = vector.broadcast %mul3A_852 : i32 to vector<16xi32>
      %mul3A_854 = arith.muli %sub3A_851, %mul3A_853 : vector<16xi32>
      %shift_right_logical3A_855 = arith.constant 23 : i32
      %shift_right_logical3A_856 = vector.broadcast %shift_right_logical3A_855 : i32 to vector<16xi32>
      %shift_right_logical3A_857 = arith.shrui %mul3A_854, %shift_right_logical3A_856 : vector<16xi32>
      %lt3A_858 = arith.constant 7 : i32
      %lt3A_859 = vector.broadcast %lt3A_858 : i32 to vector<16xi32>
      %lt3A_860 = arith.cmpi slt, %shift_right_logical3A_857, %lt3A_859 : vector<16xi32>
      %unique3A_861, %unique3A_862 = tpu.scan_count mask(%lt3A_860 : vector<16xi1>) value(%shift_right_logical3A_857 : vector<16xi32>) : vector<16xi1>, vector<16xi32>
      %gather3A_863 = tpu.vector_load_idx %arg22[%shift_right_logical3A_857] : memref<16xi32, #tpu.memory_space<vmem>>[vector<16xi32>], vector<16xi32>,
      %add3A_864 = arith.addi %gather3A_863, %unique3A_862 : vector<16xi32>
      %sub3A_865 = arith.constant 1 : i32
      %sub3A_866 = vector.broadcast %sub3A_865 : i32 to vector<16xi32>
      %sub3A_867 = arith.subi %add3A_864, %sub3A_866 : vector<16xi32>
      %shift_right_logical3A_868 = arith.constant 7 : i32
      %shift_right_logical3A_869 = vector.broadcast %shift_right_logical3A_868 : i32 to vector<16xi32>
      %shift_right_logical3A_870 = arith.shrui %sub3A_867, %shift_right_logical3A_869 : vector<16xi32>
      %and3A_871 = arith.constant 127 : i32
      %and3A_872 = vector.broadcast %and3A_871 : i32 to vector<16xi32>
      %and3A_873 = arith.andi %sub3A_867, %and3A_872 : vector<16xi32>
      tpu.vector_store_idx %arg12[%shift_right_logical3A_870, %and3A_873], %get3A_846 masked %lt3A_860 : memref<94x128xi32, #tpu.memory_space<vmem>>[vector<16xi32>, vector<16xi32>], vector<16xi32>, vector<16xi1>
      tpu.vector_store_idx %arg13[%shift_right_logical3A_870, %and3A_873], %sub3A_851 masked %lt3A_860 : memref<94x128xi32, #tpu.memory_space<vmem>>[vector<16xi32>, vector<16xi32>], vector<16xi32>, vector<16xi1>
      tpu.vector_store_idx %arg22[%shift_right_logical3A_857], %unique3A_862 masked %unique3A_861 {add = true} : memref<16xi32, #tpu.memory_space<vmem>>[vector<16xi32>], vector<16xi32>, vector<16xi1>
    }
    %scan3A_799 = arith.constant 316 : i32
    "tpu.trace_stop"() : () -> ()
    %barrier3A = arith.constant 0 : index
    tpu.barrier barrier_id(%barrier3A)
    %scan3A_800 = arith.constant 0 : i32
    %scan3A_801 = arith.constant 7 : i32
    %scan3A_802 = arith.addi %scan3A_800, %scan3A_801 : i32
    %scan3A_803 = arith.constant 1 : i32
    scf.for %scan3A_811 = %scan3A_800 to %scan3A_802 step %scan3A_803  : i32 {
      %mul3A_812 = arith.constant 1 : i32
      %mul3A_813 = arith.muli %scan3A_811, %mul3A_812 : i32
      %add3A_814 = arith.constant 0 : i32
      %add3A_815 = arith.addi %add3A_814, %mul3A_813 : i32
      "tpu.trace_start"() <{level = 10 : i32, message = "p2_edges"}> : () -> ()
      %add3A_816 = arith.constant 0 : i32
      %add3A_817 = arith.addi %add3A_816, %add3A_815 : i32
      %get3A_818 = arith.index_cast %add3A_817 : i32 to index
      %get3A_819 = memref.load %arg25[%get3A_818] : memref<32xi32, #tpu.memory_space<smem>>
      %jit3A_820 = arith.constant 128 : i32
      %div3A_821 = arith.divsi %get3A_819, %jit3A_820 : i32
      %sign3A_822 = arith.constant 0 : i32
      %sign3A_823 = arith.cmpi sgt, %get3A_819, %sign3A_822 : i32
      %sign3A_824 = arith.extui %sign3A_823 : i1 to i32
      %sign3A_825 = arith.constant 0 : i32
      %sign3A_826 = arith.cmpi slt, %get3A_819, %sign3A_825 : i32
      %sign3A_827 = arith.extui %sign3A_826 : i1 to i32
      %sign3A_828 = arith.subi %sign3A_824, %sign3A_827 : i32
      %sign3A_829 = arith.constant 0 : i32
      %sign3A_830 = arith.cmpi sgt, %jit3A_820, %sign3A_829 : i32
      %sign3A_831 = arith.extui %sign3A_830 : i1 to i32
      %sign3A_832 = arith.constant 0 : i32
      %sign3A_833 = arith.cmpi slt, %jit3A_820, %sign3A_832 : i32
      %sign3A_834 = arith.extui %sign3A_833 : i1 to i32
      %sign3A_835 = arith.subi %sign3A_831, %sign3A_834 : i32
      %ne3A_836 = arith.cmpi ne, %sign3A_828, %sign3A_835 : i32
      %rem3A_837 = arith.remsi %get3A_819, %jit3A_820 : i32
      %ne3A_838 = arith.constant 0 : i32
      %ne3A_839 = arith.cmpi ne, %rem3A_837, %ne3A_838 : i32
      %and3A_840 = arith.andi %ne3A_836, %ne3A_839 : i1
      %sub3A_841 = arith.constant 1 : i32
      %sub3A_842 = arith.subi %div3A_821, %sub3A_841 : i32
      %select_n3A_843 = arith.select %and3A_840, %sub3A_842, %div3A_821 : i32
      %add3A_844 = arith.constant 8 : i32
      %add3A_845 = arith.addi %add3A_844, %add3A_815 : i32
      %get3A_846 = arith.index_cast %add3A_845 : i32 to index
      %get3A_847 = memref.load %arg25[%get3A_846] : memref<32xi32, #tpu.memory_space<smem>>
      %jit3A_848 = arith.constant 128 : i32
      %div3A_849 = arith.divsi %get3A_847, %jit3A_848 : i32
      %sign3A_850 = arith.constant 0 : i32
      %sign3A_851 = arith.cmpi sgt, %get3A_847, %sign3A_850 : i32
      %sign3A_852 = arith.extui %sign3A_851 : i1 to i32
      %sign3A_853 = arith.constant 0 : i32
      %sign3A_854 = arith.cmpi slt, %get3A_847, %sign3A_853 : i32
      %sign3A_855 = arith.extui %sign3A_854 : i1 to i32
      %sign3A_856 = arith.subi %sign3A_852, %sign3A_855 : i32
      %sign3A_857 = arith.constant 0 : i32
      %sign3A_858 = arith.cmpi sgt, %jit3A_848, %sign3A_857 : i32
      %sign3A_859 = arith.extui %sign3A_858 : i1 to i32
      %sign3A_860 = arith.constant 0 : i32
      %sign3A_861 = arith.cmpi slt, %jit3A_848, %sign3A_860 : i32
      %sign3A_862 = arith.extui %sign3A_861 : i1 to i32
      %sign3A_863 = arith.subi %sign3A_859, %sign3A_862 : i32
      %ne3A_864 = arith.cmpi ne, %sign3A_856, %sign3A_863 : i32
      %rem3A_865 = arith.remsi %get3A_847, %jit3A_848 : i32
      %ne3A_866 = arith.constant 0 : i32
      %ne3A_867 = arith.cmpi ne, %rem3A_865, %ne3A_866 : i32
      %and3A_868 = arith.andi %ne3A_864, %ne3A_867 : i1
      %sub3A_869 = arith.constant 1 : i32
      %sub3A_870 = arith.subi %div3A_849, %sub3A_869 : i32
      %select_n3A_871 = arith.select %and3A_868, %sub3A_870, %div3A_849 : i32
      %add3A_872 = arith.constant 0 : i32
      %add3A_873 = arith.addi %add3A_872, %add3A_815 : i32
      %get3A_874 = arith.index_cast %add3A_873 : i32 to index
      %get3A_875 = memref.load %arg26[%get3A_874] : memref<32xi32, #tpu.memory_space<smem>>
      %add3A_876 = arith.constant 8 : i32
      %add3A_877 = arith.addi %add3A_876, %add3A_815 : i32
      %get3A_878 = arith.index_cast %add3A_877 : i32 to index
      %get3A_879 = memref.load %arg26[%get3A_878] : memref<32xi32, #tpu.memory_space<smem>>
      %add3A_880 = arith.addi %get3A_875, %get3A_879 : i32
      %add3A_881 = arith.constant 7 : i32
      %add3A_882 = arith.addi %add3A_880, %add3A_881 : i32
      %jit3A_883 = arith.constant 8 : i32
      %div3A_884 = arith.divsi %add3A_882, %jit3A_883 : i32
      %sign3A_885 = arith.constant 0 : i32
      %sign3A_886 = arith.cmpi sgt, %add3A_882, %sign3A_885 : i32
      %sign3A_887 = arith.extui %sign3A_886 : i1 to i32
      %sign3A_888 = arith.constant 0 : i32
      %sign3A_889 = arith.cmpi slt, %add3A_882, %sign3A_888 : i32
      %sign3A_890 = arith.extui %sign3A_889 : i1 to i32
      %sign3A_891 = arith.subi %sign3A_887, %sign3A_890 : i32
      %sign3A_892 = arith.constant 0 : i32
      %sign3A_893 = arith.cmpi sgt, %jit3A_883, %sign3A_892 : i32
      %sign3A_894 = arith.extui %sign3A_893 : i1 to i32
      %sign3A_895 = arith.constant 0 : i32
      %sign3A_896 = arith.cmpi slt, %jit3A_883, %sign3A_895 : i32
      %sign3A_897 = arith.extui %sign3A_896 : i1 to i32
      %sign3A_898 = arith.subi %sign3A_894, %sign3A_897 : i32
      %ne3A_899 = arith.cmpi ne, %sign3A_891, %sign3A_898 : i32
      %rem3A_900 = arith.remsi %add3A_882, %jit3A_883 : i32
      %ne3A_901 = arith.constant 0 : i32
      %ne3A_902 = arith.cmpi ne, %rem3A_900, %ne3A_901 : i32
      %and3A_903 = arith.andi %ne3A_899, %ne3A_902 : i1
      %sub3A_904 = arith.constant 1 : i32
      %sub3A_905 = arith.subi %div3A_884, %sub3A_904 : i32
      %select_n3A_906 = arith.select %and3A_903, %sub3A_905, %div3A_884 : i32
      %sub3A_907 = arith.constant 0 : i32
      %sub3A_908 = arith.subi %select_n3A_906, %sub3A_907 : i32
      %sub3A_909 = arith.constant 1 : i32
      %sub3A_910 = arith.constant 1 : i32
      %sub3A_911 = arith.subi %sub3A_909, %sub3A_910 : i32
      %add3A_912 = arith.addi %sub3A_908, %sub3A_911 : i32
      %div3A_913 = arith.constant 1 : i32
      %div3A_914 = arith.divsi %add3A_912, %div3A_913 : i32
      %while3A = arith.constant 1 : i32
      %while3A_915 = arith.constant 0 : i32
      %while3A_916 = arith.constant 0 : i32
      %while3A_917 = arith.subi %div3A_914, %while3A_916 : i32
      %while3A_918 = arith.addi %while3A_916, %while3A_917 : i32
      %while3A_919 = arith.constant 1 : i32
      %while3A_920 = arith.divsi %while3A_917, %while3A_919 : i32
      %while3A_921 = arith.muli %while3A_920, %while3A_919 : i32
      %while3A_922 = arith.addi %while3A_916, %while3A_921 : i32
      %while3A_923 = arith.constant 1 : i32
      scf.for %while3A_968 = %while3A_916 to %while3A_922 step %while3A_923  : i32 {
        %mul3A_969 = arith.muli %while3A_968, %while3A : i32
        %add3A_970 = arith.addi %while3A_915, %mul3A_969 : i32
        %mul3A_971 = arith.constant 8 : i32
        %mul3A_972 = arith.muli %add3A_970, %mul3A_971 : i32
        %add3A_973 = arith.constant 0 : i32
        %add3A_974 = arith.addi %mul3A_972, %add3A_973 : i32
        %lt3A_975 = arith.cmpi slt, %add3A_974, %add3A_880 : i32
        %convert_element_type3A_976 = arith.extui %lt3A_975 : i1 to i32
        %cond3A_977 = arith.constant 0 : i32
        %cond3A_978 = arith.cmpi ne, %convert_element_type3A_976, %cond3A_977 : i32
        scf.if %cond3A_978 {
          %lt3A_1099 = arith.cmpi slt, %add3A_974, %get3A_875 : i32
          %add3A_1100 = arith.addi %select_n3A_843, %add3A_974 : i32
          %sub3A_1101 = arith.subi %add3A_974, %get3A_875 : i32
          %add3A_1102 = arith.addi %select_n3A_871, %sub3A_1101 : i32
          %select_n3A_1103 = arith.select %lt3A_1099, %add3A_1100, %add3A_1102 : i32
          %gt3A_1104 = arith.constant 0 : i32
          %gt3A_1105 = arith.cmpi sgt, %add3A_970, %gt3A_1104 : i32
          %convert_element_type3A_1106 = arith.extui %gt3A_1105 : i1 to i32
          %cond3A_1107 = arith.constant 0 : i32
          %cond3A_1108 = arith.cmpi ne, %convert_element_type3A_1106, %cond3A_1107 : i32
          scf.if %cond3A_1108 {
            %dma_wait3A_1124 = arith.constant 0 : i32
            %dma_wait3A_1125 = arith.constant 0 : i32
            %dma_wait3A_1126 = arith.constant 0 : i32
            %dma_wait3A_1127 = tpu.memref_slice %arg14[%dma_wait3A_1124, %dma_wait3A_1125, %dma_wait3A_1126] : memref<8x128x32xf32, #tpu.memory_space<vmem>> -> memref<1x128x32xf32, #tpu.memory_space<vmem>>
            %dma_wait3A_1128 = tpu.memref_squeeze %dma_wait3A_1127 : memref<1x128x32xf32, #tpu.memory_space<vmem>> -> memref<128x32xf32, #tpu.memory_space<vmem>>
            %dma_wait3A_1129 = arith.constant 0 : i32
            %dma_wait3A_1130 = tpu.memref_slice %arg13[%select_n3A_1103, %dma_wait3A_1129] : memref<94x128xi32, #tpu.memory_space<vmem>> -> memref<1x128xi32, #tpu.memory_space<vmem>>
            %dma_wait3A_1131 = tpu.memref_squeeze %dma_wait3A_1130 : memref<1x128xi32, #tpu.memory_space<vmem>> -> memref<128xi32, #tpu.memory_space<vmem>>
            %dma_wait3A_1132 = arith.constant 0 : i32
            %dma_wait3A_1133 = arith.constant 0 : i32
            %dma_wait3A_1134 = tpu.memref_slice %arg9[%dma_wait3A_1132, %dma_wait3A_1133] : memref<8832x32xf32, #tpu.memory_space<vmem_shared>> -> memref<8832x32xf32, #tpu.memory_space<vmem_shared>>
            tpu.wait_indirect_dma semaphore(%arg35 : memref<!tpu.dma_semaphore, #tpu.memory_space<semaphore_mem>>) src(%dma_wait3A_1128 : memref<128x32xf32, #tpu.memory_space<vmem>>) dst(%dma_wait3A_1134 : memref<8832x32xf32, #tpu.memory_space<vmem_shared>>)
          } else {
          }
          %dma_start3A_1109 = arith.constant 0 : i32
          %dma_start3A_1110 = arith.constant 0 : i32
          %dma_start3A_1111 = arith.constant 0 : i32
          %dma_start3A_1112 = tpu.memref_slice %arg14[%dma_start3A_1109, %dma_start3A_1110, %dma_start3A_1111] : memref<8x128x32xf32, #tpu.memory_space<vmem>> -> memref<1x128x32xf32, #tpu.memory_space<vmem>>
          %dma_start3A_1113 = tpu.memref_squeeze %dma_start3A_1112 : memref<1x128x32xf32, #tpu.memory_space<vmem>> -> memref<128x32xf32, #tpu.memory_space<vmem>>
          %dma_start3A_1114 = arith.constant 0 : i32
          %dma_start3A_1115 = tpu.memref_slice %arg12[%select_n3A_1103, %dma_start3A_1114] : memref<94x128xi32, #tpu.memory_space<vmem>> -> memref<1x128xi32, #tpu.memory_space<vmem>>
          %dma_start3A_1116 = tpu.memref_squeeze %dma_start3A_1115 : memref<1x128xi32, #tpu.memory_space<vmem>> -> memref<128xi32, #tpu.memory_space<vmem>>
          %dma_start3A_1117 = arith.constant 0 : i32
          %dma_start3A_1118 = arith.constant 0 : i32
          %dma_start3A_1119 = tpu.memref_slice %arg8[%arg0, %dma_start3A_1117, %dma_start3A_1118] : memref<2x8832x32xf32, #tpu.memory_space<hbm>> -> memref<1x8832x32xf32, #tpu.memory_space<hbm>>
          %dma_start3A_1120 = tpu.memref_squeeze %dma_start3A_1119 : memref<1x8832x32xf32, #tpu.memory_space<hbm>> -> memref<8832x32xf32, #tpu.memory_space<hbm>>
          %dma_start3A_1121 = arith.constant 0 : i32
          %dma_start3A_1122 = arith.constant 0 : i32
          %dma_start3A_1123 = tpu.memref_slice %dma_start3A_1120[%dma_start3A_1121, %dma_start3A_1122] : memref<8832x32xf32, #tpu.memory_space<hbm>> -> memref<8832x32xf32, #tpu.memory_space<hbm>>
          tpu.enqueue_indirect_dma source(%dma_start3A_1123 : memref<8832x32xf32, #tpu.memory_space<hbm>>) target(%dma_start3A_1113 : memref<128x32xf32, #tpu.memory_space<vmem>>) offsets(%dma_start3A_1116 : memref<128xi32, #tpu.memory_space<vmem>>) semaphore(%arg27 : memref<!tpu.dma_semaphore, #tpu.memory_space<semaphore_mem>>)
        } else {
        }
        %mul3A_979 = arith.constant 8 : i32
        %mul3A_980 = arith.muli %add3A_970, %mul3A_979 : i32
        %add3A_981 = arith.constant 1 : i32
        %add3A_982 = arith.addi %mul3A_980, %add3A_981 : i32
        %lt3A_983 = arith.cmpi slt, %add3A_982, %add3A_880 : i32
        %convert_element_type3A_984 = arith.extui %lt3A_983 : i1 to i32
        %cond3A_985 = arith.constant 0 : i32
        %cond3A_986 = arith.cmpi ne, %convert_element_type3A_984, %cond3A_985 : i32
        scf.if %cond3A_986 {
          %lt3A_1099 = arith.cmpi slt, %add3A_982, %get3A_875 : i32
          %add3A_1100 = arith.addi %select_n3A_843, %add3A_982 : i32
          %sub3A_1101 = arith.subi %add3A_982, %get3A_875 : i32
          %add3A_1102 = arith.addi %select_n3A_871, %sub3A_1101 : i32
          %select_n3A_1103 = arith.select %lt3A_1099, %add3A_1100, %add3A_1102 : i32
          %gt3A_1104 = arith.constant 0 : i32
          %gt3A_1105 = arith.cmpi sgt, %add3A_970, %gt3A_1104 : i32
          %convert_element_type3A_1106 = arith.extui %gt3A_1105 : i1 to i32
          %cond3A_1107 = arith.constant 0 : i32
          %cond3A_1108 = arith.cmpi ne, %convert_element_type3A_1106, %cond3A_1107 : i32
          scf.if %cond3A_1108 {
            %dma_wait3A_1124 = arith.constant 1 : i32
            %dma_wait3A_1125 = arith.constant 0 : i32
            %dma_wait3A_1126 = arith.constant 0 : i32
            %dma_wait3A_1127 = tpu.memref_slice %arg14[%dma_wait3A_1124, %dma_wait3A_1125, %dma_wait3A_1126] : memref<8x128x32xf32, #tpu.memory_space<vmem>> -> memref<1x128x32xf32, #tpu.memory_space<vmem>>
            %dma_wait3A_1128 = tpu.memref_squeeze %dma_wait3A_1127 : memref<1x128x32xf32, #tpu.memory_space<vmem>> -> memref<128x32xf32, #tpu.memory_space<vmem>>
            %dma_wait3A_1129 = arith.constant 0 : i32
            %dma_wait3A_1130 = tpu.memref_slice %arg13[%select_n3A_1103, %dma_wait3A_1129] : memref<94x128xi32, #tpu.memory_space<vmem>> -> memref<1x128xi32, #tpu.memory_space<vmem>>
            %dma_wait3A_1131 = tpu.memref_squeeze %dma_wait3A_1130 : memref<1x128xi32, #tpu.memory_space<vmem>> -> memref<128xi32, #tpu.memory_space<vmem>>
            %dma_wait3A_1132 = arith.constant 0 : i32
            %dma_wait3A_1133 = arith.constant 0 : i32
            %dma_wait3A_1134 = tpu.memref_slice %arg9[%dma_wait3A_1132, %dma_wait3A_1133] : memref<8832x32xf32, #tpu.memory_space<vmem_shared>> -> memref<8832x32xf32, #tpu.memory_space<vmem_shared>>
            tpu.wait_indirect_dma semaphore(%arg36 : memref<!tpu.dma_semaphore, #tpu.memory_space<semaphore_mem>>) src(%dma_wait3A_1128 : memref<128x32xf32, #tpu.memory_space<vmem>>) dst(%dma_wait3A_1134 : memref<8832x32xf32, #tpu.memory_space<vmem_shared>>)
          } else {
          }
          %dma_start3A_1109 = arith.constant 1 : i32
          %dma_start3A_1110 = arith.constant 0 : i32
          %dma_start3A_1111 = arith.constant 0 : i32
          %dma_start3A_1112 = tpu.memref_slice %arg14[%dma_start3A_1109, %dma_start3A_1110, %dma_start3A_1111] : memref<8x128x32xf32, #tpu.memory_space<vmem>> -> memref<1x128x32xf32, #tpu.memory_space<vmem>>
          %dma_start3A_1113 = tpu.memref_squeeze %dma_start3A_1112 : memref<1x128x32xf32, #tpu.memory_space<vmem>> -> memref<128x32xf32, #tpu.memory_space<vmem>>
          %dma_start3A_1114 = arith.constant 0 : i32
          %dma_start3A_1115 = tpu.memref_slice %arg12[%select_n3A_1103, %dma_start3A_1114] : memref<94x128xi32, #tpu.memory_space<vmem>> -> memref<1x128xi32, #tpu.memory_space<vmem>>
          %dma_start3A_1116 = tpu.memref_squeeze %dma_start3A_1115 : memref<1x128xi32, #tpu.memory_space<vmem>> -> memref<128xi32, #tpu.memory_space<vmem>>
          %dma_start3A_1117 = arith.constant 0 : i32
          %dma_start3A_1118 = arith.constant 0 : i32
          %dma_start3A_1119 = tpu.memref_slice %arg8[%arg0, %dma_start3A_1117, %dma_start3A_1118] : memref<2x8832x32xf32, #tpu.memory_space<hbm>> -> memref<1x8832x32xf32, #tpu.memory_space<hbm>>
          %dma_start3A_1120 = tpu.memref_squeeze %dma_start3A_1119 : memref<1x8832x32xf32, #tpu.memory_space<hbm>> -> memref<8832x32xf32, #tpu.memory_space<hbm>>
          %dma_start3A_1121 = arith.constant 0 : i32
          %dma_start3A_1122 = arith.constant 0 : i32
          %dma_start3A_1123 = tpu.memref_slice %dma_start3A_1120[%dma_start3A_1121, %dma_start3A_1122] : memref<8832x32xf32, #tpu.memory_space<hbm>> -> memref<8832x32xf32, #tpu.memory_space<hbm>>
          tpu.enqueue_indirect_dma source(%dma_start3A_1123 : memref<8832x32xf32, #tpu.memory_space<hbm>>) target(%dma_start3A_1113 : memref<128x32xf32, #tpu.memory_space<vmem>>) offsets(%dma_start3A_1116 : memref<128xi32, #tpu.memory_space<vmem>>) semaphore(%arg28 : memref<!tpu.dma_semaphore, #tpu.memory_space<semaphore_mem>>)
        } else {
        }
        %mul3A_987 = arith.constant 8 : i32
        %mul3A_988 = arith.muli %add3A_970, %mul3A_987 : i32
        %add3A_989 = arith.constant 2 : i32
        %add3A_990 = arith.addi %mul3A_988, %add3A_989 : i32
        %lt3A_991 = arith.cmpi slt, %add3A_990, %add3A_880 : i32
        %convert_element_type3A_992 = arith.extui %lt3A_991 : i1 to i32
        %cond3A_993 = arith.constant 0 : i32
        %cond3A_994 = arith.cmpi ne, %convert_element_type3A_992, %cond3A_993 : i32
        scf.if %cond3A_994 {
          %lt3A_1099 = arith.cmpi slt, %add3A_990, %get3A_875 : i32
          %add3A_1100 = arith.addi %select_n3A_843, %add3A_990 : i32
          %sub3A_1101 = arith.subi %add3A_990, %get3A_875 : i32
          %add3A_1102 = arith.addi %select_n3A_871, %sub3A_1101 : i32
          %select_n3A_1103 = arith.select %lt3A_1099, %add3A_1100, %add3A_1102 : i32
          %gt3A_1104 = arith.constant 0 : i32
          %gt3A_1105 = arith.cmpi sgt, %add3A_970, %gt3A_1104 : i32
          %convert_element_type3A_1106 = arith.extui %gt3A_1105 : i1 to i32
          %cond3A_1107 = arith.constant 0 : i32
          %cond3A_1108 = arith.cmpi ne, %convert_element_type3A_1106, %cond3A_1107 : i32
          scf.if %cond3A_1108 {
            %dma_wait3A_1124 = arith.constant 2 : i32
            %dma_wait3A_1125 = arith.constant 0 : i32
            %dma_wait3A_1126 = arith.constant 0 : i32
            %dma_wait3A_1127 = tpu.memref_slice %arg14[%dma_wait3A_1124, %dma_wait3A_1125, %dma_wait3A_1126] : memref<8x128x32xf32, #tpu.memory_space<vmem>> -> memref<1x128x32xf32, #tpu.memory_space<vmem>>
            %dma_wait3A_1128 = tpu.memref_squeeze %dma_wait3A_1127 : memref<1x128x32xf32, #tpu.memory_space<vmem>> -> memref<128x32xf32, #tpu.memory_space<vmem>>
            %dma_wait3A_1129 = arith.constant 0 : i32
            %dma_wait3A_1130 = tpu.memref_slice %arg13[%select_n3A_1103, %dma_wait3A_1129] : memref<94x128xi32, #tpu.memory_space<vmem>> -> memref<1x128xi32, #tpu.memory_space<vmem>>
            %dma_wait3A_1131 = tpu.memref_squeeze %dma_wait3A_1130 : memref<1x128xi32, #tpu.memory_space<vmem>> -> memref<128xi32, #tpu.memory_space<vmem>>
            %dma_wait3A_1132 = arith.constant 0 : i32
            %dma_wait3A_1133 = arith.constant 0 : i32
            %dma_wait3A_1134 = tpu.memref_slice %arg9[%dma_wait3A_1132, %dma_wait3A_1133] : memref<8832x32xf32, #tpu.memory_space<vmem_shared>> -> memref<8832x32xf32, #tpu.memory_space<vmem_shared>>
            tpu.wait_indirect_dma semaphore(%arg37 : memref<!tpu.dma_semaphore, #tpu.memory_space<semaphore_mem>>) src(%dma_wait3A_1128 : memref<128x32xf32, #tpu.memory_space<vmem>>) dst(%dma_wait3A_1134 : memref<8832x32xf32, #tpu.memory_space<vmem_shared>>)
          } else {
          }
          %dma_start3A_1109 = arith.constant 2 : i32
          %dma_start3A_1110 = arith.constant 0 : i32
          %dma_start3A_1111 = arith.constant 0 : i32
          %dma_start3A_1112 = tpu.memref_slice %arg14[%dma_start3A_1109, %dma_start3A_1110, %dma_start3A_1111] : memref<8x128x32xf32, #tpu.memory_space<vmem>> -> memref<1x128x32xf32, #tpu.memory_space<vmem>>
          %dma_start3A_1113 = tpu.memref_squeeze %dma_start3A_1112 : memref<1x128x32xf32, #tpu.memory_space<vmem>> -> memref<128x32xf32, #tpu.memory_space<vmem>>
          %dma_start3A_1114 = arith.constant 0 : i32
          %dma_start3A_1115 = tpu.memref_slice %arg12[%select_n3A_1103, %dma_start3A_1114] : memref<94x128xi32, #tpu.memory_space<vmem>> -> memref<1x128xi32, #tpu.memory_space<vmem>>
          %dma_start3A_1116 = tpu.memref_squeeze %dma_start3A_1115 : memref<1x128xi32, #tpu.memory_space<vmem>> -> memref<128xi32, #tpu.memory_space<vmem>>
          %dma_start3A_1117 = arith.constant 0 : i32
          %dma_start3A_1118 = arith.constant 0 : i32
          %dma_start3A_1119 = tpu.memref_slice %arg8[%arg0, %dma_start3A_1117, %dma_start3A_1118] : memref<2x8832x32xf32, #tpu.memory_space<hbm>> -> memref<1x8832x32xf32, #tpu.memory_space<hbm>>
          %dma_start3A_1120 = tpu.memref_squeeze %dma_start3A_1119 : memref<1x8832x32xf32, #tpu.memory_space<hbm>> -> memref<8832x32xf32, #tpu.memory_space<hbm>>
          %dma_start3A_1121 = arith.constant 0 : i32
          %dma_start3A_1122 = arith.constant 0 : i32
          %dma_start3A_1123 = tpu.memref_slice %dma_start3A_1120[%dma_start3A_1121, %dma_start3A_1122] : memref<8832x32xf32, #tpu.memory_space<hbm>> -> memref<8832x32xf32, #tpu.memory_space<hbm>>
          tpu.enqueue_indirect_dma source(%dma_start3A_1123 : memref<8832x32xf32, #tpu.memory_space<hbm>>) target(%dma_start3A_1113 : memref<128x32xf32, #tpu.memory_space<vmem>>) offsets(%dma_start3A_1116 : memref<128xi32, #tpu.memory_space<vmem>>) semaphore(%arg29 : memref<!tpu.dma_semaphore, #tpu.memory_space<semaphore_mem>>)
        } else {
        }
        %mul3A_995 = arith.constant 8 : i32
        %mul3A_996 = arith.muli %add3A_970, %mul3A_995 : i32
        %add3A_997 = arith.constant 3 : i32
        %add3A_998 = arith.addi %mul3A_996, %add3A_997 : i32
        %lt3A_999 = arith.cmpi slt, %add3A_998, %add3A_880 : i32
        %convert_element_type3A_1000 = arith.extui %lt3A_999 : i1 to i32
        %cond3A_1001 = arith.constant 0 : i32
        %cond3A_1002 = arith.cmpi ne, %convert_element_type3A_1000, %cond3A_1001 : i32
        scf.if %cond3A_1002 {
          %lt3A_1099 = arith.cmpi slt, %add3A_998, %get3A_875 : i32
          %add3A_1100 = arith.addi %select_n3A_843, %add3A_998 : i32
          %sub3A_1101 = arith.subi %add3A_998, %get3A_875 : i32
          %add3A_1102 = arith.addi %select_n3A_871, %sub3A_1101 : i32
          %select_n3A_1103 = arith.select %lt3A_1099, %add3A_1100, %add3A_1102 : i32
          %gt3A_1104 = arith.constant 0 : i32
          %gt3A_1105 = arith.cmpi sgt, %add3A_970, %gt3A_1104 : i32
          %convert_element_type3A_1106 = arith.extui %gt3A_1105 : i1 to i32
          %cond3A_1107 = arith.constant 0 : i32
          %cond3A_1108 = arith.cmpi ne, %convert_element_type3A_1106, %cond3A_1107 : i32
          scf.if %cond3A_1108 {
            %dma_wait3A_1124 = arith.constant 3 : i32
            %dma_wait3A_1125 = arith.constant 0 : i32
            %dma_wait3A_1126 = arith.constant 0 : i32
            %dma_wait3A_1127 = tpu.memref_slice %arg14[%dma_wait3A_1124, %dma_wait3A_1125, %dma_wait3A_1126] : memref<8x128x32xf32, #tpu.memory_space<vmem>> -> memref<1x128x32xf32, #tpu.memory_space<vmem>>
            %dma_wait3A_1128 = tpu.memref_squeeze %dma_wait3A_1127 : memref<1x128x32xf32, #tpu.memory_space<vmem>> -> memref<128x32xf32, #tpu.memory_space<vmem>>
            %dma_wait3A_1129 = arith.constant 0 : i32
            %dma_wait3A_1130 = tpu.memref_slice %arg13[%select_n3A_1103, %dma_wait3A_1129] : memref<94x128xi32, #tpu.memory_space<vmem>> -> memref<1x128xi32, #tpu.memory_space<vmem>>
            %dma_wait3A_1131 = tpu.memref_squeeze %dma_wait3A_1130 : memref<1x128xi32, #tpu.memory_space<vmem>> -> memref<128xi32, #tpu.memory_space<vmem>>
            %dma_wait3A_1132 = arith.constant 0 : i32
            %dma_wait3A_1133 = arith.constant 0 : i32
            %dma_wait3A_1134 = tpu.memref_slice %arg9[%dma_wait3A_1132, %dma_wait3A_1133] : memref<8832x32xf32, #tpu.memory_space<vmem_shared>> -> memref<8832x32xf32, #tpu.memory_space<vmem_shared>>
            tpu.wait_indirect_dma semaphore(%arg38 : memref<!tpu.dma_semaphore, #tpu.memory_space<semaphore_mem>>) src(%dma_wait3A_1128 : memref<128x32xf32, #tpu.memory_space<vmem>>) dst(%dma_wait3A_1134 : memref<8832x32xf32, #tpu.memory_space<vmem_shared>>)
          } else {
          }
          %dma_start3A_1109 = arith.constant 3 : i32
          %dma_start3A_1110 = arith.constant 0 : i32
          %dma_start3A_1111 = arith.constant 0 : i32
          %dma_start3A_1112 = tpu.memref_slice %arg14[%dma_start3A_1109, %dma_start3A_1110, %dma_start3A_1111] : memref<8x128x32xf32, #tpu.memory_space<vmem>> -> memref<1x128x32xf32, #tpu.memory_space<vmem>>
          %dma_start3A_1113 = tpu.memref_squeeze %dma_start3A_1112 : memref<1x128x32xf32, #tpu.memory_space<vmem>> -> memref<128x32xf32, #tpu.memory_space<vmem>>
          %dma_start3A_1114 = arith.constant 0 : i32
          %dma_start3A_1115 = tpu.memref_slice %arg12[%select_n3A_1103, %dma_start3A_1114] : memref<94x128xi32, #tpu.memory_space<vmem>> -> memref<1x128xi32, #tpu.memory_space<vmem>>
          %dma_start3A_1116 = tpu.memref_squeeze %dma_start3A_1115 : memref<1x128xi32, #tpu.memory_space<vmem>> -> memref<128xi32, #tpu.memory_space<vmem>>
          %dma_start3A_1117 = arith.constant 0 : i32
          %dma_start3A_1118 = arith.constant 0 : i32
          %dma_start3A_1119 = tpu.memref_slice %arg8[%arg0, %dma_start3A_1117, %dma_start3A_1118] : memref<2x8832x32xf32, #tpu.memory_space<hbm>> -> memref<1x8832x32xf32, #tpu.memory_space<hbm>>
          %dma_start3A_1120 = tpu.memref_squeeze %dma_start3A_1119 : memref<1x8832x32xf32, #tpu.memory_space<hbm>> -> memref<8832x32xf32, #tpu.memory_space<hbm>>
          %dma_start3A_1121 = arith.constant 0 : i32
          %dma_start3A_1122 = arith.constant 0 : i32
          %dma_start3A_1123 = tpu.memref_slice %dma_start3A_1120[%dma_start3A_1121, %dma_start3A_1122] : memref<8832x32xf32, #tpu.memory_space<hbm>> -> memref<8832x32xf32, #tpu.memory_space<hbm>>
          tpu.enqueue_indirect_dma source(%dma_start3A_1123 : memref<8832x32xf32, #tpu.memory_space<hbm>>) target(%dma_start3A_1113 : memref<128x32xf32, #tpu.memory_space<vmem>>) offsets(%dma_start3A_1116 : memref<128xi32, #tpu.memory_space<vmem>>) semaphore(%arg30 : memref<!tpu.dma_semaphore, #tpu.memory_space<semaphore_mem>>)
        } else {
        }
        %mul3A_1003 = arith.constant 8 : i32
        %mul3A_1004 = arith.muli %add3A_970, %mul3A_1003 : i32
        %add3A_1005 = arith.constant 4 : i32
        %add3A_1006 = arith.addi %mul3A_1004, %add3A_1005 : i32
        %lt3A_1007 = arith.cmpi slt, %add3A_1006, %add3A_880 : i32
        %convert_element_type3A_1008 = arith.extui %lt3A_1007 : i1 to i32
        %cond3A_1009 = arith.constant 0 : i32
        %cond3A_1010 = arith.cmpi ne, %convert_element_type3A_1008, %cond3A_1009 : i32
        scf.if %cond3A_1010 {
          %lt3A_1099 = arith.cmpi slt, %add3A_1006, %get3A_875 : i32
          %add3A_1100 = arith.addi %select_n3A_843, %add3A_1006 : i32
          %sub3A_1101 = arith.subi %add3A_1006, %get3A_875 : i32
          %add3A_1102 = arith.addi %select_n3A_871, %sub3A_1101 : i32
          %select_n3A_1103 = arith.select %lt3A_1099, %add3A_1100, %add3A_1102 : i32
          %gt3A_1104 = arith.constant 0 : i32
          %gt3A_1105 = arith.cmpi sgt, %add3A_970, %gt3A_1104 : i32
          %convert_element_type3A_1106 = arith.extui %gt3A_1105 : i1 to i32
          %cond3A_1107 = arith.constant 0 : i32
          %cond3A_1108 = arith.cmpi ne, %convert_element_type3A_1106, %cond3A_1107 : i32
          scf.if %cond3A_1108 {
            %dma_wait3A_1124 = arith.constant 4 : i32
            %dma_wait3A_1125 = arith.constant 0 : i32
            %dma_wait3A_1126 = arith.constant 0 : i32
            %dma_wait3A_1127 = tpu.memref_slice %arg14[%dma_wait3A_1124, %dma_wait3A_1125, %dma_wait3A_1126] : memref<8x128x32xf32, #tpu.memory_space<vmem>> -> memref<1x128x32xf32, #tpu.memory_space<vmem>>
            %dma_wait3A_1128 = tpu.memref_squeeze %dma_wait3A_1127 : memref<1x128x32xf32, #tpu.memory_space<vmem>> -> memref<128x32xf32, #tpu.memory_space<vmem>>
            %dma_wait3A_1129 = arith.constant 0 : i32
            %dma_wait3A_1130 = tpu.memref_slice %arg13[%select_n3A_1103, %dma_wait3A_1129] : memref<94x128xi32, #tpu.memory_space<vmem>> -> memref<1x128xi32, #tpu.memory_space<vmem>>
            %dma_wait3A_1131 = tpu.memref_squeeze %dma_wait3A_1130 : memref<1x128xi32, #tpu.memory_space<vmem>> -> memref<128xi32, #tpu.memory_space<vmem>>
            %dma_wait3A_1132 = arith.constant 0 : i32
            %dma_wait3A_1133 = arith.constant 0 : i32
            %dma_wait3A_1134 = tpu.memref_slice %arg9[%dma_wait3A_1132, %dma_wait3A_1133] : memref<8832x32xf32, #tpu.memory_space<vmem_shared>> -> memref<8832x32xf32, #tpu.memory_space<vmem_shared>>
            tpu.wait_indirect_dma semaphore(%arg39 : memref<!tpu.dma_semaphore, #tpu.memory_space<semaphore_mem>>) src(%dma_wait3A_1128 : memref<128x32xf32, #tpu.memory_space<vmem>>) dst(%dma_wait3A_1134 : memref<8832x32xf32, #tpu.memory_space<vmem_shared>>)
          } else {
          }
          %dma_start3A_1109 = arith.constant 4 : i32
          %dma_start3A_1110 = arith.constant 0 : i32
          %dma_start3A_1111 = arith.constant 0 : i32
          %dma_start3A_1112 = tpu.memref_slice %arg14[%dma_start3A_1109, %dma_start3A_1110, %dma_start3A_1111] : memref<8x128x32xf32, #tpu.memory_space<vmem>> -> memref<1x128x32xf32, #tpu.memory_space<vmem>>
          %dma_start3A_1113 = tpu.memref_squeeze %dma_start3A_1112 : memref<1x128x32xf32, #tpu.memory_space<vmem>> -> memref<128x32xf32, #tpu.memory_space<vmem>>
          %dma_start3A_1114 = arith.constant 0 : i32
          %dma_start3A_1115 = tpu.memref_slice %arg12[%select_n3A_1103, %dma_start3A_1114] : memref<94x128xi32, #tpu.memory_space<vmem>> -> memref<1x128xi32, #tpu.memory_space<vmem>>
          %dma_start3A_1116 = tpu.memref_squeeze %dma_start3A_1115 : memref<1x128xi32, #tpu.memory_space<vmem>> -> memref<128xi32, #tpu.memory_space<vmem>>
          %dma_start3A_1117 = arith.constant 0 : i32
          %dma_start3A_1118 = arith.constant 0 : i32
          %dma_start3A_1119 = tpu.memref_slice %arg8[%arg0, %dma_start3A_1117, %dma_start3A_1118] : memref<2x8832x32xf32, #tpu.memory_space<hbm>> -> memref<1x8832x32xf32, #tpu.memory_space<hbm>>
          %dma_start3A_1120 = tpu.memref_squeeze %dma_start3A_1119 : memref<1x8832x32xf32, #tpu.memory_space<hbm>> -> memref<8832x32xf32, #tpu.memory_space<hbm>>
          %dma_start3A_1121 = arith.constant 0 : i32
          %dma_start3A_1122 = arith.constant 0 : i32
          %dma_start3A_1123 = tpu.memref_slice %dma_start3A_1120[%dma_start3A_1121, %dma_start3A_1122] : memref<8832x32xf32, #tpu.memory_space<hbm>> -> memref<8832x32xf32, #tpu.memory_space<hbm>>
          tpu.enqueue_indirect_dma source(%dma_start3A_1123 : memref<8832x32xf32, #tpu.memory_space<hbm>>) target(%dma_start3A_1113 : memref<128x32xf32, #tpu.memory_space<vmem>>) offsets(%dma_start3A_1116 : memref<128xi32, #tpu.memory_space<vmem>>) semaphore(%arg31 : memref<!tpu.dma_semaphore, #tpu.memory_space<semaphore_mem>>)
        } else {
        }
        %mul3A_1011 = arith.constant 8 : i32
        %mul3A_1012 = arith.muli %add3A_970, %mul3A_1011 : i32
        %add3A_1013 = arith.constant 5 : i32
        %add3A_1014 = arith.addi %mul3A_1012, %add3A_1013 : i32
        %lt3A_1015 = arith.cmpi slt, %add3A_1014, %add3A_880 : i32
        %convert_element_type3A_1016 = arith.extui %lt3A_1015 : i1 to i32
        %cond3A_1017 = arith.constant 0 : i32
        %cond3A_1018 = arith.cmpi ne, %convert_element_type3A_1016, %cond3A_1017 : i32
        scf.if %cond3A_1018 {
          %lt3A_1099 = arith.cmpi slt, %add3A_1014, %get3A_875 : i32
          %add3A_1100 = arith.addi %select_n3A_843, %add3A_1014 : i32
          %sub3A_1101 = arith.subi %add3A_1014, %get3A_875 : i32
          %add3A_1102 = arith.addi %select_n3A_871, %sub3A_1101 : i32
          %select_n3A_1103 = arith.select %lt3A_1099, %add3A_1100, %add3A_1102 : i32
          %gt3A_1104 = arith.constant 0 : i32
          %gt3A_1105 = arith.cmpi sgt, %add3A_970, %gt3A_1104 : i32
          %convert_element_type3A_1106 = arith.extui %gt3A_1105 : i1 to i32
          %cond3A_1107 = arith.constant 0 : i32
          %cond3A_1108 = arith.cmpi ne, %convert_element_type3A_1106, %cond3A_1107 : i32
          scf.if %cond3A_1108 {
            %dma_wait3A_1124 = arith.constant 5 : i32
            %dma_wait3A_1125 = arith.constant 0 : i32
            %dma_wait3A_1126 = arith.constant 0 : i32
            %dma_wait3A_1127 = tpu.memref_slice %arg14[%dma_wait3A_1124, %dma_wait3A_1125, %dma_wait3A_1126] : memref<8x128x32xf32, #tpu.memory_space<vmem>> -> memref<1x128x32xf32, #tpu.memory_space<vmem>>
            %dma_wait3A_1128 = tpu.memref_squeeze %dma_wait3A_1127 : memref<1x128x32xf32, #tpu.memory_space<vmem>> -> memref<128x32xf32, #tpu.memory_space<vmem>>
            %dma_wait3A_1129 = arith.constant 0 : i32
            %dma_wait3A_1130 = tpu.memref_slice %arg13[%select_n3A_1103, %dma_wait3A_1129] : memref<94x128xi32, #tpu.memory_space<vmem>> -> memref<1x128xi32, #tpu.memory_space<vmem>>
            %dma_wait3A_1131 = tpu.memref_squeeze %dma_wait3A_1130 : memref<1x128xi32, #tpu.memory_space<vmem>> -> memref<128xi32, #tpu.memory_space<vmem>>
            %dma_wait3A_1132 = arith.constant 0 : i32
            %dma_wait3A_1133 = arith.constant 0 : i32
            %dma_wait3A_1134 = tpu.memref_slice %arg9[%dma_wait3A_1132, %dma_wait3A_1133] : memref<8832x32xf32, #tpu.memory_space<vmem_shared>> -> memref<8832x32xf32, #tpu.memory_space<vmem_shared>>
            tpu.wait_indirect_dma semaphore(%arg40 : memref<!tpu.dma_semaphore, #tpu.memory_space<semaphore_mem>>) src(%dma_wait3A_1128 : memref<128x32xf32, #tpu.memory_space<vmem>>) dst(%dma_wait3A_1134 : memref<8832x32xf32, #tpu.memory_space<vmem_shared>>)
          } else {
          }
          %dma_start3A_1109 = arith.constant 5 : i32
          %dma_start3A_1110 = arith.constant 0 : i32
          %dma_start3A_1111 = arith.constant 0 : i32
          %dma_start3A_1112 = tpu.memref_slice %arg14[%dma_start3A_1109, %dma_start3A_1110, %dma_start3A_1111] : memref<8x128x32xf32, #tpu.memory_space<vmem>> -> memref<1x128x32xf32, #tpu.memory_space<vmem>>
          %dma_start3A_1113 = tpu.memref_squeeze %dma_start3A_1112 : memref<1x128x32xf32, #tpu.memory_space<vmem>> -> memref<128x32xf32, #tpu.memory_space<vmem>>
          %dma_start3A_1114 = arith.constant 0 : i32
          %dma_start3A_1115 = tpu.memref_slice %arg12[%select_n3A_1103, %dma_start3A_1114] : memref<94x128xi32, #tpu.memory_space<vmem>> -> memref<1x128xi32, #tpu.memory_space<vmem>>
          %dma_start3A_1116 = tpu.memref_squeeze %dma_start3A_1115 : memref<1x128xi32, #tpu.memory_space<vmem>> -> memref<128xi32, #tpu.memory_space<vmem>>
          %dma_start3A_1117 = arith.constant 0 : i32
          %dma_start3A_1118 = arith.constant 0 : i32
          %dma_start3A_1119 = tpu.memref_slice %arg8[%arg0, %dma_start3A_1117, %dma_start3A_1118] : memref<2x8832x32xf32, #tpu.memory_space<hbm>> -> memref<1x8832x32xf32, #tpu.memory_space<hbm>>
          %dma_start3A_1120 = tpu.memref_squeeze %dma_start3A_1119 : memref<1x8832x32xf32, #tpu.memory_space<hbm>> -> memref<8832x32xf32, #tpu.memory_space<hbm>>
          %dma_start3A_1121 = arith.constant 0 : i32
          %dma_start3A_1122 = arith.constant 0 : i32
          %dma_start3A_1123 = tpu.memref_slice %dma_start3A_1120[%dma_start3A_1121, %dma_start3A_1122] : memref<8832x32xf32, #tpu.memory_space<hbm>> -> memref<8832x32xf32, #tpu.memory_space<hbm>>
          tpu.enqueue_indirect_dma source(%dma_start3A_1123 : memref<8832x32xf32, #tpu.memory_space<hbm>>) target(%dma_start3A_1113 : memref<128x32xf32, #tpu.memory_space<vmem>>) offsets(%dma_start3A_1116 : memref<128xi32, #tpu.memory_space<vmem>>) semaphore(%arg32 : memref<!tpu.dma_semaphore, #tpu.memory_space<semaphore_mem>>)
        } else {
        }
        %mul3A_1019 = arith.constant 8 : i32
        %mul3A_1020 = arith.muli %add3A_970, %mul3A_1019 : i32
        %add3A_1021 = arith.constant 6 : i32
        %add3A_1022 = arith.addi %mul3A_1020, %add3A_1021 : i32
        %lt3A_1023 = arith.cmpi slt, %add3A_1022, %add3A_880 : i32
        %convert_element_type3A_1024 = arith.extui %lt3A_1023 : i1 to i32
        %cond3A_1025 = arith.constant 0 : i32
        %cond3A_1026 = arith.cmpi ne, %convert_element_type3A_1024, %cond3A_1025 : i32
        scf.if %cond3A_1026 {
          %lt3A_1099 = arith.cmpi slt, %add3A_1022, %get3A_875 : i32
          %add3A_1100 = arith.addi %select_n3A_843, %add3A_1022 : i32
          %sub3A_1101 = arith.subi %add3A_1022, %get3A_875 : i32
          %add3A_1102 = arith.addi %select_n3A_871, %sub3A_1101 : i32
          %select_n3A_1103 = arith.select %lt3A_1099, %add3A_1100, %add3A_1102 : i32
          %gt3A_1104 = arith.constant 0 : i32
          %gt3A_1105 = arith.cmpi sgt, %add3A_970, %gt3A_1104 : i32
          %convert_element_type3A_1106 = arith.extui %gt3A_1105 : i1 to i32
          %cond3A_1107 = arith.constant 0 : i32
          %cond3A_1108 = arith.cmpi ne, %convert_element_type3A_1106, %cond3A_1107 : i32
          scf.if %cond3A_1108 {
            %dma_wait3A_1124 = arith.constant 6 : i32
            %dma_wait3A_1125 = arith.constant 0 : i32
            %dma_wait3A_1126 = arith.constant 0 : i32
            %dma_wait3A_1127 = tpu.memref_slice %arg14[%dma_wait3A_1124, %dma_wait3A_1125, %dma_wait3A_1126] : memref<8x128x32xf32, #tpu.memory_space<vmem>> -> memref<1x128x32xf32, #tpu.memory_space<vmem>>
            %dma_wait3A_1128 = tpu.memref_squeeze %dma_wait3A_1127 : memref<1x128x32xf32, #tpu.memory_space<vmem>> -> memref<128x32xf32, #tpu.memory_space<vmem>>
            %dma_wait3A_1129 = arith.constant 0 : i32
            %dma_wait3A_1130 = tpu.memref_slice %arg13[%select_n3A_1103, %dma_wait3A_1129] : memref<94x128xi32, #tpu.memory_space<vmem>> -> memref<1x128xi32, #tpu.memory_space<vmem>>
            %dma_wait3A_1131 = tpu.memref_squeeze %dma_wait3A_1130 : memref<1x128xi32, #tpu.memory_space<vmem>> -> memref<128xi32, #tpu.memory_space<vmem>>
            %dma_wait3A_1132 = arith.constant 0 : i32
            %dma_wait3A_1133 = arith.constant 0 : i32
            %dma_wait3A_1134 = tpu.memref_slice %arg9[%dma_wait3A_1132, %dma_wait3A_1133] : memref<8832x32xf32, #tpu.memory_space<vmem_shared>> -> memref<8832x32xf32, #tpu.memory_space<vmem_shared>>
            tpu.wait_indirect_dma semaphore(%arg41 : memref<!tpu.dma_semaphore, #tpu.memory_space<semaphore_mem>>) src(%dma_wait3A_1128 : memref<128x32xf32, #tpu.memory_space<vmem>>) dst(%dma_wait3A_1134 : memref<8832x32xf32, #tpu.memory_space<vmem_shared>>)
          } else {
          }
          %dma_start3A_1109 = arith.constant 6 : i32
          %dma_start3A_1110 = arith.constant 0 : i32
          %dma_start3A_1111 = arith.constant 0 : i32
          %dma_start3A_1112 = tpu.memref_slice %arg14[%dma_start3A_1109, %dma_start3A_1110, %dma_start3A_1111] : memref<8x128x32xf32, #tpu.memory_space<vmem>> -> memref<1x128x32xf32, #tpu.memory_space<vmem>>
          %dma_start3A_1113 = tpu.memref_squeeze %dma_start3A_1112 : memref<1x128x32xf32, #tpu.memory_space<vmem>> -> memref<128x32xf32, #tpu.memory_space<vmem>>
          %dma_start3A_1114 = arith.constant 0 : i32
          %dma_start3A_1115 = tpu.memref_slice %arg12[%select_n3A_1103, %dma_start3A_1114] : memref<94x128xi32, #tpu.memory_space<vmem>> -> memref<1x128xi32, #tpu.memory_space<vmem>>
          %dma_start3A_1116 = tpu.memref_squeeze %dma_start3A_1115 : memref<1x128xi32, #tpu.memory_space<vmem>> -> memref<128xi32, #tpu.memory_space<vmem>>
          %dma_start3A_1117 = arith.constant 0 : i32
          %dma_start3A_1118 = arith.constant 0 : i32
          %dma_start3A_1119 = tpu.memref_slice %arg8[%arg0, %dma_start3A_1117, %dma_start3A_1118] : memref<2x8832x32xf32, #tpu.memory_space<hbm>> -> memref<1x8832x32xf32, #tpu.memory_space<hbm>>
          %dma_start3A_1120 = tpu.memref_squeeze %dma_start3A_1119 : memref<1x8832x32xf32, #tpu.memory_space<hbm>> -> memref<8832x32xf32, #tpu.memory_space<hbm>>
          %dma_start3A_1121 = arith.constant 0 : i32
          %dma_start3A_1122 = arith.constant 0 : i32
          %dma_start3A_1123 = tpu.memref_slice %dma_start3A_1120[%dma_start3A_1121, %dma_start3A_1122] : memref<8832x32xf32, #tpu.memory_space<hbm>> -> memref<8832x32xf32, #tpu.memory_space<hbm>>
          tpu.enqueue_indirect_dma source(%dma_start3A_1123 : memref<8832x32xf32, #tpu.memory_space<hbm>>) target(%dma_start3A_1113 : memref<128x32xf32, #tpu.memory_space<vmem>>) offsets(%dma_start3A_1116 : memref<128xi32, #tpu.memory_space<vmem>>) semaphore(%arg33 : memref<!tpu.dma_semaphore, #tpu.memory_space<semaphore_mem>>)
        } else {
        }
        %mul3A_1027 = arith.constant 8 : i32
        %mul3A_1028 = arith.muli %add3A_970, %mul3A_1027 : i32
        %add3A_1029 = arith.constant 7 : i32
        %add3A_1030 = arith.addi %mul3A_1028, %add3A_1029 : i32
        %lt3A_1031 = arith.cmpi slt, %add3A_1030, %add3A_880 : i32
        %convert_element_type3A_1032 = arith.extui %lt3A_1031 : i1 to i32
        %cond3A_1033 = arith.constant 0 : i32
        %cond3A_1034 = arith.cmpi ne, %convert_element_type3A_1032, %cond3A_1033 : i32
        scf.if %cond3A_1034 {
          %lt3A_1099 = arith.cmpi slt, %add3A_1030, %get3A_875 : i32
          %add3A_1100 = arith.addi %select_n3A_843, %add3A_1030 : i32
          %sub3A_1101 = arith.subi %add3A_1030, %get3A_875 : i32
          %add3A_1102 = arith.addi %select_n3A_871, %sub3A_1101 : i32
          %select_n3A_1103 = arith.select %lt3A_1099, %add3A_1100, %add3A_1102 : i32
          %gt3A_1104 = arith.constant 0 : i32
          %gt3A_1105 = arith.cmpi sgt, %add3A_970, %gt3A_1104 : i32
          %convert_element_type3A_1106 = arith.extui %gt3A_1105 : i1 to i32
          %cond3A_1107 = arith.constant 0 : i32
          %cond3A_1108 = arith.cmpi ne, %convert_element_type3A_1106, %cond3A_1107 : i32
          scf.if %cond3A_1108 {
            %dma_wait3A_1124 = arith.constant 7 : i32
            %dma_wait3A_1125 = arith.constant 0 : i32
            %dma_wait3A_1126 = arith.constant 0 : i32
            %dma_wait3A_1127 = tpu.memref_slice %arg14[%dma_wait3A_1124, %dma_wait3A_1125, %dma_wait3A_1126] : memref<8x128x32xf32, #tpu.memory_space<vmem>> -> memref<1x128x32xf32, #tpu.memory_space<vmem>>
            %dma_wait3A_1128 = tpu.memref_squeeze %dma_wait3A_1127 : memref<1x128x32xf32, #tpu.memory_space<vmem>> -> memref<128x32xf32, #tpu.memory_space<vmem>>
            %dma_wait3A_1129 = arith.constant 0 : i32
            %dma_wait3A_1130 = tpu.memref_slice %arg13[%select_n3A_1103, %dma_wait3A_1129] : memref<94x128xi32, #tpu.memory_space<vmem>> -> memref<1x128xi32, #tpu.memory_space<vmem>>
            %dma_wait3A_1131 = tpu.memref_squeeze %dma_wait3A_1130 : memref<1x128xi32, #tpu.memory_space<vmem>> -> memref<128xi32, #tpu.memory_space<vmem>>
            %dma_wait3A_1132 = arith.constant 0 : i32
            %dma_wait3A_1133 = arith.constant 0 : i32
            %dma_wait3A_1134 = tpu.memref_slice %arg9[%dma_wait3A_1132, %dma_wait3A_1133] : memref<8832x32xf32, #tpu.memory_space<vmem_shared>> -> memref<8832x32xf32, #tpu.memory_space<vmem_shared>>
            tpu.wait_indirect_dma semaphore(%arg42 : memref<!tpu.dma_semaphore, #tpu.memory_space<semaphore_mem>>) src(%dma_wait3A_1128 : memref<128x32xf32, #tpu.memory_space<vmem>>) dst(%dma_wait3A_1134 : memref<8832x32xf32, #tpu.memory_space<vmem_shared>>)
          } else {
          }
          %dma_start3A_1109 = arith.constant 7 : i32
          %dma_start3A_1110 = arith.constant 0 : i32
          %dma_start3A_1111 = arith.constant 0 : i32
          %dma_start3A_1112 = tpu.memref_slice %arg14[%dma_start3A_1109, %dma_start3A_1110, %dma_start3A_1111] : memref<8x128x32xf32, #tpu.memory_space<vmem>> -> memref<1x128x32xf32, #tpu.memory_space<vmem>>
          %dma_start3A_1113 = tpu.memref_squeeze %dma_start3A_1112 : memref<1x128x32xf32, #tpu.memory_space<vmem>> -> memref<128x32xf32, #tpu.memory_space<vmem>>
          %dma_start3A_1114 = arith.constant 0 : i32
          %dma_start3A_1115 = tpu.memref_slice %arg12[%select_n3A_1103, %dma_start3A_1114] : memref<94x128xi32, #tpu.memory_space<vmem>> -> memref<1x128xi32, #tpu.memory_space<vmem>>
          %dma_start3A_1116 = tpu.memref_squeeze %dma_start3A_1115 : memref<1x128xi32, #tpu.memory_space<vmem>> -> memref<128xi32, #tpu.memory_space<vmem>>
          %dma_start3A_1117 = arith.constant 0 : i32
          %dma_start3A_1118 = arith.constant 0 : i32
          %dma_start3A_1119 = tpu.memref_slice %arg8[%arg0, %dma_start3A_1117, %dma_start3A_1118] : memref<2x8832x32xf32, #tpu.memory_space<hbm>> -> memref<1x8832x32xf32, #tpu.memory_space<hbm>>
          %dma_start3A_1120 = tpu.memref_squeeze %dma_start3A_1119 : memref<1x8832x32xf32, #tpu.memory_space<hbm>> -> memref<8832x32xf32, #tpu.memory_space<hbm>>
          %dma_start3A_1121 = arith.constant 0 : i32
          %dma_start3A_1122 = arith.constant 0 : i32
          %dma_start3A_1123 = tpu.memref_slice %dma_start3A_1120[%dma_start3A_1121, %dma_start3A_1122] : memref<8832x32xf32, #tpu.memory_space<hbm>> -> memref<8832x32xf32, #tpu.memory_space<hbm>>
          tpu.enqueue_indirect_dma source(%dma_start3A_1123 : memref<8832x32xf32, #tpu.memory_space<hbm>>) target(%dma_start3A_1113 : memref<128x32xf32, #tpu.memory_space<vmem>>) offsets(%dma_start3A_1116 : memref<128xi32, #tpu.memory_space<vmem>>) semaphore(%arg34 : memref<!tpu.dma_semaphore, #tpu.memory_space<semaphore_mem>>)
        } else {
        }
        %mul3A_1035 = arith.constant 8 : i32
        %mul3A_1036 = arith.muli %add3A_970, %mul3A_1035 : i32
        %add3A_1037 = arith.constant 0 : i32
        %add3A_1038 = arith.addi %mul3A_1036, %add3A_1037 : i32
        %lt3A_1039 = arith.cmpi slt, %add3A_1038, %add3A_880 : i32
        %convert_element_type3A_1040 = arith.extui %lt3A_1039 : i1 to i32
        %cond3A_1041 = arith.constant 0 : i32
        %cond3A_1042 = arith.cmpi ne, %convert_element_type3A_1040, %cond3A_1041 : i32
        scf.if %cond3A_1042 {
          %lt3A_1099 = arith.cmpi slt, %add3A_1038, %get3A_875 : i32
          %add3A_1100 = arith.addi %select_n3A_843, %add3A_1038 : i32
          %sub3A_1101 = arith.subi %add3A_1038, %get3A_875 : i32
          %add3A_1102 = arith.addi %select_n3A_871, %sub3A_1101 : i32
          %select_n3A_1103 = arith.select %lt3A_1099, %add3A_1100, %add3A_1102 : i32
          %dma_wait3A_1104 = arith.constant 0 : i32
          %dma_wait3A_1105 = arith.constant 0 : i32
          %dma_wait3A_1106 = arith.constant 0 : i32
          %dma_wait3A_1107 = tpu.memref_slice %arg14[%dma_wait3A_1104, %dma_wait3A_1105, %dma_wait3A_1106] : memref<8x128x32xf32, #tpu.memory_space<vmem>> -> memref<1x128x32xf32, #tpu.memory_space<vmem>>
          %dma_wait3A_1108 = tpu.memref_squeeze %dma_wait3A_1107 : memref<1x128x32xf32, #tpu.memory_space<vmem>> -> memref<128x32xf32, #tpu.memory_space<vmem>>
          %dma_wait3A_1109 = arith.constant 0 : i32
          %dma_wait3A_1110 = tpu.memref_slice %arg12[%select_n3A_1103, %dma_wait3A_1109] : memref<94x128xi32, #tpu.memory_space<vmem>> -> memref<1x128xi32, #tpu.memory_space<vmem>>
          %dma_wait3A_1111 = tpu.memref_squeeze %dma_wait3A_1110 : memref<1x128xi32, #tpu.memory_space<vmem>> -> memref<128xi32, #tpu.memory_space<vmem>>
          %dma_wait3A_1112 = arith.constant 0 : i32
          %dma_wait3A_1113 = arith.constant 0 : i32
          %dma_wait3A_1114 = tpu.memref_slice %arg8[%arg0, %dma_wait3A_1112, %dma_wait3A_1113] : memref<2x8832x32xf32, #tpu.memory_space<hbm>> -> memref<1x8832x32xf32, #tpu.memory_space<hbm>>
          %dma_wait3A_1115 = tpu.memref_squeeze %dma_wait3A_1114 : memref<1x8832x32xf32, #tpu.memory_space<hbm>> -> memref<8832x32xf32, #tpu.memory_space<hbm>>
          %dma_wait3A_1116 = arith.constant 0 : i32
          %dma_wait3A_1117 = arith.constant 0 : i32
          %dma_wait3A_1118 = tpu.memref_slice %dma_wait3A_1115[%dma_wait3A_1116, %dma_wait3A_1117] : memref<8832x32xf32, #tpu.memory_space<hbm>> -> memref<8832x32xf32, #tpu.memory_space<hbm>>
          tpu.wait_indirect_dma semaphore(%arg27 : memref<!tpu.dma_semaphore, #tpu.memory_space<semaphore_mem>>) src(%dma_wait3A_1118 : memref<8832x32xf32, #tpu.memory_space<hbm>>) dst(%dma_wait3A_1108 : memref<128x32xf32, #tpu.memory_space<vmem>>)
          %dma_start3A_1119 = arith.constant 0 : i32
          %dma_start3A_1120 = arith.constant 0 : i32
          %dma_start3A_1121 = arith.constant 0 : i32
          %dma_start3A_1122 = tpu.memref_slice %arg14[%dma_start3A_1119, %dma_start3A_1120, %dma_start3A_1121] : memref<8x128x32xf32, #tpu.memory_space<vmem>> -> memref<1x128x32xf32, #tpu.memory_space<vmem>>
          %dma_start3A_1123 = tpu.memref_squeeze %dma_start3A_1122 : memref<1x128x32xf32, #tpu.memory_space<vmem>> -> memref<128x32xf32, #tpu.memory_space<vmem>>
          %dma_start3A_1124 = arith.constant 0 : i32
          %dma_start3A_1125 = tpu.memref_slice %arg13[%select_n3A_1103, %dma_start3A_1124] : memref<94x128xi32, #tpu.memory_space<vmem>> -> memref<1x128xi32, #tpu.memory_space<vmem>>
          %dma_start3A_1126 = tpu.memref_squeeze %dma_start3A_1125 : memref<1x128xi32, #tpu.memory_space<vmem>> -> memref<128xi32, #tpu.memory_space<vmem>>
          %dma_start3A_1127 = arith.constant 0 : i32
          %dma_start3A_1128 = arith.constant 0 : i32
          %dma_start3A_1129 = tpu.memref_slice %arg9[%dma_start3A_1127, %dma_start3A_1128] : memref<8832x32xf32, #tpu.memory_space<vmem_shared>> -> memref<8832x32xf32, #tpu.memory_space<vmem_shared>>
          tpu.enqueue_indirect_dma source(%dma_start3A_1123 : memref<128x32xf32, #tpu.memory_space<vmem>>) target(%dma_start3A_1129 : memref<8832x32xf32, #tpu.memory_space<vmem_shared>>) offsets(%dma_start3A_1126 : memref<128xi32, #tpu.memory_space<vmem>>) semaphore(%arg35 : memref<!tpu.dma_semaphore, #tpu.memory_space<semaphore_mem>>) {add = true}
        } else {
        }
        %mul3A_1043 = arith.constant 8 : i32
        %mul3A_1044 = arith.muli %add3A_970, %mul3A_1043 : i32
        %add3A_1045 = arith.constant 1 : i32
        %add3A_1046 = arith.addi %mul3A_1044, %add3A_1045 : i32
        %lt3A_1047 = arith.cmpi slt, %add3A_1046, %add3A_880 : i32
        %convert_element_type3A_1048 = arith.extui %lt3A_1047 : i1 to i32
        %cond3A_1049 = arith.constant 0 : i32
        %cond3A_1050 = arith.cmpi ne, %convert_element_type3A_1048, %cond3A_1049 : i32
        scf.if %cond3A_1050 {
          %lt3A_1099 = arith.cmpi slt, %add3A_1046, %get3A_875 : i32
          %add3A_1100 = arith.addi %select_n3A_843, %add3A_1046 : i32
          %sub3A_1101 = arith.subi %add3A_1046, %get3A_875 : i32
          %add3A_1102 = arith.addi %select_n3A_871, %sub3A_1101 : i32
          %select_n3A_1103 = arith.select %lt3A_1099, %add3A_1100, %add3A_1102 : i32
          %dma_wait3A_1104 = arith.constant 1 : i32
          %dma_wait3A_1105 = arith.constant 0 : i32
          %dma_wait3A_1106 = arith.constant 0 : i32
          %dma_wait3A_1107 = tpu.memref_slice %arg14[%dma_wait3A_1104, %dma_wait3A_1105, %dma_wait3A_1106] : memref<8x128x32xf32, #tpu.memory_space<vmem>> -> memref<1x128x32xf32, #tpu.memory_space<vmem>>
          %dma_wait3A_1108 = tpu.memref_squeeze %dma_wait3A_1107 : memref<1x128x32xf32, #tpu.memory_space<vmem>> -> memref<128x32xf32, #tpu.memory_space<vmem>>
          %dma_wait3A_1109 = arith.constant 0 : i32
          %dma_wait3A_1110 = tpu.memref_slice %arg12[%select_n3A_1103, %dma_wait3A_1109] : memref<94x128xi32, #tpu.memory_space<vmem>> -> memref<1x128xi32, #tpu.memory_space<vmem>>
          %dma_wait3A_1111 = tpu.memref_squeeze %dma_wait3A_1110 : memref<1x128xi32, #tpu.memory_space<vmem>> -> memref<128xi32, #tpu.memory_space<vmem>>
          %dma_wait3A_1112 = arith.constant 0 : i32
          %dma_wait3A_1113 = arith.constant 0 : i32
          %dma_wait3A_1114 = tpu.memref_slice %arg8[%arg0, %dma_wait3A_1112, %dma_wait3A_1113] : memref<2x8832x32xf32, #tpu.memory_space<hbm>> -> memref<1x8832x32xf32, #tpu.memory_space<hbm>>
          %dma_wait3A_1115 = tpu.memref_squeeze %dma_wait3A_1114 : memref<1x8832x32xf32, #tpu.memory_space<hbm>> -> memref<8832x32xf32, #tpu.memory_space<hbm>>
          %dma_wait3A_1116 = arith.constant 0 : i32
          %dma_wait3A_1117 = arith.constant 0 : i32
          %dma_wait3A_1118 = tpu.memref_slice %dma_wait3A_1115[%dma_wait3A_1116, %dma_wait3A_1117] : memref<8832x32xf32, #tpu.memory_space<hbm>> -> memref<8832x32xf32, #tpu.memory_space<hbm>>
          tpu.wait_indirect_dma semaphore(%arg28 : memref<!tpu.dma_semaphore, #tpu.memory_space<semaphore_mem>>) src(%dma_wait3A_1118 : memref<8832x32xf32, #tpu.memory_space<hbm>>) dst(%dma_wait3A_1108 : memref<128x32xf32, #tpu.memory_space<vmem>>)
          %dma_start3A_1119 = arith.constant 1 : i32
          %dma_start3A_1120 = arith.constant 0 : i32
          %dma_start3A_1121 = arith.constant 0 : i32
          %dma_start3A_1122 = tpu.memref_slice %arg14[%dma_start3A_1119, %dma_start3A_1120, %dma_start3A_1121] : memref<8x128x32xf32, #tpu.memory_space<vmem>> -> memref<1x128x32xf32, #tpu.memory_space<vmem>>
          %dma_start3A_1123 = tpu.memref_squeeze %dma_start3A_1122 : memref<1x128x32xf32, #tpu.memory_space<vmem>> -> memref<128x32xf32, #tpu.memory_space<vmem>>
          %dma_start3A_1124 = arith.constant 0 : i32
          %dma_start3A_1125 = tpu.memref_slice %arg13[%select_n3A_1103, %dma_start3A_1124] : memref<94x128xi32, #tpu.memory_space<vmem>> -> memref<1x128xi32, #tpu.memory_space<vmem>>
          %dma_start3A_1126 = tpu.memref_squeeze %dma_start3A_1125 : memref<1x128xi32, #tpu.memory_space<vmem>> -> memref<128xi32, #tpu.memory_space<vmem>>
          %dma_start3A_1127 = arith.constant 0 : i32
          %dma_start3A_1128 = arith.constant 0 : i32
          %dma_start3A_1129 = tpu.memref_slice %arg9[%dma_start3A_1127, %dma_start3A_1128] : memref<8832x32xf32, #tpu.memory_space<vmem_shared>> -> memref<8832x32xf32, #tpu.memory_space<vmem_shared>>
          tpu.enqueue_indirect_dma source(%dma_start3A_1123 : memref<128x32xf32, #tpu.memory_space<vmem>>) target(%dma_start3A_1129 : memref<8832x32xf32, #tpu.memory_space<vmem_shared>>) offsets(%dma_start3A_1126 : memref<128xi32, #tpu.memory_space<vmem>>) semaphore(%arg36 : memref<!tpu.dma_semaphore, #tpu.memory_space<semaphore_mem>>) {add = true}
        } else {
        }
        %mul3A_1051 = arith.constant 8 : i32
        %mul3A_1052 = arith.muli %add3A_970, %mul3A_1051 : i32
        %add3A_1053 = arith.constant 2 : i32
        %add3A_1054 = arith.addi %mul3A_1052, %add3A_1053 : i32
        %lt3A_1055 = arith.cmpi slt, %add3A_1054, %add3A_880 : i32
        %convert_element_type3A_1056 = arith.extui %lt3A_1055 : i1 to i32
        %cond3A_1057 = arith.constant 0 : i32
        %cond3A_1058 = arith.cmpi ne, %convert_element_type3A_1056, %cond3A_1057 : i32
        scf.if %cond3A_1058 {
          %lt3A_1099 = arith.cmpi slt, %add3A_1054, %get3A_875 : i32
          %add3A_1100 = arith.addi %select_n3A_843, %add3A_1054 : i32
          %sub3A_1101 = arith.subi %add3A_1054, %get3A_875 : i32
          %add3A_1102 = arith.addi %select_n3A_871, %sub3A_1101 : i32
          %select_n3A_1103 = arith.select %lt3A_1099, %add3A_1100, %add3A_1102 : i32
          %dma_wait3A_1104 = arith.constant 2 : i32
          %dma_wait3A_1105 = arith.constant 0 : i32
          %dma_wait3A_1106 = arith.constant 0 : i32
          %dma_wait3A_1107 = tpu.memref_slice %arg14[%dma_wait3A_1104, %dma_wait3A_1105, %dma_wait3A_1106] : memref<8x128x32xf32, #tpu.memory_space<vmem>> -> memref<1x128x32xf32, #tpu.memory_space<vmem>>
          %dma_wait3A_1108 = tpu.memref_squeeze %dma_wait3A_1107 : memref<1x128x32xf32, #tpu.memory_space<vmem>> -> memref<128x32xf32, #tpu.memory_space<vmem>>
          %dma_wait3A_1109 = arith.constant 0 : i32
          %dma_wait3A_1110 = tpu.memref_slice %arg12[%select_n3A_1103, %dma_wait3A_1109] : memref<94x128xi32, #tpu.memory_space<vmem>> -> memref<1x128xi32, #tpu.memory_space<vmem>>
          %dma_wait3A_1111 = tpu.memref_squeeze %dma_wait3A_1110 : memref<1x128xi32, #tpu.memory_space<vmem>> -> memref<128xi32, #tpu.memory_space<vmem>>
          %dma_wait3A_1112 = arith.constant 0 : i32
          %dma_wait3A_1113 = arith.constant 0 : i32
          %dma_wait3A_1114 = tpu.memref_slice %arg8[%arg0, %dma_wait3A_1112, %dma_wait3A_1113] : memref<2x8832x32xf32, #tpu.memory_space<hbm>> -> memref<1x8832x32xf32, #tpu.memory_space<hbm>>
          %dma_wait3A_1115 = tpu.memref_squeeze %dma_wait3A_1114 : memref<1x8832x32xf32, #tpu.memory_space<hbm>> -> memref<8832x32xf32, #tpu.memory_space<hbm>>
          %dma_wait3A_1116 = arith.constant 0 : i32
          %dma_wait3A_1117 = arith.constant 0 : i32
          %dma_wait3A_1118 = tpu.memref_slice %dma_wait3A_1115[%dma_wait3A_1116, %dma_wait3A_1117] : memref<8832x32xf32, #tpu.memory_space<hbm>> -> memref<8832x32xf32, #tpu.memory_space<hbm>>
          tpu.wait_indirect_dma semaphore(%arg29 : memref<!tpu.dma_semaphore, #tpu.memory_space<semaphore_mem>>) src(%dma_wait3A_1118 : memref<8832x32xf32, #tpu.memory_space<hbm>>) dst(%dma_wait3A_1108 : memref<128x32xf32, #tpu.memory_space<vmem>>)
          %dma_start3A_1119 = arith.constant 2 : i32
          %dma_start3A_1120 = arith.constant 0 : i32
          %dma_start3A_1121 = arith.constant 0 : i32
          %dma_start3A_1122 = tpu.memref_slice %arg14[%dma_start3A_1119, %dma_start3A_1120, %dma_start3A_1121] : memref<8x128x32xf32, #tpu.memory_space<vmem>> -> memref<1x128x32xf32, #tpu.memory_space<vmem>>
          %dma_start3A_1123 = tpu.memref_squeeze %dma_start3A_1122 : memref<1x128x32xf32, #tpu.memory_space<vmem>> -> memref<128x32xf32, #tpu.memory_space<vmem>>
          %dma_start3A_1124 = arith.constant 0 : i32
          %dma_start3A_1125 = tpu.memref_slice %arg13[%select_n3A_1103, %dma_start3A_1124] : memref<94x128xi32, #tpu.memory_space<vmem>> -> memref<1x128xi32, #tpu.memory_space<vmem>>
          %dma_start3A_1126 = tpu.memref_squeeze %dma_start3A_1125 : memref<1x128xi32, #tpu.memory_space<vmem>> -> memref<128xi32, #tpu.memory_space<vmem>>
          %dma_start3A_1127 = arith.constant 0 : i32
          %dma_start3A_1128 = arith.constant 0 : i32
          %dma_start3A_1129 = tpu.memref_slice %arg9[%dma_start3A_1127, %dma_start3A_1128] : memref<8832x32xf32, #tpu.memory_space<vmem_shared>> -> memref<8832x32xf32, #tpu.memory_space<vmem_shared>>
          tpu.enqueue_indirect_dma source(%dma_start3A_1123 : memref<128x32xf32, #tpu.memory_space<vmem>>) target(%dma_start3A_1129 : memref<8832x32xf32, #tpu.memory_space<vmem_shared>>) offsets(%dma_start3A_1126 : memref<128xi32, #tpu.memory_space<vmem>>) semaphore(%arg37 : memref<!tpu.dma_semaphore, #tpu.memory_space<semaphore_mem>>) {add = true}
        } else {
        }
        %mul3A_1059 = arith.constant 8 : i32
        %mul3A_1060 = arith.muli %add3A_970, %mul3A_1059 : i32
        %add3A_1061 = arith.constant 3 : i32
        %add3A_1062 = arith.addi %mul3A_1060, %add3A_1061 : i32
        %lt3A_1063 = arith.cmpi slt, %add3A_1062, %add3A_880 : i32
        %convert_element_type3A_1064 = arith.extui %lt3A_1063 : i1 to i32
        %cond3A_1065 = arith.constant 0 : i32
        %cond3A_1066 = arith.cmpi ne, %convert_element_type3A_1064, %cond3A_1065 : i32
        scf.if %cond3A_1066 {
          %lt3A_1099 = arith.cmpi slt, %add3A_1062, %get3A_875 : i32
          %add3A_1100 = arith.addi %select_n3A_843, %add3A_1062 : i32
          %sub3A_1101 = arith.subi %add3A_1062, %get3A_875 : i32
          %add3A_1102 = arith.addi %select_n3A_871, %sub3A_1101 : i32
          %select_n3A_1103 = arith.select %lt3A_1099, %add3A_1100, %add3A_1102 : i32
          %dma_wait3A_1104 = arith.constant 3 : i32
          %dma_wait3A_1105 = arith.constant 0 : i32
          %dma_wait3A_1106 = arith.constant 0 : i32
          %dma_wait3A_1107 = tpu.memref_slice %arg14[%dma_wait3A_1104, %dma_wait3A_1105, %dma_wait3A_1106] : memref<8x128x32xf32, #tpu.memory_space<vmem>> -> memref<1x128x32xf32, #tpu.memory_space<vmem>>
          %dma_wait3A_1108 = tpu.memref_squeeze %dma_wait3A_1107 : memref<1x128x32xf32, #tpu.memory_space<vmem>> -> memref<128x32xf32, #tpu.memory_space<vmem>>
          %dma_wait3A_1109 = arith.constant 0 : i32
          %dma_wait3A_1110 = tpu.memref_slice %arg12[%select_n3A_1103, %dma_wait3A_1109] : memref<94x128xi32, #tpu.memory_space<vmem>> -> memref<1x128xi32, #tpu.memory_space<vmem>>
          %dma_wait3A_1111 = tpu.memref_squeeze %dma_wait3A_1110 : memref<1x128xi32, #tpu.memory_space<vmem>> -> memref<128xi32, #tpu.memory_space<vmem>>
          %dma_wait3A_1112 = arith.constant 0 : i32
          %dma_wait3A_1113 = arith.constant 0 : i32
          %dma_wait3A_1114 = tpu.memref_slice %arg8[%arg0, %dma_wait3A_1112, %dma_wait3A_1113] : memref<2x8832x32xf32, #tpu.memory_space<hbm>> -> memref<1x8832x32xf32, #tpu.memory_space<hbm>>
          %dma_wait3A_1115 = tpu.memref_squeeze %dma_wait3A_1114 : memref<1x8832x32xf32, #tpu.memory_space<hbm>> -> memref<8832x32xf32, #tpu.memory_space<hbm>>
          %dma_wait3A_1116 = arith.constant 0 : i32
          %dma_wait3A_1117 = arith.constant 0 : i32
          %dma_wait3A_1118 = tpu.memref_slice %dma_wait3A_1115[%dma_wait3A_1116, %dma_wait3A_1117] : memref<8832x32xf32, #tpu.memory_space<hbm>> -> memref<8832x32xf32, #tpu.memory_space<hbm>>
          tpu.wait_indirect_dma semaphore(%arg30 : memref<!tpu.dma_semaphore, #tpu.memory_space<semaphore_mem>>) src(%dma_wait3A_1118 : memref<8832x32xf32, #tpu.memory_space<hbm>>) dst(%dma_wait3A_1108 : memref<128x32xf32, #tpu.memory_space<vmem>>)
          %dma_start3A_1119 = arith.constant 3 : i32
          %dma_start3A_1120 = arith.constant 0 : i32
          %dma_start3A_1121 = arith.constant 0 : i32
          %dma_start3A_1122 = tpu.memref_slice %arg14[%dma_start3A_1119, %dma_start3A_1120, %dma_start3A_1121] : memref<8x128x32xf32, #tpu.memory_space<vmem>> -> memref<1x128x32xf32, #tpu.memory_space<vmem>>
          %dma_start3A_1123 = tpu.memref_squeeze %dma_start3A_1122 : memref<1x128x32xf32, #tpu.memory_space<vmem>> -> memref<128x32xf32, #tpu.memory_space<vmem>>
          %dma_start3A_1124 = arith.constant 0 : i32
          %dma_start3A_1125 = tpu.memref_slice %arg13[%select_n3A_1103, %dma_start3A_1124] : memref<94x128xi32, #tpu.memory_space<vmem>> -> memref<1x128xi32, #tpu.memory_space<vmem>>
          %dma_start3A_1126 = tpu.memref_squeeze %dma_start3A_1125 : memref<1x128xi32, #tpu.memory_space<vmem>> -> memref<128xi32, #tpu.memory_space<vmem>>
          %dma_start3A_1127 = arith.constant 0 : i32
          %dma_start3A_1128 = arith.constant 0 : i32
          %dma_start3A_1129 = tpu.memref_slice %arg9[%dma_start3A_1127, %dma_start3A_1128] : memref<8832x32xf32, #tpu.memory_space<vmem_shared>> -> memref<8832x32xf32, #tpu.memory_space<vmem_shared>>
          tpu.enqueue_indirect_dma source(%dma_start3A_1123 : memref<128x32xf32, #tpu.memory_space<vmem>>) target(%dma_start3A_1129 : memref<8832x32xf32, #tpu.memory_space<vmem_shared>>) offsets(%dma_start3A_1126 : memref<128xi32, #tpu.memory_space<vmem>>) semaphore(%arg38 : memref<!tpu.dma_semaphore, #tpu.memory_space<semaphore_mem>>) {add = true}
        } else {
        }
        %mul3A_1067 = arith.constant 8 : i32
        %mul3A_1068 = arith.muli %add3A_970, %mul3A_1067 : i32
        %add3A_1069 = arith.constant 4 : i32
        %add3A_1070 = arith.addi %mul3A_1068, %add3A_1069 : i32
        %lt3A_1071 = arith.cmpi slt, %add3A_1070, %add3A_880 : i32
        %convert_element_type3A_1072 = arith.extui %lt3A_1071 : i1 to i32
        %cond3A_1073 = arith.constant 0 : i32
        %cond3A_1074 = arith.cmpi ne, %convert_element_type3A_1072, %cond3A_1073 : i32
        scf.if %cond3A_1074 {
          %lt3A_1099 = arith.cmpi slt, %add3A_1070, %get3A_875 : i32
          %add3A_1100 = arith.addi %select_n3A_843, %add3A_1070 : i32
          %sub3A_1101 = arith.subi %add3A_1070, %get3A_875 : i32
          %add3A_1102 = arith.addi %select_n3A_871, %sub3A_1101 : i32
          %select_n3A_1103 = arith.select %lt3A_1099, %add3A_1100, %add3A_1102 : i32
          %dma_wait3A_1104 = arith.constant 4 : i32
          %dma_wait3A_1105 = arith.constant 0 : i32
          %dma_wait3A_1106 = arith.constant 0 : i32
          %dma_wait3A_1107 = tpu.memref_slice %arg14[%dma_wait3A_1104, %dma_wait3A_1105, %dma_wait3A_1106] : memref<8x128x32xf32, #tpu.memory_space<vmem>> -> memref<1x128x32xf32, #tpu.memory_space<vmem>>
          %dma_wait3A_1108 = tpu.memref_squeeze %dma_wait3A_1107 : memref<1x128x32xf32, #tpu.memory_space<vmem>> -> memref<128x32xf32, #tpu.memory_space<vmem>>
          %dma_wait3A_1109 = arith.constant 0 : i32
          %dma_wait3A_1110 = tpu.memref_slice %arg12[%select_n3A_1103, %dma_wait3A_1109] : memref<94x128xi32, #tpu.memory_space<vmem>> -> memref<1x128xi32, #tpu.memory_space<vmem>>
          %dma_wait3A_1111 = tpu.memref_squeeze %dma_wait3A_1110 : memref<1x128xi32, #tpu.memory_space<vmem>> -> memref<128xi32, #tpu.memory_space<vmem>>
          %dma_wait3A_1112 = arith.constant 0 : i32
          %dma_wait3A_1113 = arith.constant 0 : i32
          %dma_wait3A_1114 = tpu.memref_slice %arg8[%arg0, %dma_wait3A_1112, %dma_wait3A_1113] : memref<2x8832x32xf32, #tpu.memory_space<hbm>> -> memref<1x8832x32xf32, #tpu.memory_space<hbm>>
          %dma_wait3A_1115 = tpu.memref_squeeze %dma_wait3A_1114 : memref<1x8832x32xf32, #tpu.memory_space<hbm>> -> memref<8832x32xf32, #tpu.memory_space<hbm>>
          %dma_wait3A_1116 = arith.constant 0 : i32
          %dma_wait3A_1117 = arith.constant 0 : i32
          %dma_wait3A_1118 = tpu.memref_slice %dma_wait3A_1115[%dma_wait3A_1116, %dma_wait3A_1117] : memref<8832x32xf32, #tpu.memory_space<hbm>> -> memref<8832x32xf32, #tpu.memory_space<hbm>>
          tpu.wait_indirect_dma semaphore(%arg31 : memref<!tpu.dma_semaphore, #tpu.memory_space<semaphore_mem>>) src(%dma_wait3A_1118 : memref<8832x32xf32, #tpu.memory_space<hbm>>) dst(%dma_wait3A_1108 : memref<128x32xf32, #tpu.memory_space<vmem>>)
          %dma_start3A_1119 = arith.constant 4 : i32
          %dma_start3A_1120 = arith.constant 0 : i32
          %dma_start3A_1121 = arith.constant 0 : i32
          %dma_start3A_1122 = tpu.memref_slice %arg14[%dma_start3A_1119, %dma_start3A_1120, %dma_start3A_1121] : memref<8x128x32xf32, #tpu.memory_space<vmem>> -> memref<1x128x32xf32, #tpu.memory_space<vmem>>
          %dma_start3A_1123 = tpu.memref_squeeze %dma_start3A_1122 : memref<1x128x32xf32, #tpu.memory_space<vmem>> -> memref<128x32xf32, #tpu.memory_space<vmem>>
          %dma_start3A_1124 = arith.constant 0 : i32
          %dma_start3A_1125 = tpu.memref_slice %arg13[%select_n3A_1103, %dma_start3A_1124] : memref<94x128xi32, #tpu.memory_space<vmem>> -> memref<1x128xi32, #tpu.memory_space<vmem>>
          %dma_start3A_1126 = tpu.memref_squeeze %dma_start3A_1125 : memref<1x128xi32, #tpu.memory_space<vmem>> -> memref<128xi32, #tpu.memory_space<vmem>>
          %dma_start3A_1127 = arith.constant 0 : i32
          %dma_start3A_1128 = arith.constant 0 : i32
          %dma_start3A_1129 = tpu.memref_slice %arg9[%dma_start3A_1127, %dma_start3A_1128] : memref<8832x32xf32, #tpu.memory_space<vmem_shared>> -> memref<8832x32xf32, #tpu.memory_space<vmem_shared>>
          tpu.enqueue_indirect_dma source(%dma_start3A_1123 : memref<128x32xf32, #tpu.memory_space<vmem>>) target(%dma_start3A_1129 : memref<8832x32xf32, #tpu.memory_space<vmem_shared>>) offsets(%dma_start3A_1126 : memref<128xi32, #tpu.memory_space<vmem>>) semaphore(%arg39 : memref<!tpu.dma_semaphore, #tpu.memory_space<semaphore_mem>>) {add = true}
        } else {
        }
        %mul3A_1075 = arith.constant 8 : i32
        %mul3A_1076 = arith.muli %add3A_970, %mul3A_1075 : i32
        %add3A_1077 = arith.constant 5 : i32
        %add3A_1078 = arith.addi %mul3A_1076, %add3A_1077 : i32
        %lt3A_1079 = arith.cmpi slt, %add3A_1078, %add3A_880 : i32
        %convert_element_type3A_1080 = arith.extui %lt3A_1079 : i1 to i32
        %cond3A_1081 = arith.constant 0 : i32
        %cond3A_1082 = arith.cmpi ne, %convert_element_type3A_1080, %cond3A_1081 : i32
        scf.if %cond3A_1082 {
          %lt3A_1099 = arith.cmpi slt, %add3A_1078, %get3A_875 : i32
          %add3A_1100 = arith.addi %select_n3A_843, %add3A_1078 : i32
          %sub3A_1101 = arith.subi %add3A_1078, %get3A_875 : i32
          %add3A_1102 = arith.addi %select_n3A_871, %sub3A_1101 : i32
          %select_n3A_1103 = arith.select %lt3A_1099, %add3A_1100, %add3A_1102 : i32
          %dma_wait3A_1104 = arith.constant 5 : i32
          %dma_wait3A_1105 = arith.constant 0 : i32
          %dma_wait3A_1106 = arith.constant 0 : i32
          %dma_wait3A_1107 = tpu.memref_slice %arg14[%dma_wait3A_1104, %dma_wait3A_1105, %dma_wait3A_1106] : memref<8x128x32xf32, #tpu.memory_space<vmem>> -> memref<1x128x32xf32, #tpu.memory_space<vmem>>
          %dma_wait3A_1108 = tpu.memref_squeeze %dma_wait3A_1107 : memref<1x128x32xf32, #tpu.memory_space<vmem>> -> memref<128x32xf32, #tpu.memory_space<vmem>>
          %dma_wait3A_1109 = arith.constant 0 : i32
          %dma_wait3A_1110 = tpu.memref_slice %arg12[%select_n3A_1103, %dma_wait3A_1109] : memref<94x128xi32, #tpu.memory_space<vmem>> -> memref<1x128xi32, #tpu.memory_space<vmem>>
          %dma_wait3A_1111 = tpu.memref_squeeze %dma_wait3A_1110 : memref<1x128xi32, #tpu.memory_space<vmem>> -> memref<128xi32, #tpu.memory_space<vmem>>
          %dma_wait3A_1112 = arith.constant 0 : i32
          %dma_wait3A_1113 = arith.constant 0 : i32
          %dma_wait3A_1114 = tpu.memref_slice %arg8[%arg0, %dma_wait3A_1112, %dma_wait3A_1113] : memref<2x8832x32xf32, #tpu.memory_space<hbm>> -> memref<1x8832x32xf32, #tpu.memory_space<hbm>>
          %dma_wait3A_1115 = tpu.memref_squeeze %dma_wait3A_1114 : memref<1x8832x32xf32, #tpu.memory_space<hbm>> -> memref<8832x32xf32, #tpu.memory_space<hbm>>
          %dma_wait3A_1116 = arith.constant 0 : i32
          %dma_wait3A_1117 = arith.constant 0 : i32
          %dma_wait3A_1118 = tpu.memref_slice %dma_wait3A_1115[%dma_wait3A_1116, %dma_wait3A_1117] : memref<8832x32xf32, #tpu.memory_space<hbm>> -> memref<8832x32xf32, #tpu.memory_space<hbm>>
          tpu.wait_indirect_dma semaphore(%arg32 : memref<!tpu.dma_semaphore, #tpu.memory_space<semaphore_mem>>) src(%dma_wait3A_1118 : memref<8832x32xf32, #tpu.memory_space<hbm>>) dst(%dma_wait3A_1108 : memref<128x32xf32, #tpu.memory_space<vmem>>)
          %dma_start3A_1119 = arith.constant 5 : i32
          %dma_start3A_1120 = arith.constant 0 : i32
          %dma_start3A_1121 = arith.constant 0 : i32
          %dma_start3A_1122 = tpu.memref_slice %arg14[%dma_start3A_1119, %dma_start3A_1120, %dma_start3A_1121] : memref<8x128x32xf32, #tpu.memory_space<vmem>> -> memref<1x128x32xf32, #tpu.memory_space<vmem>>
          %dma_start3A_1123 = tpu.memref_squeeze %dma_start3A_1122 : memref<1x128x32xf32, #tpu.memory_space<vmem>> -> memref<128x32xf32, #tpu.memory_space<vmem>>
          %dma_start3A_1124 = arith.constant 0 : i32
          %dma_start3A_1125 = tpu.memref_slice %arg13[%select_n3A_1103, %dma_start3A_1124] : memref<94x128xi32, #tpu.memory_space<vmem>> -> memref<1x128xi32, #tpu.memory_space<vmem>>
          %dma_start3A_1126 = tpu.memref_squeeze %dma_start3A_1125 : memref<1x128xi32, #tpu.memory_space<vmem>> -> memref<128xi32, #tpu.memory_space<vmem>>
          %dma_start3A_1127 = arith.constant 0 : i32
          %dma_start3A_1128 = arith.constant 0 : i32
          %dma_start3A_1129 = tpu.memref_slice %arg9[%dma_start3A_1127, %dma_start3A_1128] : memref<8832x32xf32, #tpu.memory_space<vmem_shared>> -> memref<8832x32xf32, #tpu.memory_space<vmem_shared>>
          tpu.enqueue_indirect_dma source(%dma_start3A_1123 : memref<128x32xf32, #tpu.memory_space<vmem>>) target(%dma_start3A_1129 : memref<8832x32xf32, #tpu.memory_space<vmem_shared>>) offsets(%dma_start3A_1126 : memref<128xi32, #tpu.memory_space<vmem>>) semaphore(%arg40 : memref<!tpu.dma_semaphore, #tpu.memory_space<semaphore_mem>>) {add = true}
        } else {
        }
        %mul3A_1083 = arith.constant 8 : i32
        %mul3A_1084 = arith.muli %add3A_970, %mul3A_1083 : i32
        %add3A_1085 = arith.constant 6 : i32
        %add3A_1086 = arith.addi %mul3A_1084, %add3A_1085 : i32
        %lt3A_1087 = arith.cmpi slt, %add3A_1086, %add3A_880 : i32
        %convert_element_type3A_1088 = arith.extui %lt3A_1087 : i1 to i32
        %cond3A_1089 = arith.constant 0 : i32
        %cond3A_1090 = arith.cmpi ne, %convert_element_type3A_1088, %cond3A_1089 : i32
        scf.if %cond3A_1090 {
          %lt3A_1099 = arith.cmpi slt, %add3A_1086, %get3A_875 : i32
          %add3A_1100 = arith.addi %select_n3A_843, %add3A_1086 : i32
          %sub3A_1101 = arith.subi %add3A_1086, %get3A_875 : i32
          %add3A_1102 = arith.addi %select_n3A_871, %sub3A_1101 : i32
          %select_n3A_1103 = arith.select %lt3A_1099, %add3A_1100, %add3A_1102 : i32
          %dma_wait3A_1104 = arith.constant 6 : i32
          %dma_wait3A_1105 = arith.constant 0 : i32
          %dma_wait3A_1106 = arith.constant 0 : i32
          %dma_wait3A_1107 = tpu.memref_slice %arg14[%dma_wait3A_1104, %dma_wait3A_1105, %dma_wait3A_1106] : memref<8x128x32xf32, #tpu.memory_space<vmem>> -> memref<1x128x32xf32, #tpu.memory_space<vmem>>
          %dma_wait3A_1108 = tpu.memref_squeeze %dma_wait3A_1107 : memref<1x128x32xf32, #tpu.memory_space<vmem>> -> memref<128x32xf32, #tpu.memory_space<vmem>>
          %dma_wait3A_1109 = arith.constant 0 : i32
          %dma_wait3A_1110 = tpu.memref_slice %arg12[%select_n3A_1103, %dma_wait3A_1109] : memref<94x128xi32, #tpu.memory_space<vmem>> -> memref<1x128xi32, #tpu.memory_space<vmem>>
          %dma_wait3A_1111 = tpu.memref_squeeze %dma_wait3A_1110 : memref<1x128xi32, #tpu.memory_space<vmem>> -> memref<128xi32, #tpu.memory_space<vmem>>
          %dma_wait3A_1112 = arith.constant 0 : i32
          %dma_wait3A_1113 = arith.constant 0 : i32
          %dma_wait3A_1114 = tpu.memref_slice %arg8[%arg0, %dma_wait3A_1112, %dma_wait3A_1113] : memref<2x8832x32xf32, #tpu.memory_space<hbm>> -> memref<1x8832x32xf32, #tpu.memory_space<hbm>>
          %dma_wait3A_1115 = tpu.memref_squeeze %dma_wait3A_1114 : memref<1x8832x32xf32, #tpu.memory_space<hbm>> -> memref<8832x32xf32, #tpu.memory_space<hbm>>
          %dma_wait3A_1116 = arith.constant 0 : i32
          %dma_wait3A_1117 = arith.constant 0 : i32
          %dma_wait3A_1118 = tpu.memref_slice %dma_wait3A_1115[%dma_wait3A_1116, %dma_wait3A_1117] : memref<8832x32xf32, #tpu.memory_space<hbm>> -> memref<8832x32xf32, #tpu.memory_space<hbm>>
          tpu.wait_indirect_dma semaphore(%arg33 : memref<!tpu.dma_semaphore, #tpu.memory_space<semaphore_mem>>) src(%dma_wait3A_1118 : memref<8832x32xf32, #tpu.memory_space<hbm>>) dst(%dma_wait3A_1108 : memref<128x32xf32, #tpu.memory_space<vmem>>)
          %dma_start3A_1119 = arith.constant 6 : i32
          %dma_start3A_1120 = arith.constant 0 : i32
          %dma_start3A_1121 = arith.constant 0 : i32
          %dma_start3A_1122 = tpu.memref_slice %arg14[%dma_start3A_1119, %dma_start3A_1120, %dma_start3A_1121] : memref<8x128x32xf32, #tpu.memory_space<vmem>> -> memref<1x128x32xf32, #tpu.memory_space<vmem>>
          %dma_start3A_1123 = tpu.memref_squeeze %dma_start3A_1122 : memref<1x128x32xf32, #tpu.memory_space<vmem>> -> memref<128x32xf32, #tpu.memory_space<vmem>>
          %dma_start3A_1124 = arith.constant 0 : i32
          %dma_start3A_1125 = tpu.memref_slice %arg13[%select_n3A_1103, %dma_start3A_1124] : memref<94x128xi32, #tpu.memory_space<vmem>> -> memref<1x128xi32, #tpu.memory_space<vmem>>
          %dma_start3A_1126 = tpu.memref_squeeze %dma_start3A_1125 : memref<1x128xi32, #tpu.memory_space<vmem>> -> memref<128xi32, #tpu.memory_space<vmem>>
          %dma_start3A_1127 = arith.constant 0 : i32
          %dma_start3A_1128 = arith.constant 0 : i32
          %dma_start3A_1129 = tpu.memref_slice %arg9[%dma_start3A_1127, %dma_start3A_1128] : memref<8832x32xf32, #tpu.memory_space<vmem_shared>> -> memref<8832x32xf32, #tpu.memory_space<vmem_shared>>
          tpu.enqueue_indirect_dma source(%dma_start3A_1123 : memref<128x32xf32, #tpu.memory_space<vmem>>) target(%dma_start3A_1129 : memref<8832x32xf32, #tpu.memory_space<vmem_shared>>) offsets(%dma_start3A_1126 : memref<128xi32, #tpu.memory_space<vmem>>) semaphore(%arg41 : memref<!tpu.dma_semaphore, #tpu.memory_space<semaphore_mem>>) {add = true}
        } else {
        }
        %mul3A_1091 = arith.constant 8 : i32
        %mul3A_1092 = arith.muli %add3A_970, %mul3A_1091 : i32
        %add3A_1093 = arith.constant 7 : i32
        %add3A_1094 = arith.addi %mul3A_1092, %add3A_1093 : i32
        %lt3A_1095 = arith.cmpi slt, %add3A_1094, %add3A_880 : i32
        %convert_element_type3A_1096 = arith.extui %lt3A_1095 : i1 to i32
        %cond3A_1097 = arith.constant 0 : i32
        %cond3A_1098 = arith.cmpi ne, %convert_element_type3A_1096, %cond3A_1097 : i32
        scf.if %cond3A_1098 {
          %lt3A_1099 = arith.cmpi slt, %add3A_1094, %get3A_875 : i32
          %add3A_1100 = arith.addi %select_n3A_843, %add3A_1094 : i32
          %sub3A_1101 = arith.subi %add3A_1094, %get3A_875 : i32
          %add3A_1102 = arith.addi %select_n3A_871, %sub3A_1101 : i32
          %select_n3A_1103 = arith.select %lt3A_1099, %add3A_1100, %add3A_1102 : i32
          %dma_wait3A_1104 = arith.constant 7 : i32
          %dma_wait3A_1105 = arith.constant 0 : i32
          %dma_wait3A_1106 = arith.constant 0 : i32
          %dma_wait3A_1107 = tpu.memref_slice %arg14[%dma_wait3A_1104, %dma_wait3A_1105, %dma_wait3A_1106] : memref<8x128x32xf32, #tpu.memory_space<vmem>> -> memref<1x128x32xf32, #tpu.memory_space<vmem>>
          %dma_wait3A_1108 = tpu.memref_squeeze %dma_wait3A_1107 : memref<1x128x32xf32, #tpu.memory_space<vmem>> -> memref<128x32xf32, #tpu.memory_space<vmem>>
          %dma_wait3A_1109 = arith.constant 0 : i32
          %dma_wait3A_1110 = tpu.memref_slice %arg12[%select_n3A_1103, %dma_wait3A_1109] : memref<94x128xi32, #tpu.memory_space<vmem>> -> memref<1x128xi32, #tpu.memory_space<vmem>>
          %dma_wait3A_1111 = tpu.memref_squeeze %dma_wait3A_1110 : memref<1x128xi32, #tpu.memory_space<vmem>> -> memref<128xi32, #tpu.memory_space<vmem>>
          %dma_wait3A_1112 = arith.constant 0 : i32
          %dma_wait3A_1113 = arith.constant 0 : i32
          %dma_wait3A_1114 = tpu.memref_slice %arg8[%arg0, %dma_wait3A_1112, %dma_wait3A_1113] : memref<2x8832x32xf32, #tpu.memory_space<hbm>> -> memref<1x8832x32xf32, #tpu.memory_space<hbm>>
          %dma_wait3A_1115 = tpu.memref_squeeze %dma_wait3A_1114 : memref<1x8832x32xf32, #tpu.memory_space<hbm>> -> memref<8832x32xf32, #tpu.memory_space<hbm>>
          %dma_wait3A_1116 = arith.constant 0 : i32
          %dma_wait3A_1117 = arith.constant 0 : i32
          %dma_wait3A_1118 = tpu.memref_slice %dma_wait3A_1115[%dma_wait3A_1116, %dma_wait3A_1117] : memref<8832x32xf32, #tpu.memory_space<hbm>> -> memref<8832x32xf32, #tpu.memory_space<hbm>>
          tpu.wait_indirect_dma semaphore(%arg34 : memref<!tpu.dma_semaphore, #tpu.memory_space<semaphore_mem>>) src(%dma_wait3A_1118 : memref<8832x32xf32, #tpu.memory_space<hbm>>) dst(%dma_wait3A_1108 : memref<128x32xf32, #tpu.memory_space<vmem>>)
          %dma_start3A_1119 = arith.constant 7 : i32
          %dma_start3A_1120 = arith.constant 0 : i32
          %dma_start3A_1121 = arith.constant 0 : i32
          %dma_start3A_1122 = tpu.memref_slice %arg14[%dma_start3A_1119, %dma_start3A_1120, %dma_start3A_1121] : memref<8x128x32xf32, #tpu.memory_space<vmem>> -> memref<1x128x32xf32, #tpu.memory_space<vmem>>
          %dma_start3A_1123 = tpu.memref_squeeze %dma_start3A_1122 : memref<1x128x32xf32, #tpu.memory_space<vmem>> -> memref<128x32xf32, #tpu.memory_space<vmem>>
          %dma_start3A_1124 = arith.constant 0 : i32
          %dma_start3A_1125 = tpu.memref_slice %arg13[%select_n3A_1103, %dma_start3A_1124] : memref<94x128xi32, #tpu.memory_space<vmem>> -> memref<1x128xi32, #tpu.memory_space<vmem>>
          %dma_start3A_1126 = tpu.memref_squeeze %dma_start3A_1125 : memref<1x128xi32, #tpu.memory_space<vmem>> -> memref<128xi32, #tpu.memory_space<vmem>>
          %dma_start3A_1127 = arith.constant 0 : i32
          %dma_start3A_1128 = arith.constant 0 : i32
          %dma_start3A_1129 = tpu.memref_slice %arg9[%dma_start3A_1127, %dma_start3A_1128] : memref<8832x32xf32, #tpu.memory_space<vmem_shared>> -> memref<8832x32xf32, #tpu.memory_space<vmem_shared>>
          tpu.enqueue_indirect_dma source(%dma_start3A_1123 : memref<128x32xf32, #tpu.memory_space<vmem>>) target(%dma_start3A_1129 : memref<8832x32xf32, #tpu.memory_space<vmem_shared>>) offsets(%dma_start3A_1126 : memref<128xi32, #tpu.memory_space<vmem>>) semaphore(%arg42 : memref<!tpu.dma_semaphore, #tpu.memory_space<semaphore_mem>>) {add = true}
        } else {
        }
      }
      %while3A_924 = arith.constant 1 : i32
      scf.for %while3A_968 = %while3A_922 to %while3A_918 step %while3A_924  : i32 {
        %mul3A_969 = arith.muli %while3A_968, %while3A : i32
        %add3A_970 = arith.addi %while3A_915, %mul3A_969 : i32
        %mul3A_971 = arith.constant 8 : i32
        %mul3A_972 = arith.muli %add3A_970, %mul3A_971 : i32
        %add3A_973 = arith.constant 0 : i32
        %add3A_974 = arith.addi %mul3A_972, %add3A_973 : i32
        %lt3A_975 = arith.cmpi slt, %add3A_974, %add3A_880 : i32
        %convert_element_type3A_976 = arith.extui %lt3A_975 : i1 to i32
        %cond3A_977 = arith.constant 0 : i32
        %cond3A_978 = arith.cmpi ne, %convert_element_type3A_976, %cond3A_977 : i32
        scf.if %cond3A_978 {
          %lt3A_1099 = arith.cmpi slt, %add3A_974, %get3A_875 : i32
          %add3A_1100 = arith.addi %select_n3A_843, %add3A_974 : i32
          %sub3A_1101 = arith.subi %add3A_974, %get3A_875 : i32
          %add3A_1102 = arith.addi %select_n3A_871, %sub3A_1101 : i32
          %select_n3A_1103 = arith.select %lt3A_1099, %add3A_1100, %add3A_1102 : i32
          %gt3A_1104 = arith.constant 0 : i32
          %gt3A_1105 = arith.cmpi sgt, %add3A_970, %gt3A_1104 : i32
          %convert_element_type3A_1106 = arith.extui %gt3A_1105 : i1 to i32
          %cond3A_1107 = arith.constant 0 : i32
          %cond3A_1108 = arith.cmpi ne, %convert_element_type3A_1106, %cond3A_1107 : i32
          scf.if %cond3A_1108 {
            %dma_wait3A_1124 = arith.constant 0 : i32
            %dma_wait3A_1125 = arith.constant 0 : i32
            %dma_wait3A_1126 = arith.constant 0 : i32
            %dma_wait3A_1127 = tpu.memref_slice %arg14[%dma_wait3A_1124, %dma_wait3A_1125, %dma_wait3A_1126] : memref<8x128x32xf32, #tpu.memory_space<vmem>> -> memref<1x128x32xf32, #tpu.memory_space<vmem>>
            %dma_wait3A_1128 = tpu.memref_squeeze %dma_wait3A_1127 : memref<1x128x32xf32, #tpu.memory_space<vmem>> -> memref<128x32xf32, #tpu.memory_space<vmem>>
            %dma_wait3A_1129 = arith.constant 0 : i32
            %dma_wait3A_1130 = tpu.memref_slice %arg13[%select_n3A_1103, %dma_wait3A_1129] : memref<94x128xi32, #tpu.memory_space<vmem>> -> memref<1x128xi32, #tpu.memory_space<vmem>>
            %dma_wait3A_1131 = tpu.memref_squeeze %dma_wait3A_1130 : memref<1x128xi32, #tpu.memory_space<vmem>> -> memref<128xi32, #tpu.memory_space<vmem>>
            %dma_wait3A_1132 = arith.constant 0 : i32
            %dma_wait3A_1133 = arith.constant 0 : i32
            %dma_wait3A_1134 = tpu.memref_slice %arg9[%dma_wait3A_1132, %dma_wait3A_1133] : memref<8832x32xf32, #tpu.memory_space<vmem_shared>> -> memref<8832x32xf32, #tpu.memory_space<vmem_shared>>
            tpu.wait_indirect_dma semaphore(%arg35 : memref<!tpu.dma_semaphore, #tpu.memory_space<semaphore_mem>>) src(%dma_wait3A_1128 : memref<128x32xf32, #tpu.memory_space<vmem>>) dst(%dma_wait3A_1134 : memref<8832x32xf32, #tpu.memory_space<vmem_shared>>)
          } else {
          }
          %dma_start3A_1109 = arith.constant 0 : i32
          %dma_start3A_1110 = arith.constant 0 : i32
          %dma_start3A_1111 = arith.constant 0 : i32
          %dma_start3A_1112 = tpu.memref_slice %arg14[%dma_start3A_1109, %dma_start3A_1110, %dma_start3A_1111] : memref<8x128x32xf32, #tpu.memory_space<vmem>> -> memref<1x128x32xf32, #tpu.memory_space<vmem>>
          %dma_start3A_1113 = tpu.memref_squeeze %dma_start3A_1112 : memref<1x128x32xf32, #tpu.memory_space<vmem>> -> memref<128x32xf32, #tpu.memory_space<vmem>>
          %dma_start3A_1114 = arith.constant 0 : i32
          %dma_start3A_1115 = tpu.memref_slice %arg12[%select_n3A_1103, %dma_start3A_1114] : memref<94x128xi32, #tpu.memory_space<vmem>> -> memref<1x128xi32, #tpu.memory_space<vmem>>
          %dma_start3A_1116 = tpu.memref_squeeze %dma_start3A_1115 : memref<1x128xi32, #tpu.memory_space<vmem>> -> memref<128xi32, #tpu.memory_space<vmem>>
          %dma_start3A_1117 = arith.constant 0 : i32
          %dma_start3A_1118 = arith.constant 0 : i32
          %dma_start3A_1119 = tpu.memref_slice %arg8[%arg0, %dma_start3A_1117, %dma_start3A_1118] : memref<2x8832x32xf32, #tpu.memory_space<hbm>> -> memref<1x8832x32xf32, #tpu.memory_space<hbm>>
          %dma_start3A_1120 = tpu.memref_squeeze %dma_start3A_1119 : memref<1x8832x32xf32, #tpu.memory_space<hbm>> -> memref<8832x32xf32, #tpu.memory_space<hbm>>
          %dma_start3A_1121 = arith.constant 0 : i32
          %dma_start3A_1122 = arith.constant 0 : i32
          %dma_start3A_1123 = tpu.memref_slice %dma_start3A_1120[%dma_start3A_1121, %dma_start3A_1122] : memref<8832x32xf32, #tpu.memory_space<hbm>> -> memref<8832x32xf32, #tpu.memory_space<hbm>>
          tpu.enqueue_indirect_dma source(%dma_start3A_1123 : memref<8832x32xf32, #tpu.memory_space<hbm>>) target(%dma_start3A_1113 : memref<128x32xf32, #tpu.memory_space<vmem>>) offsets(%dma_start3A_1116 : memref<128xi32, #tpu.memory_space<vmem>>) semaphore(%arg27 : memref<!tpu.dma_semaphore, #tpu.memory_space<semaphore_mem>>)
        } else {
        }
        %mul3A_979 = arith.constant 8 : i32
        %mul3A_980 = arith.muli %add3A_970, %mul3A_979 : i32
        %add3A_981 = arith.constant 1 : i32
        %add3A_982 = arith.addi %mul3A_980, %add3A_981 : i32
        %lt3A_983 = arith.cmpi slt, %add3A_982, %add3A_880 : i32
        %convert_element_type3A_984 = arith.extui %lt3A_983 : i1 to i32
        %cond3A_985 = arith.constant 0 : i32
        %cond3A_986 = arith.cmpi ne, %convert_element_type3A_984, %cond3A_985 : i32
        scf.if %cond3A_986 {
          %lt3A_1099 = arith.cmpi slt, %add3A_982, %get3A_875 : i32
          %add3A_1100 = arith.addi %select_n3A_843, %add3A_982 : i32
          %sub3A_1101 = arith.subi %add3A_982, %get3A_875 : i32
          %add3A_1102 = arith.addi %select_n3A_871, %sub3A_1101 : i32
          %select_n3A_1103 = arith.select %lt3A_1099, %add3A_1100, %add3A_1102 : i32
          %gt3A_1104 = arith.constant 0 : i32
          %gt3A_1105 = arith.cmpi sgt, %add3A_970, %gt3A_1104 : i32
          %convert_element_type3A_1106 = arith.extui %gt3A_1105 : i1 to i32
          %cond3A_1107 = arith.constant 0 : i32
          %cond3A_1108 = arith.cmpi ne, %convert_element_type3A_1106, %cond3A_1107 : i32
          scf.if %cond3A_1108 {
            %dma_wait3A_1124 = arith.constant 1 : i32
            %dma_wait3A_1125 = arith.constant 0 : i32
            %dma_wait3A_1126 = arith.constant 0 : i32
            %dma_wait3A_1127 = tpu.memref_slice %arg14[%dma_wait3A_1124, %dma_wait3A_1125, %dma_wait3A_1126] : memref<8x128x32xf32, #tpu.memory_space<vmem>> -> memref<1x128x32xf32, #tpu.memory_space<vmem>>
            %dma_wait3A_1128 = tpu.memref_squeeze %dma_wait3A_1127 : memref<1x128x32xf32, #tpu.memory_space<vmem>> -> memref<128x32xf32, #tpu.memory_space<vmem>>
            %dma_wait3A_1129 = arith.constant 0 : i32
            %dma_wait3A_1130 = tpu.memref_slice %arg13[%select_n3A_1103, %dma_wait3A_1129] : memref<94x128xi32, #tpu.memory_space<vmem>> -> memref<1x128xi32, #tpu.memory_space<vmem>>
            %dma_wait3A_1131 = tpu.memref_squeeze %dma_wait3A_1130 : memref<1x128xi32, #tpu.memory_space<vmem>> -> memref<128xi32, #tpu.memory_space<vmem>>
            %dma_wait3A_1132 = arith.constant 0 : i32
            %dma_wait3A_1133 = arith.constant 0 : i32
            %dma_wait3A_1134 = tpu.memref_slice %arg9[%dma_wait3A_1132, %dma_wait3A_1133] : memref<8832x32xf32, #tpu.memory_space<vmem_shared>> -> memref<8832x32xf32, #tpu.memory_space<vmem_shared>>
            tpu.wait_indirect_dma semaphore(%arg36 : memref<!tpu.dma_semaphore, #tpu.memory_space<semaphore_mem>>) src(%dma_wait3A_1128 : memref<128x32xf32, #tpu.memory_space<vmem>>) dst(%dma_wait3A_1134 : memref<8832x32xf32, #tpu.memory_space<vmem_shared>>)
          } else {
          }
          %dma_start3A_1109 = arith.constant 1 : i32
          %dma_start3A_1110 = arith.constant 0 : i32
          %dma_start3A_1111 = arith.constant 0 : i32
          %dma_start3A_1112 = tpu.memref_slice %arg14[%dma_start3A_1109, %dma_start3A_1110, %dma_start3A_1111] : memref<8x128x32xf32, #tpu.memory_space<vmem>> -> memref<1x128x32xf32, #tpu.memory_space<vmem>>
          %dma_start3A_1113 = tpu.memref_squeeze %dma_start3A_1112 : memref<1x128x32xf32, #tpu.memory_space<vmem>> -> memref<128x32xf32, #tpu.memory_space<vmem>>
          %dma_start3A_1114 = arith.constant 0 : i32
          %dma_start3A_1115 = tpu.memref_slice %arg12[%select_n3A_1103, %dma_start3A_1114] : memref<94x128xi32, #tpu.memory_space<vmem>> -> memref<1x128xi32, #tpu.memory_space<vmem>>
          %dma_start3A_1116 = tpu.memref_squeeze %dma_start3A_1115 : memref<1x128xi32, #tpu.memory_space<vmem>> -> memref<128xi32, #tpu.memory_space<vmem>>
          %dma_start3A_1117 = arith.constant 0 : i32
          %dma_start3A_1118 = arith.constant 0 : i32
          %dma_start3A_1119 = tpu.memref_slice %arg8[%arg0, %dma_start3A_1117, %dma_start3A_1118] : memref<2x8832x32xf32, #tpu.memory_space<hbm>> -> memref<1x8832x32xf32, #tpu.memory_space<hbm>>
          %dma_start3A_1120 = tpu.memref_squeeze %dma_start3A_1119 : memref<1x8832x32xf32, #tpu.memory_space<hbm>> -> memref<8832x32xf32, #tpu.memory_space<hbm>>
          %dma_start3A_1121 = arith.constant 0 : i32
          %dma_start3A_1122 = arith.constant 0 : i32
          %dma_start3A_1123 = tpu.memref_slice %dma_start3A_1120[%dma_start3A_1121, %dma_start3A_1122] : memref<8832x32xf32, #tpu.memory_space<hbm>> -> memref<8832x32xf32, #tpu.memory_space<hbm>>
          tpu.enqueue_indirect_dma source(%dma_start3A_1123 : memref<8832x32xf32, #tpu.memory_space<hbm>>) target(%dma_start3A_1113 : memref<128x32xf32, #tpu.memory_space<vmem>>) offsets(%dma_start3A_1116 : memref<128xi32, #tpu.memory_space<vmem>>) semaphore(%arg28 : memref<!tpu.dma_semaphore, #tpu.memory_space<semaphore_mem>>)
        } else {
        }
        %mul3A_987 = arith.constant 8 : i32
        %mul3A_988 = arith.muli %add3A_970, %mul3A_987 : i32
        %add3A_989 = arith.constant 2 : i32
        %add3A_990 = arith.addi %mul3A_988, %add3A_989 : i32
        %lt3A_991 = arith.cmpi slt, %add3A_990, %add3A_880 : i32
        %convert_element_type3A_992 = arith.extui %lt3A_991 : i1 to i32
        %cond3A_993 = arith.constant 0 : i32
        %cond3A_994 = arith.cmpi ne, %convert_element_type3A_992, %cond3A_993 : i32
        scf.if %cond3A_994 {
          %lt3A_1099 = arith.cmpi slt, %add3A_990, %get3A_875 : i32
          %add3A_1100 = arith.addi %select_n3A_843, %add3A_990 : i32
          %sub3A_1101 = arith.subi %add3A_990, %get3A_875 : i32
          %add3A_1102 = arith.addi %select_n3A_871, %sub3A_1101 : i32
          %select_n3A_1103 = arith.select %lt3A_1099, %add3A_1100, %add3A_1102 : i32
          %gt3A_1104 = arith.constant 0 : i32
          %gt3A_1105 = arith.cmpi sgt, %add3A_970, %gt3A_1104 : i32
          %convert_element_type3A_1106 = arith.extui %gt3A_1105 : i1 to i32
          %cond3A_1107 = arith.constant 0 : i32
          %cond3A_1108 = arith.cmpi ne, %convert_element_type3A_1106, %cond3A_1107 : i32
          scf.if %cond3A_1108 {
            %dma_wait3A_1124 = arith.constant 2 : i32
            %dma_wait3A_1125 = arith.constant 0 : i32
            %dma_wait3A_1126 = arith.constant 0 : i32
            %dma_wait3A_1127 = tpu.memref_slice %arg14[%dma_wait3A_1124, %dma_wait3A_1125, %dma_wait3A_1126] : memref<8x128x32xf32, #tpu.memory_space<vmem>> -> memref<1x128x32xf32, #tpu.memory_space<vmem>>
            %dma_wait3A_1128 = tpu.memref_squeeze %dma_wait3A_1127 : memref<1x128x32xf32, #tpu.memory_space<vmem>> -> memref<128x32xf32, #tpu.memory_space<vmem>>
            %dma_wait3A_1129 = arith.constant 0 : i32
            %dma_wait3A_1130 = tpu.memref_slice %arg13[%select_n3A_1103, %dma_wait3A_1129] : memref<94x128xi32, #tpu.memory_space<vmem>> -> memref<1x128xi32, #tpu.memory_space<vmem>>
            %dma_wait3A_1131 = tpu.memref_squeeze %dma_wait3A_1130 : memref<1x128xi32, #tpu.memory_space<vmem>> -> memref<128xi32, #tpu.memory_space<vmem>>
            %dma_wait3A_1132 = arith.constant 0 : i32
            %dma_wait3A_1133 = arith.constant 0 : i32
            %dma_wait3A_1134 = tpu.memref_slice %arg9[%dma_wait3A_1132, %dma_wait3A_1133] : memref<8832x32xf32, #tpu.memory_space<vmem_shared>> -> memref<8832x32xf32, #tpu.memory_space<vmem_shared>>
            tpu.wait_indirect_dma semaphore(%arg37 : memref<!tpu.dma_semaphore, #tpu.memory_space<semaphore_mem>>) src(%dma_wait3A_1128 : memref<128x32xf32, #tpu.memory_space<vmem>>) dst(%dma_wait3A_1134 : memref<8832x32xf32, #tpu.memory_space<vmem_shared>>)
          } else {
          }
          %dma_start3A_1109 = arith.constant 2 : i32
          %dma_start3A_1110 = arith.constant 0 : i32
          %dma_start3A_1111 = arith.constant 0 : i32
          %dma_start3A_1112 = tpu.memref_slice %arg14[%dma_start3A_1109, %dma_start3A_1110, %dma_start3A_1111] : memref<8x128x32xf32, #tpu.memory_space<vmem>> -> memref<1x128x32xf32, #tpu.memory_space<vmem>>
          %dma_start3A_1113 = tpu.memref_squeeze %dma_start3A_1112 : memref<1x128x32xf32, #tpu.memory_space<vmem>> -> memref<128x32xf32, #tpu.memory_space<vmem>>
          %dma_start3A_1114 = arith.constant 0 : i32
          %dma_start3A_1115 = tpu.memref_slice %arg12[%select_n3A_1103, %dma_start3A_1114] : memref<94x128xi32, #tpu.memory_space<vmem>> -> memref<1x128xi32, #tpu.memory_space<vmem>>
          %dma_start3A_1116 = tpu.memref_squeeze %dma_start3A_1115 : memref<1x128xi32, #tpu.memory_space<vmem>> -> memref<128xi32, #tpu.memory_space<vmem>>
          %dma_start3A_1117 = arith.constant 0 : i32
          %dma_start3A_1118 = arith.constant 0 : i32
          %dma_start3A_1119 = tpu.memref_slice %arg8[%arg0, %dma_start3A_1117, %dma_start3A_1118] : memref<2x8832x32xf32, #tpu.memory_space<hbm>> -> memref<1x8832x32xf32, #tpu.memory_space<hbm>>
          %dma_start3A_1120 = tpu.memref_squeeze %dma_start3A_1119 : memref<1x8832x32xf32, #tpu.memory_space<hbm>> -> memref<8832x32xf32, #tpu.memory_space<hbm>>
          %dma_start3A_1121 = arith.constant 0 : i32
          %dma_start3A_1122 = arith.constant 0 : i32
          %dma_start3A_1123 = tpu.memref_slice %dma_start3A_1120[%dma_start3A_1121, %dma_start3A_1122] : memref<8832x32xf32, #tpu.memory_space<hbm>> -> memref<8832x32xf32, #tpu.memory_space<hbm>>
          tpu.enqueue_indirect_dma source(%dma_start3A_1123 : memref<8832x32xf32, #tpu.memory_space<hbm>>) target(%dma_start3A_1113 : memref<128x32xf32, #tpu.memory_space<vmem>>) offsets(%dma_start3A_1116 : memref<128xi32, #tpu.memory_space<vmem>>) semaphore(%arg29 : memref<!tpu.dma_semaphore, #tpu.memory_space<semaphore_mem>>)
        } else {
        }
        %mul3A_995 = arith.constant 8 : i32
        %mul3A_996 = arith.muli %add3A_970, %mul3A_995 : i32
        %add3A_997 = arith.constant 3 : i32
        %add3A_998 = arith.addi %mul3A_996, %add3A_997 : i32
        %lt3A_999 = arith.cmpi slt, %add3A_998, %add3A_880 : i32
        %convert_element_type3A_1000 = arith.extui %lt3A_999 : i1 to i32
        %cond3A_1001 = arith.constant 0 : i32
        %cond3A_1002 = arith.cmpi ne, %convert_element_type3A_1000, %cond3A_1001 : i32
        scf.if %cond3A_1002 {
          %lt3A_1099 = arith.cmpi slt, %add3A_998, %get3A_875 : i32
          %add3A_1100 = arith.addi %select_n3A_843, %add3A_998 : i32
          %sub3A_1101 = arith.subi %add3A_998, %get3A_875 : i32
          %add3A_1102 = arith.addi %select_n3A_871, %sub3A_1101 : i32
          %select_n3A_1103 = arith.select %lt3A_1099, %add3A_1100, %add3A_1102 : i32
          %gt3A_1104 = arith.constant 0 : i32
          %gt3A_1105 = arith.cmpi sgt, %add3A_970, %gt3A_1104 : i32
          %convert_element_type3A_1106 = arith.extui %gt3A_1105 : i1 to i32
          %cond3A_1107 = arith.constant 0 : i32
          %cond3A_1108 = arith.cmpi ne, %convert_element_type3A_1106, %cond3A_1107 : i32
          scf.if %cond3A_1108 {
            %dma_wait3A_1124 = arith.constant 3 : i32
            %dma_wait3A_1125 = arith.constant 0 : i32
            %dma_wait3A_1126 = arith.constant 0 : i32
            %dma_wait3A_1127 = tpu.memref_slice %arg14[%dma_wait3A_1124, %dma_wait3A_1125, %dma_wait3A_1126] : memref<8x128x32xf32, #tpu.memory_space<vmem>> -> memref<1x128x32xf32, #tpu.memory_space<vmem>>
            %dma_wait3A_1128 = tpu.memref_squeeze %dma_wait3A_1127 : memref<1x128x32xf32, #tpu.memory_space<vmem>> -> memref<128x32xf32, #tpu.memory_space<vmem>>
            %dma_wait3A_1129 = arith.constant 0 : i32
            %dma_wait3A_1130 = tpu.memref_slice %arg13[%select_n3A_1103, %dma_wait3A_1129] : memref<94x128xi32, #tpu.memory_space<vmem>> -> memref<1x128xi32, #tpu.memory_space<vmem>>
            %dma_wait3A_1131 = tpu.memref_squeeze %dma_wait3A_1130 : memref<1x128xi32, #tpu.memory_space<vmem>> -> memref<128xi32, #tpu.memory_space<vmem>>
            %dma_wait3A_1132 = arith.constant 0 : i32
            %dma_wait3A_1133 = arith.constant 0 : i32
            %dma_wait3A_1134 = tpu.memref_slice %arg9[%dma_wait3A_1132, %dma_wait3A_1133] : memref<8832x32xf32, #tpu.memory_space<vmem_shared>> -> memref<8832x32xf32, #tpu.memory_space<vmem_shared>>
            tpu.wait_indirect_dma semaphore(%arg38 : memref<!tpu.dma_semaphore, #tpu.memory_space<semaphore_mem>>) src(%dma_wait3A_1128 : memref<128x32xf32, #tpu.memory_space<vmem>>) dst(%dma_wait3A_1134 : memref<8832x32xf32, #tpu.memory_space<vmem_shared>>)
          } else {
          }
          %dma_start3A_1109 = arith.constant 3 : i32
          %dma_start3A_1110 = arith.constant 0 : i32
          %dma_start3A_1111 = arith.constant 0 : i32
          %dma_start3A_1112 = tpu.memref_slice %arg14[%dma_start3A_1109, %dma_start3A_1110, %dma_start3A_1111] : memref<8x128x32xf32, #tpu.memory_space<vmem>> -> memref<1x128x32xf32, #tpu.memory_space<vmem>>
          %dma_start3A_1113 = tpu.memref_squeeze %dma_start3A_1112 : memref<1x128x32xf32, #tpu.memory_space<vmem>> -> memref<128x32xf32, #tpu.memory_space<vmem>>
          %dma_start3A_1114 = arith.constant 0 : i32
          %dma_start3A_1115 = tpu.memref_slice %arg12[%select_n3A_1103, %dma_start3A_1114] : memref<94x128xi32, #tpu.memory_space<vmem>> -> memref<1x128xi32, #tpu.memory_space<vmem>>
          %dma_start3A_1116 = tpu.memref_squeeze %dma_start3A_1115 : memref<1x128xi32, #tpu.memory_space<vmem>> -> memref<128xi32, #tpu.memory_space<vmem>>
          %dma_start3A_1117 = arith.constant 0 : i32
          %dma_start3A_1118 = arith.constant 0 : i32
          %dma_start3A_1119 = tpu.memref_slice %arg8[%arg0, %dma_start3A_1117, %dma_start3A_1118] : memref<2x8832x32xf32, #tpu.memory_space<hbm>> -> memref<1x8832x32xf32, #tpu.memory_space<hbm>>
          %dma_start3A_1120 = tpu.memref_squeeze %dma_start3A_1119 : memref<1x8832x32xf32, #tpu.memory_space<hbm>> -> memref<8832x32xf32, #tpu.memory_space<hbm>>
          %dma_start3A_1121 = arith.constant 0 : i32
          %dma_start3A_1122 = arith.constant 0 : i32
          %dma_start3A_1123 = tpu.memref_slice %dma_start3A_1120[%dma_start3A_1121, %dma_start3A_1122] : memref<8832x32xf32, #tpu.memory_space<hbm>> -> memref<8832x32xf32, #tpu.memory_space<hbm>>
          tpu.enqueue_indirect_dma source(%dma_start3A_1123 : memref<8832x32xf32, #tpu.memory_space<hbm>>) target(%dma_start3A_1113 : memref<128x32xf32, #tpu.memory_space<vmem>>) offsets(%dma_start3A_1116 : memref<128xi32, #tpu.memory_space<vmem>>) semaphore(%arg30 : memref<!tpu.dma_semaphore, #tpu.memory_space<semaphore_mem>>)
        } else {
        }
        %mul3A_1003 = arith.constant 8 : i32
        %mul3A_1004 = arith.muli %add3A_970, %mul3A_1003 : i32
        %add3A_1005 = arith.constant 4 : i32
        %add3A_1006 = arith.addi %mul3A_1004, %add3A_1005 : i32
        %lt3A_1007 = arith.cmpi slt, %add3A_1006, %add3A_880 : i32
        %convert_element_type3A_1008 = arith.extui %lt3A_1007 : i1 to i32
        %cond3A_1009 = arith.constant 0 : i32
        %cond3A_1010 = arith.cmpi ne, %convert_element_type3A_1008, %cond3A_1009 : i32
        scf.if %cond3A_1010 {
          %lt3A_1099 = arith.cmpi slt, %add3A_1006, %get3A_875 : i32
          %add3A_1100 = arith.addi %select_n3A_843, %add3A_1006 : i32
          %sub3A_1101 = arith.subi %add3A_1006, %get3A_875 : i32
          %add3A_1102 = arith.addi %select_n3A_871, %sub3A_1101 : i32
          %select_n3A_1103 = arith.select %lt3A_1099, %add3A_1100, %add3A_1102 : i32
          %gt3A_1104 = arith.constant 0 : i32
          %gt3A_1105 = arith.cmpi sgt, %add3A_970, %gt3A_1104 : i32
          %convert_element_type3A_1106 = arith.extui %gt3A_1105 : i1 to i32
          %cond3A_1107 = arith.constant 0 : i32
          %cond3A_1108 = arith.cmpi ne, %convert_element_type3A_1106, %cond3A_1107 : i32
          scf.if %cond3A_1108 {
            %dma_wait3A_1124 = arith.constant 4 : i32
            %dma_wait3A_1125 = arith.constant 0 : i32
            %dma_wait3A_1126 = arith.constant 0 : i32
            %dma_wait3A_1127 = tpu.memref_slice %arg14[%dma_wait3A_1124, %dma_wait3A_1125, %dma_wait3A_1126] : memref<8x128x32xf32, #tpu.memory_space<vmem>> -> memref<1x128x32xf32, #tpu.memory_space<vmem>>
            %dma_wait3A_1128 = tpu.memref_squeeze %dma_wait3A_1127 : memref<1x128x32xf32, #tpu.memory_space<vmem>> -> memref<128x32xf32, #tpu.memory_space<vmem>>
            %dma_wait3A_1129 = arith.constant 0 : i32
            %dma_wait3A_1130 = tpu.memref_slice %arg13[%select_n3A_1103, %dma_wait3A_1129] : memref<94x128xi32, #tpu.memory_space<vmem>> -> memref<1x128xi32, #tpu.memory_space<vmem>>
            %dma_wait3A_1131 = tpu.memref_squeeze %dma_wait3A_1130 : memref<1x128xi32, #tpu.memory_space<vmem>> -> memref<128xi32, #tpu.memory_space<vmem>>
            %dma_wait3A_1132 = arith.constant 0 : i32
            %dma_wait3A_1133 = arith.constant 0 : i32
            %dma_wait3A_1134 = tpu.memref_slice %arg9[%dma_wait3A_1132, %dma_wait3A_1133] : memref<8832x32xf32, #tpu.memory_space<vmem_shared>> -> memref<8832x32xf32, #tpu.memory_space<vmem_shared>>
            tpu.wait_indirect_dma semaphore(%arg39 : memref<!tpu.dma_semaphore, #tpu.memory_space<semaphore_mem>>) src(%dma_wait3A_1128 : memref<128x32xf32, #tpu.memory_space<vmem>>) dst(%dma_wait3A_1134 : memref<8832x32xf32, #tpu.memory_space<vmem_shared>>)
          } else {
          }
          %dma_start3A_1109 = arith.constant 4 : i32
          %dma_start3A_1110 = arith.constant 0 : i32
          %dma_start3A_1111 = arith.constant 0 : i32
          %dma_start3A_1112 = tpu.memref_slice %arg14[%dma_start3A_1109, %dma_start3A_1110, %dma_start3A_1111] : memref<8x128x32xf32, #tpu.memory_space<vmem>> -> memref<1x128x32xf32, #tpu.memory_space<vmem>>
          %dma_start3A_1113 = tpu.memref_squeeze %dma_start3A_1112 : memref<1x128x32xf32, #tpu.memory_space<vmem>> -> memref<128x32xf32, #tpu.memory_space<vmem>>
          %dma_start3A_1114 = arith.constant 0 : i32
          %dma_start3A_1115 = tpu.memref_slice %arg12[%select_n3A_1103, %dma_start3A_1114] : memref<94x128xi32, #tpu.memory_space<vmem>> -> memref<1x128xi32, #tpu.memory_space<vmem>>
          %dma_start3A_1116 = tpu.memref_squeeze %dma_start3A_1115 : memref<1x128xi32, #tpu.memory_space<vmem>> -> memref<128xi32, #tpu.memory_space<vmem>>
          %dma_start3A_1117 = arith.constant 0 : i32
          %dma_start3A_1118 = arith.constant 0 : i32
          %dma_start3A_1119 = tpu.memref_slice %arg8[%arg0, %dma_start3A_1117, %dma_start3A_1118] : memref<2x8832x32xf32, #tpu.memory_space<hbm>> -> memref<1x8832x32xf32, #tpu.memory_space<hbm>>
          %dma_start3A_1120 = tpu.memref_squeeze %dma_start3A_1119 : memref<1x8832x32xf32, #tpu.memory_space<hbm>> -> memref<8832x32xf32, #tpu.memory_space<hbm>>
          %dma_start3A_1121 = arith.constant 0 : i32
          %dma_start3A_1122 = arith.constant 0 : i32
          %dma_start3A_1123 = tpu.memref_slice %dma_start3A_1120[%dma_start3A_1121, %dma_start3A_1122] : memref<8832x32xf32, #tpu.memory_space<hbm>> -> memref<8832x32xf32, #tpu.memory_space<hbm>>
          tpu.enqueue_indirect_dma source(%dma_start3A_1123 : memref<8832x32xf32, #tpu.memory_space<hbm>>) target(%dma_start3A_1113 : memref<128x32xf32, #tpu.memory_space<vmem>>) offsets(%dma_start3A_1116 : memref<128xi32, #tpu.memory_space<vmem>>) semaphore(%arg31 : memref<!tpu.dma_semaphore, #tpu.memory_space<semaphore_mem>>)
        } else {
        }
        %mul3A_1011 = arith.constant 8 : i32
        %mul3A_1012 = arith.muli %add3A_970, %mul3A_1011 : i32
        %add3A_1013 = arith.constant 5 : i32
        %add3A_1014 = arith.addi %mul3A_1012, %add3A_1013 : i32
        %lt3A_1015 = arith.cmpi slt, %add3A_1014, %add3A_880 : i32
        %convert_element_type3A_1016 = arith.extui %lt3A_1015 : i1 to i32
        %cond3A_1017 = arith.constant 0 : i32
        %cond3A_1018 = arith.cmpi ne, %convert_element_type3A_1016, %cond3A_1017 : i32
        scf.if %cond3A_1018 {
          %lt3A_1099 = arith.cmpi slt, %add3A_1014, %get3A_875 : i32
          %add3A_1100 = arith.addi %select_n3A_843, %add3A_1014 : i32
          %sub3A_1101 = arith.subi %add3A_1014, %get3A_875 : i32
          %add3A_1102 = arith.addi %select_n3A_871, %sub3A_1101 : i32
          %select_n3A_1103 = arith.select %lt3A_1099, %add3A_1100, %add3A_1102 : i32
          %gt3A_1104 = arith.constant 0 : i32
          %gt3A_1105 = arith.cmpi sgt, %add3A_970, %gt3A_1104 : i32
          %convert_element_type3A_1106 = arith.extui %gt3A_1105 : i1 to i32
          %cond3A_1107 = arith.constant 0 : i32
          %cond3A_1108 = arith.cmpi ne, %convert_element_type3A_1106, %cond3A_1107 : i32
          scf.if %cond3A_1108 {
            %dma_wait3A_1124 = arith.constant 5 : i32
            %dma_wait3A_1125 = arith.constant 0 : i32
            %dma_wait3A_1126 = arith.constant 0 : i32
            %dma_wait3A_1127 = tpu.memref_slice %arg14[%dma_wait3A_1124, %dma_wait3A_1125, %dma_wait3A_1126] : memref<8x128x32xf32, #tpu.memory_space<vmem>> -> memref<1x128x32xf32, #tpu.memory_space<vmem>>
            %dma_wait3A_1128 = tpu.memref_squeeze %dma_wait3A_1127 : memref<1x128x32xf32, #tpu.memory_space<vmem>> -> memref<128x32xf32, #tpu.memory_space<vmem>>
            %dma_wait3A_1129 = arith.constant 0 : i32
            %dma_wait3A_1130 = tpu.memref_slice %arg13[%select_n3A_1103, %dma_wait3A_1129] : memref<94x128xi32, #tpu.memory_space<vmem>> -> memref<1x128xi32, #tpu.memory_space<vmem>>
            %dma_wait3A_1131 = tpu.memref_squeeze %dma_wait3A_1130 : memref<1x128xi32, #tpu.memory_space<vmem>> -> memref<128xi32, #tpu.memory_space<vmem>>
            %dma_wait3A_1132 = arith.constant 0 : i32
            %dma_wait3A_1133 = arith.constant 0 : i32
            %dma_wait3A_1134 = tpu.memref_slice %arg9[%dma_wait3A_1132, %dma_wait3A_1133] : memref<8832x32xf32, #tpu.memory_space<vmem_shared>> -> memref<8832x32xf32, #tpu.memory_space<vmem_shared>>
            tpu.wait_indirect_dma semaphore(%arg40 : memref<!tpu.dma_semaphore, #tpu.memory_space<semaphore_mem>>) src(%dma_wait3A_1128 : memref<128x32xf32, #tpu.memory_space<vmem>>) dst(%dma_wait3A_1134 : memref<8832x32xf32, #tpu.memory_space<vmem_shared>>)
          } else {
          }
          %dma_start3A_1109 = arith.constant 5 : i32
          %dma_start3A_1110 = arith.constant 0 : i32
          %dma_start3A_1111 = arith.constant 0 : i32
          %dma_start3A_1112 = tpu.memref_slice %arg14[%dma_start3A_1109, %dma_start3A_1110, %dma_start3A_1111] : memref<8x128x32xf32, #tpu.memory_space<vmem>> -> memref<1x128x32xf32, #tpu.memory_space<vmem>>
          %dma_start3A_1113 = tpu.memref_squeeze %dma_start3A_1112 : memref<1x128x32xf32, #tpu.memory_space<vmem>> -> memref<128x32xf32, #tpu.memory_space<vmem>>
          %dma_start3A_1114 = arith.constant 0 : i32
          %dma_start3A_1115 = tpu.memref_slice %arg12[%select_n3A_1103, %dma_start3A_1114] : memref<94x128xi32, #tpu.memory_space<vmem>> -> memref<1x128xi32, #tpu.memory_space<vmem>>
          %dma_start3A_1116 = tpu.memref_squeeze %dma_start3A_1115 : memref<1x128xi32, #tpu.memory_space<vmem>> -> memref<128xi32, #tpu.memory_space<vmem>>
          %dma_start3A_1117 = arith.constant 0 : i32
          %dma_start3A_1118 = arith.constant 0 : i32
          %dma_start3A_1119 = tpu.memref_slice %arg8[%arg0, %dma_start3A_1117, %dma_start3A_1118] : memref<2x8832x32xf32, #tpu.memory_space<hbm>> -> memref<1x8832x32xf32, #tpu.memory_space<hbm>>
          %dma_start3A_1120 = tpu.memref_squeeze %dma_start3A_1119 : memref<1x8832x32xf32, #tpu.memory_space<hbm>> -> memref<8832x32xf32, #tpu.memory_space<hbm>>
          %dma_start3A_1121 = arith.constant 0 : i32
          %dma_start3A_1122 = arith.constant 0 : i32
          %dma_start3A_1123 = tpu.memref_slice %dma_start3A_1120[%dma_start3A_1121, %dma_start3A_1122] : memref<8832x32xf32, #tpu.memory_space<hbm>> -> memref<8832x32xf32, #tpu.memory_space<hbm>>
          tpu.enqueue_indirect_dma source(%dma_start3A_1123 : memref<8832x32xf32, #tpu.memory_space<hbm>>) target(%dma_start3A_1113 : memref<128x32xf32, #tpu.memory_space<vmem>>) offsets(%dma_start3A_1116 : memref<128xi32, #tpu.memory_space<vmem>>) semaphore(%arg32 : memref<!tpu.dma_semaphore, #tpu.memory_space<semaphore_mem>>)
        } else {
        }
        %mul3A_1019 = arith.constant 8 : i32
        %mul3A_1020 = arith.muli %add3A_970, %mul3A_1019 : i32
        %add3A_1021 = arith.constant 6 : i32
        %add3A_1022 = arith.addi %mul3A_1020, %add3A_1021 : i32
        %lt3A_1023 = arith.cmpi slt, %add3A_1022, %add3A_880 : i32
        %convert_element_type3A_1024 = arith.extui %lt3A_1023 : i1 to i32
        %cond3A_1025 = arith.constant 0 : i32
        %cond3A_1026 = arith.cmpi ne, %convert_element_type3A_1024, %cond3A_1025 : i32
        scf.if %cond3A_1026 {
          %lt3A_1099 = arith.cmpi slt, %add3A_1022, %get3A_875 : i32
          %add3A_1100 = arith.addi %select_n3A_843, %add3A_1022 : i32
          %sub3A_1101 = arith.subi %add3A_1022, %get3A_875 : i32
          %add3A_1102 = arith.addi %select_n3A_871, %sub3A_1101 : i32
          %select_n3A_1103 = arith.select %lt3A_1099, %add3A_1100, %add3A_1102 : i32
          %gt3A_1104 = arith.constant 0 : i32
          %gt3A_1105 = arith.cmpi sgt, %add3A_970, %gt3A_1104 : i32
          %convert_element_type3A_1106 = arith.extui %gt3A_1105 : i1 to i32
          %cond3A_1107 = arith.constant 0 : i32
          %cond3A_1108 = arith.cmpi ne, %convert_element_type3A_1106, %cond3A_1107 : i32
          scf.if %cond3A_1108 {
            %dma_wait3A_1124 = arith.constant 6 : i32
            %dma_wait3A_1125 = arith.constant 0 : i32
            %dma_wait3A_1126 = arith.constant 0 : i32
            %dma_wait3A_1127 = tpu.memref_slice %arg14[%dma_wait3A_1124, %dma_wait3A_1125, %dma_wait3A_1126] : memref<8x128x32xf32, #tpu.memory_space<vmem>> -> memref<1x128x32xf32, #tpu.memory_space<vmem>>
            %dma_wait3A_1128 = tpu.memref_squeeze %dma_wait3A_1127 : memref<1x128x32xf32, #tpu.memory_space<vmem>> -> memref<128x32xf32, #tpu.memory_space<vmem>>
            %dma_wait3A_1129 = arith.constant 0 : i32
            %dma_wait3A_1130 = tpu.memref_slice %arg13[%select_n3A_1103, %dma_wait3A_1129] : memref<94x128xi32, #tpu.memory_space<vmem>> -> memref<1x128xi32, #tpu.memory_space<vmem>>
            %dma_wait3A_1131 = tpu.memref_squeeze %dma_wait3A_1130 : memref<1x128xi32, #tpu.memory_space<vmem>> -> memref<128xi32, #tpu.memory_space<vmem>>
            %dma_wait3A_1132 = arith.constant 0 : i32
            %dma_wait3A_1133 = arith.constant 0 : i32
            %dma_wait3A_1134 = tpu.memref_slice %arg9[%dma_wait3A_1132, %dma_wait3A_1133] : memref<8832x32xf32, #tpu.memory_space<vmem_shared>> -> memref<8832x32xf32, #tpu.memory_space<vmem_shared>>
            tpu.wait_indirect_dma semaphore(%arg41 : memref<!tpu.dma_semaphore, #tpu.memory_space<semaphore_mem>>) src(%dma_wait3A_1128 : memref<128x32xf32, #tpu.memory_space<vmem>>) dst(%dma_wait3A_1134 : memref<8832x32xf32, #tpu.memory_space<vmem_shared>>)
          } else {
          }
          %dma_start3A_1109 = arith.constant 6 : i32
          %dma_start3A_1110 = arith.constant 0 : i32
          %dma_start3A_1111 = arith.constant 0 : i32
          %dma_start3A_1112 = tpu.memref_slice %arg14[%dma_start3A_1109, %dma_start3A_1110, %dma_start3A_1111] : memref<8x128x32xf32, #tpu.memory_space<vmem>> -> memref<1x128x32xf32, #tpu.memory_space<vmem>>
          %dma_start3A_1113 = tpu.memref_squeeze %dma_start3A_1112 : memref<1x128x32xf32, #tpu.memory_space<vmem>> -> memref<128x32xf32, #tpu.memory_space<vmem>>
          %dma_start3A_1114 = arith.constant 0 : i32
          %dma_start3A_1115 = tpu.memref_slice %arg12[%select_n3A_1103, %dma_start3A_1114] : memref<94x128xi32, #tpu.memory_space<vmem>> -> memref<1x128xi32, #tpu.memory_space<vmem>>
          %dma_start3A_1116 = tpu.memref_squeeze %dma_start3A_1115 : memref<1x128xi32, #tpu.memory_space<vmem>> -> memref<128xi32, #tpu.memory_space<vmem>>
          %dma_start3A_1117 = arith.constant 0 : i32
          %dma_start3A_1118 = arith.constant 0 : i32
          %dma_start3A_1119 = tpu.memref_slice %arg8[%arg0, %dma_start3A_1117, %dma_start3A_1118] : memref<2x8832x32xf32, #tpu.memory_space<hbm>> -> memref<1x8832x32xf32, #tpu.memory_space<hbm>>
          %dma_start3A_1120 = tpu.memref_squeeze %dma_start3A_1119 : memref<1x8832x32xf32, #tpu.memory_space<hbm>> -> memref<8832x32xf32, #tpu.memory_space<hbm>>
          %dma_start3A_1121 = arith.constant 0 : i32
          %dma_start3A_1122 = arith.constant 0 : i32
          %dma_start3A_1123 = tpu.memref_slice %dma_start3A_1120[%dma_start3A_1121, %dma_start3A_1122] : memref<8832x32xf32, #tpu.memory_space<hbm>> -> memref<8832x32xf32, #tpu.memory_space<hbm>>
          tpu.enqueue_indirect_dma source(%dma_start3A_1123 : memref<8832x32xf32, #tpu.memory_space<hbm>>) target(%dma_start3A_1113 : memref<128x32xf32, #tpu.memory_space<vmem>>) offsets(%dma_start3A_1116 : memref<128xi32, #tpu.memory_space<vmem>>) semaphore(%arg33 : memref<!tpu.dma_semaphore, #tpu.memory_space<semaphore_mem>>)
        } else {
        }
        %mul3A_1027 = arith.constant 8 : i32
        %mul3A_1028 = arith.muli %add3A_970, %mul3A_1027 : i32
        %add3A_1029 = arith.constant 7 : i32
        %add3A_1030 = arith.addi %mul3A_1028, %add3A_1029 : i32
        %lt3A_1031 = arith.cmpi slt, %add3A_1030, %add3A_880 : i32
        %convert_element_type3A_1032 = arith.extui %lt3A_1031 : i1 to i32
        %cond3A_1033 = arith.constant 0 : i32
        %cond3A_1034 = arith.cmpi ne, %convert_element_type3A_1032, %cond3A_1033 : i32
        scf.if %cond3A_1034 {
          %lt3A_1099 = arith.cmpi slt, %add3A_1030, %get3A_875 : i32
          %add3A_1100 = arith.addi %select_n3A_843, %add3A_1030 : i32
          %sub3A_1101 = arith.subi %add3A_1030, %get3A_875 : i32
          %add3A_1102 = arith.addi %select_n3A_871, %sub3A_1101 : i32
          %select_n3A_1103 = arith.select %lt3A_1099, %add3A_1100, %add3A_1102 : i32
          %gt3A_1104 = arith.constant 0 : i32
          %gt3A_1105 = arith.cmpi sgt, %add3A_970, %gt3A_1104 : i32
          %convert_element_type3A_1106 = arith.extui %gt3A_1105 : i1 to i32
          %cond3A_1107 = arith.constant 0 : i32
          %cond3A_1108 = arith.cmpi ne, %convert_element_type3A_1106, %cond3A_1107 : i32
          scf.if %cond3A_1108 {
            %dma_wait3A_1124 = arith.constant 7 : i32
            %dma_wait3A_1125 = arith.constant 0 : i32
            %dma_wait3A_1126 = arith.constant 0 : i32
            %dma_wait3A_1127 = tpu.memref_slice %arg14[%dma_wait3A_1124, %dma_wait3A_1125, %dma_wait3A_1126] : memref<8x128x32xf32, #tpu.memory_space<vmem>> -> memref<1x128x32xf32, #tpu.memory_space<vmem>>
            %dma_wait3A_1128 = tpu.memref_squeeze %dma_wait3A_1127 : memref<1x128x32xf32, #tpu.memory_space<vmem>> -> memref<128x32xf32, #tpu.memory_space<vmem>>
            %dma_wait3A_1129 = arith.constant 0 : i32
            %dma_wait3A_1130 = tpu.memref_slice %arg13[%select_n3A_1103, %dma_wait3A_1129] : memref<94x128xi32, #tpu.memory_space<vmem>> -> memref<1x128xi32, #tpu.memory_space<vmem>>
            %dma_wait3A_1131 = tpu.memref_squeeze %dma_wait3A_1130 : memref<1x128xi32, #tpu.memory_space<vmem>> -> memref<128xi32, #tpu.memory_space<vmem>>
            %dma_wait3A_1132 = arith.constant 0 : i32
            %dma_wait3A_1133 = arith.constant 0 : i32
            %dma_wait3A_1134 = tpu.memref_slice %arg9[%dma_wait3A_1132, %dma_wait3A_1133] : memref<8832x32xf32, #tpu.memory_space<vmem_shared>> -> memref<8832x32xf32, #tpu.memory_space<vmem_shared>>
            tpu.wait_indirect_dma semaphore(%arg42 : memref<!tpu.dma_semaphore, #tpu.memory_space<semaphore_mem>>) src(%dma_wait3A_1128 : memref<128x32xf32, #tpu.memory_space<vmem>>) dst(%dma_wait3A_1134 : memref<8832x32xf32, #tpu.memory_space<vmem_shared>>)
          } else {
          }
          %dma_start3A_1109 = arith.constant 7 : i32
          %dma_start3A_1110 = arith.constant 0 : i32
          %dma_start3A_1111 = arith.constant 0 : i32
          %dma_start3A_1112 = tpu.memref_slice %arg14[%dma_start3A_1109, %dma_start3A_1110, %dma_start3A_1111] : memref<8x128x32xf32, #tpu.memory_space<vmem>> -> memref<1x128x32xf32, #tpu.memory_space<vmem>>
          %dma_start3A_1113 = tpu.memref_squeeze %dma_start3A_1112 : memref<1x128x32xf32, #tpu.memory_space<vmem>> -> memref<128x32xf32, #tpu.memory_space<vmem>>
          %dma_start3A_1114 = arith.constant 0 : i32
          %dma_start3A_1115 = tpu.memref_slice %arg12[%select_n3A_1103, %dma_start3A_1114] : memref<94x128xi32, #tpu.memory_space<vmem>> -> memref<1x128xi32, #tpu.memory_space<vmem>>
          %dma_start3A_1116 = tpu.memref_squeeze %dma_start3A_1115 : memref<1x128xi32, #tpu.memory_space<vmem>> -> memref<128xi32, #tpu.memory_space<vmem>>
          %dma_start3A_1117 = arith.constant 0 : i32
          %dma_start3A_1118 = arith.constant 0 : i32
          %dma_start3A_1119 = tpu.memref_slice %arg8[%arg0, %dma_start3A_1117, %dma_start3A_1118] : memref<2x8832x32xf32, #tpu.memory_space<hbm>> -> memref<1x8832x32xf32, #tpu.memory_space<hbm>>
          %dma_start3A_1120 = tpu.memref_squeeze %dma_start3A_1119 : memref<1x8832x32xf32, #tpu.memory_space<hbm>> -> memref<8832x32xf32, #tpu.memory_space<hbm>>
          %dma_start3A_1121 = arith.constant 0 : i32
          %dma_start3A_1122 = arith.constant 0 : i32
          %dma_start3A_1123 = tpu.memref_slice %dma_start3A_1120[%dma_start3A_1121, %dma_start3A_1122] : memref<8832x32xf32, #tpu.memory_space<hbm>> -> memref<8832x32xf32, #tpu.memory_space<hbm>>
          tpu.enqueue_indirect_dma source(%dma_start3A_1123 : memref<8832x32xf32, #tpu.memory_space<hbm>>) target(%dma_start3A_1113 : memref<128x32xf32, #tpu.memory_space<vmem>>) offsets(%dma_start3A_1116 : memref<128xi32, #tpu.memory_space<vmem>>) semaphore(%arg34 : memref<!tpu.dma_semaphore, #tpu.memory_space<semaphore_mem>>)
        } else {
        }
        %mul3A_1035 = arith.constant 8 : i32
        %mul3A_1036 = arith.muli %add3A_970, %mul3A_1035 : i32
        %add3A_1037 = arith.constant 0 : i32
        %add3A_1038 = arith.addi %mul3A_1036, %add3A_1037 : i32
        %lt3A_1039 = arith.cmpi slt, %add3A_1038, %add3A_880 : i32
        %convert_element_type3A_1040 = arith.extui %lt3A_1039 : i1 to i32
        %cond3A_1041 = arith.constant 0 : i32
        %cond3A_1042 = arith.cmpi ne, %convert_element_type3A_1040, %cond3A_1041 : i32
        scf.if %cond3A_1042 {
          %lt3A_1099 = arith.cmpi slt, %add3A_1038, %get3A_875 : i32
          %add3A_1100 = arith.addi %select_n3A_843, %add3A_1038 : i32
          %sub3A_1101 = arith.subi %add3A_1038, %get3A_875 : i32
          %add3A_1102 = arith.addi %select_n3A_871, %sub3A_1101 : i32
          %select_n3A_1103 = arith.select %lt3A_1099, %add3A_1100, %add3A_1102 : i32
          %dma_wait3A_1104 = arith.constant 0 : i32
          %dma_wait3A_1105 = arith.constant 0 : i32
          %dma_wait3A_1106 = arith.constant 0 : i32
          %dma_wait3A_1107 = tpu.memref_slice %arg14[%dma_wait3A_1104, %dma_wait3A_1105, %dma_wait3A_1106] : memref<8x128x32xf32, #tpu.memory_space<vmem>> -> memref<1x128x32xf32, #tpu.memory_space<vmem>>
          %dma_wait3A_1108 = tpu.memref_squeeze %dma_wait3A_1107 : memref<1x128x32xf32, #tpu.memory_space<vmem>> -> memref<128x32xf32, #tpu.memory_space<vmem>>
          %dma_wait3A_1109 = arith.constant 0 : i32
          %dma_wait3A_1110 = tpu.memref_slice %arg12[%select_n3A_1103, %dma_wait3A_1109] : memref<94x128xi32, #tpu.memory_space<vmem>> -> memref<1x128xi32, #tpu.memory_space<vmem>>
          %dma_wait3A_1111 = tpu.memref_squeeze %dma_wait3A_1110 : memref<1x128xi32, #tpu.memory_space<vmem>> -> memref<128xi32, #tpu.memory_space<vmem>>
          %dma_wait3A_1112 = arith.constant 0 : i32
          %dma_wait3A_1113 = arith.constant 0 : i32
          %dma_wait3A_1114 = tpu.memref_slice %arg8[%arg0, %dma_wait3A_1112, %dma_wait3A_1113] : memref<2x8832x32xf32, #tpu.memory_space<hbm>> -> memref<1x8832x32xf32, #tpu.memory_space<hbm>>
          %dma_wait3A_1115 = tpu.memref_squeeze %dma_wait3A_1114 : memref<1x8832x32xf32, #tpu.memory_space<hbm>> -> memref<8832x32xf32, #tpu.memory_space<hbm>>
          %dma_wait3A_1116 = arith.constant 0 : i32
          %dma_wait3A_1117 = arith.constant 0 : i32
          %dma_wait3A_1118 = tpu.memref_slice %dma_wait3A_1115[%dma_wait3A_1116, %dma_wait3A_1117] : memref<8832x32xf32, #tpu.memory_space<hbm>> -> memref<8832x32xf32, #tpu.memory_space<hbm>>
          tpu.wait_indirect_dma semaphore(%arg27 : memref<!tpu.dma_semaphore, #tpu.memory_space<semaphore_mem>>) src(%dma_wait3A_1118 : memref<8832x32xf32, #tpu.memory_space<hbm>>) dst(%dma_wait3A_1108 : memref<128x32xf32, #tpu.memory_space<vmem>>)
          %dma_start3A_1119 = arith.constant 0 : i32
          %dma_start3A_1120 = arith.constant 0 : i32
          %dma_start3A_1121 = arith.constant 0 : i32
          %dma_start3A_1122 = tpu.memref_slice %arg14[%dma_start3A_1119, %dma_start3A_1120, %dma_start3A_1121] : memref<8x128x32xf32, #tpu.memory_space<vmem>> -> memref<1x128x32xf32, #tpu.memory_space<vmem>>
          %dma_start3A_1123 = tpu.memref_squeeze %dma_start3A_1122 : memref<1x128x32xf32, #tpu.memory_space<vmem>> -> memref<128x32xf32, #tpu.memory_space<vmem>>
          %dma_start3A_1124 = arith.constant 0 : i32
          %dma_start3A_1125 = tpu.memref_slice %arg13[%select_n3A_1103, %dma_start3A_1124] : memref<94x128xi32, #tpu.memory_space<vmem>> -> memref<1x128xi32, #tpu.memory_space<vmem>>
          %dma_start3A_1126 = tpu.memref_squeeze %dma_start3A_1125 : memref<1x128xi32, #tpu.memory_space<vmem>> -> memref<128xi32, #tpu.memory_space<vmem>>
          %dma_start3A_1127 = arith.constant 0 : i32
          %dma_start3A_1128 = arith.constant 0 : i32
          %dma_start3A_1129 = tpu.memref_slice %arg9[%dma_start3A_1127, %dma_start3A_1128] : memref<8832x32xf32, #tpu.memory_space<vmem_shared>> -> memref<8832x32xf32, #tpu.memory_space<vmem_shared>>
          tpu.enqueue_indirect_dma source(%dma_start3A_1123 : memref<128x32xf32, #tpu.memory_space<vmem>>) target(%dma_start3A_1129 : memref<8832x32xf32, #tpu.memory_space<vmem_shared>>) offsets(%dma_start3A_1126 : memref<128xi32, #tpu.memory_space<vmem>>) semaphore(%arg35 : memref<!tpu.dma_semaphore, #tpu.memory_space<semaphore_mem>>) {add = true}
        } else {
        }
        %mul3A_1043 = arith.constant 8 : i32
        %mul3A_1044 = arith.muli %add3A_970, %mul3A_1043 : i32
        %add3A_1045 = arith.constant 1 : i32
        %add3A_1046 = arith.addi %mul3A_1044, %add3A_1045 : i32
        %lt3A_1047 = arith.cmpi slt, %add3A_1046, %add3A_880 : i32
        %convert_element_type3A_1048 = arith.extui %lt3A_1047 : i1 to i32
        %cond3A_1049 = arith.constant 0 : i32
        %cond3A_1050 = arith.cmpi ne, %convert_element_type3A_1048, %cond3A_1049 : i32
        scf.if %cond3A_1050 {
          %lt3A_1099 = arith.cmpi slt, %add3A_1046, %get3A_875 : i32
          %add3A_1100 = arith.addi %select_n3A_843, %add3A_1046 : i32
          %sub3A_1101 = arith.subi %add3A_1046, %get3A_875 : i32
          %add3A_1102 = arith.addi %select_n3A_871, %sub3A_1101 : i32
          %select_n3A_1103 = arith.select %lt3A_1099, %add3A_1100, %add3A_1102 : i32
          %dma_wait3A_1104 = arith.constant 1 : i32
          %dma_wait3A_1105 = arith.constant 0 : i32
          %dma_wait3A_1106 = arith.constant 0 : i32
          %dma_wait3A_1107 = tpu.memref_slice %arg14[%dma_wait3A_1104, %dma_wait3A_1105, %dma_wait3A_1106] : memref<8x128x32xf32, #tpu.memory_space<vmem>> -> memref<1x128x32xf32, #tpu.memory_space<vmem>>
          %dma_wait3A_1108 = tpu.memref_squeeze %dma_wait3A_1107 : memref<1x128x32xf32, #tpu.memory_space<vmem>> -> memref<128x32xf32, #tpu.memory_space<vmem>>
          %dma_wait3A_1109 = arith.constant 0 : i32
          %dma_wait3A_1110 = tpu.memref_slice %arg12[%select_n3A_1103, %dma_wait3A_1109] : memref<94x128xi32, #tpu.memory_space<vmem>> -> memref<1x128xi32, #tpu.memory_space<vmem>>
          %dma_wait3A_1111 = tpu.memref_squeeze %dma_wait3A_1110 : memref<1x128xi32, #tpu.memory_space<vmem>> -> memref<128xi32, #tpu.memory_space<vmem>>
          %dma_wait3A_1112 = arith.constant 0 : i32
          %dma_wait3A_1113 = arith.constant 0 : i32
          %dma_wait3A_1114 = tpu.memref_slice %arg8[%arg0, %dma_wait3A_1112, %dma_wait3A_1113] : memref<2x8832x32xf32, #tpu.memory_space<hbm>> -> memref<1x8832x32xf32, #tpu.memory_space<hbm>>
          %dma_wait3A_1115 = tpu.memref_squeeze %dma_wait3A_1114 : memref<1x8832x32xf32, #tpu.memory_space<hbm>> -> memref<8832x32xf32, #tpu.memory_space<hbm>>
          %dma_wait3A_1116 = arith.constant 0 : i32
          %dma_wait3A_1117 = arith.constant 0 : i32
          %dma_wait3A_1118 = tpu.memref_slice %dma_wait3A_1115[%dma_wait3A_1116, %dma_wait3A_1117] : memref<8832x32xf32, #tpu.memory_space<hbm>> -> memref<8832x32xf32, #tpu.memory_space<hbm>>
          tpu.wait_indirect_dma semaphore(%arg28 : memref<!tpu.dma_semaphore, #tpu.memory_space<semaphore_mem>>) src(%dma_wait3A_1118 : memref<8832x32xf32, #tpu.memory_space<hbm>>) dst(%dma_wait3A_1108 : memref<128x32xf32, #tpu.memory_space<vmem>>)
          %dma_start3A_1119 = arith.constant 1 : i32
          %dma_start3A_1120 = arith.constant 0 : i32
          %dma_start3A_1121 = arith.constant 0 : i32
          %dma_start3A_1122 = tpu.memref_slice %arg14[%dma_start3A_1119, %dma_start3A_1120, %dma_start3A_1121] : memref<8x128x32xf32, #tpu.memory_space<vmem>> -> memref<1x128x32xf32, #tpu.memory_space<vmem>>
          %dma_start3A_1123 = tpu.memref_squeeze %dma_start3A_1122 : memref<1x128x32xf32, #tpu.memory_space<vmem>> -> memref<128x32xf32, #tpu.memory_space<vmem>>
          %dma_start3A_1124 = arith.constant 0 : i32
          %dma_start3A_1125 = tpu.memref_slice %arg13[%select_n3A_1103, %dma_start3A_1124] : memref<94x128xi32, #tpu.memory_space<vmem>> -> memref<1x128xi32, #tpu.memory_space<vmem>>
          %dma_start3A_1126 = tpu.memref_squeeze %dma_start3A_1125 : memref<1x128xi32, #tpu.memory_space<vmem>> -> memref<128xi32, #tpu.memory_space<vmem>>
          %dma_start3A_1127 = arith.constant 0 : i32
          %dma_start3A_1128 = arith.constant 0 : i32
          %dma_start3A_1129 = tpu.memref_slice %arg9[%dma_start3A_1127, %dma_start3A_1128] : memref<8832x32xf32, #tpu.memory_space<vmem_shared>> -> memref<8832x32xf32, #tpu.memory_space<vmem_shared>>
          tpu.enqueue_indirect_dma source(%dma_start3A_1123 : memref<128x32xf32, #tpu.memory_space<vmem>>) target(%dma_start3A_1129 : memref<8832x32xf32, #tpu.memory_space<vmem_shared>>) offsets(%dma_start3A_1126 : memref<128xi32, #tpu.memory_space<vmem>>) semaphore(%arg36 : memref<!tpu.dma_semaphore, #tpu.memory_space<semaphore_mem>>) {add = true}
        } else {
        }
        %mul3A_1051 = arith.constant 8 : i32
        %mul3A_1052 = arith.muli %add3A_970, %mul3A_1051 : i32
        %add3A_1053 = arith.constant 2 : i32
        %add3A_1054 = arith.addi %mul3A_1052, %add3A_1053 : i32
        %lt3A_1055 = arith.cmpi slt, %add3A_1054, %add3A_880 : i32
        %convert_element_type3A_1056 = arith.extui %lt3A_1055 : i1 to i32
        %cond3A_1057 = arith.constant 0 : i32
        %cond3A_1058 = arith.cmpi ne, %convert_element_type3A_1056, %cond3A_1057 : i32
        scf.if %cond3A_1058 {
          %lt3A_1099 = arith.cmpi slt, %add3A_1054, %get3A_875 : i32
          %add3A_1100 = arith.addi %select_n3A_843, %add3A_1054 : i32
          %sub3A_1101 = arith.subi %add3A_1054, %get3A_875 : i32
          %add3A_1102 = arith.addi %select_n3A_871, %sub3A_1101 : i32
          %select_n3A_1103 = arith.select %lt3A_1099, %add3A_1100, %add3A_1102 : i32
          %dma_wait3A_1104 = arith.constant 2 : i32
          %dma_wait3A_1105 = arith.constant 0 : i32
          %dma_wait3A_1106 = arith.constant 0 : i32
          %dma_wait3A_1107 = tpu.memref_slice %arg14[%dma_wait3A_1104, %dma_wait3A_1105, %dma_wait3A_1106] : memref<8x128x32xf32, #tpu.memory_space<vmem>> -> memref<1x128x32xf32, #tpu.memory_space<vmem>>
          %dma_wait3A_1108 = tpu.memref_squeeze %dma_wait3A_1107 : memref<1x128x32xf32, #tpu.memory_space<vmem>> -> memref<128x32xf32, #tpu.memory_space<vmem>>
          %dma_wait3A_1109 = arith.constant 0 : i32
          %dma_wait3A_1110 = tpu.memref_slice %arg12[%select_n3A_1103, %dma_wait3A_1109] : memref<94x128xi32, #tpu.memory_space<vmem>> -> memref<1x128xi32, #tpu.memory_space<vmem>>
          %dma_wait3A_1111 = tpu.memref_squeeze %dma_wait3A_1110 : memref<1x128xi32, #tpu.memory_space<vmem>> -> memref<128xi32, #tpu.memory_space<vmem>>
          %dma_wait3A_1112 = arith.constant 0 : i32
          %dma_wait3A_1113 = arith.constant 0 : i32
          %dma_wait3A_1114 = tpu.memref_slice %arg8[%arg0, %dma_wait3A_1112, %dma_wait3A_1113] : memref<2x8832x32xf32, #tpu.memory_space<hbm>> -> memref<1x8832x32xf32, #tpu.memory_space<hbm>>
          %dma_wait3A_1115 = tpu.memref_squeeze %dma_wait3A_1114 : memref<1x8832x32xf32, #tpu.memory_space<hbm>> -> memref<8832x32xf32, #tpu.memory_space<hbm>>
          %dma_wait3A_1116 = arith.constant 0 : i32
          %dma_wait3A_1117 = arith.constant 0 : i32
          %dma_wait3A_1118 = tpu.memref_slice %dma_wait3A_1115[%dma_wait3A_1116, %dma_wait3A_1117] : memref<8832x32xf32, #tpu.memory_space<hbm>> -> memref<8832x32xf32, #tpu.memory_space<hbm>>
          tpu.wait_indirect_dma semaphore(%arg29 : memref<!tpu.dma_semaphore, #tpu.memory_space<semaphore_mem>>) src(%dma_wait3A_1118 : memref<8832x32xf32, #tpu.memory_space<hbm>>) dst(%dma_wait3A_1108 : memref<128x32xf32, #tpu.memory_space<vmem>>)
          %dma_start3A_1119 = arith.constant 2 : i32
          %dma_start3A_1120 = arith.constant 0 : i32
          %dma_start3A_1121 = arith.constant 0 : i32
          %dma_start3A_1122 = tpu.memref_slice %arg14[%dma_start3A_1119, %dma_start3A_1120, %dma_start3A_1121] : memref<8x128x32xf32, #tpu.memory_space<vmem>> -> memref<1x128x32xf32, #tpu.memory_space<vmem>>
          %dma_start3A_1123 = tpu.memref_squeeze %dma_start3A_1122 : memref<1x128x32xf32, #tpu.memory_space<vmem>> -> memref<128x32xf32, #tpu.memory_space<vmem>>
          %dma_start3A_1124 = arith.constant 0 : i32
          %dma_start3A_1125 = tpu.memref_slice %arg13[%select_n3A_1103, %dma_start3A_1124] : memref<94x128xi32, #tpu.memory_space<vmem>> -> memref<1x128xi32, #tpu.memory_space<vmem>>
          %dma_start3A_1126 = tpu.memref_squeeze %dma_start3A_1125 : memref<1x128xi32, #tpu.memory_space<vmem>> -> memref<128xi32, #tpu.memory_space<vmem>>
          %dma_start3A_1127 = arith.constant 0 : i32
          %dma_start3A_1128 = arith.constant 0 : i32
          %dma_start3A_1129 = tpu.memref_slice %arg9[%dma_start3A_1127, %dma_start3A_1128] : memref<8832x32xf32, #tpu.memory_space<vmem_shared>> -> memref<8832x32xf32, #tpu.memory_space<vmem_shared>>
          tpu.enqueue_indirect_dma source(%dma_start3A_1123 : memref<128x32xf32, #tpu.memory_space<vmem>>) target(%dma_start3A_1129 : memref<8832x32xf32, #tpu.memory_space<vmem_shared>>) offsets(%dma_start3A_1126 : memref<128xi32, #tpu.memory_space<vmem>>) semaphore(%arg37 : memref<!tpu.dma_semaphore, #tpu.memory_space<semaphore_mem>>) {add = true}
        } else {
        }
        %mul3A_1059 = arith.constant 8 : i32
        %mul3A_1060 = arith.muli %add3A_970, %mul3A_1059 : i32
        %add3A_1061 = arith.constant 3 : i32
        %add3A_1062 = arith.addi %mul3A_1060, %add3A_1061 : i32
        %lt3A_1063 = arith.cmpi slt, %add3A_1062, %add3A_880 : i32
        %convert_element_type3A_1064 = arith.extui %lt3A_1063 : i1 to i32
        %cond3A_1065 = arith.constant 0 : i32
        %cond3A_1066 = arith.cmpi ne, %convert_element_type3A_1064, %cond3A_1065 : i32
        scf.if %cond3A_1066 {
          %lt3A_1099 = arith.cmpi slt, %add3A_1062, %get3A_875 : i32
          %add3A_1100 = arith.addi %select_n3A_843, %add3A_1062 : i32
          %sub3A_1101 = arith.subi %add3A_1062, %get3A_875 : i32
          %add3A_1102 = arith.addi %select_n3A_871, %sub3A_1101 : i32
          %select_n3A_1103 = arith.select %lt3A_1099, %add3A_1100, %add3A_1102 : i32
          %dma_wait3A_1104 = arith.constant 3 : i32
          %dma_wait3A_1105 = arith.constant 0 : i32
          %dma_wait3A_1106 = arith.constant 0 : i32
          %dma_wait3A_1107 = tpu.memref_slice %arg14[%dma_wait3A_1104, %dma_wait3A_1105, %dma_wait3A_1106] : memref<8x128x32xf32, #tpu.memory_space<vmem>> -> memref<1x128x32xf32, #tpu.memory_space<vmem>>
          %dma_wait3A_1108 = tpu.memref_squeeze %dma_wait3A_1107 : memref<1x128x32xf32, #tpu.memory_space<vmem>> -> memref<128x32xf32, #tpu.memory_space<vmem>>
          %dma_wait3A_1109 = arith.constant 0 : i32
          %dma_wait3A_1110 = tpu.memref_slice %arg12[%select_n3A_1103, %dma_wait3A_1109] : memref<94x128xi32, #tpu.memory_space<vmem>> -> memref<1x128xi32, #tpu.memory_space<vmem>>
          %dma_wait3A_1111 = tpu.memref_squeeze %dma_wait3A_1110 : memref<1x128xi32, #tpu.memory_space<vmem>> -> memref<128xi32, #tpu.memory_space<vmem>>
          %dma_wait3A_1112 = arith.constant 0 : i32
          %dma_wait3A_1113 = arith.constant 0 : i32
          %dma_wait3A_1114 = tpu.memref_slice %arg8[%arg0, %dma_wait3A_1112, %dma_wait3A_1113] : memref<2x8832x32xf32, #tpu.memory_space<hbm>> -> memref<1x8832x32xf32, #tpu.memory_space<hbm>>
          %dma_wait3A_1115 = tpu.memref_squeeze %dma_wait3A_1114 : memref<1x8832x32xf32, #tpu.memory_space<hbm>> -> memref<8832x32xf32, #tpu.memory_space<hbm>>
          %dma_wait3A_1116 = arith.constant 0 : i32
          %dma_wait3A_1117 = arith.constant 0 : i32
          %dma_wait3A_1118 = tpu.memref_slice %dma_wait3A_1115[%dma_wait3A_1116, %dma_wait3A_1117] : memref<8832x32xf32, #tpu.memory_space<hbm>> -> memref<8832x32xf32, #tpu.memory_space<hbm>>
          tpu.wait_indirect_dma semaphore(%arg30 : memref<!tpu.dma_semaphore, #tpu.memory_space<semaphore_mem>>) src(%dma_wait3A_1118 : memref<8832x32xf32, #tpu.memory_space<hbm>>) dst(%dma_wait3A_1108 : memref<128x32xf32, #tpu.memory_space<vmem>>)
          %dma_start3A_1119 = arith.constant 3 : i32
          %dma_start3A_1120 = arith.constant 0 : i32
          %dma_start3A_1121 = arith.constant 0 : i32
          %dma_start3A_1122 = tpu.memref_slice %arg14[%dma_start3A_1119, %dma_start3A_1120, %dma_start3A_1121] : memref<8x128x32xf32, #tpu.memory_space<vmem>> -> memref<1x128x32xf32, #tpu.memory_space<vmem>>
          %dma_start3A_1123 = tpu.memref_squeeze %dma_start3A_1122 : memref<1x128x32xf32, #tpu.memory_space<vmem>> -> memref<128x32xf32, #tpu.memory_space<vmem>>
          %dma_start3A_1124 = arith.constant 0 : i32
          %dma_start3A_1125 = tpu.memref_slice %arg13[%select_n3A_1103, %dma_start3A_1124] : memref<94x128xi32, #tpu.memory_space<vmem>> -> memref<1x128xi32, #tpu.memory_space<vmem>>
          %dma_start3A_1126 = tpu.memref_squeeze %dma_start3A_1125 : memref<1x128xi32, #tpu.memory_space<vmem>> -> memref<128xi32, #tpu.memory_space<vmem>>
          %dma_start3A_1127 = arith.constant 0 : i32
          %dma_start3A_1128 = arith.constant 0 : i32
          %dma_start3A_1129 = tpu.memref_slice %arg9[%dma_start3A_1127, %dma_start3A_1128] : memref<8832x32xf32, #tpu.memory_space<vmem_shared>> -> memref<8832x32xf32, #tpu.memory_space<vmem_shared>>
          tpu.enqueue_indirect_dma source(%dma_start3A_1123 : memref<128x32xf32, #tpu.memory_space<vmem>>) target(%dma_start3A_1129 : memref<8832x32xf32, #tpu.memory_space<vmem_shared>>) offsets(%dma_start3A_1126 : memref<128xi32, #tpu.memory_space<vmem>>) semaphore(%arg38 : memref<!tpu.dma_semaphore, #tpu.memory_space<semaphore_mem>>) {add = true}
        } else {
        }
        %mul3A_1067 = arith.constant 8 : i32
        %mul3A_1068 = arith.muli %add3A_970, %mul3A_1067 : i32
        %add3A_1069 = arith.constant 4 : i32
        %add3A_1070 = arith.addi %mul3A_1068, %add3A_1069 : i32
        %lt3A_1071 = arith.cmpi slt, %add3A_1070, %add3A_880 : i32
        %convert_element_type3A_1072 = arith.extui %lt3A_1071 : i1 to i32
        %cond3A_1073 = arith.constant 0 : i32
        %cond3A_1074 = arith.cmpi ne, %convert_element_type3A_1072, %cond3A_1073 : i32
        scf.if %cond3A_1074 {
          %lt3A_1099 = arith.cmpi slt, %add3A_1070, %get3A_875 : i32
          %add3A_1100 = arith.addi %select_n3A_843, %add3A_1070 : i32
          %sub3A_1101 = arith.subi %add3A_1070, %get3A_875 : i32
          %add3A_1102 = arith.addi %select_n3A_871, %sub3A_1101 : i32
          %select_n3A_1103 = arith.select %lt3A_1099, %add3A_1100, %add3A_1102 : i32
          %dma_wait3A_1104 = arith.constant 4 : i32
          %dma_wait3A_1105 = arith.constant 0 : i32
          %dma_wait3A_1106 = arith.constant 0 : i32
          %dma_wait3A_1107 = tpu.memref_slice %arg14[%dma_wait3A_1104, %dma_wait3A_1105, %dma_wait3A_1106] : memref<8x128x32xf32, #tpu.memory_space<vmem>> -> memref<1x128x32xf32, #tpu.memory_space<vmem>>
          %dma_wait3A_1108 = tpu.memref_squeeze %dma_wait3A_1107 : memref<1x128x32xf32, #tpu.memory_space<vmem>> -> memref<128x32xf32, #tpu.memory_space<vmem>>
          %dma_wait3A_1109 = arith.constant 0 : i32
          %dma_wait3A_1110 = tpu.memref_slice %arg12[%select_n3A_1103, %dma_wait3A_1109] : memref<94x128xi32, #tpu.memory_space<vmem>> -> memref<1x128xi32, #tpu.memory_space<vmem>>
          %dma_wait3A_1111 = tpu.memref_squeeze %dma_wait3A_1110 : memref<1x128xi32, #tpu.memory_space<vmem>> -> memref<128xi32, #tpu.memory_space<vmem>>
          %dma_wait3A_1112 = arith.constant 0 : i32
          %dma_wait3A_1113 = arith.constant 0 : i32
          %dma_wait3A_1114 = tpu.memref_slice %arg8[%arg0, %dma_wait3A_1112, %dma_wait3A_1113] : memref<2x8832x32xf32, #tpu.memory_space<hbm>> -> memref<1x8832x32xf32, #tpu.memory_space<hbm>>
          %dma_wait3A_1115 = tpu.memref_squeeze %dma_wait3A_1114 : memref<1x8832x32xf32, #tpu.memory_space<hbm>> -> memref<8832x32xf32, #tpu.memory_space<hbm>>
          %dma_wait3A_1116 = arith.constant 0 : i32
          %dma_wait3A_1117 = arith.constant 0 : i32
          %dma_wait3A_1118 = tpu.memref_slice %dma_wait3A_1115[%dma_wait3A_1116, %dma_wait3A_1117] : memref<8832x32xf32, #tpu.memory_space<hbm>> -> memref<8832x32xf32, #tpu.memory_space<hbm>>
          tpu.wait_indirect_dma semaphore(%arg31 : memref<!tpu.dma_semaphore, #tpu.memory_space<semaphore_mem>>) src(%dma_wait3A_1118 : memref<8832x32xf32, #tpu.memory_space<hbm>>) dst(%dma_wait3A_1108 : memref<128x32xf32, #tpu.memory_space<vmem>>)
          %dma_start3A_1119 = arith.constant 4 : i32
          %dma_start3A_1120 = arith.constant 0 : i32
          %dma_start3A_1121 = arith.constant 0 : i32
          %dma_start3A_1122 = tpu.memref_slice %arg14[%dma_start3A_1119, %dma_start3A_1120, %dma_start3A_1121] : memref<8x128x32xf32, #tpu.memory_space<vmem>> -> memref<1x128x32xf32, #tpu.memory_space<vmem>>
          %dma_start3A_1123 = tpu.memref_squeeze %dma_start3A_1122 : memref<1x128x32xf32, #tpu.memory_space<vmem>> -> memref<128x32xf32, #tpu.memory_space<vmem>>
          %dma_start3A_1124 = arith.constant 0 : i32
          %dma_start3A_1125 = tpu.memref_slice %arg13[%select_n3A_1103, %dma_start3A_1124] : memref<94x128xi32, #tpu.memory_space<vmem>> -> memref<1x128xi32, #tpu.memory_space<vmem>>
          %dma_start3A_1126 = tpu.memref_squeeze %dma_start3A_1125 : memref<1x128xi32, #tpu.memory_space<vmem>> -> memref<128xi32, #tpu.memory_space<vmem>>
          %dma_start3A_1127 = arith.constant 0 : i32
          %dma_start3A_1128 = arith.constant 0 : i32
          %dma_start3A_1129 = tpu.memref_slice %arg9[%dma_start3A_1127, %dma_start3A_1128] : memref<8832x32xf32, #tpu.memory_space<vmem_shared>> -> memref<8832x32xf32, #tpu.memory_space<vmem_shared>>
          tpu.enqueue_indirect_dma source(%dma_start3A_1123 : memref<128x32xf32, #tpu.memory_space<vmem>>) target(%dma_start3A_1129 : memref<8832x32xf32, #tpu.memory_space<vmem_shared>>) offsets(%dma_start3A_1126 : memref<128xi32, #tpu.memory_space<vmem>>) semaphore(%arg39 : memref<!tpu.dma_semaphore, #tpu.memory_space<semaphore_mem>>) {add = true}
        } else {
        }
        %mul3A_1075 = arith.constant 8 : i32
        %mul3A_1076 = arith.muli %add3A_970, %mul3A_1075 : i32
        %add3A_1077 = arith.constant 5 : i32
        %add3A_1078 = arith.addi %mul3A_1076, %add3A_1077 : i32
        %lt3A_1079 = arith.cmpi slt, %add3A_1078, %add3A_880 : i32
        %convert_element_type3A_1080 = arith.extui %lt3A_1079 : i1 to i32
        %cond3A_1081 = arith.constant 0 : i32
        %cond3A_1082 = arith.cmpi ne, %convert_element_type3A_1080, %cond3A_1081 : i32
        scf.if %cond3A_1082 {
          %lt3A_1099 = arith.cmpi slt, %add3A_1078, %get3A_875 : i32
          %add3A_1100 = arith.addi %select_n3A_843, %add3A_1078 : i32
          %sub3A_1101 = arith.subi %add3A_1078, %get3A_875 : i32
          %add3A_1102 = arith.addi %select_n3A_871, %sub3A_1101 : i32
          %select_n3A_1103 = arith.select %lt3A_1099, %add3A_1100, %add3A_1102 : i32
          %dma_wait3A_1104 = arith.constant 5 : i32
          %dma_wait3A_1105 = arith.constant 0 : i32
          %dma_wait3A_1106 = arith.constant 0 : i32
          %dma_wait3A_1107 = tpu.memref_slice %arg14[%dma_wait3A_1104, %dma_wait3A_1105, %dma_wait3A_1106] : memref<8x128x32xf32, #tpu.memory_space<vmem>> -> memref<1x128x32xf32, #tpu.memory_space<vmem>>
          %dma_wait3A_1108 = tpu.memref_squeeze %dma_wait3A_1107 : memref<1x128x32xf32, #tpu.memory_space<vmem>> -> memref<128x32xf32, #tpu.memory_space<vmem>>
          %dma_wait3A_1109 = arith.constant 0 : i32
          %dma_wait3A_1110 = tpu.memref_slice %arg12[%select_n3A_1103, %dma_wait3A_1109] : memref<94x128xi32, #tpu.memory_space<vmem>> -> memref<1x128xi32, #tpu.memory_space<vmem>>
          %dma_wait3A_1111 = tpu.memref_squeeze %dma_wait3A_1110 : memref<1x128xi32, #tpu.memory_space<vmem>> -> memref<128xi32, #tpu.memory_space<vmem>>
          %dma_wait3A_1112 = arith.constant 0 : i32
          %dma_wait3A_1113 = arith.constant 0 : i32
          %dma_wait3A_1114 = tpu.memref_slice %arg8[%arg0, %dma_wait3A_1112, %dma_wait3A_1113] : memref<2x8832x32xf32, #tpu.memory_space<hbm>> -> memref<1x8832x32xf32, #tpu.memory_space<hbm>>
          %dma_wait3A_1115 = tpu.memref_squeeze %dma_wait3A_1114 : memref<1x8832x32xf32, #tpu.memory_space<hbm>> -> memref<8832x32xf32, #tpu.memory_space<hbm>>
          %dma_wait3A_1116 = arith.constant 0 : i32
          %dma_wait3A_1117 = arith.constant 0 : i32
          %dma_wait3A_1118 = tpu.memref_slice %dma_wait3A_1115[%dma_wait3A_1116, %dma_wait3A_1117] : memref<8832x32xf32, #tpu.memory_space<hbm>> -> memref<8832x32xf32, #tpu.memory_space<hbm>>
          tpu.wait_indirect_dma semaphore(%arg32 : memref<!tpu.dma_semaphore, #tpu.memory_space<semaphore_mem>>) src(%dma_wait3A_1118 : memref<8832x32xf32, #tpu.memory_space<hbm>>) dst(%dma_wait3A_1108 : memref<128x32xf32, #tpu.memory_space<vmem>>)
          %dma_start3A_1119 = arith.constant 5 : i32
          %dma_start3A_1120 = arith.constant 0 : i32
          %dma_start3A_1121 = arith.constant 0 : i32
          %dma_start3A_1122 = tpu.memref_slice %arg14[%dma_start3A_1119, %dma_start3A_1120, %dma_start3A_1121] : memref<8x128x32xf32, #tpu.memory_space<vmem>> -> memref<1x128x32xf32, #tpu.memory_space<vmem>>
          %dma_start3A_1123 = tpu.memref_squeeze %dma_start3A_1122 : memref<1x128x32xf32, #tpu.memory_space<vmem>> -> memref<128x32xf32, #tpu.memory_space<vmem>>
          %dma_start3A_1124 = arith.constant 0 : i32
          %dma_start3A_1125 = tpu.memref_slice %arg13[%select_n3A_1103, %dma_start3A_1124] : memref<94x128xi32, #tpu.memory_space<vmem>> -> memref<1x128xi32, #tpu.memory_space<vmem>>
          %dma_start3A_1126 = tpu.memref_squeeze %dma_start3A_1125 : memref<1x128xi32, #tpu.memory_space<vmem>> -> memref<128xi32, #tpu.memory_space<vmem>>
          %dma_start3A_1127 = arith.constant 0 : i32
          %dma_start3A_1128 = arith.constant 0 : i32
          %dma_start3A_1129 = tpu.memref_slice %arg9[%dma_start3A_1127, %dma_start3A_1128] : memref<8832x32xf32, #tpu.memory_space<vmem_shared>> -> memref<8832x32xf32, #tpu.memory_space<vmem_shared>>
          tpu.enqueue_indirect_dma source(%dma_start3A_1123 : memref<128x32xf32, #tpu.memory_space<vmem>>) target(%dma_start3A_1129 : memref<8832x32xf32, #tpu.memory_space<vmem_shared>>) offsets(%dma_start3A_1126 : memref<128xi32, #tpu.memory_space<vmem>>) semaphore(%arg40 : memref<!tpu.dma_semaphore, #tpu.memory_space<semaphore_mem>>) {add = true}
        } else {
        }
        %mul3A_1083 = arith.constant 8 : i32
        %mul3A_1084 = arith.muli %add3A_970, %mul3A_1083 : i32
        %add3A_1085 = arith.constant 6 : i32
        %add3A_1086 = arith.addi %mul3A_1084, %add3A_1085 : i32
        %lt3A_1087 = arith.cmpi slt, %add3A_1086, %add3A_880 : i32
        %convert_element_type3A_1088 = arith.extui %lt3A_1087 : i1 to i32
        %cond3A_1089 = arith.constant 0 : i32
        %cond3A_1090 = arith.cmpi ne, %convert_element_type3A_1088, %cond3A_1089 : i32
        scf.if %cond3A_1090 {
          %lt3A_1099 = arith.cmpi slt, %add3A_1086, %get3A_875 : i32
          %add3A_1100 = arith.addi %select_n3A_843, %add3A_1086 : i32
          %sub3A_1101 = arith.subi %add3A_1086, %get3A_875 : i32
          %add3A_1102 = arith.addi %select_n3A_871, %sub3A_1101 : i32
          %select_n3A_1103 = arith.select %lt3A_1099, %add3A_1100, %add3A_1102 : i32
          %dma_wait3A_1104 = arith.constant 6 : i32
          %dma_wait3A_1105 = arith.constant 0 : i32
          %dma_wait3A_1106 = arith.constant 0 : i32
          %dma_wait3A_1107 = tpu.memref_slice %arg14[%dma_wait3A_1104, %dma_wait3A_1105, %dma_wait3A_1106] : memref<8x128x32xf32, #tpu.memory_space<vmem>> -> memref<1x128x32xf32, #tpu.memory_space<vmem>>
          %dma_wait3A_1108 = tpu.memref_squeeze %dma_wait3A_1107 : memref<1x128x32xf32, #tpu.memory_space<vmem>> -> memref<128x32xf32, #tpu.memory_space<vmem>>
          %dma_wait3A_1109 = arith.constant 0 : i32
          %dma_wait3A_1110 = tpu.memref_slice %arg12[%select_n3A_1103, %dma_wait3A_1109] : memref<94x128xi32, #tpu.memory_space<vmem>> -> memref<1x128xi32, #tpu.memory_space<vmem>>
          %dma_wait3A_1111 = tpu.memref_squeeze %dma_wait3A_1110 : memref<1x128xi32, #tpu.memory_space<vmem>> -> memref<128xi32, #tpu.memory_space<vmem>>
          %dma_wait3A_1112 = arith.constant 0 : i32
          %dma_wait3A_1113 = arith.constant 0 : i32
          %dma_wait3A_1114 = tpu.memref_slice %arg8[%arg0, %dma_wait3A_1112, %dma_wait3A_1113] : memref<2x8832x32xf32, #tpu.memory_space<hbm>> -> memref<1x8832x32xf32, #tpu.memory_space<hbm>>
          %dma_wait3A_1115 = tpu.memref_squeeze %dma_wait3A_1114 : memref<1x8832x32xf32, #tpu.memory_space<hbm>> -> memref<8832x32xf32, #tpu.memory_space<hbm>>
          %dma_wait3A_1116 = arith.constant 0 : i32
          %dma_wait3A_1117 = arith.constant 0 : i32
          %dma_wait3A_1118 = tpu.memref_slice %dma_wait3A_1115[%dma_wait3A_1116, %dma_wait3A_1117] : memref<8832x32xf32, #tpu.memory_space<hbm>> -> memref<8832x32xf32, #tpu.memory_space<hbm>>
          tpu.wait_indirect_dma semaphore(%arg33 : memref<!tpu.dma_semaphore, #tpu.memory_space<semaphore_mem>>) src(%dma_wait3A_1118 : memref<8832x32xf32, #tpu.memory_space<hbm>>) dst(%dma_wait3A_1108 : memref<128x32xf32, #tpu.memory_space<vmem>>)
          %dma_start3A_1119 = arith.constant 6 : i32
          %dma_start3A_1120 = arith.constant 0 : i32
          %dma_start3A_1121 = arith.constant 0 : i32
          %dma_start3A_1122 = tpu.memref_slice %arg14[%dma_start3A_1119, %dma_start3A_1120, %dma_start3A_1121] : memref<8x128x32xf32, #tpu.memory_space<vmem>> -> memref<1x128x32xf32, #tpu.memory_space<vmem>>
          %dma_start3A_1123 = tpu.memref_squeeze %dma_start3A_1122 : memref<1x128x32xf32, #tpu.memory_space<vmem>> -> memref<128x32xf32, #tpu.memory_space<vmem>>
          %dma_start3A_1124 = arith.constant 0 : i32
          %dma_start3A_1125 = tpu.memref_slice %arg13[%select_n3A_1103, %dma_start3A_1124] : memref<94x128xi32, #tpu.memory_space<vmem>> -> memref<1x128xi32, #tpu.memory_space<vmem>>
          %dma_start3A_1126 = tpu.memref_squeeze %dma_start3A_1125 : memref<1x128xi32, #tpu.memory_space<vmem>> -> memref<128xi32, #tpu.memory_space<vmem>>
          %dma_start3A_1127 = arith.constant 0 : i32
          %dma_start3A_1128 = arith.constant 0 : i32
          %dma_start3A_1129 = tpu.memref_slice %arg9[%dma_start3A_1127, %dma_start3A_1128] : memref<8832x32xf32, #tpu.memory_space<vmem_shared>> -> memref<8832x32xf32, #tpu.memory_space<vmem_shared>>
          tpu.enqueue_indirect_dma source(%dma_start3A_1123 : memref<128x32xf32, #tpu.memory_space<vmem>>) target(%dma_start3A_1129 : memref<8832x32xf32, #tpu.memory_space<vmem_shared>>) offsets(%dma_start3A_1126 : memref<128xi32, #tpu.memory_space<vmem>>) semaphore(%arg41 : memref<!tpu.dma_semaphore, #tpu.memory_space<semaphore_mem>>) {add = true}
        } else {
        }
        %mul3A_1091 = arith.constant 8 : i32
        %mul3A_1092 = arith.muli %add3A_970, %mul3A_1091 : i32
        %add3A_1093 = arith.constant 7 : i32
        %add3A_1094 = arith.addi %mul3A_1092, %add3A_1093 : i32
        %lt3A_1095 = arith.cmpi slt, %add3A_1094, %add3A_880 : i32
        %convert_element_type3A_1096 = arith.extui %lt3A_1095 : i1 to i32
        %cond3A_1097 = arith.constant 0 : i32
        %cond3A_1098 = arith.cmpi ne, %convert_element_type3A_1096, %cond3A_1097 : i32
        scf.if %cond3A_1098 {
          %lt3A_1099 = arith.cmpi slt, %add3A_1094, %get3A_875 : i32
          %add3A_1100 = arith.addi %select_n3A_843, %add3A_1094 : i32
          %sub3A_1101 = arith.subi %add3A_1094, %get3A_875 : i32
          %add3A_1102 = arith.addi %select_n3A_871, %sub3A_1101 : i32
          %select_n3A_1103 = arith.select %lt3A_1099, %add3A_1100, %add3A_1102 : i32
          %dma_wait3A_1104 = arith.constant 7 : i32
          %dma_wait3A_1105 = arith.constant 0 : i32
          %dma_wait3A_1106 = arith.constant 0 : i32
          %dma_wait3A_1107 = tpu.memref_slice %arg14[%dma_wait3A_1104, %dma_wait3A_1105, %dma_wait3A_1106] : memref<8x128x32xf32, #tpu.memory_space<vmem>> -> memref<1x128x32xf32, #tpu.memory_space<vmem>>
          %dma_wait3A_1108 = tpu.memref_squeeze %dma_wait3A_1107 : memref<1x128x32xf32, #tpu.memory_space<vmem>> -> memref<128x32xf32, #tpu.memory_space<vmem>>
          %dma_wait3A_1109 = arith.constant 0 : i32
          %dma_wait3A_1110 = tpu.memref_slice %arg12[%select_n3A_1103, %dma_wait3A_1109] : memref<94x128xi32, #tpu.memory_space<vmem>> -> memref<1x128xi32, #tpu.memory_space<vmem>>
          %dma_wait3A_1111 = tpu.memref_squeeze %dma_wait3A_1110 : memref<1x128xi32, #tpu.memory_space<vmem>> -> memref<128xi32, #tpu.memory_space<vmem>>
          %dma_wait3A_1112 = arith.constant 0 : i32
          %dma_wait3A_1113 = arith.constant 0 : i32
          %dma_wait3A_1114 = tpu.memref_slice %arg8[%arg0, %dma_wait3A_1112, %dma_wait3A_1113] : memref<2x8832x32xf32, #tpu.memory_space<hbm>> -> memref<1x8832x32xf32, #tpu.memory_space<hbm>>
          %dma_wait3A_1115 = tpu.memref_squeeze %dma_wait3A_1114 : memref<1x8832x32xf32, #tpu.memory_space<hbm>> -> memref<8832x32xf32, #tpu.memory_space<hbm>>
          %dma_wait3A_1116 = arith.constant 0 : i32
          %dma_wait3A_1117 = arith.constant 0 : i32
          %dma_wait3A_1118 = tpu.memref_slice %dma_wait3A_1115[%dma_wait3A_1116, %dma_wait3A_1117] : memref<8832x32xf32, #tpu.memory_space<hbm>> -> memref<8832x32xf32, #tpu.memory_space<hbm>>
          tpu.wait_indirect_dma semaphore(%arg34 : memref<!tpu.dma_semaphore, #tpu.memory_space<semaphore_mem>>) src(%dma_wait3A_1118 : memref<8832x32xf32, #tpu.memory_space<hbm>>) dst(%dma_wait3A_1108 : memref<128x32xf32, #tpu.memory_space<vmem>>)
          %dma_start3A_1119 = arith.constant 7 : i32
          %dma_start3A_1120 = arith.constant 0 : i32
          %dma_start3A_1121 = arith.constant 0 : i32
          %dma_start3A_1122 = tpu.memref_slice %arg14[%dma_start3A_1119, %dma_start3A_1120, %dma_start3A_1121] : memref<8x128x32xf32, #tpu.memory_space<vmem>> -> memref<1x128x32xf32, #tpu.memory_space<vmem>>
          %dma_start3A_1123 = tpu.memref_squeeze %dma_start3A_1122 : memref<1x128x32xf32, #tpu.memory_space<vmem>> -> memref<128x32xf32, #tpu.memory_space<vmem>>
          %dma_start3A_1124 = arith.constant 0 : i32
          %dma_start3A_1125 = tpu.memref_slice %arg13[%select_n3A_1103, %dma_start3A_1124] : memref<94x128xi32, #tpu.memory_space<vmem>> -> memref<1x128xi32, #tpu.memory_space<vmem>>
          %dma_start3A_1126 = tpu.memref_squeeze %dma_start3A_1125 : memref<1x128xi32, #tpu.memory_space<vmem>> -> memref<128xi32, #tpu.memory_space<vmem>>
          %dma_start3A_1127 = arith.constant 0 : i32
          %dma_start3A_1128 = arith.constant 0 : i32
          %dma_start3A_1129 = tpu.memref_slice %arg9[%dma_start3A_1127, %dma_start3A_1128] : memref<8832x32xf32, #tpu.memory_space<vmem_shared>> -> memref<8832x32xf32, #tpu.memory_space<vmem_shared>>
          tpu.enqueue_indirect_dma source(%dma_start3A_1123 : memref<128x32xf32, #tpu.memory_space<vmem>>) target(%dma_start3A_1129 : memref<8832x32xf32, #tpu.memory_space<vmem_shared>>) offsets(%dma_start3A_1126 : memref<128xi32, #tpu.memory_space<vmem>>) semaphore(%arg42 : memref<!tpu.dma_semaphore, #tpu.memory_space<semaphore_mem>>) {add = true}
        } else {
        }
      }
      %gt3A = arith.constant 0 : i32
      %gt3A_925 = arith.cmpi sgt, %add3A_880, %gt3A : i32
      %convert_element_type3A = arith.extui %gt3A_925 : i1 to i32
      %cond3A = arith.constant 0 : i32
      %cond3A_926 = arith.cmpi ne, %convert_element_type3A, %cond3A : i32
      scf.if %cond3A_926 {
        %dma_wait3A_968 = arith.constant 0 : i32
        %dma_wait3A_969 = arith.constant 0 : i32
        %dma_wait3A_970 = arith.constant 0 : i32
        %dma_wait3A_971 = tpu.memref_slice %arg14[%dma_wait3A_968, %dma_wait3A_969, %dma_wait3A_970] : memref<8x128x32xf32, #tpu.memory_space<vmem>> -> memref<1x128x32xf32, #tpu.memory_space<vmem>>
        %dma_wait3A_972 = tpu.memref_squeeze %dma_wait3A_971 : memref<1x128x32xf32, #tpu.memory_space<vmem>> -> memref<128x32xf32, #tpu.memory_space<vmem>>
        %dma_wait3A_973 = arith.constant 0 : i32
        %dma_wait3A_974 = tpu.memref_slice %arg13[%select_n3A_843, %dma_wait3A_973] : memref<94x128xi32, #tpu.memory_space<vmem>> -> memref<1x128xi32, #tpu.memory_space<vmem>>
        %dma_wait3A_975 = tpu.memref_squeeze %dma_wait3A_974 : memref<1x128xi32, #tpu.memory_space<vmem>> -> memref<128xi32, #tpu.memory_space<vmem>>
        %dma_wait3A_976 = arith.constant 0 : i32
        %dma_wait3A_977 = arith.constant 0 : i32
        %dma_wait3A_978 = tpu.memref_slice %arg9[%dma_wait3A_976, %dma_wait3A_977] : memref<8832x32xf32, #tpu.memory_space<vmem_shared>> -> memref<8832x32xf32, #tpu.memory_space<vmem_shared>>
        tpu.wait_indirect_dma semaphore(%arg35 : memref<!tpu.dma_semaphore, #tpu.memory_space<semaphore_mem>>) src(%dma_wait3A_972 : memref<128x32xf32, #tpu.memory_space<vmem>>) dst(%dma_wait3A_978 : memref<8832x32xf32, #tpu.memory_space<vmem_shared>>)
      } else {
      }
      %gt3A_927 = arith.constant 1 : i32
      %gt3A_928 = arith.cmpi sgt, %add3A_880, %gt3A_927 : i32
      %convert_element_type3A_929 = arith.extui %gt3A_928 : i1 to i32
      %cond3A_930 = arith.constant 0 : i32
      %cond3A_931 = arith.cmpi ne, %convert_element_type3A_929, %cond3A_930 : i32
      scf.if %cond3A_931 {
        %dma_wait3A_968 = arith.constant 1 : i32
        %dma_wait3A_969 = arith.constant 0 : i32
        %dma_wait3A_970 = arith.constant 0 : i32
        %dma_wait3A_971 = tpu.memref_slice %arg14[%dma_wait3A_968, %dma_wait3A_969, %dma_wait3A_970] : memref<8x128x32xf32, #tpu.memory_space<vmem>> -> memref<1x128x32xf32, #tpu.memory_space<vmem>>
        %dma_wait3A_972 = tpu.memref_squeeze %dma_wait3A_971 : memref<1x128x32xf32, #tpu.memory_space<vmem>> -> memref<128x32xf32, #tpu.memory_space<vmem>>
        %dma_wait3A_973 = arith.constant 0 : i32
        %dma_wait3A_974 = tpu.memref_slice %arg13[%select_n3A_843, %dma_wait3A_973] : memref<94x128xi32, #tpu.memory_space<vmem>> -> memref<1x128xi32, #tpu.memory_space<vmem>>
        %dma_wait3A_975 = tpu.memref_squeeze %dma_wait3A_974 : memref<1x128xi32, #tpu.memory_space<vmem>> -> memref<128xi32, #tpu.memory_space<vmem>>
        %dma_wait3A_976 = arith.constant 0 : i32
        %dma_wait3A_977 = arith.constant 0 : i32
        %dma_wait3A_978 = tpu.memref_slice %arg9[%dma_wait3A_976, %dma_wait3A_977] : memref<8832x32xf32, #tpu.memory_space<vmem_shared>> -> memref<8832x32xf32, #tpu.memory_space<vmem_shared>>
        tpu.wait_indirect_dma semaphore(%arg36 : memref<!tpu.dma_semaphore, #tpu.memory_space<semaphore_mem>>) src(%dma_wait3A_972 : memref<128x32xf32, #tpu.memory_space<vmem>>) dst(%dma_wait3A_978 : memref<8832x32xf32, #tpu.memory_space<vmem_shared>>)
      } else {
      }
      %gt3A_932 = arith.constant 2 : i32
      %gt3A_933 = arith.cmpi sgt, %add3A_880, %gt3A_932 : i32
      %convert_element_type3A_934 = arith.extui %gt3A_933 : i1 to i32
      %cond3A_935 = arith.constant 0 : i32
      %cond3A_936 = arith.cmpi ne, %convert_element_type3A_934, %cond3A_935 : i32
      scf.if %cond3A_936 {
        %dma_wait3A_968 = arith.constant 2 : i32
        %dma_wait3A_969 = arith.constant 0 : i32
        %dma_wait3A_970 = arith.constant 0 : i32
        %dma_wait3A_971 = tpu.memref_slice %arg14[%dma_wait3A_968, %dma_wait3A_969, %dma_wait3A_970] : memref<8x128x32xf32, #tpu.memory_space<vmem>> -> memref<1x128x32xf32, #tpu.memory_space<vmem>>
        %dma_wait3A_972 = tpu.memref_squeeze %dma_wait3A_971 : memref<1x128x32xf32, #tpu.memory_space<vmem>> -> memref<128x32xf32, #tpu.memory_space<vmem>>
        %dma_wait3A_973 = arith.constant 0 : i32
        %dma_wait3A_974 = tpu.memref_slice %arg13[%select_n3A_843, %dma_wait3A_973] : memref<94x128xi32, #tpu.memory_space<vmem>> -> memref<1x128xi32, #tpu.memory_space<vmem>>
        %dma_wait3A_975 = tpu.memref_squeeze %dma_wait3A_974 : memref<1x128xi32, #tpu.memory_space<vmem>> -> memref<128xi32, #tpu.memory_space<vmem>>
        %dma_wait3A_976 = arith.constant 0 : i32
        %dma_wait3A_977 = arith.constant 0 : i32
        %dma_wait3A_978 = tpu.memref_slice %arg9[%dma_wait3A_976, %dma_wait3A_977] : memref<8832x32xf32, #tpu.memory_space<vmem_shared>> -> memref<8832x32xf32, #tpu.memory_space<vmem_shared>>
        tpu.wait_indirect_dma semaphore(%arg37 : memref<!tpu.dma_semaphore, #tpu.memory_space<semaphore_mem>>) src(%dma_wait3A_972 : memref<128x32xf32, #tpu.memory_space<vmem>>) dst(%dma_wait3A_978 : memref<8832x32xf32, #tpu.memory_space<vmem_shared>>)
      } else {
      }
      %gt3A_937 = arith.constant 3 : i32
      %gt3A_938 = arith.cmpi sgt, %add3A_880, %gt3A_937 : i32
      %convert_element_type3A_939 = arith.extui %gt3A_938 : i1 to i32
      %cond3A_940 = arith.constant 0 : i32
      %cond3A_941 = arith.cmpi ne, %convert_element_type3A_939, %cond3A_940 : i32
      scf.if %cond3A_941 {
        %dma_wait3A_968 = arith.constant 3 : i32
        %dma_wait3A_969 = arith.constant 0 : i32
        %dma_wait3A_970 = arith.constant 0 : i32
        %dma_wait3A_971 = tpu.memref_slice %arg14[%dma_wait3A_968, %dma_wait3A_969, %dma_wait3A_970] : memref<8x128x32xf32, #tpu.memory_space<vmem>> -> memref<1x128x32xf32, #tpu.memory_space<vmem>>
        %dma_wait3A_972 = tpu.memref_squeeze %dma_wait3A_971 : memref<1x128x32xf32, #tpu.memory_space<vmem>> -> memref<128x32xf32, #tpu.memory_space<vmem>>
        %dma_wait3A_973 = arith.constant 0 : i32
        %dma_wait3A_974 = tpu.memref_slice %arg13[%select_n3A_843, %dma_wait3A_973] : memref<94x128xi32, #tpu.memory_space<vmem>> -> memref<1x128xi32, #tpu.memory_space<vmem>>
        %dma_wait3A_975 = tpu.memref_squeeze %dma_wait3A_974 : memref<1x128xi32, #tpu.memory_space<vmem>> -> memref<128xi32, #tpu.memory_space<vmem>>
        %dma_wait3A_976 = arith.constant 0 : i32
        %dma_wait3A_977 = arith.constant 0 : i32
        %dma_wait3A_978 = tpu.memref_slice %arg9[%dma_wait3A_976, %dma_wait3A_977] : memref<8832x32xf32, #tpu.memory_space<vmem_shared>> -> memref<8832x32xf32, #tpu.memory_space<vmem_shared>>
        tpu.wait_indirect_dma semaphore(%arg38 : memref<!tpu.dma_semaphore, #tpu.memory_space<semaphore_mem>>) src(%dma_wait3A_972 : memref<128x32xf32, #tpu.memory_space<vmem>>) dst(%dma_wait3A_978 : memref<8832x32xf32, #tpu.memory_space<vmem_shared>>)
      } else {
      }
      %gt3A_942 = arith.constant 4 : i32
      %gt3A_943 = arith.cmpi sgt, %add3A_880, %gt3A_942 : i32
      %convert_element_type3A_944 = arith.extui %gt3A_943 : i1 to i32
      %cond3A_945 = arith.constant 0 : i32
      %cond3A_946 = arith.cmpi ne, %convert_element_type3A_944, %cond3A_945 : i32
      scf.if %cond3A_946 {
        %dma_wait3A_968 = arith.constant 4 : i32
        %dma_wait3A_969 = arith.constant 0 : i32
        %dma_wait3A_970 = arith.constant 0 : i32
        %dma_wait3A_971 = tpu.memref_slice %arg14[%dma_wait3A_968, %dma_wait3A_969, %dma_wait3A_970] : memref<8x128x32xf32, #tpu.memory_space<vmem>> -> memref<1x128x32xf32, #tpu.memory_space<vmem>>
        %dma_wait3A_972 = tpu.memref_squeeze %dma_wait3A_971 : memref<1x128x32xf32, #tpu.memory_space<vmem>> -> memref<128x32xf32, #tpu.memory_space<vmem>>
        %dma_wait3A_973 = arith.constant 0 : i32
        %dma_wait3A_974 = tpu.memref_slice %arg13[%select_n3A_843, %dma_wait3A_973] : memref<94x128xi32, #tpu.memory_space<vmem>> -> memref<1x128xi32, #tpu.memory_space<vmem>>
        %dma_wait3A_975 = tpu.memref_squeeze %dma_wait3A_974 : memref<1x128xi32, #tpu.memory_space<vmem>> -> memref<128xi32, #tpu.memory_space<vmem>>
        %dma_wait3A_976 = arith.constant 0 : i32
        %dma_wait3A_977 = arith.constant 0 : i32
        %dma_wait3A_978 = tpu.memref_slice %arg9[%dma_wait3A_976, %dma_wait3A_977] : memref<8832x32xf32, #tpu.memory_space<vmem_shared>> -> memref<8832x32xf32, #tpu.memory_space<vmem_shared>>
        tpu.wait_indirect_dma semaphore(%arg39 : memref<!tpu.dma_semaphore, #tpu.memory_space<semaphore_mem>>) src(%dma_wait3A_972 : memref<128x32xf32, #tpu.memory_space<vmem>>) dst(%dma_wait3A_978 : memref<8832x32xf32, #tpu.memory_space<vmem_shared>>)
      } else {
      }
      %gt3A_947 = arith.constant 5 : i32
      %gt3A_948 = arith.cmpi sgt, %add3A_880, %gt3A_947 : i32
      %convert_element_type3A_949 = arith.extui %gt3A_948 : i1 to i32
      %cond3A_950 = arith.constant 0 : i32
      %cond3A_951 = arith.cmpi ne, %convert_element_type3A_949, %cond3A_950 : i32
      scf.if %cond3A_951 {
        %dma_wait3A_968 = arith.constant 5 : i32
        %dma_wait3A_969 = arith.constant 0 : i32
        %dma_wait3A_970 = arith.constant 0 : i32
        %dma_wait3A_971 = tpu.memref_slice %arg14[%dma_wait3A_968, %dma_wait3A_969, %dma_wait3A_970] : memref<8x128x32xf32, #tpu.memory_space<vmem>> -> memref<1x128x32xf32, #tpu.memory_space<vmem>>
        %dma_wait3A_972 = tpu.memref_squeeze %dma_wait3A_971 : memref<1x128x32xf32, #tpu.memory_space<vmem>> -> memref<128x32xf32, #tpu.memory_space<vmem>>
        %dma_wait3A_973 = arith.constant 0 : i32
        %dma_wait3A_974 = tpu.memref_slice %arg13[%select_n3A_843, %dma_wait3A_973] : memref<94x128xi32, #tpu.memory_space<vmem>> -> memref<1x128xi32, #tpu.memory_space<vmem>>
        %dma_wait3A_975 = tpu.memref_squeeze %dma_wait3A_974 : memref<1x128xi32, #tpu.memory_space<vmem>> -> memref<128xi32, #tpu.memory_space<vmem>>
        %dma_wait3A_976 = arith.constant 0 : i32
        %dma_wait3A_977 = arith.constant 0 : i32
        %dma_wait3A_978 = tpu.memref_slice %arg9[%dma_wait3A_976, %dma_wait3A_977] : memref<8832x32xf32, #tpu.memory_space<vmem_shared>> -> memref<8832x32xf32, #tpu.memory_space<vmem_shared>>
        tpu.wait_indirect_dma semaphore(%arg40 : memref<!tpu.dma_semaphore, #tpu.memory_space<semaphore_mem>>) src(%dma_wait3A_972 : memref<128x32xf32, #tpu.memory_space<vmem>>) dst(%dma_wait3A_978 : memref<8832x32xf32, #tpu.memory_space<vmem_shared>>)
      } else {
      }
      %gt3A_952 = arith.constant 6 : i32
      %gt3A_953 = arith.cmpi sgt, %add3A_880, %gt3A_952 : i32
      %convert_element_type3A_954 = arith.extui %gt3A_953 : i1 to i32
      %cond3A_955 = arith.constant 0 : i32
      %cond3A_956 = arith.cmpi ne, %convert_element_type3A_954, %cond3A_955 : i32
      scf.if %cond3A_956 {
        %dma_wait3A_968 = arith.constant 6 : i32
        %dma_wait3A_969 = arith.constant 0 : i32
        %dma_wait3A_970 = arith.constant 0 : i32
        %dma_wait3A_971 = tpu.memref_slice %arg14[%dma_wait3A_968, %dma_wait3A_969, %dma_wait3A_970] : memref<8x128x32xf32, #tpu.memory_space<vmem>> -> memref<1x128x32xf32, #tpu.memory_space<vmem>>
        %dma_wait3A_972 = tpu.memref_squeeze %dma_wait3A_971 : memref<1x128x32xf32, #tpu.memory_space<vmem>> -> memref<128x32xf32, #tpu.memory_space<vmem>>
        %dma_wait3A_973 = arith.constant 0 : i32
        %dma_wait3A_974 = tpu.memref_slice %arg13[%select_n3A_843, %dma_wait3A_973] : memref<94x128xi32, #tpu.memory_space<vmem>> -> memref<1x128xi32, #tpu.memory_space<vmem>>
        %dma_wait3A_975 = tpu.memref_squeeze %dma_wait3A_974 : memref<1x128xi32, #tpu.memory_space<vmem>> -> memref<128xi32, #tpu.memory_space<vmem>>
        %dma_wait3A_976 = arith.constant 0 : i32
        %dma_wait3A_977 = arith.constant 0 : i32
        %dma_wait3A_978 = tpu.memref_slice %arg9[%dma_wait3A_976, %dma_wait3A_977] : memref<8832x32xf32, #tpu.memory_space<vmem_shared>> -> memref<8832x32xf32, #tpu.memory_space<vmem_shared>>
        tpu.wait_indirect_dma semaphore(%arg41 : memref<!tpu.dma_semaphore, #tpu.memory_space<semaphore_mem>>) src(%dma_wait3A_972 : memref<128x32xf32, #tpu.memory_space<vmem>>) dst(%dma_wait3A_978 : memref<8832x32xf32, #tpu.memory_space<vmem_shared>>)
      } else {
      }
      %gt3A_957 = arith.constant 7 : i32
      %gt3A_958 = arith.cmpi sgt, %add3A_880, %gt3A_957 : i32
      %convert_element_type3A_959 = arith.extui %gt3A_958 : i1 to i32
      %cond3A_960 = arith.constant 0 : i32
      %cond3A_961 = arith.cmpi ne, %convert_element_type3A_959, %cond3A_960 : i32
      scf.if %cond3A_961 {
        %dma_wait3A_968 = arith.constant 7 : i32
        %dma_wait3A_969 = arith.constant 0 : i32
        %dma_wait3A_970 = arith.constant 0 : i32
        %dma_wait3A_971 = tpu.memref_slice %arg14[%dma_wait3A_968, %dma_wait3A_969, %dma_wait3A_970] : memref<8x128x32xf32, #tpu.memory_space<vmem>> -> memref<1x128x32xf32, #tpu.memory_space<vmem>>
        %dma_wait3A_972 = tpu.memref_squeeze %dma_wait3A_971 : memref<1x128x32xf32, #tpu.memory_space<vmem>> -> memref<128x32xf32, #tpu.memory_space<vmem>>
        %dma_wait3A_973 = arith.constant 0 : i32
        %dma_wait3A_974 = tpu.memref_slice %arg13[%select_n3A_843, %dma_wait3A_973] : memref<94x128xi32, #tpu.memory_space<vmem>> -> memref<1x128xi32, #tpu.memory_space<vmem>>
        %dma_wait3A_975 = tpu.memref_squeeze %dma_wait3A_974 : memref<1x128xi32, #tpu.memory_space<vmem>> -> memref<128xi32, #tpu.memory_space<vmem>>
        %dma_wait3A_976 = arith.constant 0 : i32
        %dma_wait3A_977 = arith.constant 0 : i32
        %dma_wait3A_978 = tpu.memref_slice %arg9[%dma_wait3A_976, %dma_wait3A_977] : memref<8832x32xf32, #tpu.memory_space<vmem_shared>> -> memref<8832x32xf32, #tpu.memory_space<vmem_shared>>
        tpu.wait_indirect_dma semaphore(%arg42 : memref<!tpu.dma_semaphore, #tpu.memory_space<semaphore_mem>>) src(%dma_wait3A_972 : memref<128x32xf32, #tpu.memory_space<vmem>>) dst(%dma_wait3A_978 : memref<8832x32xf32, #tpu.memory_space<vmem_shared>>)
      } else {
      }
      "tpu.trace_stop"() : () -> ()
      %barrier3A_962 = arith.constant 0 : index
      tpu.barrier barrier_id(%barrier3A_962)
      %lt3A = arith.constant 6 : i32
      "tpu.trace_start"() <{level = 10 : i32, message = "p2_act"}> : () -> ()
      %lt3A_963 = arith.cmpi slt, %add3A_815, %lt3A : i32
      %convert_element_type3A_964 = arith.extui %lt3A_963 : i1 to i32
      %cond3A_965 = arith.constant 0 : i32
      %cond3A_966 = arith.cmpi ne, %convert_element_type3A_964, %cond3A_965 : i32
      scf.if %cond3A_966 {
        %mul3A_968 = arith.constant 1250 : i32
        %mul3A_969 = arith.muli %add3A_815, %mul3A_968 : i32
        %mul3A_970 = arith.constant 80 : i32
        %mul3A_971 = arith.muli %arg1, %mul3A_970 : i32
        %add3A_972 = arith.addi %mul3A_969, %mul3A_971 : i32
        "tpu.region"() ({
          %run_scoped3A = tpu.sem_alloc : memref<!tpu.dma_semaphore, #tpu.memory_space<semaphore_mem>>
          %dma_start3A_980 = arith.constant 0 : i32
          %dma_start3A_981 = tpu.memref_slice %arg9[%add3A_972, %dma_start3A_980] : memref<8832x32xf32, #tpu.memory_space<vmem_shared>> -> memref<80x32xf32, #tpu.memory_space<vmem_shared>>
          %dma_start3A_982 = arith.constant 0 : i32
          %dma_start3A_983 = tpu.memref_slice %arg9[%add3A_972, %dma_start3A_982] : memref<8832x32xf32, #tpu.memory_space<vmem_shared>> -> memref<80x32xf32, #tpu.memory_space<vmem_shared>>
          tpu.enqueue_dma source(%dma_start3A_983 : memref<80x32xf32, #tpu.memory_space<vmem_shared>>) target(%arg15 : memref<80x32xf32, #tpu.memory_space<vmem>>) target_semaphore(%run_scoped3A : memref<!tpu.dma_semaphore, #tpu.memory_space<semaphore_mem>>)
          %dma_wait3A_984 = arith.constant 0 : i32
          %dma_wait3A_985 = tpu.memref_slice %arg9[%add3A_972, %dma_wait3A_984] : memref<8832x32xf32, #tpu.memory_space<vmem_shared>> -> memref<80x32xf32, #tpu.memory_space<vmem_shared>>
          %dma_wait3A_986 = arith.constant 0 : i32
          %dma_wait3A_987 = tpu.memref_slice %arg9[%add3A_972, %dma_wait3A_986] : memref<8832x32xf32, #tpu.memory_space<vmem_shared>> -> memref<80x32xf32, #tpu.memory_space<vmem_shared>>
          tpu.wait_dma2 semaphore(%run_scoped3A : memref<!tpu.dma_semaphore, #tpu.memory_space<semaphore_mem>>) src(%dma_wait3A_987 : memref<80x32xf32, #tpu.memory_space<vmem_shared>>) dst(%arg15 : memref<80x32xf32, #tpu.memory_space<vmem>>)
          tpu.yield
        }) : () -> ()
        %scan3A_973 = arith.constant 0 : i32
        %scan3A_974 = arith.constant 10 : i32
        %scan3A_975 = arith.addi %scan3A_973, %scan3A_974 : i32
        %scan3A_976 = arith.constant 1 : i32
        scf.for %scan3A_980 = %scan3A_973 to %scan3A_975 step %scan3A_976  : i32 {
          %mul3A_981 = arith.constant 1 : i32
          %mul3A_982 = arith.muli %scan3A_980, %mul3A_981 : i32
          %add3A_983 = arith.constant 0 : i32
          %add3A_984 = arith.addi %add3A_983, %mul3A_982 : i32
          %mul3A_985 = arith.constant 8 : i32
          %mul3A_986 = arith.muli %add3A_984, %mul3A_985 : i32
          %add3A_987 = arith.addi %add3A_972, %mul3A_986 : i32
          %add3A_988 = arith.constant 2 : i32
          %add3A_989 = arith.addi %add3A_987, %add3A_988 : i32
          %get3A_990 = arith.index_cast %add3A_989 : i32 to index
          %get3A_991 = tpu.vector_load %arg18[%get3A_990] {strides = array<i32>} : memref<7552xi32, #tpu.memory_space<vmem>>, vector<16xi32>,
          %mul3A_992 = arith.constant 8 : i32
          %mul3A_993 = arith.muli %add3A_984, %mul3A_992 : i32
          %add3A_994 = arith.constant 0 : i32
          %add3A_995 = arith.addi %mul3A_993, %add3A_994 : i32
          %slice3A_996 = vector.extract_strided_slice %get3A_991 {offsets = [0], sizes = [1], strides = [1]} : vector<16xi32> to vector<1xi32>
          %squeeze3A_997 = vector.extract %slice3A_996[0] : i32 from vector<1xi32>
          %get3A_998 = arith.index_cast %add3A_995 : i32 to index
          %get3A_999 = arith.constant 0 : index
          %get3A_1000 = tpu.vector_load %arg15[%get3A_998, %get3A_999] {strides = array<i32>} : memref<80x32xf32, #tpu.memory_space<vmem>>, vector<16xf32>,
          %get3A_1001 = arith.index_cast %add3A_995 : i32 to index
          %get3A_1002 = arith.constant 16 : index
          %get3A_1003 = tpu.vector_load %arg15[%get3A_1001, %get3A_1002] {strides = array<i32>} : memref<80x32xf32, #tpu.memory_space<vmem>>, vector<16xf32>,
          %neg3A = arith.constant 0.000000e+00 : f32
          %neg3A_1004 = vector.broadcast %neg3A : f32 to vector<16xf32>
          %neg3A_1005 = arith.subf %neg3A_1004, %get3A_1000 : vector<16xf32>
          %exp3A = math.exp %neg3A_1005 : vector<16xf32>
          %add3A_1006 = arith.constant 1.000000e+00 : f32
          %add3A_1007 = vector.broadcast %add3A_1006 : f32 to vector<16xf32>
          %add3A_1008 = arith.addf %add3A_1007, %exp3A : vector<16xf32>
          %div3A_1009 = arith.constant 1.000000e+00 : f32
          %div3A_1010 = vector.broadcast %div3A_1009 : f32 to vector<16xf32>
          %div3A_1011 = arith.divf %div3A_1010, %add3A_1008 : vector<16xf32>
          %mul3A_1012 = arith.mulf %exp3A, %exp3A : vector<16xf32>
          %add3A_1013 = arith.constant 1.000000e+00 : f32
          %add3A_1014 = vector.broadcast %add3A_1013 : f32 to vector<16xf32>
          %add3A_1015 = arith.addf %add3A_1014, %mul3A_1012 : vector<16xf32>
          %div3A_1016 = arith.constant 2.000000e+00 : f32
          %div3A_1017 = vector.broadcast %div3A_1016 : f32 to vector<16xf32>
          %div3A_1018 = arith.divf %div3A_1017, %add3A_1015 : vector<16xf32>
          %sub3A_1019 = arith.constant 1.000000e+00 : f32
          %sub3A_1020 = vector.broadcast %sub3A_1019 : f32 to vector<16xf32>
          %sub3A_1021 = arith.subf %div3A_1018, %sub3A_1020 : vector<16xf32>
          %max3A = arith.constant 0.000000e+00 : f32
          %max3A_1022 = vector.broadcast %max3A : f32 to vector<16xf32>
          %max3A_1023 = arith.maximumf %get3A_1000, %max3A_1022 : vector<16xf32>
          %broadcast_in_dim3A_1024 = vector.broadcast %squeeze3A_997 : i32 to vector<16xi32>
          %eq3A_1025 = arith.constant 1 : i32
          %eq3A_1026 = vector.broadcast %eq3A_1025 : i32 to vector<16xi32>
          %eq3A_1027 = arith.cmpi eq, %broadcast_in_dim3A_1024, %eq3A_1026 : vector<16xi32>
          %select_n3A_1028 = arith.select %eq3A_1027, %div3A_1011, %get3A_1000 : vector<16xi1>, vector<16xf32>
          %eq3A_1029 = arith.constant 2 : i32
          %eq3A_1030 = vector.broadcast %eq3A_1029 : i32 to vector<16xi32>
          %eq3A_1031 = arith.cmpi eq, %broadcast_in_dim3A_1024, %eq3A_1030 : vector<16xi32>
          %select_n3A_1032 = arith.select %eq3A_1031, %max3A_1023, %select_n3A_1028 : vector<16xi1>, vector<16xf32>
          %eq3A_1033 = arith.constant 3 : i32
          %eq3A_1034 = vector.broadcast %eq3A_1033 : i32 to vector<16xi32>
          %eq3A_1035 = arith.cmpi eq, %broadcast_in_dim3A_1024, %eq3A_1034 : vector<16xi32>
          %select_n3A_1036 = arith.select %eq3A_1035, %sub3A_1021, %select_n3A_1032 : vector<16xi1>, vector<16xf32>
          %mul3A_1037 = arith.mulf %select_n3A_1036, %get3A_36 : vector<16xf32>
          %swap3A_1038 = arith.index_cast %add3A_995 : i32 to index
          %swap3A_1039 = arith.constant 0 : index
          %swap3A_1040 = tpu.vector_load %arg15[%swap3A_1038, %swap3A_1039] {strides = array<i32>} : memref<80x32xf32, #tpu.memory_space<vmem>>, vector<16xf32>,
          tpu.vector_store %arg15[%swap3A_1038, %swap3A_1039], %mul3A_1037 {strides = array<i32>} : memref<80x32xf32, #tpu.memory_space<vmem>>, vector<16xf32>,
          %neg3A_1041 = arith.constant 0.000000e+00 : f32
          %neg3A_1042 = vector.broadcast %neg3A_1041 : f32 to vector<16xf32>
          %neg3A_1043 = arith.subf %neg3A_1042, %get3A_1003 : vector<16xf32>
          %exp3A_1044 = math.exp %neg3A_1043 : vector<16xf32>
          %add3A_1045 = arith.constant 1.000000e+00 : f32
          %add3A_1046 = vector.broadcast %add3A_1045 : f32 to vector<16xf32>
          %add3A_1047 = arith.addf %add3A_1046, %exp3A_1044 : vector<16xf32>
          %div3A_1048 = arith.constant 1.000000e+00 : f32
          %div3A_1049 = vector.broadcast %div3A_1048 : f32 to vector<16xf32>
          %div3A_1050 = arith.divf %div3A_1049, %add3A_1047 : vector<16xf32>
          %mul3A_1051 = arith.mulf %exp3A_1044, %exp3A_1044 : vector<16xf32>
          %add3A_1052 = arith.constant 1.000000e+00 : f32
          %add3A_1053 = vector.broadcast %add3A_1052 : f32 to vector<16xf32>
          %add3A_1054 = arith.addf %add3A_1053, %mul3A_1051 : vector<16xf32>
          %div3A_1055 = arith.constant 2.000000e+00 : f32
          %div3A_1056 = vector.broadcast %div3A_1055 : f32 to vector<16xf32>
          %div3A_1057 = arith.divf %div3A_1056, %add3A_1054 : vector<16xf32>
          %sub3A_1058 = arith.constant 1.000000e+00 : f32
          %sub3A_1059 = vector.broadcast %sub3A_1058 : f32 to vector<16xf32>
          %sub3A_1060 = arith.subf %div3A_1057, %sub3A_1059 : vector<16xf32>
          %max3A_1061 = arith.constant 0.000000e+00 : f32
          %max3A_1062 = vector.broadcast %max3A_1061 : f32 to vector<16xf32>
          %max3A_1063 = arith.maximumf %get3A_1003, %max3A_1062 : vector<16xf32>
          %broadcast_in_dim3A_1064 = vector.broadcast %squeeze3A_997 : i32 to vector<16xi32>
          %eq3A_1065 = arith.constant 1 : i32
          %eq3A_1066 = vector.broadcast %eq3A_1065 : i32 to vector<16xi32>
          %eq3A_1067 = arith.cmpi eq, %broadcast_in_dim3A_1064, %eq3A_1066 : vector<16xi32>
          %select_n3A_1068 = arith.select %eq3A_1067, %div3A_1050, %get3A_1003 : vector<16xi1>, vector<16xf32>
          %eq3A_1069 = arith.constant 2 : i32
          %eq3A_1070 = vector.broadcast %eq3A_1069 : i32 to vector<16xi32>
          %eq3A_1071 = arith.cmpi eq, %broadcast_in_dim3A_1064, %eq3A_1070 : vector<16xi32>
          %select_n3A_1072 = arith.select %eq3A_1071, %max3A_1063, %select_n3A_1068 : vector<16xi1>, vector<16xf32>
          %eq3A_1073 = arith.constant 3 : i32
          %eq3A_1074 = vector.broadcast %eq3A_1073 : i32 to vector<16xi32>
          %eq3A_1075 = arith.cmpi eq, %broadcast_in_dim3A_1064, %eq3A_1074 : vector<16xi32>
          %select_n3A_1076 = arith.select %eq3A_1075, %sub3A_1060, %select_n3A_1072 : vector<16xi1>, vector<16xf32>
          %mul3A_1077 = arith.mulf %select_n3A_1076, %get3A_36 : vector<16xf32>
          %swap3A_1078 = arith.index_cast %add3A_995 : i32 to index
          %swap3A_1079 = arith.constant 16 : index
          %swap3A_1080 = tpu.vector_load %arg15[%swap3A_1078, %swap3A_1079] {strides = array<i32>} : memref<80x32xf32, #tpu.memory_space<vmem>>, vector<16xf32>,
          tpu.vector_store %arg15[%swap3A_1078, %swap3A_1079], %mul3A_1077 {strides = array<i32>} : memref<80x32xf32, #tpu.memory_space<vmem>>, vector<16xf32>,
          %mul3A_1081 = arith.constant 8 : i32
          %mul3A_1082 = arith.muli %add3A_984, %mul3A_1081 : i32
          %add3A_1083 = arith.constant 1 : i32
          %add3A_1084 = arith.addi %mul3A_1082, %add3A_1083 : i32
          %slice3A_1085 = vector.extract_strided_slice %get3A_991 {offsets = [1], sizes = [1], strides = [1]} : vector<16xi32> to vector<1xi32>
          %squeeze3A_1086 = vector.extract %slice3A_1085[0] : i32 from vector<1xi32>
          %get3A_1087 = arith.index_cast %add3A_1084 : i32 to index
          %get3A_1088 = arith.constant 0 : index
          %get3A_1089 = tpu.vector_load %arg15[%get3A_1087, %get3A_1088] {strides = array<i32>} : memref<80x32xf32, #tpu.memory_space<vmem>>, vector<16xf32>,
          %get3A_1090 = arith.index_cast %add3A_1084 : i32 to index
          %get3A_1091 = arith.constant 16 : index
          %get3A_1092 = tpu.vector_load %arg15[%get3A_1090, %get3A_1091] {strides = array<i32>} : memref<80x32xf32, #tpu.memory_space<vmem>>, vector<16xf32>,
          %neg3A_1093 = arith.constant 0.000000e+00 : f32
          %neg3A_1094 = vector.broadcast %neg3A_1093 : f32 to vector<16xf32>
          %neg3A_1095 = arith.subf %neg3A_1094, %get3A_1089 : vector<16xf32>
          %exp3A_1096 = math.exp %neg3A_1095 : vector<16xf32>
          %add3A_1097 = arith.constant 1.000000e+00 : f32
          %add3A_1098 = vector.broadcast %add3A_1097 : f32 to vector<16xf32>
          %add3A_1099 = arith.addf %add3A_1098, %exp3A_1096 : vector<16xf32>
          %div3A_1100 = arith.constant 1.000000e+00 : f32
          %div3A_1101 = vector.broadcast %div3A_1100 : f32 to vector<16xf32>
          %div3A_1102 = arith.divf %div3A_1101, %add3A_1099 : vector<16xf32>
          %mul3A_1103 = arith.mulf %exp3A_1096, %exp3A_1096 : vector<16xf32>
          %add3A_1104 = arith.constant 1.000000e+00 : f32
          %add3A_1105 = vector.broadcast %add3A_1104 : f32 to vector<16xf32>
          %add3A_1106 = arith.addf %add3A_1105, %mul3A_1103 : vector<16xf32>
          %div3A_1107 = arith.constant 2.000000e+00 : f32
          %div3A_1108 = vector.broadcast %div3A_1107 : f32 to vector<16xf32>
          %div3A_1109 = arith.divf %div3A_1108, %add3A_1106 : vector<16xf32>
          %sub3A_1110 = arith.constant 1.000000e+00 : f32
          %sub3A_1111 = vector.broadcast %sub3A_1110 : f32 to vector<16xf32>
          %sub3A_1112 = arith.subf %div3A_1109, %sub3A_1111 : vector<16xf32>
          %max3A_1113 = arith.constant 0.000000e+00 : f32
          %max3A_1114 = vector.broadcast %max3A_1113 : f32 to vector<16xf32>
          %max3A_1115 = arith.maximumf %get3A_1089, %max3A_1114 : vector<16xf32>
          %broadcast_in_dim3A_1116 = vector.broadcast %squeeze3A_1086 : i32 to vector<16xi32>
          %eq3A_1117 = arith.constant 1 : i32
          %eq3A_1118 = vector.broadcast %eq3A_1117 : i32 to vector<16xi32>
          %eq3A_1119 = arith.cmpi eq, %broadcast_in_dim3A_1116, %eq3A_1118 : vector<16xi32>
          %select_n3A_1120 = arith.select %eq3A_1119, %div3A_1102, %get3A_1089 : vector<16xi1>, vector<16xf32>
          %eq3A_1121 = arith.constant 2 : i32
          %eq3A_1122 = vector.broadcast %eq3A_1121 : i32 to vector<16xi32>
          %eq3A_1123 = arith.cmpi eq, %broadcast_in_dim3A_1116, %eq3A_1122 : vector<16xi32>
          %select_n3A_1124 = arith.select %eq3A_1123, %max3A_1115, %select_n3A_1120 : vector<16xi1>, vector<16xf32>
          %eq3A_1125 = arith.constant 3 : i32
          %eq3A_1126 = vector.broadcast %eq3A_1125 : i32 to vector<16xi32>
          %eq3A_1127 = arith.cmpi eq, %broadcast_in_dim3A_1116, %eq3A_1126 : vector<16xi32>
          %select_n3A_1128 = arith.select %eq3A_1127, %sub3A_1112, %select_n3A_1124 : vector<16xi1>, vector<16xf32>
          %mul3A_1129 = arith.mulf %select_n3A_1128, %get3A_36 : vector<16xf32>
          %swap3A_1130 = arith.index_cast %add3A_1084 : i32 to index
          %swap3A_1131 = arith.constant 0 : index
          %swap3A_1132 = tpu.vector_load %arg15[%swap3A_1130, %swap3A_1131] {strides = array<i32>} : memref<80x32xf32, #tpu.memory_space<vmem>>, vector<16xf32>,
          tpu.vector_store %arg15[%swap3A_1130, %swap3A_1131], %mul3A_1129 {strides = array<i32>} : memref<80x32xf32, #tpu.memory_space<vmem>>, vector<16xf32>,
          %neg3A_1133 = arith.constant 0.000000e+00 : f32
          %neg3A_1134 = vector.broadcast %neg3A_1133 : f32 to vector<16xf32>
          %neg3A_1135 = arith.subf %neg3A_1134, %get3A_1092 : vector<16xf32>
          %exp3A_1136 = math.exp %neg3A_1135 : vector<16xf32>
          %add3A_1137 = arith.constant 1.000000e+00 : f32
          %add3A_1138 = vector.broadcast %add3A_1137 : f32 to vector<16xf32>
          %add3A_1139 = arith.addf %add3A_1138, %exp3A_1136 : vector<16xf32>
          %div3A_1140 = arith.constant 1.000000e+00 : f32
          %div3A_1141 = vector.broadcast %div3A_1140 : f32 to vector<16xf32>
          %div3A_1142 = arith.divf %div3A_1141, %add3A_1139 : vector<16xf32>
          %mul3A_1143 = arith.mulf %exp3A_1136, %exp3A_1136 : vector<16xf32>
          %add3A_1144 = arith.constant 1.000000e+00 : f32
          %add3A_1145 = vector.broadcast %add3A_1144 : f32 to vector<16xf32>
          %add3A_1146 = arith.addf %add3A_1145, %mul3A_1143 : vector<16xf32>
          %div3A_1147 = arith.constant 2.000000e+00 : f32
          %div3A_1148 = vector.broadcast %div3A_1147 : f32 to vector<16xf32>
          %div3A_1149 = arith.divf %div3A_1148, %add3A_1146 : vector<16xf32>
          %sub3A_1150 = arith.constant 1.000000e+00 : f32
          %sub3A_1151 = vector.broadcast %sub3A_1150 : f32 to vector<16xf32>
          %sub3A_1152 = arith.subf %div3A_1149, %sub3A_1151 : vector<16xf32>
          %max3A_1153 = arith.constant 0.000000e+00 : f32
          %max3A_1154 = vector.broadcast %max3A_1153 : f32 to vector<16xf32>
          %max3A_1155 = arith.maximumf %get3A_1092, %max3A_1154 : vector<16xf32>
          %broadcast_in_dim3A_1156 = vector.broadcast %squeeze3A_1086 : i32 to vector<16xi32>
          %eq3A_1157 = arith.constant 1 : i32
          %eq3A_1158 = vector.broadcast %eq3A_1157 : i32 to vector<16xi32>
          %eq3A_1159 = arith.cmpi eq, %broadcast_in_dim3A_1156, %eq3A_1158 : vector<16xi32>
          %select_n3A_1160 = arith.select %eq3A_1159, %div3A_1142, %get3A_1092 : vector<16xi1>, vector<16xf32>
          %eq3A_1161 = arith.constant 2 : i32
          %eq3A_1162 = vector.broadcast %eq3A_1161 : i32 to vector<16xi32>
          %eq3A_1163 = arith.cmpi eq, %broadcast_in_dim3A_1156, %eq3A_1162 : vector<16xi32>
          %select_n3A_1164 = arith.select %eq3A_1163, %max3A_1155, %select_n3A_1160 : vector<16xi1>, vector<16xf32>
          %eq3A_1165 = arith.constant 3 : i32
          %eq3A_1166 = vector.broadcast %eq3A_1165 : i32 to vector<16xi32>
          %eq3A_1167 = arith.cmpi eq, %broadcast_in_dim3A_1156, %eq3A_1166 : vector<16xi32>
          %select_n3A_1168 = arith.select %eq3A_1167, %sub3A_1152, %select_n3A_1164 : vector<16xi1>, vector<16xf32>
          %mul3A_1169 = arith.mulf %select_n3A_1168, %get3A_36 : vector<16xf32>
          %swap3A_1170 = arith.index_cast %add3A_1084 : i32 to index
          %swap3A_1171 = arith.constant 16 : index
          %swap3A_1172 = tpu.vector_load %arg15[%swap3A_1170, %swap3A_1171] {strides = array<i32>} : memref<80x32xf32, #tpu.memory_space<vmem>>, vector<16xf32>,
          tpu.vector_store %arg15[%swap3A_1170, %swap3A_1171], %mul3A_1169 {strides = array<i32>} : memref<80x32xf32, #tpu.memory_space<vmem>>, vector<16xf32>,
          %mul3A_1173 = arith.constant 8 : i32
          %mul3A_1174 = arith.muli %add3A_984, %mul3A_1173 : i32
          %add3A_1175 = arith.constant 2 : i32
          %add3A_1176 = arith.addi %mul3A_1174, %add3A_1175 : i32
          %slice3A_1177 = vector.extract_strided_slice %get3A_991 {offsets = [2], sizes = [1], strides = [1]} : vector<16xi32> to vector<1xi32>
          %squeeze3A_1178 = vector.extract %slice3A_1177[0] : i32 from vector<1xi32>
          %get3A_1179 = arith.index_cast %add3A_1176 : i32 to index
          %get3A_1180 = arith.constant 0 : index
          %get3A_1181 = tpu.vector_load %arg15[%get3A_1179, %get3A_1180] {strides = array<i32>} : memref<80x32xf32, #tpu.memory_space<vmem>>, vector<16xf32>,
          %get3A_1182 = arith.index_cast %add3A_1176 : i32 to index
          %get3A_1183 = arith.constant 16 : index
          %get3A_1184 = tpu.vector_load %arg15[%get3A_1182, %get3A_1183] {strides = array<i32>} : memref<80x32xf32, #tpu.memory_space<vmem>>, vector<16xf32>,
          %neg3A_1185 = arith.constant 0.000000e+00 : f32
          %neg3A_1186 = vector.broadcast %neg3A_1185 : f32 to vector<16xf32>
          %neg3A_1187 = arith.subf %neg3A_1186, %get3A_1181 : vector<16xf32>
          %exp3A_1188 = math.exp %neg3A_1187 : vector<16xf32>
          %add3A_1189 = arith.constant 1.000000e+00 : f32
          %add3A_1190 = vector.broadcast %add3A_1189 : f32 to vector<16xf32>
          %add3A_1191 = arith.addf %add3A_1190, %exp3A_1188 : vector<16xf32>
          %div3A_1192 = arith.constant 1.000000e+00 : f32
          %div3A_1193 = vector.broadcast %div3A_1192 : f32 to vector<16xf32>
          %div3A_1194 = arith.divf %div3A_1193, %add3A_1191 : vector<16xf32>
          %mul3A_1195 = arith.mulf %exp3A_1188, %exp3A_1188 : vector<16xf32>
          %add3A_1196 = arith.constant 1.000000e+00 : f32
          %add3A_1197 = vector.broadcast %add3A_1196 : f32 to vector<16xf32>
          %add3A_1198 = arith.addf %add3A_1197, %mul3A_1195 : vector<16xf32>
          %div3A_1199 = arith.constant 2.000000e+00 : f32
          %div3A_1200 = vector.broadcast %div3A_1199 : f32 to vector<16xf32>
          %div3A_1201 = arith.divf %div3A_1200, %add3A_1198 : vector<16xf32>
          %sub3A_1202 = arith.constant 1.000000e+00 : f32
          %sub3A_1203 = vector.broadcast %sub3A_1202 : f32 to vector<16xf32>
          %sub3A_1204 = arith.subf %div3A_1201, %sub3A_1203 : vector<16xf32>
          %max3A_1205 = arith.constant 0.000000e+00 : f32
          %max3A_1206 = vector.broadcast %max3A_1205 : f32 to vector<16xf32>
          %max3A_1207 = arith.maximumf %get3A_1181, %max3A_1206 : vector<16xf32>
          %broadcast_in_dim3A_1208 = vector.broadcast %squeeze3A_1178 : i32 to vector<16xi32>
          %eq3A_1209 = arith.constant 1 : i32
          %eq3A_1210 = vector.broadcast %eq3A_1209 : i32 to vector<16xi32>
          %eq3A_1211 = arith.cmpi eq, %broadcast_in_dim3A_1208, %eq3A_1210 : vector<16xi32>
          %select_n3A_1212 = arith.select %eq3A_1211, %div3A_1194, %get3A_1181 : vector<16xi1>, vector<16xf32>
          %eq3A_1213 = arith.constant 2 : i32
          %eq3A_1214 = vector.broadcast %eq3A_1213 : i32 to vector<16xi32>
          %eq3A_1215 = arith.cmpi eq, %broadcast_in_dim3A_1208, %eq3A_1214 : vector<16xi32>
          %select_n3A_1216 = arith.select %eq3A_1215, %max3A_1207, %select_n3A_1212 : vector<16xi1>, vector<16xf32>
          %eq3A_1217 = arith.constant 3 : i32
          %eq3A_1218 = vector.broadcast %eq3A_1217 : i32 to vector<16xi32>
          %eq3A_1219 = arith.cmpi eq, %broadcast_in_dim3A_1208, %eq3A_1218 : vector<16xi32>
          %select_n3A_1220 = arith.select %eq3A_1219, %sub3A_1204, %select_n3A_1216 : vector<16xi1>, vector<16xf32>
          %mul3A_1221 = arith.mulf %select_n3A_1220, %get3A_36 : vector<16xf32>
          %swap3A_1222 = arith.index_cast %add3A_1176 : i32 to index
          %swap3A_1223 = arith.constant 0 : index
          %swap3A_1224 = tpu.vector_load %arg15[%swap3A_1222, %swap3A_1223] {strides = array<i32>} : memref<80x32xf32, #tpu.memory_space<vmem>>, vector<16xf32>,
          tpu.vector_store %arg15[%swap3A_1222, %swap3A_1223], %mul3A_1221 {strides = array<i32>} : memref<80x32xf32, #tpu.memory_space<vmem>>, vector<16xf32>,
          %neg3A_1225 = arith.constant 0.000000e+00 : f32
          %neg3A_1226 = vector.broadcast %neg3A_1225 : f32 to vector<16xf32>
          %neg3A_1227 = arith.subf %neg3A_1226, %get3A_1184 : vector<16xf32>
          %exp3A_1228 = math.exp %neg3A_1227 : vector<16xf32>
          %add3A_1229 = arith.constant 1.000000e+00 : f32
          %add3A_1230 = vector.broadcast %add3A_1229 : f32 to vector<16xf32>
          %add3A_1231 = arith.addf %add3A_1230, %exp3A_1228 : vector<16xf32>
          %div3A_1232 = arith.constant 1.000000e+00 : f32
          %div3A_1233 = vector.broadcast %div3A_1232 : f32 to vector<16xf32>
          %div3A_1234 = arith.divf %div3A_1233, %add3A_1231 : vector<16xf32>
          %mul3A_1235 = arith.mulf %exp3A_1228, %exp3A_1228 : vector<16xf32>
          %add3A_1236 = arith.constant 1.000000e+00 : f32
          %add3A_1237 = vector.broadcast %add3A_1236 : f32 to vector<16xf32>
          %add3A_1238 = arith.addf %add3A_1237, %mul3A_1235 : vector<16xf32>
          %div3A_1239 = arith.constant 2.000000e+00 : f32
          %div3A_1240 = vector.broadcast %div3A_1239 : f32 to vector<16xf32>
          %div3A_1241 = arith.divf %div3A_1240, %add3A_1238 : vector<16xf32>
          %sub3A_1242 = arith.constant 1.000000e+00 : f32
          %sub3A_1243 = vector.broadcast %sub3A_1242 : f32 to vector<16xf32>
          %sub3A_1244 = arith.subf %div3A_1241, %sub3A_1243 : vector<16xf32>
          %max3A_1245 = arith.constant 0.000000e+00 : f32
          %max3A_1246 = vector.broadcast %max3A_1245 : f32 to vector<16xf32>
          %max3A_1247 = arith.maximumf %get3A_1184, %max3A_1246 : vector<16xf32>
          %broadcast_in_dim3A_1248 = vector.broadcast %squeeze3A_1178 : i32 to vector<16xi32>
          %eq3A_1249 = arith.constant 1 : i32
          %eq3A_1250 = vector.broadcast %eq3A_1249 : i32 to vector<16xi32>
          %eq3A_1251 = arith.cmpi eq, %broadcast_in_dim3A_1248, %eq3A_1250 : vector<16xi32>
          %select_n3A_1252 = arith.select %eq3A_1251, %div3A_1234, %get3A_1184 : vector<16xi1>, vector<16xf32>
          %eq3A_1253 = arith.constant 2 : i32
          %eq3A_1254 = vector.broadcast %eq3A_1253 : i32 to vector<16xi32>
          %eq3A_1255 = arith.cmpi eq, %broadcast_in_dim3A_1248, %eq3A_1254 : vector<16xi32>
          %select_n3A_1256 = arith.select %eq3A_1255, %max3A_1247, %select_n3A_1252 : vector<16xi1>, vector<16xf32>
          %eq3A_1257 = arith.constant 3 : i32
          %eq3A_1258 = vector.broadcast %eq3A_1257 : i32 to vector<16xi32>
          %eq3A_1259 = arith.cmpi eq, %broadcast_in_dim3A_1248, %eq3A_1258 : vector<16xi32>
          %select_n3A_1260 = arith.select %eq3A_1259, %sub3A_1244, %select_n3A_1256 : vector<16xi1>, vector<16xf32>
          %mul3A_1261 = arith.mulf %select_n3A_1260, %get3A_36 : vector<16xf32>
          %swap3A_1262 = arith.index_cast %add3A_1176 : i32 to index
          %swap3A_1263 = arith.constant 16 : index
          %swap3A_1264 = tpu.vector_load %arg15[%swap3A_1262, %swap3A_1263] {strides = array<i32>} : memref<80x32xf32, #tpu.memory_space<vmem>>, vector<16xf32>,
          tpu.vector_store %arg15[%swap3A_1262, %swap3A_1263], %mul3A_1261 {strides = array<i32>} : memref<80x32xf32, #tpu.memory_space<vmem>>, vector<16xf32>,
          %mul3A_1265 = arith.constant 8 : i32
          %mul3A_1266 = arith.muli %add3A_984, %mul3A_1265 : i32
          %add3A_1267 = arith.constant 3 : i32
          %add3A_1268 = arith.addi %mul3A_1266, %add3A_1267 : i32
          %slice3A_1269 = vector.extract_strided_slice %get3A_991 {offsets = [3], sizes = [1], strides = [1]} : vector<16xi32> to vector<1xi32>
          %squeeze3A_1270 = vector.extract %slice3A_1269[0] : i32 from vector<1xi32>
          %get3A_1271 = arith.index_cast %add3A_1268 : i32 to index
          %get3A_1272 = arith.constant 0 : index
          %get3A_1273 = tpu.vector_load %arg15[%get3A_1271, %get3A_1272] {strides = array<i32>} : memref<80x32xf32, #tpu.memory_space<vmem>>, vector<16xf32>,
          %get3A_1274 = arith.index_cast %add3A_1268 : i32 to index
          %get3A_1275 = arith.constant 16 : index
          %get3A_1276 = tpu.vector_load %arg15[%get3A_1274, %get3A_1275] {strides = array<i32>} : memref<80x32xf32, #tpu.memory_space<vmem>>, vector<16xf32>,
          %neg3A_1277 = arith.constant 0.000000e+00 : f32
          %neg3A_1278 = vector.broadcast %neg3A_1277 : f32 to vector<16xf32>
          %neg3A_1279 = arith.subf %neg3A_1278, %get3A_1273 : vector<16xf32>
          %exp3A_1280 = math.exp %neg3A_1279 : vector<16xf32>
          %add3A_1281 = arith.constant 1.000000e+00 : f32
          %add3A_1282 = vector.broadcast %add3A_1281 : f32 to vector<16xf32>
          %add3A_1283 = arith.addf %add3A_1282, %exp3A_1280 : vector<16xf32>
          %div3A_1284 = arith.constant 1.000000e+00 : f32
          %div3A_1285 = vector.broadcast %div3A_1284 : f32 to vector<16xf32>
          %div3A_1286 = arith.divf %div3A_1285, %add3A_1283 : vector<16xf32>
          %mul3A_1287 = arith.mulf %exp3A_1280, %exp3A_1280 : vector<16xf32>
          %add3A_1288 = arith.constant 1.000000e+00 : f32
          %add3A_1289 = vector.broadcast %add3A_1288 : f32 to vector<16xf32>
          %add3A_1290 = arith.addf %add3A_1289, %mul3A_1287 : vector<16xf32>
          %div3A_1291 = arith.constant 2.000000e+00 : f32
          %div3A_1292 = vector.broadcast %div3A_1291 : f32 to vector<16xf32>
          %div3A_1293 = arith.divf %div3A_1292, %add3A_1290 : vector<16xf32>
          %sub3A_1294 = arith.constant 1.000000e+00 : f32
          %sub3A_1295 = vector.broadcast %sub3A_1294 : f32 to vector<16xf32>
          %sub3A_1296 = arith.subf %div3A_1293, %sub3A_1295 : vector<16xf32>
          %max3A_1297 = arith.constant 0.000000e+00 : f32
          %max3A_1298 = vector.broadcast %max3A_1297 : f32 to vector<16xf32>
          %max3A_1299 = arith.maximumf %get3A_1273, %max3A_1298 : vector<16xf32>
          %broadcast_in_dim3A_1300 = vector.broadcast %squeeze3A_1270 : i32 to vector<16xi32>
          %eq3A_1301 = arith.constant 1 : i32
          %eq3A_1302 = vector.broadcast %eq3A_1301 : i32 to vector<16xi32>
          %eq3A_1303 = arith.cmpi eq, %broadcast_in_dim3A_1300, %eq3A_1302 : vector<16xi32>
          %select_n3A_1304 = arith.select %eq3A_1303, %div3A_1286, %get3A_1273 : vector<16xi1>, vector<16xf32>
          %eq3A_1305 = arith.constant 2 : i32
          %eq3A_1306 = vector.broadcast %eq3A_1305 : i32 to vector<16xi32>
          %eq3A_1307 = arith.cmpi eq, %broadcast_in_dim3A_1300, %eq3A_1306 : vector<16xi32>
          %select_n3A_1308 = arith.select %eq3A_1307, %max3A_1299, %select_n3A_1304 : vector<16xi1>, vector<16xf32>
          %eq3A_1309 = arith.constant 3 : i32
          %eq3A_1310 = vector.broadcast %eq3A_1309 : i32 to vector<16xi32>
          %eq3A_1311 = arith.cmpi eq, %broadcast_in_dim3A_1300, %eq3A_1310 : vector<16xi32>
          %select_n3A_1312 = arith.select %eq3A_1311, %sub3A_1296, %select_n3A_1308 : vector<16xi1>, vector<16xf32>
          %mul3A_1313 = arith.mulf %select_n3A_1312, %get3A_36 : vector<16xf32>
          %swap3A_1314 = arith.index_cast %add3A_1268 : i32 to index
          %swap3A_1315 = arith.constant 0 : index
          %swap3A_1316 = tpu.vector_load %arg15[%swap3A_1314, %swap3A_1315] {strides = array<i32>} : memref<80x32xf32, #tpu.memory_space<vmem>>, vector<16xf32>,
          tpu.vector_store %arg15[%swap3A_1314, %swap3A_1315], %mul3A_1313 {strides = array<i32>} : memref<80x32xf32, #tpu.memory_space<vmem>>, vector<16xf32>,
          %neg3A_1317 = arith.constant 0.000000e+00 : f32
          %neg3A_1318 = vector.broadcast %neg3A_1317 : f32 to vector<16xf32>
          %neg3A_1319 = arith.subf %neg3A_1318, %get3A_1276 : vector<16xf32>
          %exp3A_1320 = math.exp %neg3A_1319 : vector<16xf32>
          %add3A_1321 = arith.constant 1.000000e+00 : f32
          %add3A_1322 = vector.broadcast %add3A_1321 : f32 to vector<16xf32>
          %add3A_1323 = arith.addf %add3A_1322, %exp3A_1320 : vector<16xf32>
          %div3A_1324 = arith.constant 1.000000e+00 : f32
          %div3A_1325 = vector.broadcast %div3A_1324 : f32 to vector<16xf32>
          %div3A_1326 = arith.divf %div3A_1325, %add3A_1323 : vector<16xf32>
          %mul3A_1327 = arith.mulf %exp3A_1320, %exp3A_1320 : vector<16xf32>
          %add3A_1328 = arith.constant 1.000000e+00 : f32
          %add3A_1329 = vector.broadcast %add3A_1328 : f32 to vector<16xf32>
          %add3A_1330 = arith.addf %add3A_1329, %mul3A_1327 : vector<16xf32>
          %div3A_1331 = arith.constant 2.000000e+00 : f32
          %div3A_1332 = vector.broadcast %div3A_1331 : f32 to vector<16xf32>
          %div3A_1333 = arith.divf %div3A_1332, %add3A_1330 : vector<16xf32>
          %sub3A_1334 = arith.constant 1.000000e+00 : f32
          %sub3A_1335 = vector.broadcast %sub3A_1334 : f32 to vector<16xf32>
          %sub3A_1336 = arith.subf %div3A_1333, %sub3A_1335 : vector<16xf32>
          %max3A_1337 = arith.constant 0.000000e+00 : f32
          %max3A_1338 = vector.broadcast %max3A_1337 : f32 to vector<16xf32>
          %max3A_1339 = arith.maximumf %get3A_1276, %max3A_1338 : vector<16xf32>
          %broadcast_in_dim3A_1340 = vector.broadcast %squeeze3A_1270 : i32 to vector<16xi32>
          %eq3A_1341 = arith.constant 1 : i32
          %eq3A_1342 = vector.broadcast %eq3A_1341 : i32 to vector<16xi32>
          %eq3A_1343 = arith.cmpi eq, %broadcast_in_dim3A_1340, %eq3A_1342 : vector<16xi32>
          %select_n3A_1344 = arith.select %eq3A_1343, %div3A_1326, %get3A_1276 : vector<16xi1>, vector<16xf32>
          %eq3A_1345 = arith.constant 2 : i32
          %eq3A_1346 = vector.broadcast %eq3A_1345 : i32 to vector<16xi32>
          %eq3A_1347 = arith.cmpi eq, %broadcast_in_dim3A_1340, %eq3A_1346 : vector<16xi32>
          %select_n3A_1348 = arith.select %eq3A_1347, %max3A_1339, %select_n3A_1344 : vector<16xi1>, vector<16xf32>
          %eq3A_1349 = arith.constant 3 : i32
          %eq3A_1350 = vector.broadcast %eq3A_1349 : i32 to vector<16xi32>
          %eq3A_1351 = arith.cmpi eq, %broadcast_in_dim3A_1340, %eq3A_1350 : vector<16xi32>
          %select_n3A_1352 = arith.select %eq3A_1351, %sub3A_1336, %select_n3A_1348 : vector<16xi1>, vector<16xf32>
          %mul3A_1353 = arith.mulf %select_n3A_1352, %get3A_36 : vector<16xf32>
          %swap3A_1354 = arith.index_cast %add3A_1268 : i32 to index
          %swap3A_1355 = arith.constant 16 : index
          %swap3A_1356 = tpu.vector_load %arg15[%swap3A_1354, %swap3A_1355] {strides = array<i32>} : memref<80x32xf32, #tpu.memory_space<vmem>>, vector<16xf32>,
          tpu.vector_store %arg15[%swap3A_1354, %swap3A_1355], %mul3A_1353 {strides = array<i32>} : memref<80x32xf32, #tpu.memory_space<vmem>>, vector<16xf32>,
          %mul3A_1357 = arith.constant 8 : i32
          %mul3A_1358 = arith.muli %add3A_984, %mul3A_1357 : i32
          %add3A_1359 = arith.constant 4 : i32
          %add3A_1360 = arith.addi %mul3A_1358, %add3A_1359 : i32
          %slice3A_1361 = vector.extract_strided_slice %get3A_991 {offsets = [4], sizes = [1], strides = [1]} : vector<16xi32> to vector<1xi32>
          %squeeze3A_1362 = vector.extract %slice3A_1361[0] : i32 from vector<1xi32>
          %get3A_1363 = arith.index_cast %add3A_1360 : i32 to index
          %get3A_1364 = arith.constant 0 : index
          %get3A_1365 = tpu.vector_load %arg15[%get3A_1363, %get3A_1364] {strides = array<i32>} : memref<80x32xf32, #tpu.memory_space<vmem>>, vector<16xf32>,
          %get3A_1366 = arith.index_cast %add3A_1360 : i32 to index
          %get3A_1367 = arith.constant 16 : index
          %get3A_1368 = tpu.vector_load %arg15[%get3A_1366, %get3A_1367] {strides = array<i32>} : memref<80x32xf32, #tpu.memory_space<vmem>>, vector<16xf32>,
          %neg3A_1369 = arith.constant 0.000000e+00 : f32
          %neg3A_1370 = vector.broadcast %neg3A_1369 : f32 to vector<16xf32>
          %neg3A_1371 = arith.subf %neg3A_1370, %get3A_1365 : vector<16xf32>
          %exp3A_1372 = math.exp %neg3A_1371 : vector<16xf32>
          %add3A_1373 = arith.constant 1.000000e+00 : f32
          %add3A_1374 = vector.broadcast %add3A_1373 : f32 to vector<16xf32>
          %add3A_1375 = arith.addf %add3A_1374, %exp3A_1372 : vector<16xf32>
          %div3A_1376 = arith.constant 1.000000e+00 : f32
          %div3A_1377 = vector.broadcast %div3A_1376 : f32 to vector<16xf32>
          %div3A_1378 = arith.divf %div3A_1377, %add3A_1375 : vector<16xf32>
          %mul3A_1379 = arith.mulf %exp3A_1372, %exp3A_1372 : vector<16xf32>
          %add3A_1380 = arith.constant 1.000000e+00 : f32
          %add3A_1381 = vector.broadcast %add3A_1380 : f32 to vector<16xf32>
          %add3A_1382 = arith.addf %add3A_1381, %mul3A_1379 : vector<16xf32>
          %div3A_1383 = arith.constant 2.000000e+00 : f32
          %div3A_1384 = vector.broadcast %div3A_1383 : f32 to vector<16xf32>
          %div3A_1385 = arith.divf %div3A_1384, %add3A_1382 : vector<16xf32>
          %sub3A_1386 = arith.constant 1.000000e+00 : f32
          %sub3A_1387 = vector.broadcast %sub3A_1386 : f32 to vector<16xf32>
          %sub3A_1388 = arith.subf %div3A_1385, %sub3A_1387 : vector<16xf32>
          %max3A_1389 = arith.constant 0.000000e+00 : f32
          %max3A_1390 = vector.broadcast %max3A_1389 : f32 to vector<16xf32>
          %max3A_1391 = arith.maximumf %get3A_1365, %max3A_1390 : vector<16xf32>
          %broadcast_in_dim3A_1392 = vector.broadcast %squeeze3A_1362 : i32 to vector<16xi32>
          %eq3A_1393 = arith.constant 1 : i32
          %eq3A_1394 = vector.broadcast %eq3A_1393 : i32 to vector<16xi32>
          %eq3A_1395 = arith.cmpi eq, %broadcast_in_dim3A_1392, %eq3A_1394 : vector<16xi32>
          %select_n3A_1396 = arith.select %eq3A_1395, %div3A_1378, %get3A_1365 : vector<16xi1>, vector<16xf32>
          %eq3A_1397 = arith.constant 2 : i32
          %eq3A_1398 = vector.broadcast %eq3A_1397 : i32 to vector<16xi32>
          %eq3A_1399 = arith.cmpi eq, %broadcast_in_dim3A_1392, %eq3A_1398 : vector<16xi32>
          %select_n3A_1400 = arith.select %eq3A_1399, %max3A_1391, %select_n3A_1396 : vector<16xi1>, vector<16xf32>
          %eq3A_1401 = arith.constant 3 : i32
          %eq3A_1402 = vector.broadcast %eq3A_1401 : i32 to vector<16xi32>
          %eq3A_1403 = arith.cmpi eq, %broadcast_in_dim3A_1392, %eq3A_1402 : vector<16xi32>
          %select_n3A_1404 = arith.select %eq3A_1403, %sub3A_1388, %select_n3A_1400 : vector<16xi1>, vector<16xf32>
          %mul3A_1405 = arith.mulf %select_n3A_1404, %get3A_36 : vector<16xf32>
          %swap3A_1406 = arith.index_cast %add3A_1360 : i32 to index
          %swap3A_1407 = arith.constant 0 : index
          %swap3A_1408 = tpu.vector_load %arg15[%swap3A_1406, %swap3A_1407] {strides = array<i32>} : memref<80x32xf32, #tpu.memory_space<vmem>>, vector<16xf32>,
          tpu.vector_store %arg15[%swap3A_1406, %swap3A_1407], %mul3A_1405 {strides = array<i32>} : memref<80x32xf32, #tpu.memory_space<vmem>>, vector<16xf32>,
          %neg3A_1409 = arith.constant 0.000000e+00 : f32
          %neg3A_1410 = vector.broadcast %neg3A_1409 : f32 to vector<16xf32>
          %neg3A_1411 = arith.subf %neg3A_1410, %get3A_1368 : vector<16xf32>
          %exp3A_1412 = math.exp %neg3A_1411 : vector<16xf32>
          %add3A_1413 = arith.constant 1.000000e+00 : f32
          %add3A_1414 = vector.broadcast %add3A_1413 : f32 to vector<16xf32>
          %add3A_1415 = arith.addf %add3A_1414, %exp3A_1412 : vector<16xf32>
          %div3A_1416 = arith.constant 1.000000e+00 : f32
          %div3A_1417 = vector.broadcast %div3A_1416 : f32 to vector<16xf32>
          %div3A_1418 = arith.divf %div3A_1417, %add3A_1415 : vector<16xf32>
          %mul3A_1419 = arith.mulf %exp3A_1412, %exp3A_1412 : vector<16xf32>
          %add3A_1420 = arith.constant 1.000000e+00 : f32
          %add3A_1421 = vector.broadcast %add3A_1420 : f32 to vector<16xf32>
          %add3A_1422 = arith.addf %add3A_1421, %mul3A_1419 : vector<16xf32>
          %div3A_1423 = arith.constant 2.000000e+00 : f32
          %div3A_1424 = vector.broadcast %div3A_1423 : f32 to vector<16xf32>
          %div3A_1425 = arith.divf %div3A_1424, %add3A_1422 : vector<16xf32>
          %sub3A_1426 = arith.constant 1.000000e+00 : f32
          %sub3A_1427 = vector.broadcast %sub3A_1426 : f32 to vector<16xf32>
          %sub3A_1428 = arith.subf %div3A_1425, %sub3A_1427 : vector<16xf32>
          %max3A_1429 = arith.constant 0.000000e+00 : f32
          %max3A_1430 = vector.broadcast %max3A_1429 : f32 to vector<16xf32>
          %max3A_1431 = arith.maximumf %get3A_1368, %max3A_1430 : vector<16xf32>
          %broadcast_in_dim3A_1432 = vector.broadcast %squeeze3A_1362 : i32 to vector<16xi32>
          %eq3A_1433 = arith.constant 1 : i32
          %eq3A_1434 = vector.broadcast %eq3A_1433 : i32 to vector<16xi32>
          %eq3A_1435 = arith.cmpi eq, %broadcast_in_dim3A_1432, %eq3A_1434 : vector<16xi32>
          %select_n3A_1436 = arith.select %eq3A_1435, %div3A_1418, %get3A_1368 : vector<16xi1>, vector<16xf32>
          %eq3A_1437 = arith.constant 2 : i32
          %eq3A_1438 = vector.broadcast %eq3A_1437 : i32 to vector<16xi32>
          %eq3A_1439 = arith.cmpi eq, %broadcast_in_dim3A_1432, %eq3A_1438 : vector<16xi32>
          %select_n3A_1440 = arith.select %eq3A_1439, %max3A_1431, %select_n3A_1436 : vector<16xi1>, vector<16xf32>
          %eq3A_1441 = arith.constant 3 : i32
          %eq3A_1442 = vector.broadcast %eq3A_1441 : i32 to vector<16xi32>
          %eq3A_1443 = arith.cmpi eq, %broadcast_in_dim3A_1432, %eq3A_1442 : vector<16xi32>
          %select_n3A_1444 = arith.select %eq3A_1443, %sub3A_1428, %select_n3A_1440 : vector<16xi1>, vector<16xf32>
          %mul3A_1445 = arith.mulf %select_n3A_1444, %get3A_36 : vector<16xf32>
          %swap3A_1446 = arith.index_cast %add3A_1360 : i32 to index
          %swap3A_1447 = arith.constant 16 : index
          %swap3A_1448 = tpu.vector_load %arg15[%swap3A_1446, %swap3A_1447] {strides = array<i32>} : memref<80x32xf32, #tpu.memory_space<vmem>>, vector<16xf32>,
          tpu.vector_store %arg15[%swap3A_1446, %swap3A_1447], %mul3A_1445 {strides = array<i32>} : memref<80x32xf32, #tpu.memory_space<vmem>>, vector<16xf32>,
          %mul3A_1449 = arith.constant 8 : i32
          %mul3A_1450 = arith.muli %add3A_984, %mul3A_1449 : i32
          %add3A_1451 = arith.constant 5 : i32
          %add3A_1452 = arith.addi %mul3A_1450, %add3A_1451 : i32
          %slice3A_1453 = vector.extract_strided_slice %get3A_991 {offsets = [5], sizes = [1], strides = [1]} : vector<16xi32> to vector<1xi32>
          %squeeze3A_1454 = vector.extract %slice3A_1453[0] : i32 from vector<1xi32>
          %get3A_1455 = arith.index_cast %add3A_1452 : i32 to index
          %get3A_1456 = arith.constant 0 : index
          %get3A_1457 = tpu.vector_load %arg15[%get3A_1455, %get3A_1456] {strides = array<i32>} : memref<80x32xf32, #tpu.memory_space<vmem>>, vector<16xf32>,
          %get3A_1458 = arith.index_cast %add3A_1452 : i32 to index
          %get3A_1459 = arith.constant 16 : index
          %get3A_1460 = tpu.vector_load %arg15[%get3A_1458, %get3A_1459] {strides = array<i32>} : memref<80x32xf32, #tpu.memory_space<vmem>>, vector<16xf32>,
          %neg3A_1461 = arith.constant 0.000000e+00 : f32
          %neg3A_1462 = vector.broadcast %neg3A_1461 : f32 to vector<16xf32>
          %neg3A_1463 = arith.subf %neg3A_1462, %get3A_1457 : vector<16xf32>
          %exp3A_1464 = math.exp %neg3A_1463 : vector<16xf32>
          %add3A_1465 = arith.constant 1.000000e+00 : f32
          %add3A_1466 = vector.broadcast %add3A_1465 : f32 to vector<16xf32>
          %add3A_1467 = arith.addf %add3A_1466, %exp3A_1464 : vector<16xf32>
          %div3A_1468 = arith.constant 1.000000e+00 : f32
          %div3A_1469 = vector.broadcast %div3A_1468 : f32 to vector<16xf32>
          %div3A_1470 = arith.divf %div3A_1469, %add3A_1467 : vector<16xf32>
          %mul3A_1471 = arith.mulf %exp3A_1464, %exp3A_1464 : vector<16xf32>
          %add3A_1472 = arith.constant 1.000000e+00 : f32
          %add3A_1473 = vector.broadcast %add3A_1472 : f32 to vector<16xf32>
          %add3A_1474 = arith.addf %add3A_1473, %mul3A_1471 : vector<16xf32>
          %div3A_1475 = arith.constant 2.000000e+00 : f32
          %div3A_1476 = vector.broadcast %div3A_1475 : f32 to vector<16xf32>
          %div3A_1477 = arith.divf %div3A_1476, %add3A_1474 : vector<16xf32>
          %sub3A_1478 = arith.constant 1.000000e+00 : f32
          %sub3A_1479 = vector.broadcast %sub3A_1478 : f32 to vector<16xf32>
          %sub3A_1480 = arith.subf %div3A_1477, %sub3A_1479 : vector<16xf32>
          %max3A_1481 = arith.constant 0.000000e+00 : f32
          %max3A_1482 = vector.broadcast %max3A_1481 : f32 to vector<16xf32>
          %max3A_1483 = arith.maximumf %get3A_1457, %max3A_1482 : vector<16xf32>
          %broadcast_in_dim3A_1484 = vector.broadcast %squeeze3A_1454 : i32 to vector<16xi32>
          %eq3A_1485 = arith.constant 1 : i32
          %eq3A_1486 = vector.broadcast %eq3A_1485 : i32 to vector<16xi32>
          %eq3A_1487 = arith.cmpi eq, %broadcast_in_dim3A_1484, %eq3A_1486 : vector<16xi32>
          %select_n3A_1488 = arith.select %eq3A_1487, %div3A_1470, %get3A_1457 : vector<16xi1>, vector<16xf32>
          %eq3A_1489 = arith.constant 2 : i32
          %eq3A_1490 = vector.broadcast %eq3A_1489 : i32 to vector<16xi32>
          %eq3A_1491 = arith.cmpi eq, %broadcast_in_dim3A_1484, %eq3A_1490 : vector<16xi32>
          %select_n3A_1492 = arith.select %eq3A_1491, %max3A_1483, %select_n3A_1488 : vector<16xi1>, vector<16xf32>
          %eq3A_1493 = arith.constant 3 : i32
          %eq3A_1494 = vector.broadcast %eq3A_1493 : i32 to vector<16xi32>
          %eq3A_1495 = arith.cmpi eq, %broadcast_in_dim3A_1484, %eq3A_1494 : vector<16xi32>
          %select_n3A_1496 = arith.select %eq3A_1495, %sub3A_1480, %select_n3A_1492 : vector<16xi1>, vector<16xf32>
          %mul3A_1497 = arith.mulf %select_n3A_1496, %get3A_36 : vector<16xf32>
          %swap3A_1498 = arith.index_cast %add3A_1452 : i32 to index
          %swap3A_1499 = arith.constant 0 : index
          %swap3A_1500 = tpu.vector_load %arg15[%swap3A_1498, %swap3A_1499] {strides = array<i32>} : memref<80x32xf32, #tpu.memory_space<vmem>>, vector<16xf32>,
          tpu.vector_store %arg15[%swap3A_1498, %swap3A_1499], %mul3A_1497 {strides = array<i32>} : memref<80x32xf32, #tpu.memory_space<vmem>>, vector<16xf32>,
          %neg3A_1501 = arith.constant 0.000000e+00 : f32
          %neg3A_1502 = vector.broadcast %neg3A_1501 : f32 to vector<16xf32>
          %neg3A_1503 = arith.subf %neg3A_1502, %get3A_1460 : vector<16xf32>
          %exp3A_1504 = math.exp %neg3A_1503 : vector<16xf32>
          %add3A_1505 = arith.constant 1.000000e+00 : f32
          %add3A_1506 = vector.broadcast %add3A_1505 : f32 to vector<16xf32>
          %add3A_1507 = arith.addf %add3A_1506, %exp3A_1504 : vector<16xf32>
          %div3A_1508 = arith.constant 1.000000e+00 : f32
          %div3A_1509 = vector.broadcast %div3A_1508 : f32 to vector<16xf32>
          %div3A_1510 = arith.divf %div3A_1509, %add3A_1507 : vector<16xf32>
          %mul3A_1511 = arith.mulf %exp3A_1504, %exp3A_1504 : vector<16xf32>
          %add3A_1512 = arith.constant 1.000000e+00 : f32
          %add3A_1513 = vector.broadcast %add3A_1512 : f32 to vector<16xf32>
          %add3A_1514 = arith.addf %add3A_1513, %mul3A_1511 : vector<16xf32>
          %div3A_1515 = arith.constant 2.000000e+00 : f32
          %div3A_1516 = vector.broadcast %div3A_1515 : f32 to vector<16xf32>
          %div3A_1517 = arith.divf %div3A_1516, %add3A_1514 : vector<16xf32>
          %sub3A_1518 = arith.constant 1.000000e+00 : f32
          %sub3A_1519 = vector.broadcast %sub3A_1518 : f32 to vector<16xf32>
          %sub3A_1520 = arith.subf %div3A_1517, %sub3A_1519 : vector<16xf32>
          %max3A_1521 = arith.constant 0.000000e+00 : f32
          %max3A_1522 = vector.broadcast %max3A_1521 : f32 to vector<16xf32>
          %max3A_1523 = arith.maximumf %get3A_1460, %max3A_1522 : vector<16xf32>
          %broadcast_in_dim3A_1524 = vector.broadcast %squeeze3A_1454 : i32 to vector<16xi32>
          %eq3A_1525 = arith.constant 1 : i32
          %eq3A_1526 = vector.broadcast %eq3A_1525 : i32 to vector<16xi32>
          %eq3A_1527 = arith.cmpi eq, %broadcast_in_dim3A_1524, %eq3A_1526 : vector<16xi32>
          %select_n3A_1528 = arith.select %eq3A_1527, %div3A_1510, %get3A_1460 : vector<16xi1>, vector<16xf32>
          %eq3A_1529 = arith.constant 2 : i32
          %eq3A_1530 = vector.broadcast %eq3A_1529 : i32 to vector<16xi32>
          %eq3A_1531 = arith.cmpi eq, %broadcast_in_dim3A_1524, %eq3A_1530 : vector<16xi32>
          %select_n3A_1532 = arith.select %eq3A_1531, %max3A_1523, %select_n3A_1528 : vector<16xi1>, vector<16xf32>
          %eq3A_1533 = arith.constant 3 : i32
          %eq3A_1534 = vector.broadcast %eq3A_1533 : i32 to vector<16xi32>
          %eq3A_1535 = arith.cmpi eq, %broadcast_in_dim3A_1524, %eq3A_1534 : vector<16xi32>
          %select_n3A_1536 = arith.select %eq3A_1535, %sub3A_1520, %select_n3A_1532 : vector<16xi1>, vector<16xf32>
          %mul3A_1537 = arith.mulf %select_n3A_1536, %get3A_36 : vector<16xf32>
          %swap3A_1538 = arith.index_cast %add3A_1452 : i32 to index
          %swap3A_1539 = arith.constant 16 : index
          %swap3A_1540 = tpu.vector_load %arg15[%swap3A_1538, %swap3A_1539] {strides = array<i32>} : memref<80x32xf32, #tpu.memory_space<vmem>>, vector<16xf32>,
          tpu.vector_store %arg15[%swap3A_1538, %swap3A_1539], %mul3A_1537 {strides = array<i32>} : memref<80x32xf32, #tpu.memory_space<vmem>>, vector<16xf32>,
          %mul3A_1541 = arith.constant 8 : i32
          %mul3A_1542 = arith.muli %add3A_984, %mul3A_1541 : i32
          %add3A_1543 = arith.constant 6 : i32
          %add3A_1544 = arith.addi %mul3A_1542, %add3A_1543 : i32
          %slice3A_1545 = vector.extract_strided_slice %get3A_991 {offsets = [6], sizes = [1], strides = [1]} : vector<16xi32> to vector<1xi32>
          %squeeze3A_1546 = vector.extract %slice3A_1545[0] : i32 from vector<1xi32>
          %get3A_1547 = arith.index_cast %add3A_1544 : i32 to index
          %get3A_1548 = arith.constant 0 : index
          %get3A_1549 = tpu.vector_load %arg15[%get3A_1547, %get3A_1548] {strides = array<i32>} : memref<80x32xf32, #tpu.memory_space<vmem>>, vector<16xf32>,
          %get3A_1550 = arith.index_cast %add3A_1544 : i32 to index
          %get3A_1551 = arith.constant 16 : index
          %get3A_1552 = tpu.vector_load %arg15[%get3A_1550, %get3A_1551] {strides = array<i32>} : memref<80x32xf32, #tpu.memory_space<vmem>>, vector<16xf32>,
          %neg3A_1553 = arith.constant 0.000000e+00 : f32
          %neg3A_1554 = vector.broadcast %neg3A_1553 : f32 to vector<16xf32>
          %neg3A_1555 = arith.subf %neg3A_1554, %get3A_1549 : vector<16xf32>
          %exp3A_1556 = math.exp %neg3A_1555 : vector<16xf32>
          %add3A_1557 = arith.constant 1.000000e+00 : f32
          %add3A_1558 = vector.broadcast %add3A_1557 : f32 to vector<16xf32>
          %add3A_1559 = arith.addf %add3A_1558, %exp3A_1556 : vector<16xf32>
          %div3A_1560 = arith.constant 1.000000e+00 : f32
          %div3A_1561 = vector.broadcast %div3A_1560 : f32 to vector<16xf32>
          %div3A_1562 = arith.divf %div3A_1561, %add3A_1559 : vector<16xf32>
          %mul3A_1563 = arith.mulf %exp3A_1556, %exp3A_1556 : vector<16xf32>
          %add3A_1564 = arith.constant 1.000000e+00 : f32
          %add3A_1565 = vector.broadcast %add3A_1564 : f32 to vector<16xf32>
          %add3A_1566 = arith.addf %add3A_1565, %mul3A_1563 : vector<16xf32>
          %div3A_1567 = arith.constant 2.000000e+00 : f32
          %div3A_1568 = vector.broadcast %div3A_1567 : f32 to vector<16xf32>
          %div3A_1569 = arith.divf %div3A_1568, %add3A_1566 : vector<16xf32>
          %sub3A_1570 = arith.constant 1.000000e+00 : f32
          %sub3A_1571 = vector.broadcast %sub3A_1570 : f32 to vector<16xf32>
          %sub3A_1572 = arith.subf %div3A_1569, %sub3A_1571 : vector<16xf32>
          %max3A_1573 = arith.constant 0.000000e+00 : f32
          %max3A_1574 = vector.broadcast %max3A_1573 : f32 to vector<16xf32>
          %max3A_1575 = arith.maximumf %get3A_1549, %max3A_1574 : vector<16xf32>
          %broadcast_in_dim3A_1576 = vector.broadcast %squeeze3A_1546 : i32 to vector<16xi32>
          %eq3A_1577 = arith.constant 1 : i32
          %eq3A_1578 = vector.broadcast %eq3A_1577 : i32 to vector<16xi32>
          %eq3A_1579 = arith.cmpi eq, %broadcast_in_dim3A_1576, %eq3A_1578 : vector<16xi32>
          %select_n3A_1580 = arith.select %eq3A_1579, %div3A_1562, %get3A_1549 : vector<16xi1>, vector<16xf32>
          %eq3A_1581 = arith.constant 2 : i32
          %eq3A_1582 = vector.broadcast %eq3A_1581 : i32 to vector<16xi32>
          %eq3A_1583 = arith.cmpi eq, %broadcast_in_dim3A_1576, %eq3A_1582 : vector<16xi32>
          %select_n3A_1584 = arith.select %eq3A_1583, %max3A_1575, %select_n3A_1580 : vector<16xi1>, vector<16xf32>
          %eq3A_1585 = arith.constant 3 : i32
          %eq3A_1586 = vector.broadcast %eq3A_1585 : i32 to vector<16xi32>
          %eq3A_1587 = arith.cmpi eq, %broadcast_in_dim3A_1576, %eq3A_1586 : vector<16xi32>
          %select_n3A_1588 = arith.select %eq3A_1587, %sub3A_1572, %select_n3A_1584 : vector<16xi1>, vector<16xf32>
          %mul3A_1589 = arith.mulf %select_n3A_1588, %get3A_36 : vector<16xf32>
          %swap3A_1590 = arith.index_cast %add3A_1544 : i32 to index
          %swap3A_1591 = arith.constant 0 : index
          %swap3A_1592 = tpu.vector_load %arg15[%swap3A_1590, %swap3A_1591] {strides = array<i32>} : memref<80x32xf32, #tpu.memory_space<vmem>>, vector<16xf32>,
          tpu.vector_store %arg15[%swap3A_1590, %swap3A_1591], %mul3A_1589 {strides = array<i32>} : memref<80x32xf32, #tpu.memory_space<vmem>>, vector<16xf32>,
          %neg3A_1593 = arith.constant 0.000000e+00 : f32
          %neg3A_1594 = vector.broadcast %neg3A_1593 : f32 to vector<16xf32>
          %neg3A_1595 = arith.subf %neg3A_1594, %get3A_1552 : vector<16xf32>
          %exp3A_1596 = math.exp %neg3A_1595 : vector<16xf32>
          %add3A_1597 = arith.constant 1.000000e+00 : f32
          %add3A_1598 = vector.broadcast %add3A_1597 : f32 to vector<16xf32>
          %add3A_1599 = arith.addf %add3A_1598, %exp3A_1596 : vector<16xf32>
          %div3A_1600 = arith.constant 1.000000e+00 : f32
          %div3A_1601 = vector.broadcast %div3A_1600 : f32 to vector<16xf32>
          %div3A_1602 = arith.divf %div3A_1601, %add3A_1599 : vector<16xf32>
          %mul3A_1603 = arith.mulf %exp3A_1596, %exp3A_1596 : vector<16xf32>
          %add3A_1604 = arith.constant 1.000000e+00 : f32
          %add3A_1605 = vector.broadcast %add3A_1604 : f32 to vector<16xf32>
          %add3A_1606 = arith.addf %add3A_1605, %mul3A_1603 : vector<16xf32>
          %div3A_1607 = arith.constant 2.000000e+00 : f32
          %div3A_1608 = vector.broadcast %div3A_1607 : f32 to vector<16xf32>
          %div3A_1609 = arith.divf %div3A_1608, %add3A_1606 : vector<16xf32>
          %sub3A_1610 = arith.constant 1.000000e+00 : f32
          %sub3A_1611 = vector.broadcast %sub3A_1610 : f32 to vector<16xf32>
          %sub3A_1612 = arith.subf %div3A_1609, %sub3A_1611 : vector<16xf32>
          %max3A_1613 = arith.constant 0.000000e+00 : f32
          %max3A_1614 = vector.broadcast %max3A_1613 : f32 to vector<16xf32>
          %max3A_1615 = arith.maximumf %get3A_1552, %max3A_1614 : vector<16xf32>
          %broadcast_in_dim3A_1616 = vector.broadcast %squeeze3A_1546 : i32 to vector<16xi32>
          %eq3A_1617 = arith.constant 1 : i32
          %eq3A_1618 = vector.broadcast %eq3A_1617 : i32 to vector<16xi32>
          %eq3A_1619 = arith.cmpi eq, %broadcast_in_dim3A_1616, %eq3A_1618 : vector<16xi32>
          %select_n3A_1620 = arith.select %eq3A_1619, %div3A_1602, %get3A_1552 : vector<16xi1>, vector<16xf32>
          %eq3A_1621 = arith.constant 2 : i32
          %eq3A_1622 = vector.broadcast %eq3A_1621 : i32 to vector<16xi32>
          %eq3A_1623 = arith.cmpi eq, %broadcast_in_dim3A_1616, %eq3A_1622 : vector<16xi32>
          %select_n3A_1624 = arith.select %eq3A_1623, %max3A_1615, %select_n3A_1620 : vector<16xi1>, vector<16xf32>
          %eq3A_1625 = arith.constant 3 : i32
          %eq3A_1626 = vector.broadcast %eq3A_1625 : i32 to vector<16xi32>
          %eq3A_1627 = arith.cmpi eq, %broadcast_in_dim3A_1616, %eq3A_1626 : vector<16xi32>
          %select_n3A_1628 = arith.select %eq3A_1627, %sub3A_1612, %select_n3A_1624 : vector<16xi1>, vector<16xf32>
          %mul3A_1629 = arith.mulf %select_n3A_1628, %get3A_36 : vector<16xf32>
          %swap3A_1630 = arith.index_cast %add3A_1544 : i32 to index
          %swap3A_1631 = arith.constant 16 : index
          %swap3A_1632 = tpu.vector_load %arg15[%swap3A_1630, %swap3A_1631] {strides = array<i32>} : memref<80x32xf32, #tpu.memory_space<vmem>>, vector<16xf32>,
          tpu.vector_store %arg15[%swap3A_1630, %swap3A_1631], %mul3A_1629 {strides = array<i32>} : memref<80x32xf32, #tpu.memory_space<vmem>>, vector<16xf32>,
          %mul3A_1633 = arith.constant 8 : i32
          %mul3A_1634 = arith.muli %add3A_984, %mul3A_1633 : i32
          %add3A_1635 = arith.constant 7 : i32
          %add3A_1636 = arith.addi %mul3A_1634, %add3A_1635 : i32
          %slice3A_1637 = vector.extract_strided_slice %get3A_991 {offsets = [7], sizes = [1], strides = [1]} : vector<16xi32> to vector<1xi32>
          %squeeze3A_1638 = vector.extract %slice3A_1637[0] : i32 from vector<1xi32>
          %get3A_1639 = arith.index_cast %add3A_1636 : i32 to index
          %get3A_1640 = arith.constant 0 : index
          %get3A_1641 = tpu.vector_load %arg15[%get3A_1639, %get3A_1640] {strides = array<i32>} : memref<80x32xf32, #tpu.memory_space<vmem>>, vector<16xf32>,
          %get3A_1642 = arith.index_cast %add3A_1636 : i32 to index
          %get3A_1643 = arith.constant 16 : index
          %get3A_1644 = tpu.vector_load %arg15[%get3A_1642, %get3A_1643] {strides = array<i32>} : memref<80x32xf32, #tpu.memory_space<vmem>>, vector<16xf32>,
          %neg3A_1645 = arith.constant 0.000000e+00 : f32
          %neg3A_1646 = vector.broadcast %neg3A_1645 : f32 to vector<16xf32>
          %neg3A_1647 = arith.subf %neg3A_1646, %get3A_1641 : vector<16xf32>
          %exp3A_1648 = math.exp %neg3A_1647 : vector<16xf32>
          %add3A_1649 = arith.constant 1.000000e+00 : f32
          %add3A_1650 = vector.broadcast %add3A_1649 : f32 to vector<16xf32>
          %add3A_1651 = arith.addf %add3A_1650, %exp3A_1648 : vector<16xf32>
          %div3A_1652 = arith.constant 1.000000e+00 : f32
          %div3A_1653 = vector.broadcast %div3A_1652 : f32 to vector<16xf32>
          %div3A_1654 = arith.divf %div3A_1653, %add3A_1651 : vector<16xf32>
          %mul3A_1655 = arith.mulf %exp3A_1648, %exp3A_1648 : vector<16xf32>
          %add3A_1656 = arith.constant 1.000000e+00 : f32
          %add3A_1657 = vector.broadcast %add3A_1656 : f32 to vector<16xf32>
          %add3A_1658 = arith.addf %add3A_1657, %mul3A_1655 : vector<16xf32>
          %div3A_1659 = arith.constant 2.000000e+00 : f32
          %div3A_1660 = vector.broadcast %div3A_1659 : f32 to vector<16xf32>
          %div3A_1661 = arith.divf %div3A_1660, %add3A_1658 : vector<16xf32>
          %sub3A_1662 = arith.constant 1.000000e+00 : f32
          %sub3A_1663 = vector.broadcast %sub3A_1662 : f32 to vector<16xf32>
          %sub3A_1664 = arith.subf %div3A_1661, %sub3A_1663 : vector<16xf32>
          %max3A_1665 = arith.constant 0.000000e+00 : f32
          %max3A_1666 = vector.broadcast %max3A_1665 : f32 to vector<16xf32>
          %max3A_1667 = arith.maximumf %get3A_1641, %max3A_1666 : vector<16xf32>
          %broadcast_in_dim3A_1668 = vector.broadcast %squeeze3A_1638 : i32 to vector<16xi32>
          %eq3A_1669 = arith.constant 1 : i32
          %eq3A_1670 = vector.broadcast %eq3A_1669 : i32 to vector<16xi32>
          %eq3A_1671 = arith.cmpi eq, %broadcast_in_dim3A_1668, %eq3A_1670 : vector<16xi32>
          %select_n3A_1672 = arith.select %eq3A_1671, %div3A_1654, %get3A_1641 : vector<16xi1>, vector<16xf32>
          %eq3A_1673 = arith.constant 2 : i32
          %eq3A_1674 = vector.broadcast %eq3A_1673 : i32 to vector<16xi32>
          %eq3A_1675 = arith.cmpi eq, %broadcast_in_dim3A_1668, %eq3A_1674 : vector<16xi32>
          %select_n3A_1676 = arith.select %eq3A_1675, %max3A_1667, %select_n3A_1672 : vector<16xi1>, vector<16xf32>
          %eq3A_1677 = arith.constant 3 : i32
          %eq3A_1678 = vector.broadcast %eq3A_1677 : i32 to vector<16xi32>
          %eq3A_1679 = arith.cmpi eq, %broadcast_in_dim3A_1668, %eq3A_1678 : vector<16xi32>
          %select_n3A_1680 = arith.select %eq3A_1679, %sub3A_1664, %select_n3A_1676 : vector<16xi1>, vector<16xf32>
          %mul3A_1681 = arith.mulf %select_n3A_1680, %get3A_36 : vector<16xf32>
          %swap3A_1682 = arith.index_cast %add3A_1636 : i32 to index
          %swap3A_1683 = arith.constant 0 : index
          %swap3A_1684 = tpu.vector_load %arg15[%swap3A_1682, %swap3A_1683] {strides = array<i32>} : memref<80x32xf32, #tpu.memory_space<vmem>>, vector<16xf32>,
          tpu.vector_store %arg15[%swap3A_1682, %swap3A_1683], %mul3A_1681 {strides = array<i32>} : memref<80x32xf32, #tpu.memory_space<vmem>>, vector<16xf32>,
          %neg3A_1685 = arith.constant 0.000000e+00 : f32
          %neg3A_1686 = vector.broadcast %neg3A_1685 : f32 to vector<16xf32>
          %neg3A_1687 = arith.subf %neg3A_1686, %get3A_1644 : vector<16xf32>
          %exp3A_1688 = math.exp %neg3A_1687 : vector<16xf32>
          %add3A_1689 = arith.constant 1.000000e+00 : f32
          %add3A_1690 = vector.broadcast %add3A_1689 : f32 to vector<16xf32>
          %add3A_1691 = arith.addf %add3A_1690, %exp3A_1688 : vector<16xf32>
          %div3A_1692 = arith.constant 1.000000e+00 : f32
          %div3A_1693 = vector.broadcast %div3A_1692 : f32 to vector<16xf32>
          %div3A_1694 = arith.divf %div3A_1693, %add3A_1691 : vector<16xf32>
          %mul3A_1695 = arith.mulf %exp3A_1688, %exp3A_1688 : vector<16xf32>
          %add3A_1696 = arith.constant 1.000000e+00 : f32
          %add3A_1697 = vector.broadcast %add3A_1696 : f32 to vector<16xf32>
          %add3A_1698 = arith.addf %add3A_1697, %mul3A_1695 : vector<16xf32>
          %div3A_1699 = arith.constant 2.000000e+00 : f32
          %div3A_1700 = vector.broadcast %div3A_1699 : f32 to vector<16xf32>
          %div3A_1701 = arith.divf %div3A_1700, %add3A_1698 : vector<16xf32>
          %sub3A_1702 = arith.constant 1.000000e+00 : f32
          %sub3A_1703 = vector.broadcast %sub3A_1702 : f32 to vector<16xf32>
          %sub3A_1704 = arith.subf %div3A_1701, %sub3A_1703 : vector<16xf32>
          %max3A_1705 = arith.constant 0.000000e+00 : f32
          %max3A_1706 = vector.broadcast %max3A_1705 : f32 to vector<16xf32>
          %max3A_1707 = arith.maximumf %get3A_1644, %max3A_1706 : vector<16xf32>
          %broadcast_in_dim3A_1708 = vector.broadcast %squeeze3A_1638 : i32 to vector<16xi32>
          %eq3A_1709 = arith.constant 1 : i32
          %eq3A_1710 = vector.broadcast %eq3A_1709 : i32 to vector<16xi32>
          %eq3A_1711 = arith.cmpi eq, %broadcast_in_dim3A_1708, %eq3A_1710 : vector<16xi32>
          %select_n3A_1712 = arith.select %eq3A_1711, %div3A_1694, %get3A_1644 : vector<16xi1>, vector<16xf32>
          %eq3A_1713 = arith.constant 2 : i32
          %eq3A_1714 = vector.broadcast %eq3A_1713 : i32 to vector<16xi32>
          %eq3A_1715 = arith.cmpi eq, %broadcast_in_dim3A_1708, %eq3A_1714 : vector<16xi32>
          %select_n3A_1716 = arith.select %eq3A_1715, %max3A_1707, %select_n3A_1712 : vector<16xi1>, vector<16xf32>
          %eq3A_1717 = arith.constant 3 : i32
          %eq3A_1718 = vector.broadcast %eq3A_1717 : i32 to vector<16xi32>
          %eq3A_1719 = arith.cmpi eq, %broadcast_in_dim3A_1708, %eq3A_1718 : vector<16xi32>
          %select_n3A_1720 = arith.select %eq3A_1719, %sub3A_1704, %select_n3A_1716 : vector<16xi1>, vector<16xf32>
          %mul3A_1721 = arith.mulf %select_n3A_1720, %get3A_36 : vector<16xf32>
          %swap3A_1722 = arith.index_cast %add3A_1636 : i32 to index
          %swap3A_1723 = arith.constant 16 : index
          %swap3A_1724 = tpu.vector_load %arg15[%swap3A_1722, %swap3A_1723] {strides = array<i32>} : memref<80x32xf32, #tpu.memory_space<vmem>>, vector<16xf32>,
          tpu.vector_store %arg15[%swap3A_1722, %swap3A_1723], %mul3A_1721 {strides = array<i32>} : memref<80x32xf32, #tpu.memory_space<vmem>>, vector<16xf32>,
        }
        %scan3A_977 = arith.constant 10 : i32
        %add3A_978 = arith.constant 1250 : i32
        %add3A_979 = arith.addi %add3A_972, %add3A_978 : i32
        "tpu.region"() ({
          %run_scoped3A = tpu.sem_alloc : memref<!tpu.dma_semaphore, #tpu.memory_space<semaphore_mem>>
          %dma_start3A_980 = arith.constant 0 : i32
          %dma_start3A_981 = arith.constant 0 : i32
          %dma_start3A_982 = tpu.memref_slice %arg8[%arg0, %dma_start3A_980, %dma_start3A_981] : memref<2x8832x32xf32, #tpu.memory_space<hbm>> -> memref<1x8832x32xf32, #tpu.memory_space<hbm>>
          %dma_start3A_983 = tpu.memref_squeeze %dma_start3A_982 : memref<1x8832x32xf32, #tpu.memory_space<hbm>> -> memref<8832x32xf32, #tpu.memory_space<hbm>>
          %dma_start3A_984 = arith.constant 0 : i32
          %dma_start3A_985 = tpu.memref_slice %dma_start3A_983[%add3A_979, %dma_start3A_984] : memref<8832x32xf32, #tpu.memory_space<hbm>> -> memref<80x32xf32, #tpu.memory_space<hbm>>
          %dma_start3A_986 = arith.constant 0 : i32
          %dma_start3A_987 = arith.constant 0 : i32
          %dma_start3A_988 = tpu.memref_slice %arg8[%arg0, %dma_start3A_986, %dma_start3A_987] : memref<2x8832x32xf32, #tpu.memory_space<hbm>> -> memref<1x8832x32xf32, #tpu.memory_space<hbm>>
          %dma_start3A_989 = tpu.memref_squeeze %dma_start3A_988 : memref<1x8832x32xf32, #tpu.memory_space<hbm>> -> memref<8832x32xf32, #tpu.memory_space<hbm>>
          %dma_start3A_990 = arith.constant 0 : i32
          %dma_start3A_991 = tpu.memref_slice %dma_start3A_989[%add3A_979, %dma_start3A_990] : memref<8832x32xf32, #tpu.memory_space<hbm>> -> memref<80x32xf32, #tpu.memory_space<hbm>>
          tpu.enqueue_dma source(%arg15 : memref<80x32xf32, #tpu.memory_space<vmem>>) target(%dma_start3A_991 : memref<80x32xf32, #tpu.memory_space<hbm>>) target_semaphore(%run_scoped3A : memref<!tpu.dma_semaphore, #tpu.memory_space<semaphore_mem>>)
          %dma_wait3A_992 = arith.constant 0 : i32
          %dma_wait3A_993 = arith.constant 0 : i32
          %dma_wait3A_994 = tpu.memref_slice %arg8[%arg0, %dma_wait3A_992, %dma_wait3A_993] : memref<2x8832x32xf32, #tpu.memory_space<hbm>> -> memref<1x8832x32xf32, #tpu.memory_space<hbm>>
          %dma_wait3A_995 = tpu.memref_squeeze %dma_wait3A_994 : memref<1x8832x32xf32, #tpu.memory_space<hbm>> -> memref<8832x32xf32, #tpu.memory_space<hbm>>
          %dma_wait3A_996 = arith.constant 0 : i32
          %dma_wait3A_997 = tpu.memref_slice %dma_wait3A_995[%add3A_979, %dma_wait3A_996] : memref<8832x32xf32, #tpu.memory_space<hbm>> -> memref<80x32xf32, #tpu.memory_space<hbm>>
          %dma_wait3A_998 = arith.constant 0 : i32
          %dma_wait3A_999 = arith.constant 0 : i32
          %dma_wait3A_1000 = tpu.memref_slice %arg8[%arg0, %dma_wait3A_998, %dma_wait3A_999] : memref<2x8832x32xf32, #tpu.memory_space<hbm>> -> memref<1x8832x32xf32, #tpu.memory_space<hbm>>
          %dma_wait3A_1001 = tpu.memref_squeeze %dma_wait3A_1000 : memref<1x8832x32xf32, #tpu.memory_space<hbm>> -> memref<8832x32xf32, #tpu.memory_space<hbm>>
          %dma_wait3A_1002 = arith.constant 0 : i32
          %dma_wait3A_1003 = tpu.memref_slice %dma_wait3A_1001[%add3A_979, %dma_wait3A_1002] : memref<8832x32xf32, #tpu.memory_space<hbm>> -> memref<80x32xf32, #tpu.memory_space<hbm>>
          tpu.wait_dma2 semaphore(%run_scoped3A : memref<!tpu.dma_semaphore, #tpu.memory_space<semaphore_mem>>) src(%arg15 : memref<80x32xf32, #tpu.memory_space<vmem>>) dst(%dma_wait3A_1003 : memref<80x32xf32, #tpu.memory_space<hbm>>)
          tpu.yield
        }) : () -> ()
      } else {
      }
      "tpu.trace_stop"() : () -> ()
      %barrier3A_967 = arith.constant 0 : index
      tpu.barrier barrier_id(%barrier3A_967)
    }
    %scan3A_804 = arith.constant 7 : i32
    %mul3A_805 = arith.constant 16 : i32
    %mul3A_806 = arith.muli %arg1, %mul3A_805 : i32
    %add3A_807 = arith.constant 8494 : i32
    %add3A_808 = arith.addi %add3A_807, %mul3A_806 : i32
    %mul3A_809 = arith.constant 16 : i32
    %mul3A_810 = arith.muli %arg1, %mul3A_809 : i32
    "tpu.region"() ({
      %run_scoped3A = tpu.sem_alloc : memref<!tpu.dma_semaphore, #tpu.memory_space<semaphore_mem>>
      %dma_start3A_811 = arith.constant 0 : i32
      %dma_start3A_812 = arith.constant 0 : i32
      %dma_start3A_813 = tpu.memref_slice %arg7[%arg0, %dma_start3A_811, %dma_start3A_812] : memref<2x256x32xf32, #tpu.memory_space<hbm>> -> memref<1x256x32xf32, #tpu.memory_space<hbm>>
      %dma_start3A_814 = tpu.memref_squeeze %dma_start3A_813 : memref<1x256x32xf32, #tpu.memory_space<hbm>> -> memref<256x32xf32, #tpu.memory_space<hbm>>
      %dma_start3A_815 = arith.constant 0 : i32
      %dma_start3A_816 = tpu.memref_slice %dma_start3A_814[%mul3A_810, %dma_start3A_815] : memref<256x32xf32, #tpu.memory_space<hbm>> -> memref<16x32xf32, #tpu.memory_space<hbm>>
      %dma_start3A_817 = arith.constant 0 : i32
      %dma_start3A_818 = tpu.memref_slice %arg9[%add3A_808, %dma_start3A_817] : memref<8832x32xf32, #tpu.memory_space<vmem_shared>> -> memref<16x32xf32, #tpu.memory_space<vmem_shared>>
      tpu.enqueue_dma source(%dma_start3A_818 : memref<16x32xf32, #tpu.memory_space<vmem_shared>>) target(%dma_start3A_816 : memref<16x32xf32, #tpu.memory_space<hbm>>) target_semaphore(%run_scoped3A : memref<!tpu.dma_semaphore, #tpu.memory_space<semaphore_mem>>)
      %dma_wait3A_819 = arith.constant 0 : i32
      %dma_wait3A_820 = arith.constant 0 : i32
      %dma_wait3A_821 = tpu.memref_slice %arg7[%arg0, %dma_wait3A_819, %dma_wait3A_820] : memref<2x256x32xf32, #tpu.memory_space<hbm>> -> memref<1x256x32xf32, #tpu.memory_space<hbm>>
      %dma_wait3A_822 = tpu.memref_squeeze %dma_wait3A_821 : memref<1x256x32xf32, #tpu.memory_space<hbm>> -> memref<256x32xf32, #tpu.memory_space<hbm>>
      %dma_wait3A_823 = arith.constant 0 : i32
      %dma_wait3A_824 = tpu.memref_slice %dma_wait3A_822[%mul3A_810, %dma_wait3A_823] : memref<256x32xf32, #tpu.memory_space<hbm>> -> memref<16x32xf32, #tpu.memory_space<hbm>>
      %dma_wait3A_825 = arith.constant 0 : i32
      %dma_wait3A_826 = tpu.memref_slice %arg9[%add3A_808, %dma_wait3A_825] : memref<8832x32xf32, #tpu.memory_space<vmem_shared>> -> memref<16x32xf32, #tpu.memory_space<vmem_shared>>
      tpu.wait_dma2 semaphore(%run_scoped3A : memref<!tpu.dma_semaphore, #tpu.memory_space<semaphore_mem>>) src(%dma_wait3A_826 : memref<16x32xf32, #tpu.memory_space<vmem_shared>>) dst(%dma_wait3A_824 : memref<16x32xf32, #tpu.memory_space<hbm>>)
      tpu.yield
    }) : () -> ()
    return
  }
}

module attributes {stable_mosaic.version = 14 : i64} {
  func.func @_softmax_body(%arg0: memref<2x256x32xf32, #tpu.memory_space<vmem>>, %arg1: memref<64x256xf32, #tpu.memory_space<vmem>>) attributes {dimension_semantics = [], scalar_prefetch = 0 : i64, scratch_operands = 0 : i64, tpu.core_type = #tpu.core_type<tc>} {
    %get3A = arith.constant 0 : index
    %get3A_0 = arith.constant 0 : index
    %get3A_1 = arith.constant 0 : index
    %get3A_2 = vector.load %arg0[%get3A, %get3A_0, %get3A_1] : memref<2x256x32xf32, #tpu.memory_space<vmem>>, vector<2x256x32xf32>
    %slice3A = vector.extract_strided_slice %get3A_2 {offsets = [0, 0, 0], sizes = [1, 256, 32], strides = [1, 1, 1]} : vector<2x256x32xf32> to vector<1x256x32xf32>
    %squeeze3A = vector.shape_cast %slice3A : vector<1x256x32xf32> to vector<256x32xf32>
    %transpose3A = tpu.transpose %squeeze3A, [1, 0] : vector<256x32xf32> -> vector<32x256xf32>
    %slice3A_3 = vector.extract_strided_slice %get3A_2 {offsets = [1, 0, 0], sizes = [1, 256, 32], strides = [1, 1, 1]} : vector<2x256x32xf32> to vector<1x256x32xf32>
    %squeeze3A_4 = vector.shape_cast %slice3A_3 : vector<1x256x32xf32> to vector<256x32xf32>
    %transpose3A_5 = tpu.transpose %squeeze3A_4, [1, 0] : vector<256x32xf32> -> vector<32x256xf32>
    %concatenate3A = tpu.concatenate %transpose3A, %transpose3A_5 in 0 : vector<32x256xf32>, vector<32x256xf32> -> vector<64x256xf32>
    %reduce_max3A = arith.constant dense<0xFF800000> : vector<64xf32>
    %reduce_max3A_6 = vector.multi_reduction <maximumf>, %concatenate3A, %reduce_max3A [1] : vector<64x256xf32> to vector<64xf32>
    %broadcast_in_dim3A = vector.shape_cast %reduce_max3A_6 : vector<64xf32> to vector<64x1xf32>
    %sub3A = vector.broadcast %broadcast_in_dim3A : vector<64x1xf32> to vector<64x256xf32>
    %sub3A_7 = arith.subf %concatenate3A, %sub3A : vector<64x256xf32>
    %exp3A = math.exp %sub3A_7 : vector<64x256xf32>
    %reduce_sum3A = arith.constant dense<0.000000e+00> : vector<64xf32>
    %reduce_sum3A_8 = vector.multi_reduction <add>, %exp3A, %reduce_sum3A [1] : vector<64x256xf32> to vector<64xf32>
    %broadcast_in_dim3A_9 = vector.shape_cast %reduce_sum3A_8 : vector<64xf32> to vector<64x1xf32>
    %div3A = vector.broadcast %broadcast_in_dim3A_9 : vector<64x1xf32> to vector<64x256xf32>
    %div3A_10 = arith.divf %exp3A, %div3A : vector<64x256xf32>
    %swap3A = arith.constant 0 : index
    %swap3A_11 = arith.constant 0 : index
    %swap3A_12 = vector.load %arg1[%swap3A, %swap3A_11] : memref<64x256xf32, #tpu.memory_space<vmem>>, vector<64x256xf32>
    tpu.vector_store %arg1[%swap3A, %swap3A_11], %div3A_10 {strides = array<i32>} : memref<64x256xf32, #tpu.memory_space<vmem>>, vector<64x256xf32>,
    return
  }
}

</mosaic_0001>

<sc_bundles>
// kernel: kernel.4.cloned.1.call-start
scs
__scs_entry_jumppad:
0x0: {  	(pc) =	sbr.rel $0x88, $3  }
0x1: {  	(tag) =	ssettag $0x0;
	lr =	simm.s32 $0x1  }
0x2: {  	[smem:$0x3F9C] =	sst lr;
	_ =	strace $0xD0000000  }
0x3: {  	_ = 	snop  }
0x4: {  	_ = 	snop  }
0x5: {  	_ = 	snop  }
0x6: {  	_ = 	snop  }
0x7: {  	_ = 	snop  }
__scs_overlays_trampoline_lowered:
0x8: {  	[smem:$0x3FAB] =	sst s0  }
0x9: {  	[smem:$0x3FAC] =	sst s1  }
0xa: {  	[smem:$0x3FAD] =	sst s2  }
0xb: {  	[smem:$0x3FAE] =	sst s3  }
0xc: {  	[smem:$0x3FAF] =	sst s4  }
0xd: {  	[smem:$0x3FB0] =	sst s5  }
0xe: {  	[smem:$0x3FB1] =	sst s6  }
0xf: {  	[smem:$0x3FB2] =	sst s7  }
0x10: {  	[smem:$0x3FB3] =	sst s8  }
0x11: {  	[smem:$0x3FB4] =	sst s9;
	s0 =	simm.s32 @!p0 $0x0  }
0x12: {  	s1 =	sld [smem:$0x3F9A];
	s0 =	simm.s32 @p0 $0x1  }
0x13: {  	[smem:$0x3FB5] =	sst s0;
	s0 =	simm.s32 @!p1 $0x0  }
0x14: {  	s2 =	sld [smem:$0x3F99];
	s0 =	simm.s32 @p1 $0x1  }
0x15: {  	[smem:$0x3FB6] =	sst s0;
	s0 =	simm.s32 @!p2 $0x0  }
0x16: {  	s3 =	sld [smem:$0x3FDB];
	s0 =	simm.s32 @p2 $0x1  }
0x17: {  	s4 =	simm.s32 $0x1BF5;
	[smem:$0x3FB8] =	sst s0  }
0x18: {  	s0 =	sld [smem:$0x3F9B];
	_ =	swait.ge [sflag:s4], $0x0  }
0x19: {  	s7 =	sld [smem:$0x3F9C]  }
0x1a: {  	s8 =	sadd.s32 $0xFFFFE003, lr  }
0x1b: {  	s9 =	sadd.s32 $0xFFFFFEF7, lr;
	s5 =	simm.s32 $0xFFFFFFFF;
	p2 =	slt.u32 s8, $0xFFFFF086  }
0x1c: {  	p1 =	slt.u32 s9, $0xF7A;
	s5 =	simm.s32 @!p2 $0x0  }
0x1d: {  	s5 =	simm.s32 @p1 $0x1;
	p0 =	seq.s32 s7, s2  }
0x1e: {  	s7 =	smul.u32 @!p0 $0xF7A, s2;
	p2 =	seq.s32 @!p0 s5, $0x0  }
0x1f: {  	s9 =	smul.u32 $0xF7A, s1;
	s8 =	simm.s32 @!p0 $0x1BF5;
	p2 =	por !p2, p0  }
0x20: {  	[sflag:s8] =	ssyncset.s32 @!p0 $0xFFFFF086;
	s6 =	sadd.s32 @!p0 s3, s7;
	s7 =	simm.s32 @!p0 $0x108  }
0x21: {  	s3 =	sadd.s32 s3, s9;
	s6 =	sadd.s32 @!p0 $0x88, s6;
	s7 =	simm.s32 @p2 $0x1082  }
0x22: {  	[simem:s7], [sflag:s8] =	dma.local @!p0 [hbm:s6], $0xF7A  }
0x23: {  	s9 =	sor.u32 $0xD0000000, s2;
	s6 =	simm.s32 $0x108;
	_ =	swait.ge @!p0 [sflag:s8], $0x0  }
0x24: {  	s3 =	sadd.s32 $0x88, s3;
	s6 =	simm.s32 @!p1 $0x1082;
	[sflag:s4] =	ssyncset.s32 $0xFFFFF086  }
0x25: {  	[simem:s6], [sflag:s4] =	dma.local [hbm:s3], $0xF7A  }
0x26: {  	[smem:$0x3F9C] =	sst s1;
	(tag) =	ssettag s2;
	_ =	strace s9  }
0x27: {  	s1 =	sld [smem:$0x3FAC]  }
0x28: {  	s2 =	sld [smem:$0x3FAD]  }
0x29: {  	s4 =	sld [smem:$0x3FAF]  }
0x2a: {  	p0 =	seq.s32 s5, $0x0;
	s5 =	sld [smem:$0x3FB0]  }
0x2b: {  	s6 =	sld [smem:$0x3FB1]  }
0x2c: {  	s7 =	sld [smem:$0x3FB2]  }
0x2d: {  	s3 =	simm.s32 $0x108;
	s8 =	sld [smem:$0x3FB3]  }
0x2e: {  	s3 =	simm.s32 @!p0 $0x1082;
	s9 =	sld [smem:$0x3FB4]  }
0x2f: {  	lr =	sadd.s32 s0, s3;
	s0 =	sld [smem:$0x3FAB]  }
0x30: {  	s3 =	sld [smem:$0x3FAE]  }
0x31: {  	[smem:$0x3FB7] =	sst s10  }
0x32: {  	s10 =	sld [smem:$0x3FB5];
	_ =	sdelay $0x3  }
0x33: {  	p0 =	seq.s32 s10, $0x1;
	s10 =	sld [smem:$0x3FB7];
	_ =	sdelay $0x3  }
0x34: {  	[smem:$0x3FB7] =	sst s10  }
0x35: {  	s10 =	sld [smem:$0x3FB6];
	_ =	sdelay $0x3  }
0x36: {  	p1 =	seq.s32 s10, $0x1;
	s10 =	sld [smem:$0x3FB7];
	_ =	sdelay $0x3  }
0x37: {  	[smem:$0x3FB7] =	sst s10  }
0x38: {  	s10 =	sld [smem:$0x3FB8]  }
0x39: {  	_ = 	snop;
	(pc) =	sbr.ind lr, $3  }
0x3a: {  	_ = 	snop  }
0x3b: {  	_ = 	snop  }
0x3c: {  	p2 =	seq.s32 s10, $0x1;
	s10 =	sld [smem:$0x3FB7]  }
0x3d: {  	_ =	shalt  }
0x3e: {  	_ =	shalt  }
0x3f: {  	_ =	shalt  }
0x40: {  	_ =	shalt  }
0x41: {  	_ =	shalt  }
0x42: {  	_ =	shalt  }
0x43: {  	_ =	shalt  }
0x44: {  	_ =	shalt  }
0x45: {  	_ =	shalt  }
0x46: {  	_ =	shalt  }
0x47: {  	_ =	shalt  }
0x48: {  	_ =	shalt  }
0x49: {  	_ =	shalt  }
0x4a: {  	_ =	shalt  }
0x4b: {  	_ =	shalt  }
0x4c: {  	_ =	shalt  }
0x4d: {  	_ =	shalt  }
0x4e: {  	_ =	shalt  }
0x4f: {  	_ =	shalt  }
0x50: {  	_ =	shalt  }
0x51: {  	_ =	shalt  }
0x52: {  	_ =	shalt  }
0x53: {  	_ =	shalt  }
0x54: {  	_ =	shalt  }
0x55: {  	_ =	shalt  }
0x56: {  	_ =	shalt  }
0x57: {  	_ =	shalt  }
0x58: {  	_ =	shalt  }
0x59: {  	_ =	shalt  }
0x5a: {  	_ =	shalt  }
0x5b: {  	_ =	shalt  }
0x5c: {  	_ =	shalt  }
0x5d: {  	_ =	shalt  }
0x5e: {  	_ =	shalt  }
0x5f: {  	_ =	shalt  }
0x60: {  	_ =	shalt  }
0x61: {  	_ =	shalt  }
0x62: {  	_ =	shalt  }
0x63: {  	_ =	shalt  }
0x64: {  	_ =	shalt  }
0x65: {  	_ =	shalt  }
0x66: {  	_ =	shalt  }
0x67: {  	_ =	shalt  }
0x68: {  	_ =	shalt  }
0x69: {  	_ =	shalt  }
0x6a: {  	_ =	shalt  }
0x6b: {  	_ =	shalt  }
0x6c: {  	_ =	shalt  }
0x6d: {  	_ =	shalt  }
0x6e: {  	_ =	shalt  }
0x6f: {  	_ =	shalt  }
0x70: {  	_ =	shalt  }
0x71: {  	_ =	shalt  }
0x72: {  	_ =	shalt  }
0x73: {  	_ =	shalt  }
0x74: {  	_ =	shalt  }
0x75: {  	_ =	shalt  }
0x76: {  	_ =	shalt  }
0x77: {  	_ =	shalt  }
0x78: {  	_ =	shalt  }
0x79: {  	_ =	shalt  }
0x7a: {  	_ =	shalt  }
0x7b: {  	_ =	shalt  }
0x7c: {  	_ =	shalt  }
0x7d: {  	_ =	shalt  }
0x7e: {  	_ =	shalt  }
0x7f: {  	_ =	shalt  }
0x80: {  	_ =	shalt  }
0x81: {  	_ =	shalt  }
0x82: {  	_ =	shalt  }
0x83: {  	_ =	shalt  }
0x84: {  	_ =	shalt  }
0x85: {  	_ =	shalt  }
0x86: {  	_ =	shalt  }
0x87: {  	_ =	shalt  }
.Lfunc_end0:
.L_simem_size_0:
called_computation_lowered:
.L_overlay_start_0:
0x88: {  	s2 =	sld [smem:$0x3FD9]  }
0x89: {  	s3 =	sld [smem:$0x3FFE];
	_ =	sdelay $0x1  }
0x8a: {  	s1 =	srdreg.scid  }
0x8b: {  	s0 =	sand.u32 $0x1, s1  }
0x8c: {  	s17 =	sshll.u32 s0, $0xA;
	s2 =	sadd.s32 s3, s2  }
0x8d: {  	s2 =	sadd.s32 s2, s17  }
0x8e: {  	[smem:$0x3FC3] =	sst s2  }
0x8f: {  	_ = 	snop  }
0x90: {  	s2 =	sld [smem:$0x3FC7]  }
0x91: {  	s18 =	sld [smem:$0x3FC6]  }
0x92: {  	s4 =	sld [smem:$0x3FC5]  }
0x93: {  	s5 =	sld [smem:$0x3FD0];
	(tm) =	ssettm $0x1  }
0x94: {  	s6 =	sld [smem:$0x3FFB];
	_ =	sdelay $0x3  }
0x95: {  	_ =	strace s6  }
0x96: {  	s6 =	sld [smem:$0x3FFC];
	_ =	sdelay $0x3  }
0x97: {  	_ =	strace s6  }
0x98: {  	s6 =	sld [smem:$0x3FFD];
	_ =	sdelay $0x3  }
0x99: {  	_ =	strace s6  }
0x9a: {  	_ =	strace $0x8FFFFFFF  }
0x9b: {  	s19 =	sld [smem:$0x3FDB];
	_ =	sdelay $0x1  }
0x9c: {  	s7 =	simm.s32 $_scs_section_size  }
0x9d: {  	s8 =	simm.s32 $_size__tile_overlayer_lowered;
	s9 =	simm.s32 $_tile_overlayer_lowered  }
0x9e: {  	s22 =	simm.s32 $0x1BFF;
	s21 =	sshll.u32 s9, $0x1;
	s6 =	sadd.s32 s7, s19  }
0x9f: {  	s10 =	simm.s32 $0x0;
	s20 =	sshll.u32 s8, $0x1;
	s8 =	sadd.s32 s21, s6  }
0xa0: {  	[timem:s10], [sflag:s22] =	dma.local [hbm:s8], s20  }
0xa1: {  	_ =	swait.ge [sflag:s22], s20  }
0xa2: {  	s7 =	ssub.s32 $0x0, s20;
	[sflag:s22] =	ssyncset.done $0x0  }
0xa3: {  	[sflag:s22] =	ssyncadd.s32 s7;
	_ =	sdelay $0x1  }
0xa4: {  	s23 =	simm.s32 $0x1B8B  }
0xa5: {  	_ =	swait.ge [sflag:s23], $0x1  }
0xa6: {  	[sflag:s23] =	ssyncset.done $0x0  }
0xa7: {  	s25 =	simm.s32 $0x1B8E;
	s24 =	sld [smem:$0x3FFE];
	[sflag:s23] =	ssyncadd.s32 $0xFFFFFFFF  }
0xa8: {  	s26 =	simm.s32 $execute0_lowered;
	[smem:$0x3FD2] =	sst s25  }
0xa9: {  	s8 =	sshll.u32 s26, $0x1;
	_ =	strace $0x80000046;
	[dreg:$0x1] =	wrdreg $0xFFFFFFFF  }
0xaa: {  	s28 =	simm.s32 $_size_execute0_lowered;
	s6 =	sadd.s32 s6, s8;
	[dreg:$0x0] =	wrdreg $0x0  }
0xab: {  	s8 =	sshll.u32 s28, $0x1;
	[dreg:$0x2] =	wrdreg s6  }
0xac: {  	[dreg:$0x3] =	wrdreg s8  }
0xad: {  	[dreg:$0x4] =	wrdreg $0xC0  }
0xae: {  	_ =	task [dreg:s10], $0x5FFFF  }
0xaf: {  	[dreg:$0x1] =	wrdreg $0xFFFFFFFF  }
0xb0: {  	[dreg:$0x0] =	wrdreg $0x60  }
0xb1: {  	[dreg:$0x2] =	wrdreg s24  }
0xb2: {  	[dreg:$0x3] =	wrdreg s2  }
0xb3: {  	[dreg:$0x4] =	wrdreg s18  }
0xb4: {  	[dreg:$0x5] =	wrdreg s4  }
0xb5: {  	[dreg:$0x6] =	wrdreg s5  }
0xb6: {  	[dreg:$0x7] =	wrdreg $0x0  }
0xb7: {  	[dreg:$0x8] =	wrdreg $0x9  }
0xb8: {  	_ =	task.clear_ibuf [dreg:s10], $0x9FFFF;
	_ =	strace $0x90000046  }
0xb9: {  	s29 =	simm.s32 $0x9;
	_ =	strace $0x8000004E  }
0xba: {  	_ =	swait.ge [sflag:s29], $0x1  }
0xbb: {  	[sflag:s29] =	ssyncadd.s32 $0xFFFFFFFF  }
0xbc: {  	_ =	strace $0x9000004E  }
0xbd: {  	_ =	sfence  }
0xbe: {  	s30 =	sld [smem:$0x0];
	_ =	sdelay $0x2  }
0xbf: {  	s31 =	sshll.u32 s1, $0xD;
	s1 =	sshrl.u32 s1, $0x2  }
0xc0: {  	s3 =	sand.u32 $0x4000, s31;
	s1 =	sadd.s32 s1, s30  }
0xc1: {  	s0 =	sor.u32 s3, s0;
	s1 =	sshll.u32 s1, $0x11  }
0xc2: {  	s0 =	sor.u32 s1, s0  }
0xc3: {  	s0 =	sadd.s32 $0x8F2B, s0  }
0xc4: {  	[sflag:s0] =	ssyncadd.remote.s32 $0x1  }
0xc5: {  	_ =	sfence.sel $0xFFFF  }
0xc6: {  	[dreg:$0x0] =	wrdreg $0xFFFFFFFF;
	(pc) =	sbr.abs _section_cstart, $3  }
0xc7: {  	[dreg:$0x1] =	wrdreg $0xFFFFFFFF  }
0xc8: {  	_ =	task.clear_ibuf [dreg:s10], $0x2FFFF;
	_ =	strace $0x9FFFFFFF  }
0xc9: {  	(tm) =	ssettm $0x7FFFFFFF  }
tec
execute0_lowered:
.L_overlay_start_1:
0x0: {  	(tag) =	ssettag $0x1  }
0x1: {  	s0 =	rddreg [dreg:$0x0]  }
0x2: {  	s1 =	rddreg [dreg:$0x1]  }
0x3: {  	s2 =	rddreg [dreg:$0x2]  }
0x4: {  	s3 =	rddreg [dreg:$0x3]  }
0x5: {  	s4 =	rddreg [dreg:$0x4]  }
0x6: {  	s22 =	rddreg [dreg:$0x5];
	s10 =	stileid.u32  }
0x7: {  	s5 =	simm.s32 $0x0;
	s23 =	srdreg.scid;
	s9 =	smul.u32 $0x4E2, s10  }
0x8: {  	[smem:$0x7FF] =	sst s5;
	s5 =	sand.u32 $0x1, s23;
	s25 =	smul.u32 $0x11400, s10  }
0x9: {  	s11 =	sadd.s32 $0x1800, s0;
	s26 =	sadd.s32 $0x9C, s3;
	s28 =	smul.u32 $0xC0, s10  }
0xa: {  	s3 =	sadd.s32 $0x40, s3;
	s29 =	smul.u32 $0x600, s10;
	s30 =	sshll.u32 s10, $0x7  }
0xb: {  	s14 =	smul.u32 $0x50, s10;
	_ =	strace $0x80000047;
	[dreg:$0x1a] =	wrdreg s11  }
0xc: {  	s16 =	sshll.u32 s10, $0x9;
	s17 =	smul.u32 $0x140, s10;
	[dreg:$0x1d] =	wrdreg s26  }
0xd: {  	s18 =	sshll.u32 s10, $0x6;
	s10 =	simm.s32 $0x1A8A0;
	[dreg:$0x1e] =	wrdreg s3  }
0xe: {  	s6 =	sshll.u32 s5, $0xB;
	s7 =	smul.u32 $0x8A00, s5;
	[dreg:$0x1f] =	wrdreg s30  }
0xf: {  	s8 =	ssub.s32 $0x2, s5;
	s3 =	sadd.s32 s16, s22;
	[smem:$0x7F7] =	sst s18  }
0x10: {  	s6 =	sadd.s32 s6, s0;
	s24 =	sshrl.u32 s8, $0x1;
	s1 =	sadd.s32 s1, s9  }
0x11: {  	s2 =	sadd.s32 s2, s9;
	[smem:$0x7EE] =	sst s14;
	s3 =	sadd.s32 $0x425C0, s3  }
0x12: {  	s0 =	sadd.s32 s7, s0;
	s7 =	ssub.s32 s8, s24;
	[dreg:$0x1b] =	wrdreg s1  }
0x13: {  	[dreg:$0x1c] =	wrdreg s2;
	s2 =	sshrl.u32 s28, $0x2;
	s28 =	sshrl.u32 s3, $0x3  }
0x14: {  	s6 =	sadd.s32 $0x800, s6;
	s7 =	smax.u32 s7, $0x1;
	[smem:$0x7F9] =	sst s28  }
0x15: {  	s1 =	sshrl.u32 s25, $0x2;
	s25 =	sadd.s32 s30, s6;
	[smem:$0x7EF] =	sst s7  }
0x16: {  	s15 =	sshll.u32 s5, $0xA;
	s31 =	sadd.s32 s1, s22;
	[smem:$0x7F5] =	sst s25  }
0x17: {  	s11 =	sshrl.u32 s29, $0x3;
	s1 =	sadd.s32 $0x4000, s31;
	[smem:$0x7FC] =	sst s31  }
0x18: {  	s13 =	sadd.s32 $0x800, s11;
	s19 =	sadd.s32 $0x800, s31;
	[smem:$0x7ED] =	sst s1  }
0x19: {  	s12 =	sadd.s32 $0x1A580, s2;
	s20 =	sadd.s32 $0x1000, s31;
	[smem:$0x7F0] =	sst s19  }
0x1a: {  	s2 =	sadd.s32 s4, s15;
	s23 =	sadd.s32 $0x1800, s31;
	[smem:$0x7F1] =	sst s20  }
0x1b: {  	s4 =	sshrl.u32 s17, $0x2;
	s24 =	sadd.s32 $0x2000, s31;
	[smem:$0x7F2] =	sst s23  }
0x1c: {  	s3 =	simm.s32 $0x18400;
	s4 =	sor.u32 $0x18800, s4;
	[smem:$0x7F3] =	sst s24  }
0x1d: {  	s8 =	simm.s32 $0x11;
	s26 =	sadd.s32 s18, s2;
	[smem:$0x7F4] =	sst s4  }
.Ltmp0:
0x1e: {  	v1 =	vlaneseq.u32;
	s29 =	sadd.s32 $0x2800, s31;
	v0 =	vmov s12;
	[smem:$0x7F8] =	sst s26;
	(pc) =	sbr.rel .LBB2_1-.Ltmp0, $4  }
0x1f: {  	v12 =	vimm.f32 $0.0e+00;
	v13 =	vimm.s32 $0x0;
	v2 =	vadd.s32 $0x2712, v1;
	s11 =	simm.s32 $0x17200;
	s30 =	sadd.s32 $0x3000, s31;
	[smem:$0x7FA] =	sst s29  }
0x20: {  	v3 =	vor.u32 $0x10, v1;
	v4 =	vadd.s32 $0x2722, v1;
	v5 =	vor.u32 $0x20, v1;
	s21 =	sadd.s32 $0x1A00, s0;
	s31 =	sadd.s32 $0x3800, s31;
	[smem:$0x7FB] =	sst s30  }
0x21: {  	v6 =	vadd.s32 $0x2732, v1;
	v7 =	vor.u32 $0x30, v1;
	v8 =	vadd.s32 $0x2742, v1;
	s12 =	simm.s32 $0xC300;
	s1 =	sadd.s32 s13, s21;
	[smem:$0x7FD] =	sst s31  }
0x22: {  	v9 =	vor.u32 $0x40, v1;
	v10 =	vor.u32 $0x50, v1;
	v11 =	vor.u32 $0x60, v1;
	s13 =	simm.s32 $0x1A8B0;
	[smem:$0x7F6] =	sst s1;
	s1 =	simm.s32 $0x0  }
.LBB2_24:
0x23: {  	_ =	strace $0x9000004D  }
0x24: {  	[bflag:$0x0] =	sbarrier.arrive $0xFFFF  }
0x25: {  	s0 =	sld [smem:$0x7F7]  }
0x26: {  	s1 =	sld [smem:$0x7F8]  }
0x27: {  	s2 =	sld [smem:$0x7F9];
	_ =	sdelay $0x1  }
0x28: {  	s0 =	sor.u32 $0x1C11, s0  }
0x29: {  	[hbm:s1], [sflag:s0] =	dma.local [spmem:s2], $0x40  }
0x2a: {  	_ =	swait.ge [sflag:s8], $0x40  }
0x2b: {  	s30 =	sld [smem:$0x7EC]  }
0x2c: {  	s31 =	sld [smem:$0x7EF];
	_ =	sdelay $0x1  }
0x2d: {  	s1 =	sadd.s32 $0x1, s30  }
0x2e: {  	p0 =	sne.s32 s1, s31  }
.Ltmp1:
0x2f: {  	_ = 	snop;
	(pc) =	sbr.rel @!p0 .LBB2_25-.Ltmp1, $3  }
0x30: {  	_ =	sdelay $0x1  }
0x31: {  	[sflag:s8] =	ssyncset.done $0x0  }
0x32: {  	s3 =	simm.s32 $0x18400;
	s10 =	simm.s32 $0x1A8A0;
	[sflag:s8] =	ssyncadd.s32 $0xFFFFFFC0  }
.LBB2_1:
0x33: {  	[smem:$0x7EC] =	sst s1  }
0x34: {  	_ =	strace $0x80000048  }
0x35: {  	s19 =	rddreg [dreg:$0x1b]  }
0x36: {  	s0 =	simm.s32 $0x0;
	s2 =	simm.s32 $0x4500;
	s20 =	rddreg [dreg:$0x1c]  }
0x37: {  	[tilespmem:s2], [sflag:$0x1] =	stream.linear.gather [hbm4b:s19+s0], $0x2710, $0x200038;
	[tilespmem:$0x1A8C0] =	vst v63  }
0x38: {  	s23 =	simm.s32 $0x6C80;
	s24 =	rddreg [dreg:$0x1d]  }
0x39: {  	[tilespmem:s23], [sflag:$0x2] =	stream.linear.gather [hbm4b:s20+s0], $0x2710, $0x200038;
	[tilespmem:$0x1A8C0] =	vst v63  }
0x3a: {  	s25 =	simm.s32 $0x18800;
	s26 =	rddreg [dreg:$0x1e]  }
0x3b: {  	[tilespmem:s25], [sflag:$0x3] =	stream.linear.gather [hbm4b:s24+s0], $0x1D80, $0x200038;
	[tilespmem:$0x1A8C0] =	vst v63  }
0x3c: {  	s28 =	simm.s32 $0x1A580;
	s29 =	sld [smem:$0x7F5]  }
0x3d: {  	[tilespmem:s28], [sflag:$0x4] =	stream.linear.gather [hbm4b:s26+s0], $0x310, $0x200038;
	[tilespmem:$0x1A8C0] =	vst v63  }
0x3e: {  	_ = 	snop  }
0x3f: {  	[tilespmem:s3], [sflag:$0x5] =	stream.linear.gather [hbm4b:s29+s0], $0x400, $0x200038;
	[tilespmem:$0x1A8C0] =	vst v63  }
0x40: {  	s31 =	simm.s32 $0x1A890;
	s30 =	rddreg [dreg:$0x1a]  }
0x41: {  	[tilespmem:s31], [sflag:$0x11] =	stream.linear.gather [hbm4b:s30+s0], $0x10, $0x200038;
	[tilespmem:$0x1A8C0] =	vst v63  }
0x42: {  	_ =	swait.ge [sflag:s8], $0x10  }
0x43: {  	[sflag:s8] =	ssyncset.done $0x0  }
0x44: {  	[sflag:s8] =	ssyncadd.s32 $0xFFFFFFF0  }
0x45: {  	[tilespmem:$0x6C10] =	vst v1  }
0x46: {  	[tilespmem:$0x9390] =	vst v2  }
0x47: {  	[tilespmem:$0x6C20] =	vst v3  }
0x48: {  	[tilespmem:$0x93A0] =	vst v4  }
0x49: {  	[tilespmem:$0x6C30] =	vst v5  }
0x4a: {  	[tilespmem:$0x93B0] =	vst v6  }
0x4b: {  	[tilespmem:$0x6C40] =	vst v7  }
0x4c: {  	[tilespmem:$0x93C0] =	vst v8  }
0x4d: {  	[tilespmem:$0x6C50] =	vst v9  }
0x4e: {  	[tilespmem:$0x93D0] =	vst v2  }
0x4f: {  	[tilespmem:$0x6C60] =	vst v10  }
0x50: {  	[tilespmem:$0x93E0] =	vst v4  }
0x51: {  	[tilespmem:$0x6C70] =	vst v11  }
0x52: {  	s1 =	simm.s32 $0x0;
	s0 =	simm.s32 $0x80;
	v14 =	vld [tilespmem:$0x1A890];
	[tilespmem:$0x93F0] =	vst v6  }
.LBB2_2:
0x53: {  	p0 =	sne.s32 s0, $0x1F80;
	[tilespmem:s1+$0x17C00] =	vst v12;
	s2 =	smov.u32 s0;
	s0 =	sadd.s32 $0x80, s0  }
.Ltmp2:
0x54: {  	[tilespmem:s1+$0x17C10] =	vst v12;
	(pc) =	sbr.rel @p0 .LBB2_2-.Ltmp2, $2  }
0x55: {  	_ =	sdelay $0x2  }
0x56: {  	s1 =	sshra.s32 s2, $0x2  }
0x57: {  	s0 =	sld [smem:$0x7FC]  }
0x58: {  	[tilespmem:s1+$0x17C00] =	vst v12  }
0x59: {  	[tilespmem:s1+$0x17C10] =	vst v12;
	s19 =	simm.s32 $0x17C00  }
0x5a: {  	[spmem:s0] =	stream.linear.scatter [tilespmem:s19], [sflag:$0x11], $0x800, $0x200038;
	[tilespmem:$0x1A8C0] =	vst v63  }
0x5b: {  	_ =	swait.ge [sflag:s8], $0x800  }
0x5c: {  	s20 =	sld [smem:$0x7F0]  }
0x5d: {  	[sflag:s8] =	ssyncset.done $0x0  }
0x5e: {  	[sflag:s8] =	ssyncadd.s32 $0xFFFFF800  }
0x5f: {  	[spmem:s20] =	stream.linear.scatter [tilespmem:s19], [sflag:$0x11], $0x800, $0x200038;
	[tilespmem:$0x1A8C0] =	vst v63  }
0x60: {  	_ =	swait.ge [sflag:s8], $0x800  }
0x61: {  	s23 =	sld [smem:$0x7F1]  }
0x62: {  	[sflag:s8] =	ssyncset.done $0x0  }
0x63: {  	[sflag:s8] =	ssyncadd.s32 $0xFFFFF800  }
0x64: {  	[spmem:s23] =	stream.linear.scatter [tilespmem:s19], [sflag:$0x11], $0x800, $0x200038;
	[tilespmem:$0x1A8C0] =	vst v63  }
0x65: {  	_ =	swait.ge [sflag:s8], $0x800  }
0x66: {  	s24 =	sld [smem:$0x7F2]  }
0x67: {  	[sflag:s8] =	ssyncset.done $0x0  }
0x68: {  	[sflag:s8] =	ssyncadd.s32 $0xFFFFF800  }
0x69: {  	[spmem:s24] =	stream.linear.scatter [tilespmem:s19], [sflag:$0x11], $0x800, $0x200038;
	[tilespmem:$0x1A8C0] =	vst v63  }
0x6a: {  	_ =	swait.ge [sflag:s8], $0x800  }
0x6b: {  	s25 =	sld [smem:$0x7F3]  }
0x6c: {  	[sflag:s8] =	ssyncset.done $0x0  }
0x6d: {  	[sflag:s8] =	ssyncadd.s32 $0xFFFFF800  }
0x6e: {  	[spmem:s25] =	stream.linear.scatter [tilespmem:s19], [sflag:$0x11], $0x800, $0x200038;
	[tilespmem:$0x1A8C0] =	vst v63  }
0x6f: {  	_ =	swait.ge [sflag:s8], $0x800  }
0x70: {  	s26 =	sld [smem:$0x7FA]  }
0x71: {  	[sflag:s8] =	ssyncset.done $0x0  }
0x72: {  	[sflag:s8] =	ssyncadd.s32 $0xFFFFF800  }
0x73: {  	[spmem:s26] =	stream.linear.scatter [tilespmem:s19], [sflag:$0x11], $0x800, $0x200038;
	[tilespmem:$0x1A8C0] =	vst v63  }
0x74: {  	_ =	swait.ge [sflag:s8], $0x800  }
0x75: {  	s28 =	sld [smem:$0x7FB]  }
0x76: {  	[sflag:s8] =	ssyncset.done $0x0  }
0x77: {  	[sflag:s8] =	ssyncadd.s32 $0xFFFFF800  }
0x78: {  	[spmem:s28] =	stream.linear.scatter [tilespmem:s19], [sflag:$0x11], $0x800, $0x200038;
	[tilespmem:$0x1A8C0] =	vst v63  }
0x79: {  	_ =	swait.ge [sflag:s8], $0x800  }
0x7a: {  	s29 =	sld [smem:$0x7FD]  }
0x7b: {  	[sflag:s8] =	ssyncset.done $0x0  }
0x7c: {  	[sflag:s8] =	ssyncadd.s32 $0xFFFFF800  }
0x7d: {  	[spmem:s29] =	stream.linear.scatter [tilespmem:s19], [sflag:$0x11], $0x800, $0x200038;
	[tilespmem:$0x1A8C0] =	vst v63  }
0x7e: {  	_ =	swait.ge [sflag:s8], $0x800  }
0x7f: {  	s30 =	sld [smem:$0x7ED]  }
0x80: {  	[sflag:s8] =	ssyncset.done $0x0  }
0x81: {  	[sflag:s8] =	ssyncadd.s32 $0xFFFFF800  }
0x82: {  	[spmem:s30] =	stream.linear.scatter [tilespmem:s19], [sflag:$0x11], $0x500, $0x200038;
	[tilespmem:$0x1A8C0] =	vst v63  }
0x83: {  	_ =	swait.ge [sflag:s8], $0x500  }
0x84: {  	[sflag:s8] =	ssyncset.done $0x0  }
0x85: {  	s31 =	simm.s32 $0x5;
	[sflag:s8] =	ssyncadd.s32 $0xFFFFFB00  }
0x86: {  	_ =	swait.ge [sflag:s31], $0x400  }
0x87: {  	[sflag:s31] =	ssyncset.done $0x0  }
0x88: {  	s0 =	simm.s32 $0x0;
	[sflag:s31] =	ssyncadd.s32 $0xFFFFFC00  }
0x89: {  	s1 =	simm.s32 $0x80;
	v15 =	vld [tilespmem:s0+$0x18400]  }
.LBB2_4:
0x8a: {  	p0 =	sne.s32 s1, $0xF80;
	v16 =	vld [tilespmem:s0+$0x18410];
	_ =	sdelay $0x2  }
.Ltmp3:
0x8b: {  	(pc) =	sbr.rel @p0 .LBB2_4-.Ltmp3, $4  }
0x8c: {  	v15 =	vmul.f32 v15, v14  }
0x8d: {  	v16 =	vmul.f32 v16, v14  }
0x8e: {  	s2 =	sshra.s32 s1, $0x2;
	[tilespmem:s0+$0x18400] =	vst v15  }
0x8f: {  	s1 =	sadd.s32 $0x80, s1;
	v15 =	vld [tilespmem:s2+$0x18400];
	[tilespmem:s0+$0x18410] =	vst v16;
	s0 =	smov.u32 s2  }
0x90: {  	v16 =	vld [tilespmem:s0+$0x18410];
	_ =	sdelay $0x3  }
0x91: {  	v15 =	vmul.f32 v15, v14  }
0x92: {  	v16 =	vmul.f32 v16, v14  }
0x93: {  	s17 =	rddreg [dreg:$0x1f];
	[tilespmem:s0+$0x18400] =	vst v15  }
0x94: {  	s1 =	simm.s32 $0x0;
	[tilespmem:s0+$0x18410] =	vst v16;
	s0 =	sadd.s32 s17, s21  }
0x95: {  	[hbm4b:s0+s1] =	stream.linear.scatter [tilespmem:s3], [sflag:$0x11], $0x400, $0x200038;
	[tilespmem:$0x1A8C0] =	vst v63  }
0x96: {  	_ =	swait.ge [sflag:s8], $0x400  }
0x97: {  	(v2sf) =	vpush v14, $0x0;
	_ =	sdelay $0xd  }
0x98: {  	[sflag:s8] =	ssyncset.done $0x0  }
0x99: {  	s19 =	simm.s32 $0x4;
	[sflag:s8] =	ssyncadd.s32 $0xFFFFFC00;
	s18 =	spop (v2sf)  }
0x9a: {  	_ =	swait.ge [sflag:s19], $0x310  }
0x9b: {  	[sflag:s19] =	ssyncset.done $0x0  }
0x9c: {  	s20 =	simm.s32 $0x0;
	[sflag:s19] =	ssyncadd.s32 $0xFFFFFCF0  }
0x9d: {  	v15 =	vld.idx.msk [tilespmem:v0+s20+$0x0 ss:$0x1], $0xffff;
	_ =	sdelay $0x4  }
0x9e: {  	(v2sf) =	vpush v15, $0x0;
	_ =	sdelay $0x1  }
0x9f: {  	(v2sf) =	vpush v15, $0x1;
	_ =	sdelay $0x1  }
0xa0: {  	(v2sf) =	vpush v15, $0x2;
	_ =	sdelay $0x1  }
0xa1: {  	(v2sf) =	vpush v15, $0x3;
	_ =	sdelay $0x1  }
0xa2: {  	(v2sf) =	vpush v15, $0x4;
	_ =	sdelay $0x1  }
0xa3: {  	(v2sf) =	vpush v15, $0x5;
	_ =	sdelay $0x1  }
0xa4: {  	(v2sf) =	vpush v15, $0x6;
	_ =	sdelay $0x1  }
0xa5: {  	s0 =	smul.f32 $5.000000000e-01, s18;
	(v2sf) =	vpush v15, $0x7  }
0xa6: {  	s23 =	spop (v2sf)  }
0xa7: {  	s2 =	smov.u32 s0;
	p0 =	seq.s32 s23, $0x1  }
0xa8: {  	s24 =	spop (v2sf);
	s2 =	simm.s32 @!p0 $0x0  }
0xa9: {  	s1 =	simm.s32 $0x17280;
	p0 =	seq.s32 s24, $0x1;
	v15 =	vmov s2;
	s2 =	smov.u32 s0  }
0xaa: {  	s25 =	spop (v2sf);
	s2 =	simm.s32 @!p0 $0x0;
	[tilespmem:s1+$0xFFFFFF80] =	vst v15  }
0xab: {  	p0 =	seq.s32 s25, $0x1;
	[tilespmem:s1+$0xFFFFFF90] =	vst v15;
	v60 =	vmov s2;
	s2 =	smov.u32 s0  }
0xac: {  	s26 =	spop (v2sf);
	s2 =	simm.s32 @!p0 $0x0;
	[tilespmem:s1+$0xFFFFFFA0] =	vst v60  }
0xad: {  	p0 =	seq.s32 s26, $0x1;
	[tilespmem:s1+$0xFFFFFFB0] =	vst v60;
	v15 =	vmov s2;
	s2 =	smov.u32 s0  }
0xae: {  	s28 =	spop (v2sf);
	s2 =	simm.s32 @!p0 $0x0;
	[tilespmem:s1+$0xFFFFFFC0] =	vst v15  }
0xaf: {  	p0 =	seq.s32 s28, $0x1;
	[tilespmem:s1+$0xFFFFFFD0] =	vst v15;
	v61 =	vmov s2;
	s2 =	smov.u32 s0  }
0xb0: {  	s29 =	spop (v2sf);
	s2 =	simm.s32 @!p0 $0x0;
	[tilespmem:s1+$0xFFFFFFE0] =	vst v61  }
0xb1: {  	p0 =	seq.s32 s29, $0x1;
	[tilespmem:s1+$0xFFFFFFF0] =	vst v61;
	v15 =	vmov s2;
	s2 =	smov.u32 s0  }
0xb2: {  	s30 =	spop (v2sf);
	s2 =	simm.s32 @!p0 $0x0;
	[tilespmem:s1+$0x0] =	vst v15  }
0xb3: {  	p0 =	seq.s32 s30, $0x1;
	[tilespmem:s1+$0x10] =	vst v15;
	v62 =	vmov s2;
	s2 =	smov.u32 s0  }
0xb4: {  	s31 =	spop (v2sf);
	s2 =	simm.s32 @!p0 $0x0;
	[tilespmem:s1+$0x20] =	vst v62  }
0xb5: {  	p0 =	seq.s32 s31, $0x1;
	[tilespmem:s1+$0x30] =	vst v62;
	v15 =	vmov s2;
	s2 =	smov.u32 s0  }
0xb6: {  	s2 =	simm.s32 @!p0 $0x0;
	[tilespmem:s1+$0x40] =	vst v15  }
0xb7: {  	[tilespmem:s1+$0x50] =	vst v15;
	v63 =	vmov s2  }
0xb8: {  	[tilespmem:s1+$0x60] =	vst v63  }
0xb9: {  	s3 =	simm.s32 $0x8;
	s2 =	simm.s32 $0x40;
	[tilespmem:s1+$0x70] =	vst v63  }
.LBB2_6:
0xba: {  	p0 =	sne.s32 s2, $0xA0;
	v15 =	vld.idx.msk [tilespmem:v0+s3+$0x0 ss:$0x1], $0xffff;
	_ =	sdelay $0x5  }
0xbb: {  	(v2sf) =	vpush v15, $0x0  }
0xbc: {  	(v2sf) =	vpush v15, $0x1  }
0xbd: {  	(v2sf) =	vpush v15, $0x2  }
0xbe: {  	(v2sf) =	vpush v15, $0x3  }
0xbf: {  	(v2sf) =	vpush v15, $0x4  }
0xc0: {  	(v2sf) =	vpush v15, $0x5  }
0xc1: {  	(v2sf) =	vpush v15, $0x6  }
0xc2: {  	(v2sf) =	vpush v15, $0x7;
	_ =	sdelay $0x7  }
0xc3: {  	s3 =	spop (v2sf)  }
0xc4: {  	s4 =	smov.u32 s0;
	p1 =	seq.s32 s3, $0x1  }
0xc5: {  	s3 =	spop (v2sf);
	s4 =	simm.s32 @!p1 $0x0  }
0xc6: {  	s1 =	sadd.s32 $0x100, s1;
	p1 =	seq.s32 s3, $0x1;
	v15 =	vmov s4;
	s4 =	smov.u32 s0  }
0xc7: {  	s3 =	spop (v2sf);
	s4 =	simm.s32 @!p1 $0x0  }
0xc8: {  	p1 =	seq.s32 s3, $0x1;
	s3 =	spop (v2sf);
	v16 =	vmov s4;
	s4 =	smov.u32 s0  }
0xc9: {  	[tilespmem:s1+$0xFFFFFF80] =	vst v15;
	s4 =	simm.s32 @!p1 $0x0;
	p1 =	seq.s32 s3, $0x1;
	s3 =	spop (v2sf)  }
0xca: {  	[tilespmem:s1+$0xFFFFFF90] =	vst v15;
	v15 =	vmov s4;
	s4 =	smov.u32 s0  }
0xcb: {  	s4 =	simm.s32 @!p1 $0x0  }
0xcc: {  	p1 =	seq.s32 s3, $0x1;
	s3 =	spop (v2sf);
	v17 =	vmov s4;
	s4 =	smov.u32 s0  }
0xcd: {  	[tilespmem:s1+$0xFFFFFFA0] =	vst v16;
	s4 =	simm.s32 @!p1 $0x0;
	p1 =	seq.s32 s3, $0x1;
	s3 =	spop (v2sf)  }
0xce: {  	[tilespmem:s1+$0xFFFFFFB0] =	vst v16;
	v16 =	vmov s4;
	s4 =	smov.u32 s0  }
0xcf: {  	s4 =	simm.s32 @!p1 $0x0  }
0xd0: {  	p1 =	seq.s32 s3, $0x1;
	s3 =	spop (v2sf);
	v18 =	vmov s4;
	s4 =	smov.u32 s0  }
0xd1: {  	[tilespmem:s1+$0xFFFFFFC0] =	vst v15;
	s4 =	simm.s32 @!p1 $0x0;
	p1 =	seq.s32 s3, $0x1;
	s3 =	smov.u32 s0  }
0xd2: {  	[tilespmem:s1+$0xFFFFFFD0] =	vst v15;
	v15 =	vmov s4;
	s3 =	simm.s32 @!p1 $0x0  }
0xd3: {  	[tilespmem:s1+$0xFFFFFFE0] =	vst v17;
	v19 =	vmov s3  }
0xd4: {  	[tilespmem:s1+$0xFFFFFFF0] =	vst v17  }
0xd5: {  	[tilespmem:s1+$0x0] =	vst v16  }
0xd6: {  	[tilespmem:s1+$0x10] =	vst v16  }
0xd7: {  	[tilespmem:s1+$0x20] =	vst v18  }
.Ltmp4:
0xd8: {  	[tilespmem:s1+$0x30] =	vst v18;
	(pc) =	sbr.rel @p0 .LBB2_6-.Ltmp4, $4  }
0xd9: {  	[tilespmem:s1+$0x40] =	vst v15  }
0xda: {  	[tilespmem:s1+$0x50] =	vst v15  }
0xdb: {  	[tilespmem:s1+$0x60] =	vst v19  }
0xdc: {  	s3 =	sshra.s32 s2, $0x2;
	s2 =	sadd.s32 $0x20, s2;
	[tilespmem:s1+$0x70] =	vst v19  }
0xdd: {  	_ =	sdelay $0x3  }
0xde: {  	v15 =	vld.idx.msk [tilespmem:v0+s3+$0x0 ss:$0x1], $0xffff;
	_ =	sdelay $0x4  }
0xdf: {  	(v2sf) =	vpush v15, $0x0;
	_ =	sdelay $0x1  }
0xe0: {  	(v2sf) =	vpush v15, $0x1;
	_ =	sdelay $0x1  }
0xe1: {  	(v2sf) =	vpush v15, $0x2;
	_ =	sdelay $0x1  }
0xe2: {  	(v2sf) =	vpush v15, $0x3;
	_ =	sdelay $0x1  }
0xe3: {  	(v2sf) =	vpush v15, $0x4;
	_ =	sdelay $0x1  }
0xe4: {  	(v2sf) =	vpush v15, $0x5;
	_ =	sdelay $0x1  }
0xe5: {  	(v2sf) =	vpush v15, $0x6;
	_ =	sdelay $0x1  }
0xe6: {  	(v2sf) =	vpush v15, $0x7  }
0xe7: {  	s2 =	spop (v2sf)  }
0xe8: {  	p0 =	seq.s32 s2, $0x1;
	s2 =	smov.u32 s0  }
0xe9: {  	s20 =	spop (v2sf);
	s2 =	simm.s32 @!p0 $0x0  }
0xea: {  	s1 =	sadd.s32 $0x100, s1;
	p0 =	seq.s32 s20, $0x1;
	v15 =	vmov s2;
	s2 =	smov.u32 s0  }
0xeb: {  	s23 =	spop (v2sf);
	s2 =	simm.s32 @!p0 $0x0;
	[tilespmem:s1+$0xFFFFFF80] =	vst v15  }
0xec: {  	p0 =	seq.s32 s23, $0x1;
	[tilespmem:s1+$0xFFFFFF90] =	vst v15;
	v16 =	vmov s2;
	s2 =	smov.u32 s0  }
0xed: {  	s24 =	spop (v2sf);
	s2 =	simm.s32 @!p0 $0x0;
	[tilespmem:s1+$0xFFFFFFA0] =	vst v16  }
0xee: {  	p0 =	seq.s32 s24, $0x1;
	[tilespmem:s1+$0xFFFFFFB0] =	vst v16;
	v15 =	vmov s2;
	s2 =	smov.u32 s0  }
0xef: {  	s25 =	spop (v2sf);
	s2 =	simm.s32 @!p0 $0x0;
	[tilespmem:s1+$0xFFFFFFC0] =	vst v15  }
0xf0: {  	p0 =	seq.s32 s25, $0x1;
	[tilespmem:s1+$0xFFFFFFD0] =	vst v15;
	v60 =	vmov s2;
	s2 =	smov.u32 s0  }
0xf1: {  	s26 =	spop (v2sf);
	s2 =	simm.s32 @!p0 $0x0;
	[tilespmem:s1+$0xFFFFFFE0] =	vst v60  }
0xf2: {  	p0 =	seq.s32 s26, $0x1;
	[tilespmem:s1+$0xFFFFFFF0] =	vst v60;
	v15 =	vmov s2;
	s2 =	smov.u32 s0  }
0xf3: {  	s28 =	spop (v2sf);
	s2 =	simm.s32 @!p0 $0x0;
	[tilespmem:s1+$0x0] =	vst v15  }
0xf4: {  	p0 =	seq.s32 s28, $0x1;
	[tilespmem:s1+$0x10] =	vst v15;
	v61 =	vmov s2;
	s2 =	smov.u32 s0  }
0xf5: {  	s29 =	spop (v2sf);
	s2 =	simm.s32 @!p0 $0x0;
	[tilespmem:s1+$0x20] =	vst v61  }
0xf6: {  	p0 =	seq.s32 s29, $0x1;
	[tilespmem:s1+$0x30] =	vst v61;
	v15 =	vmov s2  }
0xf7: {  	s0 =	simm.s32 @!p0 $0x0;
	[tilespmem:s1+$0x40] =	vst v15  }
0xf8: {  	s31 =	sld [smem:$0x7F6];
	v62 =	vmov s0;
	[tilespmem:s1+$0x50] =	vst v15  }
0xf9: {  	[tilespmem:s1+$0x60] =	vst v62  }
0xfa: {  	s30 =	simm.s32 $0x0;
	[tilespmem:s1+$0x70] =	vst v62  }
0xfb: {  	[hbm4b:s31+s30] =	stream.linear.scatter [tilespmem:s11], [sflag:$0x11], $0x600, $0x200038;
	[tilespmem:$0x1A8C0] =	vst v63  }
0xfc: {  	_ =	swait.ge [sflag:s8], $0x600  }
0xfd: {  	[sflag:s8] =	ssyncset.done $0x0  }
0xfe: {  	v15 =	vor.u32 s30, v1;
	[sflag:s8] =	ssyncadd.s32 $0xFFFFFA00  }
0xff: {  	s0 =	simm.s32 $0x9400;
	v63 =	vand.u32 $0x1FF, v15;
	v15 =	vand.u32 $0x3F, v15;
	_ =	strace $0x90000048  }
0x100: {  	s1 =	simm.s32 $0xC300;
	v15 =	vadd.s32 $0x2230, v15;
	_ =	strace $0x80000049;
	[tilespmem:s0+$0x0] =	vst v63  }
0x101: {  	s2 =	simm.s32 $0x10;
	[tilespmem:s1+$0x0] =	vst v15  }
.LBB2_8:
0x102: {  	p0 =	sne.s32 s2, $0x2EF0  }
.Ltmp5:
0x103: {  	_ = 	snop;
	(pc) =	sbr.rel @p0 .LBB2_8-.Ltmp5, $4  }
0x104: {  	v15 =	vor.u32 s2, v1  }
0x105: {  	s0 =	sadd.s32 $0x10, s0;
	v16 =	vand.u32 $0x1FF, v15;
	v15 =	vand.u32 $0x3F, v15  }
0x106: {  	s1 =	sadd.s32 $0x10, s1;
	[tilespmem:s0+$0x0] =	vst v16;
	v15 =	vadd.s32 $0x2230, v15  }
0x107: {  	s2 =	sadd.s32 $0x10, s2;
	[tilespmem:s1+$0x0] =	vst v15  }
0x108: {  	_ =	strace $0x90000049  }
0x109: {  	s0 =	simm.s32 $0x2;
	_ =	strace $0x8000004A  }
0x10a: {  	_ =	swait.ge [sflag:s0], $0x2710  }
0x10b: {  	[sflag:s0] =	ssyncset.done $0x0  }
0x10c: {  	s29 =	simm.s32 $0x1;
	[sflag:s0] =	ssyncadd.s32 $0xFFFFD8F0  }
0x10d: {  	_ =	swait.ge [sflag:s29], $0x2710  }
0x10e: {  	[sflag:s29] =	ssyncset.done $0x0  }
0x10f: {  	s30 =	simm.s32 $0x3;
	[sflag:s29] =	ssyncadd.s32 $0xFFFFD8F0  }
0x110: {  	_ =	swait.ge [sflag:s30], $0x1D80  }
0x111: {  	[sflag:s30] =	ssyncset.done $0x0  }
0x112: {  	s31 =	simm.s32 $0x0;
	[sflag:s30] =	ssyncadd.s32 $0xFFFFE280  }
0x113: {  	v15 =	vld [tilespmem:s31+$0x8040]  }
0x114: {  	v16 =	vld [tilespmem:s31+$0x6C80];
	_ =	sdelay $0x2  }
0x115: {  	v25 =	vimm.s32 $0x0;
	v28 =	vimm.s32 $0x0;
	v27 =	vimm.s32 $0x0  }
0x116: {  	v26 =	vimm.s32 $0x0;
	v24 =	vimm.s32 $0x0;
	v15 =	vmul.u32 $0x1A37, v15  }
0x117: {  	v23 =	vimm.s32 $0x0;
	v22 =	vimm.s32 $0x0;
	v16 =	vmul.u32 $0x1A37, v16  }
0x118: {  	v21 =	vimm.s32 $0x0;
	v20 =	vimm.s32 $0x0;
	v15 =	vadd.s32 $0xFF7FFF72, v15  }
0x119: {  	v19 =	vimm.s32 $0x0;
	v16 =	vadd.s32 $0xFF7FFF72, v16;
	v17 =	vshrl.u32 v15, $0x17  }
0x11a: {  	v18 =	vimm.s32 $0x0;
	v16 =	vshrl.u32 v16, $0x17;
	vm5 =	veq.s32 v17, $0x0  }
0x11b: {  	vm0 =	veq.s32 v17, $0x6;
	vm2 =	veq.s32 v16, $0x0;
	vm9 =	veq.s32 v16, $0x1  }
0x11c: {  	vm10 =	veq.s32 v16, $0x2;
	vm11 =	veq.s32 v16, $0x3;
	vm8 =	veq.s32 v16, $0x4  }
0x11d: {  	vm7 =	veq.s32 v16, $0x5;
	vm6 =	veq.s32 v16, $0x6;
	vm4 =	veq.s32 v17, $0x1  }
0x11e: {  	vm3 =	veq.s32 v17, $0x2;
	vm1 =	veq.s32 v17, $0x3;
	v16 =	vimm.s32 $0x0  }
0x11f: {  	v15 =	vsel vm0, $0x1, v13;
	v31 =	vsel vm2, $0x1, v13;
	vm2 =	veq.s32 v17, $0x4  }
0x120: {  	vm0 =	veq.s32 v17, $0x5;
	v32 =	vsel vm9, $0x1, v13;
	v30 =	vsel vm10, $0x1, v13  }
0x121: {  	s1 =	simm.s32 $0x80;
	s0 =	simm.s32 $0x10;
	v29 =	vsel vm11, $0x1, v13;
	v17 =	vimm.s32 $0x0;
	v15 =	vadd.s32 v15, v25  }
.LBB2_10:
0x122: {  	p0 =	sne.s32 s1, $0x4EC0;
	v33 =	vld [tilespmem:s0+$0x8040];
	v34 =	vsel vm8, $0x1, v13;
	v35 =	vsel vm7, $0x1, v13;
	v36 =	vsel vm6, $0x1, v13  }
0x123: {  	v38 =	vsel vm5, $0x1, v13;
	v39 =	vsel vm4, $0x1, v13;
	v40 =	vsel vm3, $0x1, v13;
	v37 =	vld [tilespmem:s0+$0x6C80]  }
0x124: {  	v41 =	vsel vm1, $0x1, v13;
	v42 =	vsel vm2, $0x1, v13;
	v43 =	vsel vm0, $0x1, v13  }
0x125: {  	v25 =	vadd.s32 v31, v25;
	v28 =	vadd.s32 v32, v28;
	v27 =	vadd.s32 v30, v27  }
0x126: {  	v26 =	vadd.s32 v29, v26;
	v24 =	vadd.s32 v34, v24;
	v23 =	vadd.s32 v35, v23  }
0x127: {  	v22 =	vadd.s32 v36, v22;
	v21 =	vadd.s32 v38, v21;
	v29 =	vmul.u32 $0x1A37, v33  }
0x128: {  	v20 =	vadd.s32 v39, v20;
	v19 =	vadd.s32 v40, v19;
	v30 =	vmul.u32 $0x1A37, v37  }
0x129: {  	v18 =	vadd.s32 v41, v18;
	v17 =	vadd.s32 v42, v17;
	v29 =	vadd.s32 $0xFF7FFF72, v29  }
0x12a: {  	v16 =	vadd.s32 v43, v16;
	v30 =	vadd.s32 $0xFF7FFF72, v30;
	v29 =	vshrl.u32 v29, $0x17  }
0x12b: {  	v30 =	vshrl.u32 v30, $0x17;
	vm5 =	veq.s32 v29, $0x0;
	vm0 =	veq.s32 v29, $0x6  }
0x12c: {  	vm2 =	veq.s32 v30, $0x0;
	vm9 =	veq.s32 v30, $0x1;
	v31 =	vsel vm0, $0x1, v13  }
.Ltmp6:
0x12d: {  	vm10 =	veq.s32 v30, $0x2;
	vm11 =	veq.s32 v30, $0x3;
	v15 =	vadd.s32 v31, v15;
	(pc) =	sbr.rel @p0 .LBB2_10-.Ltmp6, $4  }
0x12e: {  	vm8 =	veq.s32 v30, $0x4;
	vm7 =	veq.s32 v30, $0x5;
	vm6 =	veq.s32 v30, $0x6  }
0x12f: {  	vm4 =	veq.s32 v29, $0x1;
	vm3 =	veq.s32 v29, $0x2;
	vm1 =	veq.s32 v29, $0x3  }
0x130: {  	vm0 =	veq.s32 v29, $0x5;
	v31 =	vsel vm2, $0x1, v13;
	vm2 =	veq.s32 v29, $0x4  }
0x131: {  	s0 =	sshra.s32 s1, $0x2;
	s1 =	sadd.s32 $0x40, s1;
	v32 =	vsel vm9, $0x1, v13;
	v30 =	vsel vm10, $0x1, v13;
	v29 =	vsel vm11, $0x1, v13  }
0x132: {  	v33 =	vld [tilespmem:s0+$0x6C80];
	_ =	sdelay $0x4  }
0x133: {  	v33 =	vmul.u32 $0x1A37, v33;
	_ =	sdelay $0x1  }
0x134: {  	v33 =	vadd.s32 $0xFF7FFF72, v33  }
0x135: {  	v33 =	vshrl.u32 v33, $0x17  }
0x136: {  	vm9 =	veq.s32 v33, $0x0  }
0x137: {  	v25 =	vadd.s32 v31, v25;
	v57 =	vsel vm9, $0x1, v13  }
0x138: {  	vm12 =	veq.s32 v33, $0x1;
	v25 =	vadd.s32 v57, v25  }
0x139: {  	v58 =	vadd.s32 v32, v28;
	v59 =	vsel vm12, $0x1, v13;
	(xrf0) =	vadd.scan.msk.s32 $0xffff, v25  }
0x13a: {  	v25 =	vadd.s32 v59, v58  }
0x13b: {  	(xrf0) =	vadd.scan.msk.s32 $0xffff, v25;
	_ =	sdelay $0x2  }
0x13c: {  	vm13 =	veq.s32 v33, $0x2  }
0x13d: {  	v61 =	vadd.s32 v30, v27;
	v62 =	vsel vm13, $0x1, v13;
	v60, _, _ =	vpop (xrf0)  }
0x13e: {  	v25 =	vadd.s32 v62, v61;
	(v2sf) =	vpush v60, $0xF  }
0x13f: {  	(xrf0) =	vadd.scan.msk.s32 $0xffff, v25;
	v63, _, _ =	vpop (xrf0)  }
0x140: {  	(v2sf) =	vpush v63, $0xF;
	_ =	sdelay $0x4  }
0x141: {  	v31, _, _ =	vpop (xrf0)  }
0x142: {  	(v2sf) =	vpush v31, $0xF  }
0x143: {  	v29 =	vadd.s32 v29, v26;
	vm14 =	veq.s32 v33, $0x3  }
0x144: {  	v32 =	vsel vm8, $0x1, v13;
	vm15 =	veq.s32 v33, $0x4;
	v30 =	vsel vm14, $0x1, v13  }
0x145: {  	v24 =	vadd.s32 v32, v24;
	v34 =	vsel vm15, $0x1, v13;
	v25 =	vadd.s32 v30, v29  }
0x146: {  	v24 =	vadd.s32 v34, v24;
	(xrf0) =	vadd.scan.msk.s32 $0xffff, v25  }
0x147: {  	(xrf0) =	vadd.scan.msk.s32 $0xffff, v24;
	_ =	sdelay $0x1  }
0x148: {  	s1 =	spop (v2sf)  }
0x149: {  	v36 =	vsel vm7, $0x1, v13;
	vm11 =	veq.s32 v33, $0x5;
	s1 =	sadd.s32 $0x7F, s1  }
0x14a: {  	s9 =	simm.s32 $0x0;
	v23 =	vadd.s32 v36, v23;
	v37 =	vsel vm11, $0x1, v13;
	s30 =	spop (v2sf);
	s2 =	sshra.s32 s1, $0x1F  }
0x14b: {  	v38 =	vld [tilespmem:s0+$0x8040];
	v23 =	vadd.s32 v37, v23;
	v35, _, _ =	vpop (xrf0);
	s3 =	sand.u32 $0x7F, s1;
	p0 =	slt.s32 s1, $0x1;
	s2 =	sshrl.u32 s2, $0x19  }
0x14c: {  	(xrf0) =	vadd.scan.msk.s32 $0xffff, v23;
	v39, _, _ =	vpop (xrf0);
	(v2sf) =	vpush v35, $0xF;
	p1 =	sne.s32 s3, $0x0;
	s3 =	sadd.s32 $0x7F, s30;
	s1 =	sadd.s32 s2, s1  }
0x14d: {  	(v2sf) =	vpush v39, $0xF;
	p0 =	por !p0, !p1;
	s2 =	simm.s32 $0x1;
	s4 =	sand.u32 $0x7F, s3  }
0x14e: {  	s5 =	sshra.s32 s3, $0x1F;
	p5 =	slt.s32 s3, $0x1;
	p0 =	por !p0, !p0  }
0x14f: {  	s1 =	sshra.s32 s1, $0x7;
	p6 =	sne.s32 s4, $0x0;
	s6 =	sshrl.u32 s5, $0x19  }
0x150: {  	v24 =	vmul.u32 $0x1A37, v38;
	s2 =	simm.s32 @!p0 $0x0;
	p0 =	por !p5, !p6;
	s14 =	spop (v2sf)  }
0x151: {  	s31 =	ssub.s32 s1, s2;
	s1 =	sadd.s32 s6, s3;
	p0 =	por !p0, !p0  }
0x152: {  	v40 =	vsel vm6, $0x1, v13;
	v44 =	vsel vm5, $0x1, v13;
	v24 =	vadd.s32 $0xFF7FFF72, v24;
	v42, _, _ =	vpop (xrf0);
	s2 =	simm.s32 $0x1;
	s15 =	sadd.s32 $0x7F, s14;
	[smem:$0x20] =	sst s31  }
0x153: {  	vm12 =	veq.s32 v33, $0x6;
	v43 =	vshrl.u32 v24, $0x17;
	(v2sf) =	vpush v42, $0xF;
	s1 =	sshra.s32 s1, $0x7;
	s2 =	simm.s32 @!p0 $0x0;
	s3 =	sshra.s32 s15, $0x1F  }
0x154: {  	v22 =	vadd.s32 v40, v22;
	v41 =	vsel vm12, $0x1, v13;
	vm13 =	veq.s32 v43, $0x0;
	s4 =	sand.u32 $0x7F, s15;
	p1 =	slt.s32 s15, $0x1;
	[smem:$0x0] =	sst s9  }
0x155: {  	v21 =	vadd.s32 v44, v21;
	v23 =	vadd.s32 v41, v22;
	v45 =	vsel vm13, $0x1, v13;
	s1 =	ssub.s32 s1, s2;
	s3 =	sshrl.u32 s3, $0x19;
	p2 =	sne.s32 s4, $0x0  }
0x156: {  	(xrf0) =	vadd.scan.msk.s32 $0xffff, v23;
	v21 =	vadd.s32 v45, v21;
	s4 =	simm.s32 $0x1;
	[smem:$0x21] =	sst s1;
	p0 =	por !p1, !p2  }
0x157: {  	(xrf0) =	vadd.scan.msk.s32 $0xffff, v21;
	s0 =	sadd.s32 s31, s1;
	s1 =	sadd.s32 s3, s15;
	p0 =	por !p0, !p0  }
0x158: {  	s7 =	sshll.u32 s31, $0x7;
	s1 =	sshra.s32 s1, $0x7;
	s4 =	simm.s32 @!p0 $0x0  }
0x159: {  	[smem:$0x1] =	sst s7;
	s1 =	ssub.s32 s1, s4  }
0x15a: {  	s16 =	sshll.u32 s0, $0x7;
	s4 =	simm.s32 $0x1;
	[smem:$0x22] =	sst s1  }
0x15b: {  	v47 =	vsel vm4, $0x1, v13;
	vm14 =	veq.s32 v43, $0x1;
	s0 =	sadd.s32 s1, s0;
	s17 =	spop (v2sf);
	[smem:$0x2] =	sst s16  }
0x15c: {  	v20 =	vadd.s32 v47, v20;
	v48 =	vsel vm14, $0x1, v13;
	v46, _, _ =	vpop (xrf0);
	s20 =	sshll.u32 s0, $0x7;
	s3 =	sadd.s32 $0x7F, s17;
	s23 =	spop (v2sf)  }
0x15d: {  	v20 =	vadd.s32 v48, v20;
	v49, _, _ =	vpop (xrf0);
	(v2sf) =	vpush v46, $0xF;
	s5 =	sand.u32 $0x7F, s3;
	s6 =	sshra.s32 s3, $0x1F;
	p3 =	slt.s32 s3, $0x1  }
0x15e: {  	(xrf0) =	vadd.scan.msk.s32 $0xffff, v20;
	(v2sf) =	vpush v49, $0xF;
	s24 =	sadd.s32 $0x7F, s23;
	p4 =	sne.s32 s5, $0x0;
	s18 =	sshrl.u32 s6, $0x19  }
0x15f: {  	s26 =	sand.u32 $0x7F, s24;
	p5 =	slt.s32 s24, $0x1;
	p0 =	por !p3, !p4  }
0x160: {  	s3 =	sadd.s32 s18, s3;
	p6 =	sne.s32 s26, $0x0;
	p0 =	por !p0, !p0  }
0x161: {  	s3 =	sshra.s32 s3, $0x7;
	s4 =	simm.s32 @!p0 $0x0;
	p0 =	por !p5, !p6  }
0x162: {  	s28 =	spop (v2sf);
	s19 =	ssub.s32 s3, s4;
	s3 =	sshra.s32 s24, $0x1F  }
0x163: {  	v50 =	vsel vm3, $0x1, v13;
	vm15 =	veq.s32 v43, $0x2;
	p0 =	por !p0, !p0;
	s4 =	simm.s32 $0x1;
	[smem:$0x23] =	sst s19  }
0x164: {  	v19 =	vadd.s32 v50, v19;
	v51 =	vsel vm15, $0x1, v13;
	v52, _, _ =	vpop (xrf0);
	s0 =	sadd.s32 s19, s0;
	s3 =	sshrl.u32 s3, $0x19;
	s4 =	simm.s32 @!p0 $0x0  }
0x165: {  	v19 =	vadd.s32 v51, v19;
	(v2sf) =	vpush v52, $0xF;
	[smem:$0x3] =	sst s20;
	s1 =	sadd.s32 s3, s24;
	s3 =	sadd.s32 $0x7F, s28  }
0x166: {  	(xrf0) =	vadd.scan.msk.s32 $0xffff, v19;
	s25 =	sshll.u32 s0, $0x7;
	s1 =	sshra.s32 s1, $0x7;
	s29 =	sand.u32 $0x7F, s3  }
0x167: {  	v53 =	vsel vm1, $0x1, v13;
	vm5 =	veq.s32 v43, $0x3;
	s30 =	sshra.s32 s3, $0x1F;
	p1 =	slt.s32 s3, $0x1;
	p2 =	sne.s32 s29, $0x0  }
0x168: {  	v18 =	vadd.s32 v53, v18;
	v55 =	vsel vm5, $0x1, v13;
	s1 =	ssub.s32 s1, s4;
	s31 =	sshrl.u32 s30, $0x19;
	p0 =	por !p1, !p2  }
0x169: {  	v54 =	vsel vm2, $0x1, v13;
	vm6 =	veq.s32 v43, $0x4;
	v18 =	vadd.s32 v55, v18;
	s4 =	simm.s32 $0x1;
	s3 =	sadd.s32 s31, s3;
	p0 =	por !p0, !p0  }
0x16a: {  	v17 =	vadd.s32 v54, v17;
	v57 =	vsel vm6, $0x1, v13;
	(xrf0) =	vadd.scan.msk.s32 $0xffff, v18;
	[smem:$0x24] =	sst s1;
	s3 =	sshra.s32 s3, $0x7;
	s4 =	simm.s32 @!p0 $0x0  }
0x16b: {  	v17 =	vadd.s32 v57, v17;
	s0 =	sadd.s32 s1, s0;
	[smem:$0x4] =	sst s25;
	s3 =	ssub.s32 s3, s4  }
0x16c: {  	v56, _, _ =	vpop (xrf0);
	(xrf0) =	vadd.scan.msk.s32 $0xffff, v17;
	s4 =	sshll.u32 s0, $0x7;
	s5 =	spop (v2sf);
	[smem:$0x25] =	sst s3  }
0x16d: {  	s0 =	sadd.s32 s3, s0;
	s6 =	sadd.s32 $0x7F, s5;
	s15 =	spop (v2sf)  }
0x16e: {  	[smem:$0x5] =	sst s4;
	s7 =	sshll.u32 s0, $0x7;
	s14 =	sand.u32 $0x7F, s6  }
0x16f: {  	s3 =	sshra.s32 s6, $0x1F;
	p3 =	slt.s32 s6, $0x1;
	p4 =	sne.s32 s14, $0x0  }
0x170: {  	v58, _, _ =	vpop (xrf0);
	(v2sf) =	vpush v56, $0xF;
	s4 =	simm.s32 $0x1;
	s3 =	sshrl.u32 s3, $0x19;
	p0 =	por !p3, !p4  }
0x171: {  	(v2sf) =	vpush v58, $0xF;
	s1 =	sadd.s32 s3, s6;
	s3 =	sadd.s32 $0x7F, s15;
	p0 =	por !p0, !p0  }
0x172: {  	v59, _, _ =	vpop (xrf0);
	s1 =	sshra.s32 s1, $0x7;
	s16 =	sand.u32 $0x7F, s3;
	s17 =	sshra.s32 s3, $0x1F  }
0x173: {  	(v2sf) =	vpush v59, $0xF;
	p5 =	slt.s32 s3, $0x1;
	s4 =	simm.s32 @!p0 $0x0;
	p6 =	sne.s32 s16, $0x0  }
0x174: {  	s18 =	sshrl.u32 s17, $0x19;
	s20 =	spop (v2sf);
	s1 =	ssub.s32 s1, s4  }
0x175: {  	p0 =	por !p5, !p6;
	s3 =	sadd.s32 s18, s3;
	s4 =	simm.s32 $0x1  }
0x176: {  	s24 =	sadd.s32 $0x7F, s20;
	p0 =	por !p0, !p0;
	[smem:$0x26] =	sst s1  }
0x177: {  	v60 =	vsel vm0, $0x1, v13;
	vm7 =	veq.s32 v43, $0x5;
	s3 =	sshra.s32 s3, $0x7;
	s0 =	sadd.s32 s1, s0;
	s26 =	sshra.s32 s24, $0x1F  }
0x178: {  	v16 =	vadd.s32 v60, v16;
	v61 =	vsel vm7, $0x1, v13;
	s28 =	sand.u32 $0x7F, s24;
	p1 =	slt.s32 s24, $0x1;
	s4 =	simm.s32 @!p0 $0x0  }
0x179: {  	v16 =	vadd.s32 v61, v16;
	[smem:$0x6] =	sst s7;
	s23 =	sshll.u32 s0, $0x7;
	p2 =	sne.s32 s28, $0x0  }
0x17a: {  	(xrf0) =	vadd.scan.msk.s32 $0xffff, v16;
	s19 =	ssub.s32 s3, s4;
	s3 =	sshrl.u32 s26, $0x19;
	p0 =	por !p1, !p2  }
0x17b: {  	vm8 =	veq.s32 v43, $0x6;
	s4 =	simm.s32 $0x1;
	s1 =	sadd.s32 s3, s24;
	p0 =	por !p0, !p0  }
0x17c: {  	v62 =	vsel vm8, $0x1, v13;
	[smem:$0x28] =	sst s19;
	s1 =	sshra.s32 s1, $0x7;
	s4 =	simm.s32 @!p0 $0x0  }
0x17d: {  	v15 =	vadd.s32 v62, v15;
	s0 =	sadd.s32 s19, s0;
	[smem:$0x8] =	sst s23;
	s1 =	ssub.s32 s1, s4  }
0x17e: {  	(xrf0) =	vadd.scan.msk.s32 $0xffff, v15;
	s25 =	sshll.u32 s0, $0x7;
	s4 =	simm.s32 $0x1;
	[smem:$0x29] =	sst s1  }
0x17f: {  	s0 =	sadd.s32 s1, s0;
	s29 =	spop (v2sf);
	[smem:$0x9] =	sst s25  }
0x180: {  	v15, _, _ =	vpop (xrf0);
	s14 =	sshll.u32 s0, $0x7;
	s3 =	sadd.s32 $0x7F, s29;
	s7 =	spop (v2sf)  }
0x181: {  	(v2sf) =	vpush v15, $0xF;
	s30 =	sand.u32 $0x7F, s3;
	s31 =	sshra.s32 s3, $0x1F;
	p3 =	slt.s32 s3, $0x1  }
0x182: {  	s2 =	sadd.s32 $0x7F, s7;
	s15 =	spop (v2sf);
	p4 =	sne.s32 s30, $0x0  }
0x183: {  	s5 =	sshrl.u32 s31, $0x19;
	s16 =	sshra.s32 s2, $0x1F;
	s17 =	sand.u32 $0x7F, s2  }
0x184: {  	v15, _, _ =	vpop (xrf0);
	p5 =	slt.s32 s2, $0x1;
	p0 =	por !p3, !p4;
	s3 =	sadd.s32 s5, s3  }
0x185: {  	(v2sf) =	vpush v15, $0xF;
	s1 =	sshrl.u32 s16, $0x19;
	p6 =	sne.s32 s17, $0x0;
	p0 =	por !p0, !p0  }
0x186: {  	s3 =	sshra.s32 s3, $0x7;
	s1 =	sadd.s32 s1, s2;
	s2 =	simm.s32 $0x1  }
0x187: {  	s4 =	simm.s32 @!p0 $0x0;
	p0 =	por !p5, !p6;
	s1 =	sshra.s32 s1, $0x7  }
0x188: {  	s6 =	ssub.s32 s3, s4;
	p0 =	por !p0, !p0;
	s3 =	sadd.s32 $0x7F, s15  }
0x189: {  	s4 =	simm.s32 $0x1;
	[smem:$0x2A] =	sst s6;
	s0 =	sadd.s32 s6, s0  }
0x18a: {  	s2 =	simm.s32 @!p0 $0x0;
	s19 =	sand.u32 $0x7F, s3;
	s20 =	sshra.s32 s3, $0x1F  }
0x18b: {  	p1 =	slt.s32 s3, $0x1;
	[smem:$0xA] =	sst s14;
	s18 =	sshll.u32 s0, $0x7  }
0x18c: {  	p2 =	sne.s32 s19, $0x0;
	s1 =	ssub.s32 s1, s2;
	s23 =	sshrl.u32 s20, $0x19  }
0x18d: {  	p0 =	por !p1, !p2;
	s2 =	sadd.s32 s23, s3;
	s3 =	simm.s32 $0x1  }
0x18e: {  	[smem:$0x2B] =	sst s1;
	s0 =	sadd.s32 s1, s0;
	p0 =	por !p0, !p0  }
0x18f: {  	s2 =	sshra.s32 s2, $0x7;
	[smem:$0xB] =	sst s18;
	s3 =	simm.s32 @!p0 $0x0  }
0x190: {  	s26 =	sshll.u32 s0, $0x7;
	s24 =	ssub.s32 s2, s3;
	s25 =	spop (v2sf)  }
0x191: {  	[smem:$0x2C] =	sst s24;
	s0 =	sadd.s32 s24, s0;
	s28 =	sadd.s32 $0x7F, s25  }
0x192: {  	[smem:$0xC] =	sst s26;
	s29 =	sshll.u32 s0, $0x7;
	s31 =	sand.u32 $0x7F, s28  }
0x193: {  	s30 =	sshra.s32 s28, $0x1F;
	p3 =	slt.s32 s28, $0x1;
	p4 =	sne.s32 s31, $0x0  }
0x194: {  	s5 =	spop (v2sf);
	s3 =	sshrl.u32 s30, $0x19;
	p0 =	por !p3, !p4  }
0x195: {  	s1 =	sadd.s32 s3, s28;
	s3 =	sadd.s32 $0x7F, s5;
	p0 =	por !p0, !p0  }
0x196: {  	s1 =	sshra.s32 s1, $0x7;
	s6 =	sand.u32 $0x7F, s3;
	s7 =	sshra.s32 s3, $0x1F  }
0x197: {  	p5 =	slt.s32 s3, $0x1;
	s4 =	simm.s32 @!p0 $0x0;
	p6 =	sne.s32 s6, $0x0  }
0x198: {  	s14 =	sshrl.u32 s7, $0x19;
	s1 =	ssub.s32 s1, s4;
	p0 =	por !p5, !p6  }
0x199: {  	s3 =	sadd.s32 s14, s3;
	s4 =	simm.s32 $0x1;
	p0 =	por !p0, !p0  }
0x19a: {  	[smem:$0x2D] =	sst s1;
	s3 =	sshra.s32 s3, $0x7;
	s4 =	simm.s32 @!p0 $0x0  }
0x19b: {  	s0 =	sadd.s32 s1, s0;
	[smem:$0xD] =	sst s29;
	s15 =	ssub.s32 s3, s4  }
0x19c: {  	s0 =	sshll.u32 s0, $0x7;
	[smem:$0x2E] =	sst s15  }
0x19d: {  	[smem:$0xE] =	sst s0  }
0x19e: {  	_ =	strace $0x9000004A  }
0x19f: {  	_ =	strace $0x8000004B  }
0x1a0: {  	s16 =	sld [smem:$0x0]  }
0x1a1: {  	s17 =	sld [smem:$0x1]  }
0x1a2: {  	s18 =	sld [smem:$0x2]  }
0x1a3: {  	s19 =	sld [smem:$0x3]  }
0x1a4: {  	s20 =	sld [smem:$0x4]  }
0x1a5: {  	s23 =	sld [smem:$0x5]  }
0x1a6: {  	s24 =	sld [smem:$0x8]  }
0x1a7: {  	s7 =	sld [smem:$0x6]  }
0x1a8: {  	vm9 =	veq.s32 v1, $0x0;
	s25 =	sld [smem:$0x9];
	v15 =	vmov s16  }
0x1a9: {  	vm10 =	veq.s32 v1, $0x1;
	s26 =	sld [smem:$0xA];
	v63 =	vmov s24;
	v15 =	vnsel vm9, $0x0, v15  }
0x1aa: {  	vm11 =	veq.s32 v1, $0x2;
	s28 =	sld [smem:$0xB];
	v16 =	vnsel vm9, $0x0, v63;
	v15 =	vsel vm10, s17, v15  }
0x1ab: {  	vm12 =	veq.s32 v1, $0x3;
	s29 =	sld [smem:$0xC];
	v16 =	vsel vm10, s25, v16;
	v15 =	vsel vm11, s18, v15  }
0x1ac: {  	vm13 =	veq.s32 v1, $0x4;
	s30 =	sld [smem:$0xD];
	v16 =	vsel vm11, s26, v16;
	v15 =	vsel vm12, s19, v15  }
0x1ad: {  	vm14 =	veq.s32 v1, $0x5;
	s31 =	sld [smem:$0xE];
	v16 =	vsel vm12, s28, v16;
	v15 =	vsel vm13, s20, v15  }
0x1ae: {  	vm15 =	veq.s32 v1, $0x6;
	v16 =	vsel vm13, s29, v16;
	v15 =	vsel vm14, s23, v15  }
0x1af: {  	v16 =	vsel vm14, s30, v16;
	v15 =	vsel vm15, s7, v15  }
0x1b0: {  	[tilespmem:$0x1A8A0] =	vst v15;
	v15 =	vsel vm15, s31, v16  }
0x1b1: {  	s1 =	simm.s32 $0x9400;
	[tilespmem:$0x1A8B0] =	vst v15  }
.LBB2_12:
0x1b2: {  	s0 =	sshra.s32 s9, $0x2  }
0x1b3: {  	v15 =	vld [tilespmem:s0+$0x6C80];
	_ =	sdelay $0x4  }
0x1b4: {  	v15 =	vadd.s32 $0xFFFFFB1E, v15  }
0x1b5: {  	v16 =	vmul.u32 $0x1A37, v15;
	_ =	sdelay $0x1  }
0x1b6: {  	v17 =	vshrl.u32 v16, $0x17;
	vm0 =	vlt.u32 v16, $0x3800000  }
0x1b7: {  	(xrf1) =	vunique.msk.u32 vm0, v17;
	_ =	sdelay $0x9  }
0x1b8: {  	v60 =	vld.idx.msk [tilespmem:v17+s10+$0x0], $0xffff;
	_ =	sdelay $0x3  }
0x1b9: {  	_, v18, vm1 =	vpop (xrf1)  }
0x1ba: {  	v16 =	vadd.s32 v18, v60  }
0x1bb: {  	v19 =	vld [tilespmem:s0+$0x4500];
	v16 =	vadd.s32 $0xFFFFFFFF, v16;
	_ =	sdelay $0x4  }
0x1bc: {  	[tilespmem:v16+s1+$0x0] =	vst.idx.msk vm0, v19  }
0x1bd: {  	[tilespmem:v16+s12+$0x0] =	vst.idx.msk vm0, v15  }
0x1be: {  	[tilespmem:v17+s10+$0x0] =	vst.idx.add.s32.msk vm1, v18  }
0x1bf: {  	v15 =	vld [tilespmem:s0+$0x8040];
	_ =	sdelay $0x4  }
0x1c0: {  	v15 =	vadd.s32 $0xFFFFFB1E, v15  }
0x1c1: {  	v61 =	vmul.u32 $0x1A37, v15;
	_ =	sdelay $0x1  }
0x1c2: {  	v62 =	vshrl.u32 v61, $0x17;
	vm15 =	vlt.u32 v61, $0x3800000  }
0x1c3: {  	(xrf1) =	vunique.msk.u32 vm15, v62;
	_ =	sdelay $0x9  }
0x1c4: {  	v63 =	vld.idx.msk [tilespmem:v62+s13+$0x0], $0xffff;
	_ =	sdelay $0x3  }
0x1c5: {  	_, v18, vm1 =	vpop (xrf1)  }
0x1c6: {  	v16 =	vadd.s32 v18, v63  }
0x1c7: {  	v19 =	vld [tilespmem:s0+$0x58C0];
	v16 =	vadd.s32 $0xFFFFFFFF, v16;
	_ =	sdelay $0x1  }
0x1c8: {  	p0 =	sne.s32 s9, $0x4EC0  }
.Ltmp7:
0x1c9: {  	_ = 	snop;
	(pc) =	sbr.rel @p0 .LBB2_12-.Ltmp7, $4  }
0x1ca: {  	_ = 	snop  }
0x1cb: {  	[tilespmem:v16+s1+$0x0] =	vst.idx.msk vm15, v19  }
0x1cc: {  	[tilespmem:v16+s12+$0x0] =	vst.idx.msk vm15, v15  }
0x1cd: {  	s9 =	sadd.s32 $0x40, s9;
	[tilespmem:v62+s13+$0x0] =	vst.idx.add.s32.msk vm1, v18  }
0x1ce: {  	_ =	strace $0x9000004B  }
0x1cf: {  	s0 =	sadd.s32 $0x1388, s21;
	[bflag:$0x0] =	sbarrier.arrive $0xFFFF  }
0x1d0: {  	[smem:$0x7EB] =	sst s0  }
0x1d1: {  	s3 =	simm.s32 $0x0;
	s2 =	sld [smem:$0x7F4]  }
.LBB2_14:
0x1d2: {  	_ =	strace $0x8000004C  }
0x1d3: {  	s1 =	sld [smem:s3+$0x20]  }
0x1d4: {  	s0 =	sld [smem:s3+$0x28];
	_ =	sdelay $0x2  }
0x1d5: {  	s23 =	sadd.s32 s1, s0  }
0x1d6: {  	s0 =	sadd.s32 $0x7, s23  }
0x1d7: {  	s30 =	sand.u32 $0x7, s0  }
0x1d8: {  	s31 =	sshra.s32 s0, $0x1F;
	p1 =	slt.s32 s0, $0x1;
	p0 =	sne.s32 s30, $0x0  }
0x1d9: {  	[dreg:$0x7] =	wrdreg s1;
	s1 =	sshrl.u32 s31, $0x1D;
	p0 =	por !p1, !p0  }
0x1da: {  	s0 =	sadd.s32 s1, s0;
	s1 =	simm.s32 $0x1;
	p0 =	por !p0, !p0  }
0x1db: {  	s0 =	sshra.s32 s0, $0x3;
	s1 =	simm.s32 @!p0 $0x0  }
0x1dc: {  	s10 =	ssub.s32 s0, s1  }
0x1dd: {  	p0 =	slt.s32 s10, $0x1  }
.Ltmp8:
0x1de: {  	_ = 	snop;
	(pc) =	sbr.rel @p0 .LBB2_18-.Ltmp8, $1  }
0x1df: {  	_ =	sdelay $0x3  }
0x1e0: {  	[smem:$0x7DF] =	sst s2  }
0x1e1: {  	s1 =	sld [smem:s3+$0x0]  }
0x1e2: {  	[smem:$0x7E0] =	sst s3  }
0x1e3: {  	s6 =	sor.u32 $0x8, s3;
	s12 =	rddreg [dreg:$0x7]  }
0x1e4: {  	p3 =	sle.s32 s23, $0x1;
	s3 =	sld [smem:s6+$0x0]  }
0x1e5: {  	p4 =	sle.s32 s23, $0x2;
	s17 =	simm.s32 @!p3 $0x80;
	s5 =	sshra.s32 s1, $0x1F  }
0x1e6: {  	s4 =	sand.u32 $0x7F, s1;
	p0 =	slt.s32 s1, $0x1;
	s2 =	sshrl.u32 s5, $0x19  }
0x1e7: {  	p1 =	sne.s32 s4, $0x0;
	s8 =	sand.u32 $0x7F, s3;
	p5 =	slt.s32 s3, $0x1  }
0x1e8: {  	s9 =	sshra.s32 s3, $0x1F;
	s2 =	sadd.s32 s2, s1;
	p0 =	por !p0, !p1  }
0x1e9: {  	p2 =	sne.s32 s8, $0x0;
	s4 =	sshrl.u32 s9, $0x19;
	s7 =	sshra.s32 s2, $0x7  }
0x1ea: {  	p0 =	por !p0, !p0;
	s2 =	simm.s32 $0x1;
	p6 =	por !p5, !p2  }
0x1eb: {  	s3 =	sadd.s32 s4, s3;
	s4 =	simm.s32 $0x1;
	p2 =	sle.s32 s23, $0x7  }
0x1ec: {  	p5 =	sle.s32 s23, $0x3;
	s2 =	simm.s32 @!p0 $0x0;
	p0 =	por !p6, !p6  }
0x1ed: {  	s3 =	sshra.s32 s3, $0x7;
	p6 =	sle.s32 s23, $0x0;
	s0 =	simm.s32 @!p2 $0x0  }
0x1ee: {  	p1 =	sgt.s32 @!p2 s12, $0x7;
	s28 =	simm.s32 @!p5 $0x12200;
	s4 =	simm.s32 @!p0 $0x0  }
0x1ef: {  	s24 =	ssub.s32 s7, s2;
	p0 =	sgt.s32 @!p6 s12, $0x0;
	s0 =	simm.s32 @p2 $0x1  }
0x1f0: {  	s7 =	simm.s32 @!p3 $0x0;
	s8 =	simm.s32 @!p6 $0xF200;
	s11 =	ssub.s32 s3, s4  }
0x1f1: {  	[smem:$0x7E9] =	sst s0;
	p0 =	por !p0, p6;
	s1 =	smov.u32 s24  }
0x1f2: {  	s2 =	smov.u32 s24;
	s3 =	smov.u32 s24;
	s0 =	simm.s32 @!p6 $0xF200  }
0x1f3: {  	s6 =	smov.u32 s24;
	s7 =	simm.s32 @p3 $0x1;
	s25 =	ssub.s32 s11, s12  }
0x1f4: {  	s11 =	simm.s32 @!p6 $0x80;
	s1 =	smov.u32 @p0 s25;
	p0 =	por !p1, p2  }
0x1f5: {  	p1 =	por @!p6 $0x1, $0x1;
	p2 =	sgt.s32 @!p3 s12, $0x1;
	s1 =	sadd.s32 @!p6 $0x0, s1  }
0x1f6: {  	s2 =	smov.u32 @p0 s25;
	p0 =	por @!p3 $0x1, $0x1;
	p2 =	por !p2, p3  }
0x1f7: {  	p1 =	por p1, p6;
	s1 =	sshll.u32 @!p6 s1, $0x9;
	s3 =	smov.u32 @p2 s25  }
0x1f8: {  	p2 =	sgt.s32 @!p4 s12, $0x2;
	s5 =	simm.s32 @!p1 $0x9;
	p0 =	por p0, p3  }
0x1f9: {  	s1 =	sshra.s32 @!p6 s1, $0x2;
	p2 =	por !p2, p4;
	_ =	swait.ge @!p1 [sflag:s5], $0x1000  }
0x1fa: {  	s3 =	sadd.s32 @!p3 $0x0, s3;
	[dreg:$0x8] =	wrdreg s8;
	s8 =	simm.s32 @!p6 $0x80  }
0x1fb: {  	s4 =	sadd.s32 @!p6 $0x9400, s1;
	s6 =	smov.u32 @p2 s25;
	[smem:$0x7E6] =	sst s7  }
0x1fc: {  	[sflag:s5] =	ssyncset.done @!p1 $0x0;
	s7 =	simm.s32 @!p0 $0xA;
	[dreg:$0xd] =	wrdreg s8  }
0x1fd: {  	s8 =	smov.u32 s24;
	p2 =	sle.s32 s23, $0x4;
	s1 =	sadd.s32 @!p6 $0xC300, s1  }
0x1fe: {  	[sflag:s5] =	ssyncadd.s32 @!p1 $0xFFFFF000;
	p1 =	sgt.s32 @!p5 s12, $0x3;
	s5 =	sadd.s32 @!p3 $0x1, s3  }
0x1ff: {  	[tilespmem:s0], [sflag:$0x1] =	stream.indirect.gather @!p6 [hbm4b:s21+s11], $0x20, s4, s11, $0x2000b8;
	[tilespmem:$0x1A8C0] =	vst v63  }
0x200: {  	p1 =	por !p1, p5;
	s5 =	sshll.u32 @!p3 s5, $0x9;
	s0 =	simm.s32 @!p3 $0x10200  }
0x201: {  	s11 =	smov.u32 s24;
	s4 =	sshra.s32 @!p3 s5, $0x2;
	_ =	swait.ge @!p0 [sflag:s7], $0x1000  }
0x202: {  	s8 =	smov.u32 @p1 s25;
	p1 =	por @!p4 $0x1, $0x1;
	[sflag:s7] =	ssyncset.done @!p0 $0x0  }
0x203: {  	s4 =	sadd.s32 @!p3 $0x9400, s4;
	[sflag:s7] =	ssyncadd.s32 @!p0 $0xFFFFF000;
	p0 =	por p1, p4  }
0x204: {  	s7 =	simm.s32 @!p3 $0x10200;
	p1 =	sgt.s32 @!p2 s12, $0x4;
	s5 =	simm.s32 @!p0 $0xB  }
0x205: {  	[tilespmem:s0], [sflag:$0x2] =	stream.indirect.gather @!p3 [hbm4b:s21+s17], $0x20, s4, s17, $0x2000b8;
	[tilespmem:$0x1A8C0] =	vst v63  }
0x206: {  	[dreg:$0x9] =	wrdreg s7;
	s7 =	sadd.s32 @!p4 $0x0, s6;
	s0 =	simm.s32 @!p2 $0x0  }
0x207: {  	p1 =	por !p1, p2;
	s6 =	smov.u32 s24;
	_ =	swait.ge @!p0 [sflag:s5], $0x1000  }
0x208: {  	s0 =	simm.s32 @p2 $0x1;
	s4 =	sadd.s32 @!p4 $0x2, s7;
	s6 =	smov.u32 @p1 s25  }
0x209: {  	p1 =	por @!p5 $0x1, $0x1;
	p2 =	sle.s32 s23, $0x5;
	[smem:$0x7E2] =	sst s0  }
0x20a: {  	[sflag:s5] =	ssyncset.done @!p0 $0x0;
	s4 =	sshll.u32 @!p4 s4, $0x9;
	p1 =	por p1, p5  }
0x20b: {  	s0 =	simm.s32 @!p4 $0x0;
	p3 =	sgt.s32 @!p2 s12, $0x5;
	s9 =	sld [smem:$0x7E9]  }
0x20c: {  	[sflag:s5] =	ssyncadd.s32 @!p0 $0xFFFFF000;
	s4 =	sshra.s32 @!p4 s4, $0x2;
	s0 =	simm.s32 @p4 $0x1  }
0x20d: {  	p3 =	por !p3, p2;
	s5 =	simm.s32 @!p4 $0x11200;
	s4 =	sadd.s32 @!p4 $0x9400, s4  }
0x20e: {  	[smem:$0x7E7] =	sst s0;
	s0 =	simm.s32 @!p4 $0x80;
	s11 =	smov.u32 @p3 s25  }
0x20f: {  	[tilespmem:s5], [sflag:$0x3] =	stream.indirect.gather @!p4 [hbm4b:s21+s0], $0x20, s4, s0, $0x2000b8;
	[tilespmem:$0x1A8C0] =	vst v63  }
0x210: {  	s4 =	simm.s32 @!p1 $0xC;
	p4 =	sle.s32 s23, $0x6;
	p0 =	seq.s32 s9, $0x1  }
0x211: {  	s16 =	sadd.s32 @!p0 $0x0, s2;
	_ =	swait.ge @!p1 [sflag:s4], $0x1000;
	p3 =	sgt.s32 @!p4 s12, $0x6  }
0x212: {  	s12 =	smov.u32 s24;
	[dreg:$0xa] =	wrdreg s1;
	s2 =	sadd.s32 @!p0 $0x7, s16  }
0x213: {  	p3 =	por !p3, p4;
	[sflag:s4] =	ssyncset.done @!p1 $0x0;
	s13 =	sld [smem:$0x7E6]  }
0x214: {  	s15 =	sld [smem:$0x7E2];
	s12 =	smov.u32 @p3 s25;
	[sflag:s4] =	ssyncadd.s32 @!p1 $0xFFFFF000  }
0x215: {  	s2 =	sshll.u32 @!p0 s2, $0x9;
	s4 =	sadd.s32 @!p5 $0x0, s8;
	s8 =	simm.s32 @!p6 $0x0  }
0x216: {  	p1 =	por @!p2 $0x1, $0x1;
	s2 =	sshra.s32 @!p0 s2, $0x2;
	s8 =	simm.s32 @p6 $0x1  }
0x217: {  	p1 =	por p1, p2;
	s12 =	sadd.s32 @!p4 $0x0, s12;
	s20 =	sadd.s32 @!p0 $0x9400, s2  }
0x218: {  	s2 =	sadd.s32 @!p5 $0x3, s4;
	[smem:$0x7E1] =	sst s8;
	p3 =	seq.s32 s13, $0x1  }
0x219: {  	p0 =	seq.s32 s15, $0x1;
	s8 =	sadd.s32 @!p2 $0x0, s11;
	s13 =	sadd.s32 @!p4 $0x6, s12  }
0x21a: {  	s9 =	simm.s32 @!p1 $0x0;
	s26 =	simm.s32 @!p1 $0xE;
	s1 =	sshll.u32 @!p3 s3, $0x9  }
0x21b: {  	s2 =	sshll.u32 @!p5 s2, $0x9;
	s6 =	sadd.s32 @!p0 $0x0, s6;
	s11 =	sadd.s32 @!p2 $0x5, s8  }
0x21c: {  	s8 =	sshll.u32 @!p2 s8, $0x9;
	s9 =	simm.s32 @p1 $0x1;
	p1 =	por @!p0 $0x1, $0x1  }
0x21d: {  	s1 =	sadd.s32 @!p3 $0x200, s1;
	s2 =	sshra.s32 @!p5 s2, $0x2;
	s3 =	sadd.s32 @!p0 $0x4, s6  }
0x21e: {  	s11 =	sshll.u32 @!p2 s11, $0x9;
	s1 =	sshra.s32 @!p3 s1, $0x2;
	s3 =	sshll.u32 @!p0 s3, $0x9  }
0x21f: {  	p3 =	por p1, p0;
	p1 =	por @!p4 $0x1, $0x1;
	s3 =	sshra.s32 @!p0 s3, $0x2  }
0x220: {  	s2 =	sadd.s32 @!p5 $0x9400, s2;
	p1 =	por p1, p4;
	s30 =	sadd.s32 @!p0 $0x9400, s3  }
0x221: {  	s3 =	sshra.s32 @!p2 s11, $0x2;
	s11 =	sshll.u32 @!p4 s13, $0x9;
	s13 =	simm.s32 @!p5 $0x80  }
0x222: {  	[tilespmem:s28], [sflag:$0x4] =	stream.indirect.gather @!p5 [hbm4b:s21+s13], $0x20, s2, s13, $0x2000b8;
	[tilespmem:$0x1A8C0] =	vst v63  }
0x223: {  	s2 =	sadd.s32 @!p2 $0xA00, s8;
	s8 =	simm.s32 @!p1 $0x0  }
0x224: {  	[smem:$0x7E3] =	sst s9;
	s8 =	simm.s32 @p1 $0x1;
	s2 =	sshra.s32 @!p2 s2, $0x2  }
0x225: {  	[smem:$0x7E4] =	sst s8;
	s8 =	simm.s32 @!p2 $0x0;
	s2 =	sadd.s32 @!p2 $0xC300, s2  }
0x226: {  	s8 =	simm.s32 @p2 $0x1;
	[dreg:$0xb] =	wrdreg s2  }
0x227: {  	s19 =	simm.s32 @!p3 $0xD;
	[smem:$0x7E5] =	sst s8  }
0x228: {  	s18 =	sld [smem:$0x7E6];
	_ =	swait.ge @!p3 [sflag:s19], $0x1000  }
0x229: {  	s9 =	sld [smem:$0x7E7]  }
0x22a: {  	s15 =	sadd.s32 @!p2 $0x9400, s3  }
0x22b: {  	s3 =	sshra.s32 @!p4 s11, $0x2;
	s11 =	sshll.u32 @!p4 s12, $0x9;
	p1 =	seq.s32 s18, $0x1  }
0x22c: {  	s1 =	sadd.s32 @!p1 $0xC300, s1;
	p2 =	por p1, p1;
	p1 =	seq.s32 s9, $0x1  }
0x22d: {  	s8 =	sadd.s32 @!p4 $0xC00, s11;
	s11 =	sshll.u32 @!p1 s7, $0x9  }
0x22e: {  	s10 =	sadd.s32 $0xFFFFFFFF, s10;
	s12 =	sadd.s32 @!p1 $0x400, s11;
	s11 =	sld [smem:$0x7E9]  }
0x22f: {  	s3 =	sadd.s32 @!p4 $0x9400, s3;
	s2 =	simm.s32 @!p4 $0x0;
	s8 =	sshra.s32 @!p4 s8, $0x2  }
0x230: {  	s2 =	simm.s32 @p4 $0x1;
	s29 =	sadd.s32 @!p4 $0xC300, s8;
	p4 =	sne.s32 s10, $0x0  }
.Ltmp9:
0x231: {  	p1 =	seq.s32 s11, $0x1;
	(pc) =	sbr.rel @!p4 .LBB2_17-.Ltmp9, $4  }
0x232: {  	s14 =	simm.s32 $0x0;
	p6 =	por p5, p5;
	p1 =	por @!p1 $0x1, $0x1  }
0x233: {  	s6 =	sshll.u32 @!p0 s6, $0x9;
	[smem:$0x7E8] =	sst s2;
	s2 =	simm.s32 @!p1 $0x0  }
0x234: {  	s31 =	simm.s32 @!p0 $0x80;
	s18 =	sadd.s32 @!p0 $0x800, s6;
	s2 =	simm.s32 @p1 $0x1  }
0x235: {  	[sflag:s19] =	ssyncset.done @!p3 $0x0;
	s8 =	simm.s32 @!p0 $0x13200;
	[smem:$0x7EA] =	sst s2  }
.LBB2_16:
0x236: {  	[dreg:$0x12] =	wrdreg s28  }
0x237: {  	s7 =	sld [smem:$0x7E9]  }
0x238: {  	s9 =	sld [smem:$0x7E1]  }
0x239: {  	[dreg:$0x11] =	wrdreg s29;
	s10 =	sadd.s32 $0xFFFFFFFF, s10  }
0x23a: {  	s6 =	sshll.u32 @!p6 s4, $0x9;
	s28 =	smov.u32 s20;
	p1 =	seq.s32 s7, $0x1  }
0x23b: {  	s2 =	rddreg [dreg:$0xa];
	p4 =	por p1, p1;
	p1 =	seq.s32 s9, $0x1  }
0x23c: {  	[sflag:s19] =	ssyncadd.s32 @!p3 $0xFFFFF000;
	s4 =	smov.u32 s2;
	p5 =	por p1, p1  }
0x23d: {  	p1 =	por p2, p2;
	p2 =	por p0, p0;
	s2 =	simm.s32 @!p5 $0x0  }
0x23e: {  	[tilespmem:s8], [sflag:$0x5] =	stream.indirect.gather @!p2 [hbm4b:s21+s31], $0x20, s30, s31, $0x2000b8;
	[tilespmem:$0x1A8C0] =	vst v63  }
0x23f: {  	s7 =	sld [smem:$0x7E3];
	s11 =	sshll.u32 @!p4 s16, $0x9;
	s2 =	simm.s32 @p5 $0x1  }
0x240: {  	s20 =	sadd.s32 @!p4 $0xE00, s11;
	[smem:$0x7CC] =	sst s2;
	s2 =	simm.s32 @!p1 $0x0  }
0x241: {  	s11 =	sld [smem:$0x7E7];
	s2 =	simm.s32 @p1 $0x1;
	p1 =	sne.s32 s10, $0x0  }
0x242: {  	s6 =	sadd.s32 @!p6 $0x600, s6;
	[smem:$0x7CD] =	sst s2;
	s2 =	simm.s32 @!p1 $0x0  }
0x243: {  	s2 =	simm.s32 @p1 $0x1;
	p1 =	por p4, p4;
	p4 =	por p6, p6  }
0x244: {  	s6 =	sshra.s32 @!p6 s6, $0x2;
	[smem:$0x7DE] =	sst s2;
	s2 =	simm.s32 @!p4 $0x0  }
0x245: {  	s16 =	sld [smem:$0x7E8];
	p6 =	seq.s32 s11, $0x1;
	s2 =	simm.s32 @p4 $0x1  }
0x246: {  	p5 =	por p6, p6;
	[smem:$0x7CF] =	sst s2;
	s2 =	sadd.s32 @!p4 $0xC300, s6  }
0x247: {  	[dreg:$0x13] =	wrdreg s2;
	s2 =	simm.s32 @!p5 $0x0  }
0x248: {  	s19 =	sld [smem:$0x7CC];
	s6 =	sshra.s32 @!p1 s20, $0x2;
	s2 =	simm.s32 @p5 $0x1  }
0x249: {  	[smem:$0x7CE] =	sst s2;
	s2 =	sadd.s32 @!p1 $0xC300, s6  }
0x24a: {  	[dreg:$0xc] =	wrdreg s2;
	s2 =	simm.s32 @!p2 $0x0  }
0x24b: {  	p6 =	seq.s32 s16, $0x1;
	s9 =	simm.s32 @!p1 $0x16200;
	s2 =	simm.s32 @p2 $0x1  }
0x24c: {  	p5 =	por p6, p6;
	[smem:$0x7D0] =	sst s2;
	s2 =	simm.s32 @!p4 $0x4  }
0x24d: {  	p0 =	por p1, p1;
	[dreg:$0x19] =	wrdreg s2;
	s2 =	simm.s32 @!p5 $0x7  }
0x24e: {  	[dreg:$0x10] =	wrdreg s2;
	s2 =	simm.s32 @!p1 $0x8;
	p1 =	seq.s32 s19, $0x1  }
0x24f: {  	[dreg:$0xf] =	wrdreg s2;
	s6 =	simm.s32 @!p1 $0x1;
	p1 =	seq.s32 s7, $0x1  }
0x250: {  	_ =	swait.ge @!p1 [sflag:s26], $0x1000  }
0x251: {  	s20 =	sld [smem:$0x7E5]  }
0x252: {  	s14 =	sadd.s32 $0x8, s14  }
0x253: {  	s29 =	smov.u32 s21;
	s11 =	simm.s32 @!p0 $0x80;
	s7 =	simm.s32 @!p0 $0x0  }
0x254: {  	p6 =	por p0, p0;
	s7 =	simm.s32 @p0 $0x1;
	p2 =	seq.s32 s20, $0x1  }
0x255: {  	s19 =	sadd.s32 $0x7, s14;
	[smem:$0x7D8] =	sst s7;
	s20 =	simm.s32 @!p2 $0x6  }
0x256: {  	[sflag:s26] =	ssyncset.done @!p1 $0x0;
	s7 =	simm.s32 @!p2 $0x0;
	[dreg:$0x18] =	wrdreg s20  }
0x257: {  	[sflag:s26] =	ssyncadd.s32 @!p1 $0xFFFFF000;
	s7 =	simm.s32 @p2 $0x1;
	s20 =	sld [smem:$0x7E4]  }
0x258: {  	s16 =	simm.s32 @!p2 $0x14200;
	[smem:$0x7E5] =	sst s7;
	s7 =	simm.s32 @!p2 $0x80  }
0x259: {  	[tilespmem:s16], [sflag:$0x6] =	stream.indirect.gather @!p2 [hbm4b:s21+s7], $0x20, s15, s7, $0x2000b8;
	[tilespmem:$0x1A8C0] =	vst v63  }
0x25a: {  	p0 =	sge.s32 s19, s23;
	s7 =	simm.s32 @!p2 $0x14200;
	s16 =	sld [smem:$0x7EA]  }
0x25b: {  	p1 =	seq.s32 @!p0 s14, $0x0;
	[dreg:$0x16] =	wrdreg s7;
	s7 =	simm.s32 @!p2 $0x80  }
0x25c: {  	p3 =	seq.s32 s20, $0x1;
	[dreg:$0x15] =	wrdreg s7;
	s7 =	simm.s32 @!p0 $0x0  }
0x25d: {  	s7 =	simm.s32 @p0 $0x1;
	p2 =	seq.s32 s16, $0x1;
	s16 =	rddreg [dreg:$0x7]  }
0x25e: {  	s15 =	simm.s32 @!p3 $0xF;
	[smem:$0x7E9] =	sst s7;
	s7 =	simm.s32 @!p1 $0x0  }
0x25f: {  	p2 =	por p2, p6;
	p4 =	slt.s32 @!p0 s19, s16;
	s7 =	simm.s32 @p1 $0x1  }
0x260: {  	p6 =	sge.s32 s14, s23;
	s19 =	smov.u32 s24;
	[smem:$0x7EA] =	sst s7  }
0x261: {  	p4 =	por !p4, p0;
	p1 =	por p6, p6;
	_ =	swait.ge @!p3 [sflag:s15], $0x1000  }
0x262: {  	s19 =	smov.u32 @p4 s25;
	p4 =	slt.s32 @!p6 s14, s16;
	[sflag:s15] =	ssyncset.done @!p3 $0x0  }
0x263: {  	p6 =	seq.s32 @!p6 s14, $0x0;
	[sflag:s15] =	ssyncadd.s32 @!p3 $0xFFFFF000;
	s15 =	simm.s32 @!p5 $0x0  }
0x264: {  	s30 =	simm.s32 @!p5 $0x80;
	s7 =	simm.s32 @!p6 $0x0;
	s15 =	simm.s32 @p5 $0x1  }
0x265: {  	s7 =	simm.s32 @p6 $0x1;
	[smem:$0x7D3] =	sst s15;
	s15 =	simm.s32 @!p5 $0x15200  }
0x266: {  	[tilespmem:s15], [sflag:$0x7] =	stream.indirect.gather @!p5 [hbm4b:s29+s30], $0x20, s3, s30, $0x2000b8;
	[tilespmem:$0x1A8C0] =	vst v63  }
0x267: {  	[smem:$0x7D5] =	sst s7;
	s3 =	simm.s32 @!p5 $0x15200  }
0x268: {  	s2 =	smov.u32 s31;
	s31 =	simm.s32 @!p2 $0x10;
	[dreg:$0x17] =	wrdreg s3  }
0x269: {  	s20 =	sadd.s32 @!p0 s14, s19;
	_ =	swait.ge @!p2 [sflag:s31], $0x1000  }
0x26a: {  	s7 =	sadd.s32 @!p0 $0x7, s20;
	s15 =	sld [smem:$0x7D8]  }
0x26b: {  	s7 =	sshll.u32 @!p0 s7, $0x9  }
0x26c: {  	s7 =	sshra.s32 @!p0 s7, $0x2;
	[sflag:s31] =	ssyncset.done @!p2 $0x0  }
0x26d: {  	s7 =	sadd.s32 @!p0 $0x9400, s7;
	[sflag:s31] =	ssyncadd.s32 @!p2 $0xFFFFF000;
	p0 =	seq.s32 s15, $0x1  }
0x26e: {  	[tilespmem:s9], [sflag:$0x8] =	stream.indirect.gather @!p0 [hbm4b:s29+s11], $0x20, s28, s11, $0x2000b8;
	[tilespmem:$0x1A8C0] =	vst v63  }
0x26f: {  	s11 =	sld [smem:$0x7CC]  }
0x270: {  	p4 =	por !p4, p1;
	s19 =	smov.u32 s24  }
0x271: {  	s19 =	smov.u32 @p4 s25;
	[dreg:$0xe] =	wrdreg s7;
	s7 =	simm.s32 @!p0 $0x80  }
0x272: {  	s3 =	sadd.s32 @!p1 s14, s19;
	[dreg:$0x14] =	wrdreg s7;
	p2 =	seq.s32 s11, $0x1  }
0x273: {  	s31 =	smov.u32 s9;
	s9 =	simm.s32 @!p1 $0x0;
	_ =	swait.ge @!p2 [sflag:s6], $0x1000  }
0x274: {  	s3 =	sshll.u32 @!p1 s3, $0x9;
	s9 =	simm.s32 @p1 $0x1;
	s15 =	sld [smem:$0x7D0]  }
0x275: {  	s7 =	sshra.s32 @!p1 s3, $0x2;
	[smem:$0x7E1] =	sst s9  }
0x276: {  	s3 =	sadd.s32 @!p1 $0x9400, s7;
	s7 =	sadd.s32 @!p1 $0xC300, s7;
	s9 =	sld [smem:$0x7CD]  }
0x277: {  	[dreg:$0xa] =	wrdreg s7;
	s7 =	sadd.s32 $0x1, s14  }
0x278: {  	[sflag:s6] =	ssyncset.done @!p2 $0x0;
	p0 =	seq.s32 s15, $0x1;
	s15 =	rddreg [dreg:$0x8]  }
0x279: {  	[sflag:s6] =	ssyncadd.s32 @!p2 $0xFFFFF000;
	p3 =	seq.s32 s9, $0x1;
	s9 =	rddreg [dreg:$0xd]  }
0x27a: {  	[spmem:s22] =	stream.indirect.scatter.add.f32 @!p2 [tilespmem:s15], [sflag:$0x9], $0x20, s4, s9, $0x2000b8;
	[tilespmem:$0x1A8C0] =	vst v63  }
0x27b: {  	p2 =	sge.s32 s7, s23  }
0x27c: {  	s4 =	simm.s32 @!p2 $0x0  }
0x27d: {  	s21 =	sadd.s32 $0x3, s14;
	s28 =	simm.s32 @!p0 $0x5;
	s4 =	simm.s32 @p2 $0x1  }
0x27e: {  	s6 =	simm.s32 @!p3 $0x2;
	p5 =	seq.s32 @!p2 s14, $0x0;
	[smem:$0x7E6] =	sst s4  }
0x27f: {  	p4 =	slt.s32 @!p2 s7, s16;
	s7 =	simm.s32 @!p5 $0x0;
	_ =	swait.ge @!p3 [sflag:s6], $0x1000  }
0x280: {  	p0 =	por p1, p1;
	s7 =	simm.s32 @p5 $0x1;
	s11 =	sld [smem:$0x7CE]  }
0x281: {  	s9 =	simm.s32 @!p2 $0x10200;
	[smem:$0x7D1] =	sst s7;
	s7 =	simm.s32 @!p0 $0xF200  }
0x282: {  	p6 =	por !p4, p2;
	[sflag:s6] =	ssyncset.done @!p3 $0x0;
	[dreg:$0x8] =	wrdreg s7  }
0x283: {  	p0 =	sge.s32 s21, s23;
	[sflag:s6] =	ssyncadd.s32 @!p3 $0xFFFFF000;
	s7 =	rddreg [dreg:$0x9]  }
0x284: {  	[spmem:s22] =	stream.indirect.scatter.add.f32 @!p3 [tilespmem:s7], [sflag:$0xA], $0x20, s1, s17, $0x2000b8;
	[tilespmem:$0x1A8C0] =	vst v63  }
0x285: {  	p4 =	slt.s32 @!p0 s21, s16;
	s1 =	sadd.s32 $0x2, s14;
	p1 =	seq.s32 s11, $0x1  }
0x286: {  	s7 =	smov.u32 s24;
	p3 =	por p0, p0;
	s4 =	simm.s32 @!p1 $0x3  }
0x287: {  	s7 =	smov.u32 @p6 s25;
	p6 =	por !p4, p0;
	_ =	swait.ge @!p1 [sflag:s4], $0x1000  }
0x288: {  	p4 =	sge.s32 s1, s23;
	s6 =	sshra.s32 @!p1 s12, $0x2;
	s21 =	sld [smem:$0x7CE]  }
0x289: {  	p0 =	slt.s32 @!p4 s1, s16;
	s6 =	sadd.s32 @!p1 $0xC300, s6;
	[dreg:$0x9] =	wrdreg s9  }
0x28a: {  	p0 =	por !p0, p4;
	s9 =	smov.u32 s24;
	[sflag:s4] =	ssyncset.done @!p1 $0x0  }
0x28b: {  	s9 =	smov.u32 @p0 s25;
	[sflag:s4] =	ssyncadd.s32 @!p1 $0xFFFFF000;
	p0 =	seq.s32 s21, $0x1  }
0x28c: {  	[spmem:s22] =	stream.indirect.scatter.add.f32 @!p0 [tilespmem:s5], [sflag:$0xB], $0x20, s6, s0, $0x2000b8;
	[tilespmem:$0x1A8C0] =	vst v63  }
0x28d: {  	s15 =	sld [smem:$0x7D0];
	p0 =	seq.s32 @!p4 s14, $0x0  }
0x28e: {  	s6 =	sld [smem:$0x7CF];
	s0 =	simm.s32 @!p0 $0x0  }
0x28f: {  	s0 =	simm.s32 @p0 $0x1  }
0x290: {  	[smem:$0x7D9] =	sst s0  }
0x291: {  	p1 =	seq.s32 s15, $0x1;
	p0 =	seq.s32 s6, $0x1;
	s0 =	rddreg [dreg:$0x19]  }
0x292: {  	s12 =	sadd.s32 @!p4 s14, s9;
	s1 =	sshra.s32 @!p1 s18, $0x2;
	_ =	swait.ge @!p0 [sflag:s0], $0x1000  }
0x293: {  	s1 =	sadd.s32 @!p1 $0xC300, s1;
	[sflag:s0] =	ssyncset.done @!p0 $0x0;
	s9 =	rddreg [dreg:$0x13]  }
0x294: {  	p1 =	seq.s32 @!p3 s14, $0x0;
	[sflag:s0] =	ssyncadd.s32 @!p0 $0xFFFFF000;
	s0 =	rddreg [dreg:$0x12]  }
0x295: {  	[spmem:s22] =	stream.indirect.scatter.add.f32 @!p0 [tilespmem:s0], [sflag:$0xC], $0x20, s9, s13, $0x2000b8;
	[tilespmem:$0x1A8C0] =	vst v63  }
0x296: {  	p0 =	por p1, p3  }
0x297: {  	s17 =	sadd.s32 $0x4, s14;
	s7 =	sadd.s32 @!p2 s14, s7;
	s0 =	simm.s32 @!p0 $0x0  }
0x298: {  	s4 =	sadd.s32 @!p2 $0x1, s7;
	s9 =	sld [smem:$0x7D0];
	s0 =	simm.s32 @p0 $0x1  }
0x299: {  	s4 =	sshll.u32 @!p2 s4, $0x9;
	[smem:$0x7DD] =	sst s0;
	s0 =	simm.s32 @!p3 $0x0  }
0x29a: {  	s18 =	sshra.s32 @!p2 s4, $0x2;
	s4 =	smov.u32 s24;
	s0 =	simm.s32 @p3 $0x1  }
0x29b: {  	s4 =	smov.u32 @p6 s25;
	p0 =	seq.s32 s9, $0x1;
	[smem:$0x7DB] =	sst s0  }
0x29c: {  	p6 =	sge.s32 s17, s23;
	s4 =	sadd.s32 @!p3 s14, s4;
	_ =	swait.ge @!p0 [sflag:s28], $0x1000  }
0x29d: {  	s5 =	sadd.s32 @!p3 $0x3, s4;
	s11 =	sld [smem:$0x7E1];
	[sflag:s28] =	ssyncset.done @!p0 $0x0  }
0x29e: {  	s6 =	sshll.u32 @!p2 s7, $0x9;
	s7 =	sadd.s32 @!p4 $0x2, s12;
	[sflag:s28] =	ssyncadd.s32 @!p0 $0xFFFFF000  }
0x29f: {  	[spmem:s22] =	stream.indirect.scatter.add.f32 @!p0 [tilespmem:s8], [sflag:$0xD], $0x20, s1, s2, $0x2000b8;
	[tilespmem:$0x1A8C0] =	vst v63  }
0x2a0: {  	s5 =	sshll.u32 @!p3 s5, $0x9;
	p1 =	por p3, p3;
	p3 =	seq.s32 s11, $0x1  }
0x2a1: {  	s13 =	sld [smem:$0x7E5];
	s21 =	simm.s32 @!p3 $0x80;
	p3 =	slt.s32 @!p6 s17, s16  }
0x2a2: {  	s0 =	sadd.s32 @!p2 $0x200, s6;
	s6 =	sshll.u32 @!p4 s7, $0x9;
	s7 =	simm.s32 @!p3 $0x0  }
0x2a3: {  	s2 =	rddreg [dreg:$0x18];
	s7 =	simm.s32 @p3 $0x1  }
0x2a4: {  	p0 =	seq.s32 s13, $0x1;
	[smem:$0x7D2] =	sst s7  }
0x2a5: {  	_ =	swait.ge @!p0 [sflag:s2], $0x1000  }
0x2a6: {  	s15 =	sld [smem:$0x7D1];
	_ =	sdelay $0x2  }
0x2a7: {  	s6 =	sshra.s32 @!p4 s6, $0x2;
	p3 =	seq.s32 s15, $0x1  }
0x2a8: {  	s1 =	sadd.s32 @!p4 $0x9400, s6;
	s17 =	sld [smem:$0x7D2];
	p3 =	por p3, p2  }
0x2a9: {  	[sflag:s2] =	ssyncset.done @!p0 $0x0;
	s7 =	rddreg [dreg:$0x16];
	s6 =	simm.s32 @!p3 $0x0  }
0x2aa: {  	[sflag:s2] =	ssyncadd.s32 @!p0 $0xFFFFF000;
	s2 =	rddreg [dreg:$0xb];
	s6 =	simm.s32 @p3 $0x1  }
0x2ab: {  	s5 =	sshra.s32 @!p1 s5, $0x2;
	[smem:$0x7DA] =	sst s6  }
0x2ac: {  	s11 =	sadd.s32 @!p1 $0x9400, s5;
	s5 =	simm.s32 @!p3 $0xA;
	s6 =	rddreg [dreg:$0x15]  }
0x2ad: {  	[spmem:s22] =	stream.indirect.scatter.add.f32 @!p0 [tilespmem:s7], [sflag:$0xE], $0x20, s2, s6, $0x2000b8;
	[tilespmem:$0x1A8C0] =	vst v63  }
0x2ae: {  	p3 =	seq.s32 s17, $0x1;
	s2 =	sadd.s32 @!p2 $0x9400, s18;
	s18 =	sld [smem:$0x7D3]  }
0x2af: {  	p3 =	por !p3, p6  }
0x2b0: {  	s6 =	smov.u32 s24;
	s7 =	rddreg [dreg:$0x10];
	p0 =	seq.s32 @!p6 s14, $0x0  }
0x2b1: {  	s6 =	smov.u32 @p3 s25;
	s8 =	simm.s32 @!p0 $0x0;
	p3 =	seq.s32 s18, $0x1  }
0x2b2: {  	s26 =	sadd.s32 $0x5, s14;
	s8 =	simm.s32 @p0 $0x1;
	_ =	swait.ge @!p3 [sflag:s7], $0x1000  }
0x2b3: {  	s19 =	sadd.s32 $0x6, s14;
	p0 =	sge.s32 s26, s23;
	[smem:$0x7DC] =	sst s8  }
0x2b4: {  	s18 =	sshra.s32 @!p2 s0, $0x2;
	p2 =	seq.s32 @!p0 s14, $0x0;
	s13 =	sld [smem:$0x7E1]  }
0x2b5: {  	p5 =	sge.s32 s19, s23;
	s0 =	simm.s32 @!p2 $0x0;
	s15 =	sld [smem:$0x7D5]  }
0x2b6: {  	p1 =	slt.s32 @!p5 s19, s16;
	s0 =	simm.s32 @p2 $0x1;
	s19 =	sld [smem:$0x7D8]  }
0x2b7: {  	s8 =	simm.s32 @!p1 $0x0;
	[sflag:s7] =	ssyncset.done @!p3 $0x0;
	[smem:$0x7D4] =	sst s0  }
0x2b8: {  	s8 =	simm.s32 @p1 $0x1;
	p1 =	por p3, p3;
	s9 =	sld [smem:$0x7D4]  }
0x2b9: {  	p3 =	slt.s32 @!p0 s26, s16;
	[smem:$0x7D6] =	sst s8;
	s8 =	sadd.s32 @!p6 s14, s6  }
0x2ba: {  	[sflag:s7] =	ssyncadd.s32 @!p1 $0xFFFFF000;
	p2 =	por !p3, p0;
	s7 =	rddreg [dreg:$0x17]  }
0x2bb: {  	s0 =	sadd.s32 @!p6 $0x4, s8;
	s6 =	simm.s32 @!p2 $0x0;
	p3 =	seq.s32 s9, $0x1  }
0x2bc: {  	s16 =	sld [smem:$0x7D6];
	s6 =	simm.s32 @p2 $0x1;
	p2 =	por p3, p0  }
0x2bd: {  	[smem:$0x7D7] =	sst s6;
	p3 =	seq.s32 s15, $0x1;
	s6 =	simm.s32 @!p2 $0x0  }
0x2be: {  	s6 =	simm.s32 @p2 $0x1;
	p2 =	seq.s32 s13, $0x1;
	s13 =	smov.u32 s24  }
0x2bf: {  	[smem:$0x7E3] =	sst s6;
	p3 =	por p3, p2;
	p2 =	seq.s32 s16, $0x1  }
0x2c0: {  	s6 =	sshll.u32 @!p6 s0, $0x9;
	s0 =	rddreg [dreg:$0x11];
	p2 =	por !p2, p5  }
0x2c1: {  	[spmem:s22] =	stream.indirect.scatter.add.f32 @!p1 [tilespmem:s7], [sflag:$0xF], $0x20, s0, s30, $0x2000b8;
	[tilespmem:$0x1A8C0] =	vst v63  }
0x2c2: {  	s0 =	rddreg [dreg:$0xf];
	s13 =	smov.u32 @p2 s25;
	p2 =	seq.s32 s19, $0x1  }
0x2c3: {  	s17 =	sld [smem:$0x7D7];
	_ =	swait.ge @!p2 [sflag:s0], $0x1000  }
0x2c4: {  	s26 =	sld [smem:$0x7DB]  }
0x2c5: {  	[sflag:s0] =	ssyncset.done @!p2 $0x0;
	s9 =	rddreg [dreg:$0x14]  }
0x2c6: {  	s16 =	simm.s32 @!p3 $0x9;
	[sflag:s0] =	ssyncadd.s32 @!p2 $0xFFFFF000;
	s0 =	rddreg [dreg:$0xc]  }
0x2c7: {  	[spmem:s22] =	stream.indirect.scatter.add.f32 @!p2 [tilespmem:s31], [sflag:$0x10], $0x20, s0, s9, $0x2000b8;
	[tilespmem:$0x1A8C0] =	vst v63  }
0x2c8: {  	s9 =	sld [smem:$0x7D9];
	_ =	swait.ge @!p3 [sflag:s16], $0x1000  }
0x2c9: {  	s7 =	smov.u32 s24;
	p1 =	seq.s32 s17, $0x1;
	s17 =	sld [smem:$0x7E3]  }
0x2ca: {  	s7 =	smov.u32 @p1 s25;
	p1 =	seq.s32 s26, $0x1;
	[sflag:s16] =	ssyncset.done @!p3 $0x0  }
0x2cb: {  	[sflag:s16] =	ssyncadd.s32 @!p3 $0xFFFFF000;
	s16 =	smov.u32 s20;
	s20 =	sld [smem:$0x7E6]  }
0x2cc: {  	s13 =	sadd.s32 @!p5 s14, s13;
	s28 =	simm.s32 @!p1 $0x12200;
	p1 =	seq.s32 s17, $0x1  }
0x2cd: {  	s19 =	sadd.s32 @!p5 $0x6, s13;
	s26 =	simm.s32 @!p1 $0xE  }
0x2ce: {  	p1 =	seq.s32 s20, $0x1;
	s20 =	sshll.u32 @!p5 s13, $0x9;
	s13 =	sld [smem:$0x7E1]  }
0x2cf: {  	_ = 	snop  }
0x2d0: {  	p2 =	seq.s32 s9, $0x1  }
0x2d1: {  	s9 =	rddreg [dreg:$0x8];
	s17 =	simm.s32 @!p1 $0x80;
	p1 =	seq.s32 s13, $0x1  }
0x2d2: {  	[tilespmem:s9], [sflag:$0x1] =	stream.indirect.gather @!p1 [hbm4b:s29+s21], $0x20, s3, s21, $0x2000b8;
	[tilespmem:$0x1A8C0] =	vst v63  }
0x2d3: {  	s9 =	sld [smem:$0x7DA];
	_ =	sdelay $0x1  }
0x2d4: {  	s6 =	sshra.s32 @!p6 s6, $0x2;
	s7 =	sadd.s32 @!p0 s14, s7  }
0x2d5: {  	s15 =	sadd.s32 @!p0 $0x5, s7;
	[dreg:$0xd] =	wrdreg s21;
	p3 =	seq.s32 s9, $0x1  }
0x2d6: {  	s30 =	sadd.s32 @!p6 $0x9400, s6;
	s15 =	sshll.u32 @!p0 s15, $0x9;
	_ =	swait.ge @!p3 [sflag:s5], $0x1000  }
0x2d7: {  	s19 =	sshll.u32 @!p5 s19, $0x9;
	s6 =	sshra.s32 @!p0 s15, $0x2;
	s13 =	sld [smem:$0x7DD]  }
0x2d8: {  	p2 =	por p2, p4;
	s3 =	sshra.s32 @!p5 s19, $0x2;
	s19 =	sld [smem:$0x7E6]  }
0x2d9: {  	s15 =	sadd.s32 @!p0 $0x9400, s6;
	s6 =	simm.s32 @!p2 $0xB;
	[sflag:s5] =	ssyncset.done @!p3 $0x0  }
0x2da: {  	s9 =	rddreg [dreg:$0x9];
	[sflag:s5] =	ssyncadd.s32 @!p3 $0xFFFFF000;
	p1 =	seq.s32 s13, $0x1  }
0x2db: {  	p3 =	seq.s32 @!p5 s14, $0x0;
	s21 =	simm.s32 @!p1 $0xC;
	p1 =	seq.s32 s19, $0x1  }
0x2dc: {  	[tilespmem:s9], [sflag:$0x2] =	stream.indirect.gather @!p1 [hbm4b:s29+s17], $0x20, s2, s17, $0x2000b8;
	[tilespmem:$0x1A8C0] =	vst v63  }
0x2dd: {  	p1 =	por p3, p5;
	_ =	swait.ge @!p2 [sflag:s6], $0x1000  }
0x2de: {  	s7 =	sshll.u32 @!p0 s7, $0x9;
	s2 =	simm.s32 @!p1 $0x0;
	s13 =	sld [smem:$0x7DB]  }
0x2df: {  	s0 =	simm.s32 @!p4 $0x80;
	s2 =	simm.s32 @p1 $0x1;
	s19 =	sld [smem:$0x7DC]  }
0x2e0: {  	s5 =	simm.s32 @!p4 $0x11200;
	[sflag:s6] =	ssyncset.done @!p2 $0x0;
	[smem:$0x7E4] =	sst s2  }
0x2e1: {  	s2 =	sadd.s32 @!p0 $0xA00, s7;
	[sflag:s6] =	ssyncadd.s32 @!p2 $0xFFFFF000;
	s7 =	sld [smem:$0x7DD]  }
0x2e2: {  	[tilespmem:s5], [sflag:$0x3] =	stream.indirect.gather @!p4 [hbm4b:s29+s0], $0x20, s1, s0, $0x2000b8;
	[tilespmem:$0x1A8C0] =	vst v63  }
0x2e3: {  	s31 =	simm.s32 @!p6 $0x80;
	s2 =	sshra.s32 @!p0 s2, $0x2;
	s1 =	simm.s32 @!p0 $0x0  }
0x2e4: {  	p1 =	seq.s32 s13, $0x1;
	p3 =	seq.s32 s19, $0x1;
	p2 =	seq.s32 s7, $0x1  }
0x2e5: {  	s1 =	simm.s32 @p0 $0x1;
	p3 =	por p3, p6;
	_ =	swait.ge @!p2 [sflag:s21], $0x1000  }
0x2e6: {  	s13 =	simm.s32 @!p1 $0x80;
	s19 =	simm.s32 @!p3 $0xD;
	[smem:$0x7E5] =	sst s1  }
0x2e7: {  	s1 =	sadd.s32 @!p0 $0xC300, s2;
	[sflag:s21] =	ssyncset.done @!p2 $0x0;
	s9 =	sld [smem:$0x7E6]  }
0x2e8: {  	[dreg:$0xb] =	wrdreg s1;
	s1 =	sadd.s32 @!p5 $0xC00, s20;
	[sflag:s21] =	ssyncadd.s32 @!p2 $0xFFFFF000  }
0x2e9: {  	[tilespmem:s28], [sflag:$0x4] =	stream.indirect.gather @!p1 [hbm4b:s29+s13], $0x20, s11, s13, $0x2000b8;
	[tilespmem:$0x1A8C0] =	vst v63  }
0x2ea: {  	s20 =	rddreg [dreg:$0xe];
	s11 =	sshll.u32 @!p4 s12, $0x9;
	_ =	swait.ge @!p3 [sflag:s19], $0x1000  }
0x2eb: {  	s6 =	sshll.u32 @!p6 s8, $0x9;
	s12 =	sadd.s32 @!p4 $0x400, s11;
	s11 =	sld [smem:$0x7DE]  }
0x2ec: {  	s8 =	simm.s32 @!p6 $0x13200;
	p0 =	por p6, p6;
	p6 =	seq.s32 s9, $0x1  }
0x2ed: {  	s7 =	sshra.s32 @!p5 s1, $0x2;
	p2 =	por p6, p6  }
0x2ee: {  	s1 =	sadd.s32 @!p6 $0xC300, s18;
	p6 =	por p1, p1;
	p1 =	seq.s32 s11, $0x1  }
.Ltmp10:
0x2ef: {  	s2 =	simm.s32 @!p5 $0x0;
	(pc) =	sbr.rel @p1 .LBB2_16-.Ltmp10, $4  }
0x2f0: {  	s2 =	simm.s32 @p5 $0x1  }
0x2f1: {  	s3 =	sadd.s32 @!p5 $0x9400, s3;
	[smem:$0x7E8] =	sst s2;
	s2 =	simm.s32 @!p4 $0x0  }
0x2f2: {  	s21 =	smov.u32 s29;
	s29 =	sadd.s32 @!p5 $0xC300, s7;
	s2 =	simm.s32 @p4 $0x1  }
0x2f3: {  	[sflag:s19] =	ssyncset.done @!p3 $0x0;
	s18 =	sadd.s32 @!p0 $0x800, s6;
	[smem:$0x7E7] =	sst s2  }
.LBB2_17:
0x2f4: {  	s2 =	simm.s32 @!p2 $0x0;
	s10 =	sld [smem:$0x7E3]  }
0x2f5: {  	[sflag:s19] =	ssyncadd.s32 @!p3 $0xFFFFF000;
	s2 =	simm.s32 @p2 $0x1;
	p2 =	por p0, p0  }
0x2f6: {  	[tilespmem:s8], [sflag:$0x5] =	stream.indirect.gather @!p2 [hbm4b:s21+s31], $0x20, s30, s31, $0x2000b8;
	[tilespmem:$0x1A8C0] =	vst v63  }
0x2f7: {  	[smem:$0x7E6] =	sst s2;
	p0 =	seq.s32 s10, $0x1  }
0x2f8: {  	_ =	swait.ge @!p0 [sflag:s26], $0x1000  }
0x2f9: {  	s11 =	sld [smem:$0x7E5]  }
0x2fa: {  	s14 =	sld [smem:$0x7E4];
	_ =	sdelay $0x1  }
0x2fb: {  	[sflag:s26] =	ssyncset.done @!p0 $0x0  }
0x2fc: {  	[sflag:s26] =	ssyncadd.s32 @!p0 $0xFFFFF000;
	p5 =	seq.s32 s11, $0x1;
	p3 =	seq.s32 s14, $0x1  }
0x2fd: {  	s6 =	simm.s32 @!p5 $0x80;
	s7 =	simm.s32 @!p5 $0x14200;
	s10 =	simm.s32 @!p3 $0xF  }
0x2fe: {  	[tilespmem:s7], [sflag:$0x6] =	stream.indirect.gather @!p5 [hbm4b:s21+s6], $0x20, s15, s6, $0x2000b8;
	[tilespmem:$0x1A8C0] =	vst v63  }
0x2ff: {  	_ =	swait.ge @!p3 [sflag:s10], $0x1000  }
0x300: {  	s15 =	sld [smem:$0x7E9]  }
0x301: {  	s19 =	sld [smem:$0x7E8]  }
0x302: {  	s24 =	sld [smem:$0x7EA];
	_ =	sdelay $0x1  }
0x303: {  	[sflag:s10] =	ssyncset.done @!p3 $0x0;
	p1 =	seq.s32 s15, $0x1  }
0x304: {  	p0 =	seq.s32 s19, $0x1;
	p4 =	seq.s32 s24, $0x1;
	p1 =	por p1, p1  }
0x305: {  	[sflag:s10] =	ssyncadd.s32 @!p3 $0xFFFFF000;
	p3 =	por p0, p0;
	p0 =	por p4, p1  }
0x306: {  	s10 =	simm.s32 @!p3 $0x80;
	s14 =	simm.s32 @!p3 $0x15200;
	s11 =	simm.s32 @!p0 $0x10  }
0x307: {  	[tilespmem:s14], [sflag:$0x7] =	stream.indirect.gather @!p3 [hbm4b:s21+s10], $0x20, s3, s10, $0x2000b8;
	[tilespmem:$0x1A8C0] =	vst v63  }
0x308: {  	_ =	swait.ge @!p0 [sflag:s11], $0x1000  }
0x309: {  	[sflag:s11] =	ssyncset.done @!p0 $0x0;
	s25 =	sld [smem:$0x7E1]  }
0x30a: {  	s3 =	simm.s32 @!p1 $0x16200;
	[sflag:s11] =	ssyncadd.s32 @!p0 $0xFFFFF000;
	s11 =	simm.s32 @!p1 $0x80  }
0x30b: {  	[tilespmem:s3], [sflag:$0x8] =	stream.indirect.gather @!p1 [hbm4b:s21+s11], $0x20, s20, s11, $0x2000b8;
	[tilespmem:$0x1A8C0] =	vst v63  }
0x30c: {  	p4 =	seq.s32 s25, $0x1  }
0x30d: {  	p0 =	por p4, p4  }
0x30e: {  	s15 =	simm.s32 @!p0 $0x1  }
0x30f: {  	_ =	swait.ge @!p0 [sflag:s15], $0x1000  }
0x310: {  	s2 =	rddreg [dreg:$0xa]  }
0x311: {  	s9 =	rddreg [dreg:$0xd]  }
0x312: {  	[sflag:s15] =	ssyncset.done @!p0 $0x0;
	s26 =	sld [smem:$0x7E6]  }
0x313: {  	[sflag:s15] =	ssyncadd.s32 @!p0 $0xFFFFF000;
	s15 =	rddreg [dreg:$0x8]  }
0x314: {  	[spmem:s22] =	stream.indirect.scatter.add.f32 @!p0 [tilespmem:s15], [sflag:$0x9], $0x20, s2, s9, $0x2000b8;
	[tilespmem:$0x1A8C0] =	vst v63  }
0x315: {  	p4 =	seq.s32 s26, $0x1  }
0x316: {  	p0 =	por p4, p4  }
0x317: {  	s15 =	simm.s32 @!p0 $0x2  }
0x318: {  	_ =	swait.ge @!p0 [sflag:s15], $0x1000  }
0x319: {  	[sflag:s15] =	ssyncset.done @!p0 $0x0;
	s30 =	sld [smem:$0x7E7]  }
0x31a: {  	s9 =	rddreg [dreg:$0x9];
	[sflag:s15] =	ssyncadd.s32 @!p0 $0xFFFFF000  }
0x31b: {  	[spmem:s22] =	stream.indirect.scatter.add.f32 @!p0 [tilespmem:s9], [sflag:$0xA], $0x20, s1, s17, $0x2000b8;
	[tilespmem:$0x1A8C0] =	vst v63  }
0x31c: {  	p4 =	seq.s32 s30, $0x1  }
0x31d: {  	p0 =	por p4, p4  }
0x31e: {  	s1 =	simm.s32 @!p0 $0x3  }
0x31f: {  	_ =	swait.ge @!p0 [sflag:s1], $0x1000  }
0x320: {  	s9 =	sshra.s32 @!p0 s12, $0x2;
	[sflag:s1] =	ssyncset.done @!p0 $0x0  }
0x321: {  	[sflag:s1] =	ssyncadd.s32 @!p0 $0xFFFFF000;
	s1 =	sadd.s32 @!p0 $0xC300, s9  }
0x322: {  	[spmem:s22] =	stream.indirect.scatter.add.f32 @!p0 [tilespmem:s5], [sflag:$0xB], $0x20, s1, s0, $0x2000b8;
	[tilespmem:$0x1A8C0] =	vst v63  }
0x323: {  	p0 =	por p6, p6  }
0x324: {  	s1 =	sshll.u32 @!p6 s4, $0x9;
	s4 =	simm.s32 @!p0 $0x4  }
0x325: {  	s1 =	sadd.s32 @!p6 $0x600, s1;
	_ =	swait.ge @!p0 [sflag:s4], $0x1000  }
0x326: {  	s1 =	sshra.s32 @!p6 s1, $0x2;
	[sflag:s4] =	ssyncset.done @!p0 $0x0  }
0x327: {  	s0 =	simm.s32 @!p2 $0x5;
	s1 =	sadd.s32 @!p0 $0xC300, s1;
	[sflag:s4] =	ssyncadd.s32 @!p0 $0xFFFFF000  }
0x328: {  	[spmem:s22] =	stream.indirect.scatter.add.f32 @!p0 [tilespmem:s28], [sflag:$0xC], $0x20, s1, s13, $0x2000b8;
	[tilespmem:$0x1A8C0] =	vst v63  }
0x329: {  	_ =	swait.ge @!p2 [sflag:s0], $0x1000  }
0x32a: {  	s1 =	sshra.s32 @!p2 s18, $0x2;
	[sflag:s0] =	ssyncset.done @!p2 $0x0  }
0x32b: {  	[sflag:s0] =	ssyncadd.s32 @!p2 $0xFFFFF000;
	s0 =	sadd.s32 @!p2 $0xC300, s1  }
0x32c: {  	[spmem:s22] =	stream.indirect.scatter.add.f32 @!p2 [tilespmem:s8], [sflag:$0xD], $0x20, s0, s31, $0x2000b8;
	[tilespmem:$0x1A8C0] =	vst v63  }
0x32d: {  	s0 =	simm.s32 @!p5 $0x6  }
0x32e: {  	_ =	swait.ge @!p5 [sflag:s0], $0x1000  }
0x32f: {  	[sflag:s0] =	ssyncset.done @!p5 $0x0  }
0x330: {  	[sflag:s0] =	ssyncadd.s32 @!p5 $0xFFFFF000;
	s0 =	rddreg [dreg:$0xb]  }
0x331: {  	[spmem:s22] =	stream.indirect.scatter.add.f32 @!p5 [tilespmem:s7], [sflag:$0xE], $0x20, s0, s6, $0x2000b8;
	[tilespmem:$0x1A8C0] =	vst v63  }
0x332: {  	s0 =	simm.s32 @!p3 $0x7  }
0x333: {  	_ =	swait.ge @!p3 [sflag:s0], $0x1000  }
0x334: {  	[sflag:s0] =	ssyncset.done @!p3 $0x0  }
0x335: {  	s1 =	simm.s32 @!p1 $0x8;
	[sflag:s0] =	ssyncadd.s32 @!p3 $0xFFFFF000;
	s0 =	sshll.u32 @!p1 s16, $0x9  }
0x336: {  	[spmem:s22] =	stream.indirect.scatter.add.f32 @!p3 [tilespmem:s14], [sflag:$0xF], $0x20, s29, s10, $0x2000b8;
	[tilespmem:$0x1A8C0] =	vst v63  }
0x337: {  	s12 =	simm.s32 $0xC300;
	s0 =	sadd.s32 @!p1 $0xE00, s0;
	_ =	swait.ge @!p1 [sflag:s1], $0x1000  }
0x338: {  	s13 =	simm.s32 $0x1A8B0;
	s0 =	sshra.s32 @!p1 s0, $0x2;
	[sflag:s1] =	ssyncset.done @!p1 $0x0  }
0x339: {  	s0 =	sadd.s32 @!p1 $0xC300, s0;
	s2 =	sld [smem:$0x7DF];
	[sflag:s1] =	ssyncadd.s32 @!p1 $0xFFFFF000  }
0x33a: {  	[spmem:s22] =	stream.indirect.scatter.add.f32 @!p1 [tilespmem:s3], [sflag:$0x10], $0x20, s0, s11, $0x2000b8;
	[tilespmem:$0x1A8C0] =	vst v63  }
0x33b: {  	s8 =	simm.s32 $0x11;
	s11 =	simm.s32 $0x17200;
	s3 =	sld [smem:$0x7E0]  }
.LBB2_18:
0x33c: {  	p0 =	slt.s32 s23, $0x1  }
0x33d: {  	s0 =	simm.s32 @!p0 $0x9  }
0x33e: {  	p1 =	seq.s32 @!p0 s23, $0x1;
	_ =	swait.ge @!p0 [sflag:s0], $0x1000  }
0x33f: {  	p1 =	por p0, p1;
	[sflag:s0] =	ssyncset.done @!p0 $0x0  }
0x340: {  	[sflag:s0] =	ssyncadd.s32 @!p0 $0xFFFFF000;
	p0 =	slt.u32 @!p1 s23, $0x3  }
0x341: {  	p0 =	por p1, p0  }
.Ltmp11:
0x342: {  	_ = 	snop;
	(pc) =	sbr.rel @p0 .LBB2_20-.Ltmp11, $4  }
0x343: {  	s0 =	simm.s32 @!p1 $0xA  }
0x344: {  	_ =	swait.ge @!p1 [sflag:s0], $0x1000  }
0x345: {  	[sflag:s0] =	ssyncset.done @!p1 $0x0  }
0x346: {  	[sflag:s0] =	ssyncadd.s32 @!p1 $0xFFFFF000  }
0x347: {  	p0 =	seq.s32 s23, $0x3  }
0x348: {  	p1 =	slt.u32 @!p0 s23, $0x5  }
0x349: {  	s0 =	simm.s32 $0xB;
	p2 =	por p1, p0  }
0x34a: {  	_ =	swait.ge [sflag:s0], $0x1000;
	p3 =	seq.s32 @!p2 s23, $0x5  }
0x34b: {  	[sflag:s0] =	ssyncset.done $0x0;
	s1 =	simm.s32 @!p3 $0x0;
	p4 =	por @!p0 p3, p1  }
0x34c: {  	[sflag:s0] =	ssyncadd.s32 $0xFFFFF000;
	s1 =	simm.s32 @p3 $0x1;
	p4 =	por p4, p0  }
0x34d: {  	s0 =	simm.s32 @!p0 $0xC;
	[smem:$0x7CB] =	sst s1;
	p5 =	slt.u32 @!p4 s23, $0x7  }
0x34e: {  	_ =	swait.ge @!p0 [sflag:s0], $0x1000;
	s1 =	simm.s32 @!p5 $0x0  }
0x34f: {  	[sflag:s0] =	ssyncset.done @!p0 $0x0;
	s1 =	simm.s32 @p5 $0x1  }
0x350: {  	[sflag:s0] =	ssyncadd.s32 @!p0 $0xFFFFF000;
	s0 =	simm.s32 @!p2 $0xD;
	[smem:$0x7CA] =	sst s1  }
0x351: {  	_ =	swait.ge @!p2 [sflag:s0], $0x1000  }
0x352: {  	[sflag:s0] =	ssyncset.done @!p2 $0x0  }
0x353: {  	[sflag:s0] =	ssyncadd.s32 @!p2 $0xFFFFF000;
	s0 =	simm.s32 @!p4 $0xE  }
0x354: {  	_ =	swait.ge @!p4 [sflag:s0], $0x1000  }
0x355: {  	p6 =	por @!p2 p5, p3;
	s30 =	sld [smem:$0x7CA]  }
0x356: {  	p6 =	por @!p0 p6, p1;
	s31 =	sld [smem:$0x7CB]  }
0x357: {  	p6 =	por p6, p0  }
0x358: {  	p5 =	seq.s32 @!p6 s23, $0x7;
	p3 =	seq.s32 s30, $0x1  }
0x359: {  	[sflag:s0] =	ssyncset.done @!p4 $0x0;
	p5 =	por @!p4 p5, p3;
	p3 =	seq.s32 s31, $0x1  }
0x35a: {  	[sflag:s0] =	ssyncadd.s32 @!p4 $0xFFFFF000;
	s0 =	simm.s32 @!p6 $0xF;
	p2 =	por @!p2 p5, p3  }
0x35b: {  	_ =	swait.ge @!p6 [sflag:s0], $0x1000;
	p1 =	por @!p0 p2, p1  }
0x35c: {  	[sflag:s0] =	ssyncset.done @!p6 $0x0;
	p0 =	por p1, p0  }
0x35d: {  	[sflag:s0] =	ssyncadd.s32 @!p6 $0xFFFFF000;
	s0 =	simm.s32 @!p0 $0x10  }
0x35e: {  	_ =	swait.ge @!p0 [sflag:s0], $0x1000  }
0x35f: {  	[sflag:s0] =	ssyncset.done @!p0 $0x0  }
0x360: {  	[sflag:s0] =	ssyncadd.s32 @!p0 $0xFFFFF000  }
.LBB2_20:
0x361: {  	p0 =	seq.s32 s3, $0x6  }
.Ltmp12:
0x362: {  	_ = 	snop;
	(pc) =	sbr.rel @p0 .LBB2_24-.Ltmp12, $4  }
0x363: {  	_ = 	snop  }
0x364: {  	_ =	strace $0x9000004C  }
0x365: {  	[bflag:$0x0] =	sbarrier.arrive $0xFFFF  }
0x366: {  	_ =	strace $0x8000004D  }
0x367: {  	s1 =	sld [smem:$0x7EE]  }
0x368: {  	s0 =	smul.u32 $0x4E2, s3;
	_ =	sdelay $0x1  }
0x369: {  	s9 =	sadd.s32 s1, s0  }
0x36a: {  	s0 =	sshll.u32 s9, $0x5  }
0x36b: {  	s0 =	sand.u32 $0x3FFFFFE0, s0  }
0x36c: {  	s0 =	sadd.s32 s0, s22  }
0x36d: {  	[tilespmem:s11], [sflag:$0x11] =	stream.linear.gather [spmem:s0], $0xA00, $0x200038;
	[tilespmem:$0x1A8C0] =	vst v63  }
0x36e: {  	_ =	swait.ge [sflag:s8], $0xA00  }
0x36f: {  	[sflag:s8] =	ssyncset.done $0x0  }
0x370: {  	s10 =	simm.s32 $0x8;
	v15 =	vmov s2;
	s0 =	simm.s32 $0x17280;
	[sflag:s8] =	ssyncadd.s32 $0xFFFFF600  }
.LBB2_22:
0x371: {  	v17 =	vld [tilespmem:s0+$0xFFFFFF80];
	_ =	sdelay $0x4  }
0x372: {  	v16 =	vsub.f32 $0.0e+00, v17;
	_ =	sdelay $0x1  }
0x373: {  	v16 =	vmul.f32 $1.442695020e+00, v16;
	_ =	sdelay $0x1  }
0x374: {  	(erf) = vpow2.f32 v16;
	_ =	sdelay $0x5  }
0x375: {  	v18 =	vld [tilespmem:s0+$0xFFFFFF90];
	_ =	sdelay $0x2  }
0x376: {  	v16 =	vpop (erf)  }
0x377: {  	v19 =	vmul.f32 v16, v16  }
0x378: {  	v20 =	vsub.f32 $0.0e+00, v18;
	v16 =	vadd.f32 $1.000000000e+00, v16  }
0x379: {  	v19 =	vadd.f32 $1.000000000e+00, v19  }
0x37a: {  	(erf) = vrcp.f32 v16;
	v16 =	vmul.f32 $1.442695020e+00, v20  }
0x37b: {  	(erf) = vrcp.f32 v19  }
0x37c: {  	(erf) = vpow2.f32 v16;
	_ =	sdelay $0x6  }
0x37d: {  	v43 =	vpop (erf)  }
0x37e: {  	v44 =	vpop (erf)  }
0x37f: {  	v16 =	vpop (erf)  }
0x380: {  	v21 =	vmul.f32 v16, v16;
	v16 =	vadd.f32 $1.000000000e+00, v16  }
0x381: {  	s1 =	sshra.s32 s10, $0x2  }
0x382: {  	(erf) = vrcp.f32 v16;
	v16 =	vld.idx.msk [tilespmem:v15+s1+$0x0 ss:$0x1], $0xffff  }
0x383: {  	v21 =	vadd.f32 $1.000000000e+00, v21;
	_ =	sdelay $0x1  }
0x384: {  	(erf) = vrcp.f32 v21;
	_ =	sdelay $0x1  }
0x385: {  	v20 =	vadd.f32 v44, v44;
	v45 =	vbroadcast v16, $0x0;
	_ =	sdelay $0x1  }
0x386: {  	v20 =	vadd.f32 $-1.000000000e+00, v20;
	vm0 =	veq.s32 v45, $0x1  }
0x387: {  	vm1 =	veq.s32 v45, $0x2;
	v19 =	vsel vm0, v43, v17;
	v17 =	vmax.f32 v17, $0.0e+00  }
0x388: {  	vm2 =	veq.s32 v45, $0x3;
	v17 =	vsel vm1, v17, v19  }
0x389: {  	v17 =	vsel vm2, v20, v17  }
0x38a: {  	v22 =	vpop (erf);
	v17 =	vmul.f32 v17, v14  }
0x38b: {  	v23 =	vpop (erf)  }
0x38c: {  	v23 =	vadd.f32 v23, v23;
	[tilespmem:s0+$0xFFFFFF80] =	vst v17;
	v17 =	vld [tilespmem:s0+$0xFFFFFFA0];
	_ =	sdelay $0x1  }
0x38d: {  	v47 =	vmax.f32 v18, $0.0e+00;
	v18 =	vsel vm0, v22, v18;
	v46 =	vadd.f32 $-1.000000000e+00, v23  }
0x38e: {  	v18 =	vsel vm1, v47, v18  }
0x38f: {  	v18 =	vsel vm2, v46, v18  }
0x390: {  	v18 =	vmul.f32 v18, v14;
	v48 =	vsub.f32 $0.0e+00, v17;
	_ =	sdelay $0x1  }
0x391: {  	[tilespmem:s0+$0xFFFFFF90] =	vst v18;
	v18 =	vmul.f32 $1.442695020e+00, v48;
	_ =	sdelay $0x1  }
0x392: {  	(erf) = vpow2.f32 v18;
	_ =	sdelay $0x5  }
0x393: {  	v49 =	vld [tilespmem:s0+$0xFFFFFFB0];
	_ =	sdelay $0x2  }
0x394: {  	v50 =	vpop (erf)  }
0x395: {  	v51 =	vmul.f32 v50, v50  }
0x396: {  	v52 =	vsub.f32 $0.0e+00, v49;
	v19 =	vadd.f32 $1.000000000e+00, v50  }
0x397: {  	v20 =	vadd.f32 $1.000000000e+00, v51  }
0x398: {  	v53 =	vmul.f32 $1.442695020e+00, v52;
	(erf) = vrcp.f32 v19  }
0x399: {  	(erf) = vrcp.f32 v20  }
0x39a: {  	(erf) = vpow2.f32 v53;
	_ =	sdelay $0x6  }
0x39b: {  	v54 =	vpop (erf)  }
0x39c: {  	v20 =	vpop (erf)  }
0x39d: {  	v55 =	vpop (erf)  }
0x39e: {  	v56 =	vmul.f32 v55, v55  }
0x39f: {  	v21 =	vadd.f32 $1.000000000e+00, v55  }
0x3a0: {  	v22 =	vadd.f32 $1.000000000e+00, v56  }
0x3a1: {  	(erf) = vrcp.f32 v21  }
0x3a2: {  	(erf) = vrcp.f32 v22;
	_ =	sdelay $0x1  }
0x3a3: {  	v57 =	vbroadcast v16, $0x1  }
0x3a4: {  	v20 =	vadd.f32 v20, v20  }
0x3a5: {  	vm7 =	veq.s32 v57, $0x1;
	vm8 =	veq.s32 v57, $0x2  }
0x3a6: {  	v19 =	vsel vm7, v54, v17;
	v17 =	vmax.f32 v17, $0.0e+00;
	v20 =	vadd.f32 $-1.000000000e+00, v20  }
0x3a7: {  	vm9 =	veq.s32 v57, $0x3;
	v17 =	vsel vm8, v17, v19  }
0x3a8: {  	v17 =	vsel vm9, v20, v17  }
0x3a9: {  	v17 =	vmul.f32 v17, v14;
	v58 =	vpop (erf)  }
0x3aa: {  	v59 =	vpop (erf)  }
0x3ab: {  	[tilespmem:s0+$0xFFFFFFA0] =	vst v17;
	v17 =	vld [tilespmem:s0+$0xFFFFFFC0];
	v23 =	vadd.f32 v59, v59;
	_ =	sdelay $0x1  }
0x3ac: {  	v61 =	vmax.f32 v49, $0.0e+00;
	v18 =	vsel vm7, v58, v49;
	v60 =	vadd.f32 $-1.000000000e+00, v23  }
0x3ad: {  	v18 =	vsel vm8, v61, v18  }
0x3ae: {  	v18 =	vsel vm9, v60, v18  }
0x3af: {  	v62 =	vsub.f32 $0.0e+00, v17;
	v18 =	vmul.f32 v18, v14;
	_ =	sdelay $0x1  }
0x3b0: {  	[tilespmem:s0+$0xFFFFFFB0] =	vst v18;
	v18 =	vmul.f32 $1.442695020e+00, v62;
	_ =	sdelay $0x1  }
0x3b1: {  	(erf) = vpow2.f32 v18;
	_ =	sdelay $0x5  }
0x3b2: {  	v63 =	vld [tilespmem:s0+$0xFFFFFFD0];
	_ =	sdelay $0x2  }
0x3b3: {  	v24 =	vpop (erf)  }
0x3b4: {  	v25 =	vmul.f32 v24, v24  }
0x3b5: {  	v26 =	vsub.f32 $0.0e+00, v63;
	v19 =	vadd.f32 $1.000000000e+00, v24  }
0x3b6: {  	v20 =	vadd.f32 $1.000000000e+00, v25  }
0x3b7: {  	v27 =	vmul.f32 $1.442695020e+00, v26;
	(erf) = vrcp.f32 v19  }
0x3b8: {  	(erf) = vrcp.f32 v20  }
0x3b9: {  	(erf) = vpow2.f32 v27;
	_ =	sdelay $0x6  }
0x3ba: {  	v28 =	vpop (erf)  }
0x3bb: {  	v20 =	vpop (erf)  }
0x3bc: {  	v29 =	vpop (erf)  }
0x3bd: {  	v30 =	vmul.f32 v29, v29  }
0x3be: {  	v21 =	vadd.f32 $1.000000000e+00, v29  }
0x3bf: {  	v22 =	vadd.f32 $1.000000000e+00, v30  }
0x3c0: {  	(erf) = vrcp.f32 v21  }
0x3c1: {  	(erf) = vrcp.f32 v22;
	_ =	sdelay $0x1  }
0x3c2: {  	v31 =	vbroadcast v16, $0x2  }
0x3c3: {  	v20 =	vadd.f32 v20, v20  }
0x3c4: {  	vm10 =	veq.s32 v31, $0x1;
	vm11 =	veq.s32 v31, $0x2  }
0x3c5: {  	v19 =	vsel vm10, v28, v17;
	v17 =	vmax.f32 v17, $0.0e+00;
	v20 =	vadd.f32 $-1.000000000e+00, v20  }
0x3c6: {  	vm12 =	veq.s32 v31, $0x3;
	v17 =	vsel vm11, v17, v19  }
0x3c7: {  	v17 =	vsel vm12, v20, v17  }
0x3c8: {  	v17 =	vmul.f32 v17, v14;
	v32 =	vpop (erf)  }
0x3c9: {  	v33 =	vpop (erf)  }
0x3ca: {  	[tilespmem:s0+$0xFFFFFFC0] =	vst v17;
	v17 =	vld [tilespmem:s0+$0xFFFFFFE0];
	v23 =	vadd.f32 v33, v33;
	_ =	sdelay $0x1  }
0x3cb: {  	v35 =	vmax.f32 v63, $0.0e+00;
	v18 =	vsel vm10, v32, v63;
	v34 =	vadd.f32 $-1.000000000e+00, v23  }
0x3cc: {  	v18 =	vsel vm11, v35, v18  }
0x3cd: {  	v18 =	vsel vm12, v34, v18  }
0x3ce: {  	v36 =	vsub.f32 $0.0e+00, v17;
	v18 =	vmul.f32 v18, v14;
	_ =	sdelay $0x1  }
0x3cf: {  	[tilespmem:s0+$0xFFFFFFD0] =	vst v18;
	v18 =	vmul.f32 $1.442695020e+00, v36;
	_ =	sdelay $0x1  }
0x3d0: {  	(erf) = vpow2.f32 v18;
	_ =	sdelay $0x5  }
0x3d1: {  	v37 =	vld [tilespmem:s0+$0xFFFFFFF0];
	_ =	sdelay $0x2  }
0x3d2: {  	v38 =	vpop (erf)  }
0x3d3: {  	v39 =	vmul.f32 v38, v38  }
0x3d4: {  	v40 =	vsub.f32 $0.0e+00, v37;
	v19 =	vadd.f32 $1.000000000e+00, v38  }
0x3d5: {  	v20 =	vadd.f32 $1.000000000e+00, v39  }
0x3d6: {  	v41 =	vmul.f32 $1.442695020e+00, v40;
	(erf) = vrcp.f32 v19  }
0x3d7: {  	(erf) = vrcp.f32 v20  }
0x3d8: {  	(erf) = vpow2.f32 v41;
	_ =	sdelay $0x6  }
0x3d9: {  	v42 =	vpop (erf)  }
0x3da: {  	v20 =	vpop (erf)  }
0x3db: {  	v43 =	vpop (erf)  }
0x3dc: {  	v44 =	vmul.f32 v43, v43  }
0x3dd: {  	v21 =	vadd.f32 $1.000000000e+00, v43  }
0x3de: {  	v22 =	vadd.f32 $1.000000000e+00, v44  }
0x3df: {  	(erf) = vrcp.f32 v21  }
0x3e0: {  	(erf) = vrcp.f32 v22;
	_ =	sdelay $0x1  }
0x3e1: {  	v45 =	vbroadcast v16, $0x3  }
0x3e2: {  	v20 =	vadd.f32 v20, v20  }
0x3e3: {  	vm13 =	veq.s32 v45, $0x1;
	vm14 =	veq.s32 v45, $0x2  }
0x3e4: {  	v19 =	vsel vm13, v42, v17;
	v17 =	vmax.f32 v17, $0.0e+00;
	v20 =	vadd.f32 $-1.000000000e+00, v20  }
0x3e5: {  	vm15 =	veq.s32 v45, $0x3;
	v17 =	vsel vm14, v17, v19  }
0x3e6: {  	v17 =	vsel vm15, v20, v17  }
0x3e7: {  	v17 =	vmul.f32 v17, v14;
	v46 =	vpop (erf)  }
0x3e8: {  	v47 =	vpop (erf)  }
0x3e9: {  	[tilespmem:s0+$0xFFFFFFE0] =	vst v17;
	v17 =	vld [tilespmem:s0+$0x0];
	v23 =	vadd.f32 v47, v47;
	_ =	sdelay $0x1  }
0x3ea: {  	v49 =	vmax.f32 v37, $0.0e+00;
	v18 =	vsel vm13, v46, v37;
	v48 =	vadd.f32 $-1.000000000e+00, v23  }
0x3eb: {  	v18 =	vsel vm14, v49, v18  }
0x3ec: {  	v18 =	vsel vm15, v48, v18  }
0x3ed: {  	v50 =	vsub.f32 $0.0e+00, v17;
	v18 =	vmul.f32 v18, v14;
	_ =	sdelay $0x1  }
0x3ee: {  	[tilespmem:s0+$0xFFFFFFF0] =	vst v18;
	v18 =	vmul.f32 $1.442695020e+00, v50;
	_ =	sdelay $0x1  }
0x3ef: {  	(erf) = vpow2.f32 v18;
	_ =	sdelay $0x5  }
0x3f0: {  	v51 =	vld [tilespmem:s0+$0x10];
	_ =	sdelay $0x2  }
0x3f1: {  	v52 =	vpop (erf)  }
0x3f2: {  	v53 =	vmul.f32 v52, v52  }
0x3f3: {  	v54 =	vsub.f32 $0.0e+00, v51;
	v19 =	vadd.f32 $1.000000000e+00, v52  }
0x3f4: {  	v20 =	vadd.f32 $1.000000000e+00, v53  }
0x3f5: {  	v55 =	vmul.f32 $1.442695020e+00, v54;
	(erf) = vrcp.f32 v19  }
0x3f6: {  	(erf) = vrcp.f32 v20  }
0x3f7: {  	(erf) = vpow2.f32 v55;
	_ =	sdelay $0x6  }
0x3f8: {  	v56 =	vpop (erf)  }
0x3f9: {  	v20 =	vpop (erf)  }
0x3fa: {  	v57 =	vpop (erf)  }
0x3fb: {  	v58 =	vmul.f32 v57, v57  }
0x3fc: {  	v21 =	vadd.f32 $1.000000000e+00, v57  }
0x3fd: {  	v22 =	vadd.f32 $1.000000000e+00, v58  }
0x3fe: {  	(erf) = vrcp.f32 v21  }
0x3ff: {  	(erf) = vrcp.f32 v22;
	_ =	sdelay $0x1  }
0x400: {  	v59 =	vbroadcast v16, $0x4  }
0x401: {  	v20 =	vadd.f32 v20, v20  }
0x402: {  	vm4 =	veq.s32 v59, $0x1;
	vm5 =	veq.s32 v59, $0x2  }
0x403: {  	v19 =	vsel vm4, v56, v17;
	v17 =	vmax.f32 v17, $0.0e+00;
	v20 =	vadd.f32 $-1.000000000e+00, v20  }
0x404: {  	vm6 =	veq.s32 v59, $0x3;
	v17 =	vsel vm5, v17, v19  }
0x405: {  	v17 =	vsel vm6, v20, v17  }
0x406: {  	v17 =	vmul.f32 v17, v14;
	v60 =	vpop (erf)  }
0x407: {  	v61 =	vpop (erf)  }
0x408: {  	[tilespmem:s0+$0x0] =	vst v17;
	v17 =	vld [tilespmem:s0+$0x20];
	v23 =	vadd.f32 v61, v61;
	_ =	sdelay $0x1  }
0x409: {  	v63 =	vmax.f32 v51, $0.0e+00;
	v18 =	vsel vm4, v60, v51;
	v62 =	vadd.f32 $-1.000000000e+00, v23  }
0x40a: {  	v18 =	vsel vm5, v63, v18  }
0x40b: {  	v18 =	vsel vm6, v62, v18  }
0x40c: {  	v24 =	vsub.f32 $0.0e+00, v17;
	v18 =	vmul.f32 v18, v14;
	_ =	sdelay $0x1  }
0x40d: {  	[tilespmem:s0+$0x10] =	vst v18;
	v18 =	vmul.f32 $1.442695020e+00, v24;
	_ =	sdelay $0x1  }
0x40e: {  	(erf) = vpow2.f32 v18;
	_ =	sdelay $0x5  }
0x40f: {  	v25 =	vld [tilespmem:s0+$0x30];
	_ =	sdelay $0x2  }
0x410: {  	v26 =	vpop (erf)  }
0x411: {  	v27 =	vmul.f32 v26, v26  }
0x412: {  	v28 =	vsub.f32 $0.0e+00, v25;
	v19 =	vadd.f32 $1.000000000e+00, v26  }
0x413: {  	v20 =	vadd.f32 $1.000000000e+00, v27  }
0x414: {  	v29 =	vmul.f32 $1.442695020e+00, v28;
	(erf) = vrcp.f32 v19  }
0x415: {  	(erf) = vrcp.f32 v20  }
0x416: {  	(erf) = vpow2.f32 v29;
	_ =	sdelay $0x6  }
0x417: {  	v30 =	vpop (erf)  }
0x418: {  	v20 =	vpop (erf)  }
0x419: {  	v31 =	vpop (erf)  }
0x41a: {  	v32 =	vmul.f32 v31, v31  }
0x41b: {  	v21 =	vadd.f32 $1.000000000e+00, v31  }
0x41c: {  	v22 =	vadd.f32 $1.000000000e+00, v32  }
0x41d: {  	(erf) = vrcp.f32 v21  }
0x41e: {  	(erf) = vrcp.f32 v22;
	_ =	sdelay $0x1  }
0x41f: {  	v33 =	vbroadcast v16, $0x5  }
0x420: {  	v20 =	vadd.f32 v20, v20  }
0x421: {  	vm7 =	veq.s32 v33, $0x1;
	vm8 =	veq.s32 v33, $0x2  }
0x422: {  	v19 =	vsel vm7, v30, v17;
	v17 =	vmax.f32 v17, $0.0e+00;
	v20 =	vadd.f32 $-1.000000000e+00, v20  }
0x423: {  	vm9 =	veq.s32 v33, $0x3;
	v17 =	vsel vm8, v17, v19  }
0x424: {  	v17 =	vsel vm9, v20, v17  }
0x425: {  	v17 =	vmul.f32 v17, v14;
	v34 =	vpop (erf)  }
0x426: {  	v35 =	vpop (erf)  }
0x427: {  	[tilespmem:s0+$0x20] =	vst v17;
	v17 =	vld [tilespmem:s0+$0x40];
	v23 =	vadd.f32 v35, v35;
	_ =	sdelay $0x1  }
0x428: {  	v37 =	vmax.f32 v25, $0.0e+00;
	v18 =	vsel vm7, v34, v25;
	v36 =	vadd.f32 $-1.000000000e+00, v23  }
0x429: {  	v18 =	vsel vm8, v37, v18  }
0x42a: {  	v18 =	vsel vm9, v36, v18  }
0x42b: {  	v38 =	vsub.f32 $0.0e+00, v17;
	v18 =	vmul.f32 v18, v14;
	_ =	sdelay $0x1  }
0x42c: {  	[tilespmem:s0+$0x30] =	vst v18;
	v18 =	vmul.f32 $1.442695020e+00, v38;
	_ =	sdelay $0x1  }
0x42d: {  	(erf) = vpow2.f32 v18;
	_ =	sdelay $0x5  }
0x42e: {  	v39 =	vld [tilespmem:s0+$0x50];
	_ =	sdelay $0x2  }
0x42f: {  	v40 =	vpop (erf)  }
0x430: {  	v41 =	vmul.f32 v40, v40  }
0x431: {  	v42 =	vsub.f32 $0.0e+00, v39;
	v19 =	vadd.f32 $1.000000000e+00, v40  }
0x432: {  	v20 =	vadd.f32 $1.000000000e+00, v41  }
0x433: {  	v43 =	vmul.f32 $1.442695020e+00, v42;
	(erf) = vrcp.f32 v19  }
0x434: {  	(erf) = vrcp.f32 v20  }
0x435: {  	(erf) = vpow2.f32 v43;
	_ =	sdelay $0x6  }
0x436: {  	v44 =	vpop (erf)  }
0x437: {  	v20 =	vpop (erf)  }
0x438: {  	v45 =	vpop (erf)  }
0x439: {  	v46 =	vmul.f32 v45, v45  }
0x43a: {  	v21 =	vadd.f32 $1.000000000e+00, v45  }
0x43b: {  	v22 =	vadd.f32 $1.000000000e+00, v46  }
0x43c: {  	(erf) = vrcp.f32 v21  }
0x43d: {  	(erf) = vrcp.f32 v22;
	_ =	sdelay $0x1  }
0x43e: {  	v47 =	vbroadcast v16, $0x6  }
0x43f: {  	v20 =	vadd.f32 v20, v20  }
0x440: {  	vm10 =	veq.s32 v47, $0x1;
	vm11 =	veq.s32 v47, $0x2  }
0x441: {  	v19 =	vsel vm10, v44, v17;
	v17 =	vmax.f32 v17, $0.0e+00;
	v50 =	vadd.f32 $-1.000000000e+00, v20  }
0x442: {  	vm12 =	veq.s32 v47, $0x3;
	v17 =	vsel vm11, v17, v19  }
0x443: {  	v17 =	vsel vm12, v50, v17  }
0x444: {  	v17 =	vmul.f32 v17, v14;
	v48 =	vpop (erf)  }
0x445: {  	v49 =	vpop (erf)  }
0x446: {  	[tilespmem:s0+$0x40] =	vst v17;
	v17 =	vld [tilespmem:s0+$0x60];
	v23 =	vadd.f32 v49, v49;
	_ =	sdelay $0x1  }
0x447: {  	v18 =	vmax.f32 v39, $0.0e+00;
	v52 =	vsel vm10, v48, v39;
	v51 =	vadd.f32 $-1.000000000e+00, v23  }
0x448: {  	v18 =	vsel vm11, v18, v52  }
0x449: {  	v18 =	vsel vm12, v51, v18  }
0x44a: {  	v53 =	vsub.f32 $0.0e+00, v17;
	v18 =	vmul.f32 v18, v14;
	_ =	sdelay $0x1  }
0x44b: {  	[tilespmem:s0+$0x50] =	vst v18;
	v18 =	vmul.f32 $1.442695020e+00, v53;
	_ =	sdelay $0x1  }
0x44c: {  	(erf) = vpow2.f32 v18;
	_ =	sdelay $0x5  }
0x44d: {  	v54 =	vld [tilespmem:s0+$0x70];
	_ =	sdelay $0x2  }
0x44e: {  	v55 =	vpop (erf)  }
0x44f: {  	v56 =	vmul.f32 v55, v55  }
0x450: {  	v57 =	vsub.f32 $0.0e+00, v54;
	v19 =	vadd.f32 $1.000000000e+00, v55  }
0x451: {  	v20 =	vadd.f32 $1.000000000e+00, v56  }
0x452: {  	v58 =	vmul.f32 $1.442695020e+00, v57;
	(erf) = vrcp.f32 v19  }
0x453: {  	(erf) = vrcp.f32 v20  }
0x454: {  	(erf) = vpow2.f32 v58;
	_ =	sdelay $0x6  }
0x455: {  	v59 =	vpop (erf)  }
0x456: {  	v20 =	vpop (erf)  }
0x457: {  	v60 =	vpop (erf)  }
0x458: {  	v61 =	vmul.f32 v60, v60  }
0x459: {  	v21 =	vadd.f32 $1.000000000e+00, v60  }
0x45a: {  	v22 =	vadd.f32 $1.000000000e+00, v61  }
0x45b: {  	(erf) = vrcp.f32 v21  }
0x45c: {  	(erf) = vrcp.f32 v22;
	_ =	sdelay $0x6  }
0x45d: {  	v16 =	vbroadcast v16, $0x7  }
0x45e: {  	v21 =	vpop (erf)  }
0x45f: {  	vm13 =	veq.s32 v16, $0x1;
	vm14 =	veq.s32 v16, $0x2;
	v20 =	vadd.f32 v20, v20;
	v22 =	vpop (erf)  }
0x460: {  	vm15 =	veq.s32 v16, $0x3;
	v18 =	vmax.f32 v54, $0.0e+00;
	v22 =	vadd.f32 v22, v22  }
0x461: {  	v19 =	vsel vm13, v59, v17;
	v17 =	vmax.f32 v17, $0.0e+00;
	v62 =	vadd.f32 $-1.000000000e+00, v20  }
0x462: {  	p0 =	sne.s32 s10, $0x128;
	v17 =	vsel vm14, v17, v19;
	v63 =	vsel vm13, v21, v54;
	v16 =	vadd.f32 $-1.000000000e+00, v22  }
.Ltmp13:
0x463: {  	v17 =	vsel vm15, v62, v17;
	v18 =	vsel vm14, v18, v63;
	(pc) =	sbr.rel @p0 .LBB2_22-.Ltmp13, $4  }
0x464: {  	v17 =	vmul.f32 v17, v14;
	v16 =	vsel vm15, v16, v18  }
0x465: {  	v16 =	vmul.f32 v16, v14  }
0x466: {  	[tilespmem:s0+$0x60] =	vst v17  }
0x467: {  	s10 =	sadd.s32 $0x20, s10;
	[tilespmem:s0+$0x70] =	vst v16;
	s0 =	sadd.s32 $0x100, s0  }
0x468: {  	s1 =	sld [smem:$0x7EB];
	_ =	sdelay $0x1  }
0x469: {  	s0 =	sshll.u32 s9, $0x2  }
0x46a: {  	s31 =	simm.s32 $0x0;
	s0 =	sadd.s32 s0, s1  }
0x46b: {  	[hbm4b:s0+s31] =	stream.linear.scatter [tilespmem:s11], [sflag:$0x11], $0xA00, $0x200038;
	[tilespmem:$0x1A8C0] =	vst v63  }
0x46c: {  	_ =	swait.ge [sflag:s8], $0xA00  }
.Ltmp14:
0x46d: {  	[sflag:s8] =	ssyncset.done $0x0;
	(pc) =	sbr.rel .LBB2_14-.Ltmp14, $4  }
0x46e: {  	[sflag:s8] =	ssyncadd.s32 $0xFFFFF600  }
0x46f: {  	_ =	strace $0x9000004D  }
0x470: {  	[bflag:$0x0] =	sbarrier.arrive $0xFFFF  }
0x471: {  	s3 =	sadd.s32 $0x1, s3;
	s2 =	sadd.s32 $0x4E2, s2  }
.LBB2_25:
0x472: {  	_ =	sfence.sel $0x180000  }
0x473: {  	[bflag:$0x0] =	sbarrier.arrive $0xFFFF  }
0x474: {  	_ =	strace $0x90000047  }
0x475: {  	s0 =	stileid.u32;
	[bflag:$0x2] =	sbarrier.arrive $0xFFFF  }
0x476: {  	p0 =	sne.s32 s0, $0x0;
	s0 =	rddreg [dreg:$0x6]  }
0x477: {  	s0 =	sadd.s32 @!p0 $0x100000, s0  }
0x478: {  	[sflag:s0] =	ssyncadd.tile.s32 @!p0 $0x1;
	_ =	shalt  }
.Lfunc_end2:
_tile_overlayer_lowered:
.L_overlay_start_2:
0x479: {  	(tag) =	ssettag $0x2  }
0x47a: {  	s0 =	rddreg [dreg:$0x0];
	s2 =	stileid.u32  }
0x47b: {  	s1 =	rddreg [dreg:$0x1];
	p0 =	sne.s32 s2, $0x0  }
0x47c: {  	s3 =	rddreg [dreg:$0x2];
	[bflag:$0x3] =	sbarrier.arrive $0xFFFF;
	s2 =	simm.s32 @!p0 $0x1C11  }
0x47d: {  	[timem:s3], [sflag:s2] =	dma.local @!p0 [hbm:s0], s1  }
0x47e: {  	s0 =	simm.s32 @!p0 $0x11  }
0x47f: {  	_ =	swait.ge @!p0 [sflag:s0], s1  }
0x480: {  	s1 =	ssub.s32 @!p0 $0x0, s1;
	[sflag:s0] =	ssyncset.done @!p0 $0x0  }
0x481: {  	[sflag:s0] =	ssyncadd.s32 @!p0 s1  }
0x482: {  	[bflag:$0x3] =	sbarrier.arrive $0xFFFF  }
0x483: {  	_ =	shalt  }

</sc_bundles>
